<compile_context>
chip_gen: v7x
topology: tpu7x:2x2x1
jax: 0.10.2.dev20260603
libtpu: 0.0.44.dev20260713+nightly
codegen_flags: <defaults>
</compile_context>

<pallas_src>
import functools

import jax
import jax.numpy as jnp
from jax import lax
from jax.experimental import pallas as pl
from jax.experimental.pallas import tpu as pltpu
from jax.experimental.pallas import tpu_sc as plsc

_N1, _N2 = 16384, 4096
_BLK = 512
_NB = _N1 // _BLK
_NW = 32
_CHUNK = 64
_NCH = (_N1 // _NW) // _CHUNK


def _knn_body(p1e_ref, p2e_ref,
              i0_ref, i1_ref, i2_ref, w0_ref, w1o_ref, w2o_ref):
    p1b = p1e_ref[...]
    p2t = p2e_ref[...]
    dot = jnp.dot(p1b, p2t, preferred_element_type=jnp.float32)
    n1 = jnp.sum(p1b * p1b, axis=1, keepdims=True)
    n2 = jnp.sum(p2t * p2t, axis=0, keepdims=True)
    d2 = (n1 + n2) - 2.0 * dot

    colsf = lax.broadcasted_iota(jnp.int32, d2.shape, 1).astype(jnp.float32)
    invs, sels = [], []
    for r in range(3):
        m = jnp.min(d2, axis=1, keepdims=True)
        sel = jnp.min(jnp.where(d2 == m, colsf, float(_N2)),
                      axis=1, keepdims=True)
        dist = jnp.sqrt(jnp.maximum(m, 0.0))
        invs.append(1.0 / (dist + 1e-8))
        sels.append(sel)
        if r < 2:
            d2 = jnp.where(colsf == sel, jnp.inf, d2)
    wsum = invs[0] + invs[1] + invs[2]

    i0_ref[...] = sels[0].astype(jnp.int32)
    i1_ref[...] = sels[1].astype(jnp.int32)
    i2_ref[...] = sels[2].astype(jnp.int32)
    w0_ref[...] = invs[0] / wsum
    w1o_ref[...] = invs[1] / wsum
    w2o_ref[...] = invs[2] / wsum


def _sc_gather_body(x2_hbm, i0_hbm, i1_hbm, i2_hbm,
                    g0_hbm, g1_hbm, g2_hbm, iv, buf, gsem, osem):
    wid = lax.axis_index("s") * 2 + lax.axis_index("c")
    base = wid * (_N1 // _NW)
    idx_hbms = (i0_hbm, i1_hbm, i2_hbm)
    g_hbms = (g0_hbm, g1_hbm, g2_hbm)

    def load_idx(c):
        sl = pl.ds(base + c * _CHUNK, _CHUNK)
        for k in range(3):
            pltpu.sync_copy(idx_hbms[k].at[sl], iv.at[c % 2, k])

    def fire_gathers(c):
        return [pltpu.async_copy(x2_hbm.at[iv.at[c % 2, k]],
                                 buf.at[c % 2, k], gsem)
                for k in range(3)]

    def fire_out(c):
        sl = pl.ds(base + c * _CHUNK, _CHUNK)
        return [pltpu.async_copy(buf.at[c % 2, k], g_hbms[k].at[sl], osem)
                for k in range(3)]

    load_idx(0)
    gathers = fire_gathers(0)
    outs = []
    for c in range(_NCH):
        if c + 1 < _NCH:
            load_idx(c + 1)
        for g in gathers:
            g.wait()
        if c + 1 < _NCH:
            if c >= 1:
                for o in outs[c - 1]:
                    o.wait()
            gathers = fire_gathers(c + 1)
        outs.append(fire_out(c))
    for o in outs[_NCH - 2]:
        o.wait()
    for o in outs[_NCH - 1]:
        o.wait()


def _bn_fused_body(x1_ref, g0_ref, g1_ref, g2_ref, w0_ref, w1_ref, w2_ref,
                   wd_ref, wm_ref, b_ref, gamma_ref, beta_ref, x_ref,
                   h_scr, sum_scr, sumsq_scr):
    i = pl.program_id(0)

    @pl.when(i == 0)
    def _init():
        sum_scr[...] = jnp.zeros_like(sum_scr)
        sumsq_scr[...] = jnp.zeros_like(sumsq_scr)

    @pl.when(i < _NB)
    def _phase0():
        interp = (w0_ref[...] * g0_ref[...] + w1_ref[...] * g1_ref[...]
                  + w2_ref[...] * g2_ref[...])
        h = (jnp.dot(x1_ref[...], wd_ref[...],
                     preferred_element_type=jnp.float32)
             + jnp.dot(interp, wm_ref[...],
                       preferred_element_type=jnp.float32)
             + b_ref[...])
        h_scr[pl.ds(i * _BLK, _BLK), :] = h
        sum_scr[...] += jnp.sum(h, axis=0, keepdims=True)
        sumsq_scr[...] += jnp.sum(h * h, axis=0, keepdims=True)

    @pl.when(i >= _NB)
    def _phase1():
        j = i - _NB
        inv_n = 1.0 / _N1
        mean = sum_scr[...] * inv_n
        var = sumsq_scr[...] * inv_n - mean * mean
        scale = gamma_ref[...] / jnp.sqrt(var + 1e-5)
        shift = beta_ref[...] - mean * scale
        h = h_scr[pl.ds(j * _BLK, _BLK), :]
        x_ref[...] = jnp.maximum(h * scale + shift, 0.0)


def kernel(p1, x1, o1, p2, x2, o2, W, b, gamma, beta):
    d_dense = x1.shape[1]
    d_sparse = x2.shape[1]
    d_out = W.shape[1]

    p1e = jnp.pad(p1, ((0, 0), (0, 5)))
    p2e = jnp.pad(p2, ((0, 0), (0, 5))).T

    wd = W[:d_dense]
    wm = W[d_dense:]

    cst = lambda i: (0, 0)
    row = lambda i: (i, 0)
    i0, i1, i2, w0, w1n, w2n = pl.pallas_call(
        _knn_body,
        grid=(_NB,),
        in_specs=[
            pl.BlockSpec((_BLK, 8), row),
            pl.BlockSpec((8, _N2), cst),
        ],
        out_specs=[pl.BlockSpec((_BLK, 1), row)] * 6,
        out_shape=[jax.ShapeDtypeStruct((_N1, 1), jnp.int32)] * 3
                  + [jax.ShapeDtypeStruct((_N1, 1), jnp.float32)] * 3,
    )(p1e, p2e)

    sc_gather = functools.partial(
        pl.kernel,
        mesh=plsc.VectorSubcoreMesh(core_axis_name="c", subcore_axis_name="s"),
        out_type=[
            jax.ShapeDtypeStruct((_N1, d_sparse), jnp.float32),
            jax.ShapeDtypeStruct((_N1, d_sparse), jnp.float32),
            jax.ShapeDtypeStruct((_N1, d_sparse), jnp.float32),
        ],
        scratch_types=[
            pltpu.VMEM((2, 3, _CHUNK), jnp.int32),
            pltpu.VMEM((2, 3, _CHUNK, d_sparse), jnp.float32),
            pltpu.SemaphoreType.DMA,
            pltpu.SemaphoreType.DMA,
        ],
    )(_sc_gather_body)
    g0, g1, g2 = sc_gather(x2, i0.reshape(_N1), i1.reshape(_N1),
                           i2.reshape(_N1))

    first = lambda i: (jnp.where(i < _NB, i, 0), 0)
    second = lambda i: (jnp.where(i < _NB, 0, i - _NB), 0)
    x = pl.pallas_call(
        _bn_fused_body,
        grid=(2 * _NB,),
        in_specs=[
            pl.BlockSpec((_BLK, d_dense), first),
            pl.BlockSpec((_BLK, d_sparse), first),
            pl.BlockSpec((_BLK, d_sparse), first),
            pl.BlockSpec((_BLK, d_sparse), first),
            pl.BlockSpec((_BLK, 1), first),
            pl.BlockSpec((_BLK, 1), first),
            pl.BlockSpec((_BLK, 1), first),
            pl.BlockSpec((d_dense, d_out), cst),
            pl.BlockSpec((d_sparse, d_out), cst),
            pl.BlockSpec((1, d_out), cst),
            pl.BlockSpec((1, d_out), cst),
            pl.BlockSpec((1, d_out), cst),
        ],
        out_specs=pl.BlockSpec((_BLK, d_out), second),
        out_shape=jax.ShapeDtypeStruct((_N1, d_out), jnp.float32),
        scratch_shapes=[
            pltpu.VMEM((_N1, d_out), jnp.float32),
            pltpu.VMEM((1, d_out), jnp.float32),
            pltpu.VMEM((1, d_out), jnp.float32),
        ],
    )(x1, g0, g1, g2, w0, w1n, w2n, wd, wm, b.reshape(1, d_out),
      gamma.reshape(1, d_out), beta.reshape(1, d_out))

    return (p1, x, o1)

# --- scband reference (transcript-rebuilt; emitter-appended) ---
"""Pipeline reference for scband-upsampling-12549894439611 (READ-ONLY COPY).

The authoritative reference and input builder live on the scoring server;
editing this copy changes nothing except your own understanding.
"""

import jax, jax.numpy as jnp
import numpy as np

N1, N2 = 16384, 4096
D_SPARSE, D_DENSE, D_OUT = 256, 64, 256

def setup_inputs(seed: int = 0):
    key = jax.random.key(seed)
    ks = jax.random.split(key, 8)
    p1 = jax.random.uniform(ks[0], (N1, 3), dtype=jnp.float32)
    x1 = jax.random.normal(ks[1], (N1, D_DENSE), dtype=jnp.float32)
    o1 = jnp.ones((1,), dtype=jnp.int32) * N1
    p2 = jax.random.uniform(ks[2], (N2, 3), dtype=jnp.float32)
    x2 = jax.random.normal(ks[3], (N2, D_SPARSE), dtype=jnp.float32)
    o2 = jnp.ones((1,), dtype=jnp.int32) * N2
    W = jax.random.normal(ks[4], (D_SPARSE + D_DENSE, D_OUT), dtype=jnp.float32) * 0.05
    b = jnp.zeros((D_OUT,), dtype=jnp.float32)
    gamma = jnp.ones((D_OUT,), dtype=jnp.float32)
    beta = jnp.zeros((D_OUT,), dtype=jnp.float32)
    return {"p1": p1, "x1": x1, "o1": o1, "p2": p2, "x2": x2, "o2": o2,
            "W": W, "b": b, "gamma": gamma, "beta": beta}

def _interpolation(p2, p1, x2, k=3):
    # pointops.interpolation: 3-NN inverse-distance weighted interpolation
    # (single batch segment: o1=[N1], o2=[N2])
    d2 = (jnp.sum(p1 * p1, axis=1, keepdims=True)
          + jnp.sum(p2 * p2, axis=1)[None, :]
          - 2.0 * (p1 @ p2.T))  # [N1, N2] squared distances
    neg_d2, idx = jax.lax.top_k(-d2, k)  # k smallest distances
    dist = jnp.sqrt(jnp.maximum(-neg_d2, 0.0))
    w = 1.0 / (dist + 1e-8)
    w = w / jnp.sum(w, axis=1, keepdims=True)
    feats = x2[idx]  # gather [N1, k, C]
    return jnp.sum(feats * w[..., None], axis=1)

def reference(p1, x1, o1, p2, x2, o2, W, b, gamma, beta):
    interpolated = _interpolation(p2, p1, x2, 3)
    h = jnp.concatenate([x1, interpolated], axis=1) @ W + b
    # BatchNorm1d in training mode (batch statistics)
    mean = jnp.mean(h, axis=0)
    var = jnp.var(h, axis=0)
    hn = (h - mean) / jnp.sqrt(var + 1e-5)
    x = jax.nn.relu(hn * gamma + beta)
    return (p1, x, o1)

if __name__ == "__main__":
    import jax
    _d = setup_inputs()
    print(jax.jit(kernel)(*tuple(_d.values())))

</pallas_src>

<mosaic_0001>
#map = affine_map<(d0, d1) -> (0, 0)>
#map1 = affine_map<(d0, d1) -> (0)>
module attributes {stable_mosaic.version = 14 : i64} {
  func.func @_sc_gather_body(%arg0: i32, %arg1: i32, %arg2: memref<4096x256xf32, #tpu.memory_space<hbm>>, %arg3: memref<16384xi32, #tpu.memory_space<hbm>>, %arg4: memref<16384xi32, #tpu.memory_space<hbm>>, %arg5: memref<16384xi32, #tpu.memory_space<hbm>>, %arg6: memref<16384x256xf32, #tpu.memory_space<hbm>>, %arg7: memref<16384x256xf32, #tpu.memory_space<hbm>>, %arg8: memref<16384x256xf32, #tpu.memory_space<hbm>>, %arg9: memref<2x3x64xi32, #tpu.memory_space<vmem>>, %arg10: memref<2x3x64x256xf32, #tpu.memory_space<vmem>>, %arg11: memref<!tpu.dma_semaphore, #tpu.memory_space<semaphore_mem>>, %arg12: memref<!tpu.dma_semaphore, #tpu.memory_space<semaphore_mem>>) attributes {dimension_semantics = [#tpu.dimension_semantics<core_parallel>, #tpu.dimension_semantics<subcore_parallel>], iteration_bounds = array<i64: 2, 16>, scalar_prefetch = 0 : i64, scratch_operands = 4 : i64, tpu.core_type = #tpu.core_type<sc_vector_subcore>, window_params = [{transform_indices = #map}, {transform_indices = #map1}, {transform_indices = #map1}, {transform_indices = #map1}, {transform_indices = #map}, {transform_indices = #map}, {transform_indices = #map}]} {
    %mul3A = arith.constant 2 : i32
    %mul3A_0 = arith.muli %arg1, %mul3A : i32
    %add3A = arith.addi %mul3A_0, %arg0 : i32
    %mul3A_1 = arith.constant 512 : i32
    %mul3A_2 = arith.muli %add3A, %mul3A_1 : i32
    %add3A_3 = arith.constant 0 : i32
    %add3A_4 = arith.addi %mul3A_2, %add3A_3 : i32
    %run_scoped3A = arith.constant 0 : i32
    %run_scoped3A_5 = arith.constant 0 : i32
    "tpu.region"() ({
      %run_scoped3A_1424 = tpu.sem_alloc : memref<!tpu.dma_semaphore, #tpu.memory_space<semaphore_mem>>
      %dma_start3A_1425 = arith.constant 0 : i32
      %dma_start3A_1426 = tpu.memref_slice %arg9[%run_scoped3A, %run_scoped3A_5, %dma_start3A_1425] : memref<2x3x64xi32, #tpu.memory_space<vmem>> -> memref<1x1x64xi32, #tpu.memory_space<vmem>>
      %dma_start3A_1427 = tpu.memref_squeeze %dma_start3A_1426 : memref<1x1x64xi32, #tpu.memory_space<vmem>> -> memref<64xi32, #tpu.memory_space<vmem>>
      %dma_start3A_1428 = tpu.memref_slice %arg3[%add3A_4] : memref<16384xi32, #tpu.memory_space<hbm>> -> memref<64xi32, #tpu.memory_space<hbm>>
      %dma_start3A_1429 = arith.constant 0 : i32
      %dma_start3A_1430 = tpu.memref_slice %arg9[%run_scoped3A, %run_scoped3A_5, %dma_start3A_1429] : memref<2x3x64xi32, #tpu.memory_space<vmem>> -> memref<1x1x64xi32, #tpu.memory_space<vmem>>
      %dma_start3A_1431 = tpu.memref_squeeze %dma_start3A_1430 : memref<1x1x64xi32, #tpu.memory_space<vmem>> -> memref<64xi32, #tpu.memory_space<vmem>>
      %dma_start3A_1432 = tpu.memref_slice %arg3[%add3A_4] : memref<16384xi32, #tpu.memory_space<hbm>> -> memref<64xi32, #tpu.memory_space<hbm>>
      tpu.enqueue_dma source(%dma_start3A_1432 : memref<64xi32, #tpu.memory_space<hbm>>) target(%dma_start3A_1431 : memref<64xi32, #tpu.memory_space<vmem>>) target_semaphore(%run_scoped3A_1424 : memref<!tpu.dma_semaphore, #tpu.memory_space<semaphore_mem>>)
      %dma_wait3A_1433 = arith.constant 0 : i32
      %dma_wait3A_1434 = tpu.memref_slice %arg9[%run_scoped3A, %run_scoped3A_5, %dma_wait3A_1433] : memref<2x3x64xi32, #tpu.memory_space<vmem>> -> memref<1x1x64xi32, #tpu.memory_space<vmem>>
      %dma_wait3A_1435 = tpu.memref_squeeze %dma_wait3A_1434 : memref<1x1x64xi32, #tpu.memory_space<vmem>> -> memref<64xi32, #tpu.memory_space<vmem>>
      %dma_wait3A_1436 = tpu.memref_slice %arg3[%add3A_4] : memref<16384xi32, #tpu.memory_space<hbm>> -> memref<64xi32, #tpu.memory_space<hbm>>
      %dma_wait3A_1437 = arith.constant 0 : i32
      %dma_wait3A_1438 = tpu.memref_slice %arg9[%run_scoped3A, %run_scoped3A_5, %dma_wait3A_1437] : memref<2x3x64xi32, #tpu.memory_space<vmem>> -> memref<1x1x64xi32, #tpu.memory_space<vmem>>
      %dma_wait3A_1439 = tpu.memref_squeeze %dma_wait3A_1438 : memref<1x1x64xi32, #tpu.memory_space<vmem>> -> memref<64xi32, #tpu.memory_space<vmem>>
      %dma_wait3A_1440 = tpu.memref_slice %arg3[%add3A_4] : memref<16384xi32, #tpu.memory_space<hbm>> -> memref<64xi32, #tpu.memory_space<hbm>>
      tpu.wait_dma2 semaphore(%run_scoped3A_1424 : memref<!tpu.dma_semaphore, #tpu.memory_space<semaphore_mem>>) src(%dma_wait3A_1440 : memref<64xi32, #tpu.memory_space<hbm>>) dst(%dma_wait3A_1439 : memref<64xi32, #tpu.memory_space<vmem>>)
      tpu.yield
    }) : () -> ()
    %run_scoped3A_6 = arith.constant 0 : i32
    %run_scoped3A_7 = arith.constant 1 : i32
    "tpu.region"() ({
      %run_scoped3A_1424 = tpu.sem_alloc : memref<!tpu.dma_semaphore, #tpu.memory_space<semaphore_mem>>
      %dma_start3A_1425 = arith.constant 0 : i32
      %dma_start3A_1426 = tpu.memref_slice %arg9[%run_scoped3A_6, %run_scoped3A_7, %dma_start3A_1425] : memref<2x3x64xi32, #tpu.memory_space<vmem>> -> memref<1x1x64xi32, #tpu.memory_space<vmem>>
      %dma_start3A_1427 = tpu.memref_squeeze %dma_start3A_1426 : memref<1x1x64xi32, #tpu.memory_space<vmem>> -> memref<64xi32, #tpu.memory_space<vmem>>
      %dma_start3A_1428 = tpu.memref_slice %arg4[%add3A_4] : memref<16384xi32, #tpu.memory_space<hbm>> -> memref<64xi32, #tpu.memory_space<hbm>>
      %dma_start3A_1429 = arith.constant 0 : i32
      %dma_start3A_1430 = tpu.memref_slice %arg9[%run_scoped3A_6, %run_scoped3A_7, %dma_start3A_1429] : memref<2x3x64xi32, #tpu.memory_space<vmem>> -> memref<1x1x64xi32, #tpu.memory_space<vmem>>
      %dma_start3A_1431 = tpu.memref_squeeze %dma_start3A_1430 : memref<1x1x64xi32, #tpu.memory_space<vmem>> -> memref<64xi32, #tpu.memory_space<vmem>>
      %dma_start3A_1432 = tpu.memref_slice %arg4[%add3A_4] : memref<16384xi32, #tpu.memory_space<hbm>> -> memref<64xi32, #tpu.memory_space<hbm>>
      tpu.enqueue_dma source(%dma_start3A_1432 : memref<64xi32, #tpu.memory_space<hbm>>) target(%dma_start3A_1431 : memref<64xi32, #tpu.memory_space<vmem>>) target_semaphore(%run_scoped3A_1424 : memref<!tpu.dma_semaphore, #tpu.memory_space<semaphore_mem>>)
      %dma_wait3A_1433 = arith.constant 0 : i32
      %dma_wait3A_1434 = tpu.memref_slice %arg9[%run_scoped3A_6, %run_scoped3A_7, %dma_wait3A_1433] : memref<2x3x64xi32, #tpu.memory_space<vmem>> -> memref<1x1x64xi32, #tpu.memory_space<vmem>>
      %dma_wait3A_1435 = tpu.memref_squeeze %dma_wait3A_1434 : memref<1x1x64xi32, #tpu.memory_space<vmem>> -> memref<64xi32, #tpu.memory_space<vmem>>
      %dma_wait3A_1436 = tpu.memref_slice %arg4[%add3A_4] : memref<16384xi32, #tpu.memory_space<hbm>> -> memref<64xi32, #tpu.memory_space<hbm>>
      %dma_wait3A_1437 = arith.constant 0 : i32
      %dma_wait3A_1438 = tpu.memref_slice %arg9[%run_scoped3A_6, %run_scoped3A_7, %dma_wait3A_1437] : memref<2x3x64xi32, #tpu.memory_space<vmem>> -> memref<1x1x64xi32, #tpu.memory_space<vmem>>
      %dma_wait3A_1439 = tpu.memref_squeeze %dma_wait3A_1438 : memref<1x1x64xi32, #tpu.memory_space<vmem>> -> memref<64xi32, #tpu.memory_space<vmem>>
      %dma_wait3A_1440 = tpu.memref_slice %arg4[%add3A_4] : memref<16384xi32, #tpu.memory_space<hbm>> -> memref<64xi32, #tpu.memory_space<hbm>>
      tpu.wait_dma2 semaphore(%run_scoped3A_1424 : memref<!tpu.dma_semaphore, #tpu.memory_space<semaphore_mem>>) src(%dma_wait3A_1440 : memref<64xi32, #tpu.memory_space<hbm>>) dst(%dma_wait3A_1439 : memref<64xi32, #tpu.memory_space<vmem>>)
      tpu.yield
    }) : () -> ()
    %run_scoped3A_8 = arith.constant 0 : i32
    %run_scoped3A_9 = arith.constant 2 : i32
    "tpu.region"() ({
      %run_scoped3A_1424 = tpu.sem_alloc : memref<!tpu.dma_semaphore, #tpu.memory_space<semaphore_mem>>
      %dma_start3A_1425 = arith.constant 0 : i32
      %dma_start3A_1426 = tpu.memref_slice %arg9[%run_scoped3A_8, %run_scoped3A_9, %dma_start3A_1425] : memref<2x3x64xi32, #tpu.memory_space<vmem>> -> memref<1x1x64xi32, #tpu.memory_space<vmem>>
      %dma_start3A_1427 = tpu.memref_squeeze %dma_start3A_1426 : memref<1x1x64xi32, #tpu.memory_space<vmem>> -> memref<64xi32, #tpu.memory_space<vmem>>
      %dma_start3A_1428 = tpu.memref_slice %arg5[%add3A_4] : memref<16384xi32, #tpu.memory_space<hbm>> -> memref<64xi32, #tpu.memory_space<hbm>>
      %dma_start3A_1429 = arith.constant 0 : i32
      %dma_start3A_1430 = tpu.memref_slice %arg9[%run_scoped3A_8, %run_scoped3A_9, %dma_start3A_1429] : memref<2x3x64xi32, #tpu.memory_space<vmem>> -> memref<1x1x64xi32, #tpu.memory_space<vmem>>
      %dma_start3A_1431 = tpu.memref_squeeze %dma_start3A_1430 : memref<1x1x64xi32, #tpu.memory_space<vmem>> -> memref<64xi32, #tpu.memory_space<vmem>>
      %dma_start3A_1432 = tpu.memref_slice %arg5[%add3A_4] : memref<16384xi32, #tpu.memory_space<hbm>> -> memref<64xi32, #tpu.memory_space<hbm>>
      tpu.enqueue_dma source(%dma_start3A_1432 : memref<64xi32, #tpu.memory_space<hbm>>) target(%dma_start3A_1431 : memref<64xi32, #tpu.memory_space<vmem>>) target_semaphore(%run_scoped3A_1424 : memref<!tpu.dma_semaphore, #tpu.memory_space<semaphore_mem>>)
      %dma_wait3A_1433 = arith.constant 0 : i32
      %dma_wait3A_1434 = tpu.memref_slice %arg9[%run_scoped3A_8, %run_scoped3A_9, %dma_wait3A_1433] : memref<2x3x64xi32, #tpu.memory_space<vmem>> -> memref<1x1x64xi32, #tpu.memory_space<vmem>>
      %dma_wait3A_1435 = tpu.memref_squeeze %dma_wait3A_1434 : memref<1x1x64xi32, #tpu.memory_space<vmem>> -> memref<64xi32, #tpu.memory_space<vmem>>
      %dma_wait3A_1436 = tpu.memref_slice %arg5[%add3A_4] : memref<16384xi32, #tpu.memory_space<hbm>> -> memref<64xi32, #tpu.memory_space<hbm>>
      %dma_wait3A_1437 = arith.constant 0 : i32
      %dma_wait3A_1438 = tpu.memref_slice %arg9[%run_scoped3A_8, %run_scoped3A_9, %dma_wait3A_1437] : memref<2x3x64xi32, #tpu.memory_space<vmem>> -> memref<1x1x64xi32, #tpu.memory_space<vmem>>
      %dma_wait3A_1439 = tpu.memref_squeeze %dma_wait3A_1438 : memref<1x1x64xi32, #tpu.memory_space<vmem>> -> memref<64xi32, #tpu.memory_space<vmem>>
      %dma_wait3A_1440 = tpu.memref_slice %arg5[%add3A_4] : memref<16384xi32, #tpu.memory_space<hbm>> -> memref<64xi32, #tpu.memory_space<hbm>>
      tpu.wait_dma2 semaphore(%run_scoped3A_1424 : memref<!tpu.dma_semaphore, #tpu.memory_space<semaphore_mem>>) src(%dma_wait3A_1440 : memref<64xi32, #tpu.memory_space<hbm>>) dst(%dma_wait3A_1439 : memref<64xi32, #tpu.memory_space<vmem>>)
      tpu.yield
    }) : () -> ()
    %dma_start3A = arith.constant 0 : i32
    %dma_start3A_10 = arith.constant 0 : i32
    %dma_start3A_11 = arith.constant 0 : i32
    %dma_start3A_12 = arith.constant 0 : i32
    %dma_start3A_13 = arith.constant 0 : i32
    %dma_start3A_14 = arith.constant 0 : i32
    %dma_start3A_15 = tpu.memref_slice %arg10[%dma_start3A_11, %dma_start3A_12, %dma_start3A_13, %dma_start3A_14] : memref<2x3x64x256xf32, #tpu.memory_space<vmem>> -> memref<1x1x64x256xf32, #tpu.memory_space<vmem>>
    %dma_start3A_16 = tpu.memref_squeeze %dma_start3A_15 : memref<1x1x64x256xf32, #tpu.memory_space<vmem>> -> memref<64x256xf32, #tpu.memory_space<vmem>>
    %dma_start3A_17 = arith.constant 0 : i32
    %dma_start3A_18 = tpu.memref_slice %arg9[%dma_start3A, %dma_start3A_10, %dma_start3A_17] : memref<2x3x64xi32, #tpu.memory_space<vmem>> -> memref<1x1x64xi32, #tpu.memory_space<vmem>>
    %dma_start3A_19 = tpu.memref_squeeze %dma_start3A_18 : memref<1x1x64xi32, #tpu.memory_space<vmem>> -> memref<64xi32, #tpu.memory_space<vmem>>
    %dma_start3A_20 = arith.constant 0 : i32
    %dma_start3A_21 = arith.constant 0 : i32
    %dma_start3A_22 = tpu.memref_slice %arg2[%dma_start3A_20, %dma_start3A_21] : memref<4096x256xf32, #tpu.memory_space<hbm>> -> memref<4096x256xf32, #tpu.memory_space<hbm>>
    tpu.enqueue_indirect_dma source(%dma_start3A_22 : memref<4096x256xf32, #tpu.memory_space<hbm>>) target(%dma_start3A_16 : memref<64x256xf32, #tpu.memory_space<vmem>>) offsets(%dma_start3A_19 : memref<64xi32, #tpu.memory_space<vmem>>) semaphore(%arg11 : memref<!tpu.dma_semaphore, #tpu.memory_space<semaphore_mem>>)
    %dma_start3A_23 = arith.constant 0 : i32
    %dma_start3A_24 = arith.constant 1 : i32
    %dma_start3A_25 = arith.constant 0 : i32
    %dma_start3A_26 = arith.constant 1 : i32
    %dma_start3A_27 = arith.constant 0 : i32
    %dma_start3A_28 = arith.constant 0 : i32
    %dma_start3A_29 = tpu.memref_slice %arg10[%dma_start3A_25, %dma_start3A_26, %dma_start3A_27, %dma_start3A_28] : memref<2x3x64x256xf32, #tpu.memory_space<vmem>> -> memref<1x1x64x256xf32, #tpu.memory_space<vmem>>
    %dma_start3A_30 = tpu.memref_squeeze %dma_start3A_29 : memref<1x1x64x256xf32, #tpu.memory_space<vmem>> -> memref<64x256xf32, #tpu.memory_space<vmem>>
    %dma_start3A_31 = arith.constant 0 : i32
    %dma_start3A_32 = tpu.memref_slice %arg9[%dma_start3A_23, %dma_start3A_24, %dma_start3A_31] : memref<2x3x64xi32, #tpu.memory_space<vmem>> -> memref<1x1x64xi32, #tpu.memory_space<vmem>>
    %dma_start3A_33 = tpu.memref_squeeze %dma_start3A_32 : memref<1x1x64xi32, #tpu.memory_space<vmem>> -> memref<64xi32, #tpu.memory_space<vmem>>
    %dma_start3A_34 = arith.constant 0 : i32
    %dma_start3A_35 = arith.constant 0 : i32
    %dma_start3A_36 = tpu.memref_slice %arg2[%dma_start3A_34, %dma_start3A_35] : memref<4096x256xf32, #tpu.memory_space<hbm>> -> memref<4096x256xf32, #tpu.memory_space<hbm>>
    tpu.enqueue_indirect_dma source(%dma_start3A_36 : memref<4096x256xf32, #tpu.memory_space<hbm>>) target(%dma_start3A_30 : memref<64x256xf32, #tpu.memory_space<vmem>>) offsets(%dma_start3A_33 : memref<64xi32, #tpu.memory_space<vmem>>) semaphore(%arg11 : memref<!tpu.dma_semaphore, #tpu.memory_space<semaphore_mem>>)
    %dma_start3A_37 = arith.constant 0 : i32
    %dma_start3A_38 = arith.constant 2 : i32
    %dma_start3A_39 = arith.constant 0 : i32
    %dma_start3A_40 = arith.constant 2 : i32
    %dma_start3A_41 = arith.constant 0 : i32
    %dma_start3A_42 = arith.constant 0 : i32
    %dma_start3A_43 = tpu.memref_slice %arg10[%dma_start3A_39, %dma_start3A_40, %dma_start3A_41, %dma_start3A_42] : memref<2x3x64x256xf32, #tpu.memory_space<vmem>> -> memref<1x1x64x256xf32, #tpu.memory_space<vmem>>
    %dma_start3A_44 = tpu.memref_squeeze %dma_start3A_43 : memref<1x1x64x256xf32, #tpu.memory_space<vmem>> -> memref<64x256xf32, #tpu.memory_space<vmem>>
    %dma_start3A_45 = arith.constant 0 : i32
    %dma_start3A_46 = tpu.memref_slice %arg9[%dma_start3A_37, %dma_start3A_38, %dma_start3A_45] : memref<2x3x64xi32, #tpu.memory_space<vmem>> -> memref<1x1x64xi32, #tpu.memory_space<vmem>>
    %dma_start3A_47 = tpu.memref_squeeze %dma_start3A_46 : memref<1x1x64xi32, #tpu.memory_space<vmem>> -> memref<64xi32, #tpu.memory_space<vmem>>
    %dma_start3A_48 = arith.constant 0 : i32
    %dma_start3A_49 = arith.constant 0 : i32
    %dma_start3A_50 = tpu.memref_slice %arg2[%dma_start3A_48, %dma_start3A_49] : memref<4096x256xf32, #tpu.memory_space<hbm>> -> memref<4096x256xf32, #tpu.memory_space<hbm>>
    tpu.enqueue_indirect_dma source(%dma_start3A_50 : memref<4096x256xf32, #tpu.memory_space<hbm>>) target(%dma_start3A_44 : memref<64x256xf32, #tpu.memory_space<vmem>>) offsets(%dma_start3A_47 : memref<64xi32, #tpu.memory_space<vmem>>) semaphore(%arg11 : memref<!tpu.dma_semaphore, #tpu.memory_space<semaphore_mem>>)
    %add3A_51 = arith.constant 64 : i32
    %add3A_52 = arith.addi %mul3A_2, %add3A_51 : i32
    %run_scoped3A_53 = arith.constant 1 : i32
    %run_scoped3A_54 = arith.constant 0 : i32
    "tpu.region"() ({
      %run_scoped3A_1424 = tpu.sem_alloc : memref<!tpu.dma_semaphore, #tpu.memory_space<semaphore_mem>>
      %dma_start3A_1425 = arith.constant 0 : i32
      %dma_start3A_1426 = tpu.memref_slice %arg9[%run_scoped3A_53, %run_scoped3A_54, %dma_start3A_1425] : memref<2x3x64xi32, #tpu.memory_space<vmem>> -> memref<1x1x64xi32, #tpu.memory_space<vmem>>
      %dma_start3A_1427 = tpu.memref_squeeze %dma_start3A_1426 : memref<1x1x64xi32, #tpu.memory_space<vmem>> -> memref<64xi32, #tpu.memory_space<vmem>>
      %dma_start3A_1428 = tpu.memref_slice %arg3[%add3A_52] : memref<16384xi32, #tpu.memory_space<hbm>> -> memref<64xi32, #tpu.memory_space<hbm>>
      %dma_start3A_1429 = arith.constant 0 : i32
      %dma_start3A_1430 = tpu.memref_slice %arg9[%run_scoped3A_53, %run_scoped3A_54, %dma_start3A_1429] : memref<2x3x64xi32, #tpu.memory_space<vmem>> -> memref<1x1x64xi32, #tpu.memory_space<vmem>>
      %dma_start3A_1431 = tpu.memref_squeeze %dma_start3A_1430 : memref<1x1x64xi32, #tpu.memory_space<vmem>> -> memref<64xi32, #tpu.memory_space<vmem>>
      %dma_start3A_1432 = tpu.memref_slice %arg3[%add3A_52] : memref<16384xi32, #tpu.memory_space<hbm>> -> memref<64xi32, #tpu.memory_space<hbm>>
      tpu.enqueue_dma source(%dma_start3A_1432 : memref<64xi32, #tpu.memory_space<hbm>>) target(%dma_start3A_1431 : memref<64xi32, #tpu.memory_space<vmem>>) target_semaphore(%run_scoped3A_1424 : memref<!tpu.dma_semaphore, #tpu.memory_space<semaphore_mem>>)
      %dma_wait3A_1433 = arith.constant 0 : i32
      %dma_wait3A_1434 = tpu.memref_slice %arg9[%run_scoped3A_53, %run_scoped3A_54, %dma_wait3A_1433] : memref<2x3x64xi32, #tpu.memory_space<vmem>> -> memref<1x1x64xi32, #tpu.memory_space<vmem>>
      %dma_wait3A_1435 = tpu.memref_squeeze %dma_wait3A_1434 : memref<1x1x64xi32, #tpu.memory_space<vmem>> -> memref<64xi32, #tpu.memory_space<vmem>>
      %dma_wait3A_1436 = tpu.memref_slice %arg3[%add3A_52] : memref<16384xi32, #tpu.memory_space<hbm>> -> memref<64xi32, #tpu.memory_space<hbm>>
      %dma_wait3A_1437 = arith.constant 0 : i32
      %dma_wait3A_1438 = tpu.memref_slice %arg9[%run_scoped3A_53, %run_scoped3A_54, %dma_wait3A_1437] : memref<2x3x64xi32, #tpu.memory_space<vmem>> -> memref<1x1x64xi32, #tpu.memory_space<vmem>>
      %dma_wait3A_1439 = tpu.memref_squeeze %dma_wait3A_1438 : memref<1x1x64xi32, #tpu.memory_space<vmem>> -> memref<64xi32, #tpu.memory_space<vmem>>
      %dma_wait3A_1440 = tpu.memref_slice %arg3[%add3A_52] : memref<16384xi32, #tpu.memory_space<hbm>> -> memref<64xi32, #tpu.memory_space<hbm>>
      tpu.wait_dma2 semaphore(%run_scoped3A_1424 : memref<!tpu.dma_semaphore, #tpu.memory_space<semaphore_mem>>) src(%dma_wait3A_1440 : memref<64xi32, #tpu.memory_space<hbm>>) dst(%dma_wait3A_1439 : memref<64xi32, #tpu.memory_space<vmem>>)
      tpu.yield
    }) : () -> ()
    %run_scoped3A_55 = arith.constant 1 : i32
    %run_scoped3A_56 = arith.constant 1 : i32
    "tpu.region"() ({
      %run_scoped3A_1424 = tpu.sem_alloc : memref<!tpu.dma_semaphore, #tpu.memory_space<semaphore_mem>>
      %dma_start3A_1425 = arith.constant 0 : i32
      %dma_start3A_1426 = tpu.memref_slice %arg9[%run_scoped3A_55, %run_scoped3A_56, %dma_start3A_1425] : memref<2x3x64xi32, #tpu.memory_space<vmem>> -> memref<1x1x64xi32, #tpu.memory_space<vmem>>
      %dma_start3A_1427 = tpu.memref_squeeze %dma_start3A_1426 : memref<1x1x64xi32, #tpu.memory_space<vmem>> -> memref<64xi32, #tpu.memory_space<vmem>>
      %dma_start3A_1428 = tpu.memref_slice %arg4[%add3A_52] : memref<16384xi32, #tpu.memory_space<hbm>> -> memref<64xi32, #tpu.memory_space<hbm>>
      %dma_start3A_1429 = arith.constant 0 : i32
      %dma_start3A_1430 = tpu.memref_slice %arg9[%run_scoped3A_55, %run_scoped3A_56, %dma_start3A_1429] : memref<2x3x64xi32, #tpu.memory_space<vmem>> -> memref<1x1x64xi32, #tpu.memory_space<vmem>>
      %dma_start3A_1431 = tpu.memref_squeeze %dma_start3A_1430 : memref<1x1x64xi32, #tpu.memory_space<vmem>> -> memref<64xi32, #tpu.memory_space<vmem>>
      %dma_start3A_1432 = tpu.memref_slice %arg4[%add3A_52] : memref<16384xi32, #tpu.memory_space<hbm>> -> memref<64xi32, #tpu.memory_space<hbm>>
      tpu.enqueue_dma source(%dma_start3A_1432 : memref<64xi32, #tpu.memory_space<hbm>>) target(%dma_start3A_1431 : memref<64xi32, #tpu.memory_space<vmem>>) target_semaphore(%run_scoped3A_1424 : memref<!tpu.dma_semaphore, #tpu.memory_space<semaphore_mem>>)
      %dma_wait3A_1433 = arith.constant 0 : i32
      %dma_wait3A_1434 = tpu.memref_slice %arg9[%run_scoped3A_55, %run_scoped3A_56, %dma_wait3A_1433] : memref<2x3x64xi32, #tpu.memory_space<vmem>> -> memref<1x1x64xi32, #tpu.memory_space<vmem>>
      %dma_wait3A_1435 = tpu.memref_squeeze %dma_wait3A_1434 : memref<1x1x64xi32, #tpu.memory_space<vmem>> -> memref<64xi32, #tpu.memory_space<vmem>>
      %dma_wait3A_1436 = tpu.memref_slice %arg4[%add3A_52] : memref<16384xi32, #tpu.memory_space<hbm>> -> memref<64xi32, #tpu.memory_space<hbm>>
      %dma_wait3A_1437 = arith.constant 0 : i32
      %dma_wait3A_1438 = tpu.memref_slice %arg9[%run_scoped3A_55, %run_scoped3A_56, %dma_wait3A_1437] : memref<2x3x64xi32, #tpu.memory_space<vmem>> -> memref<1x1x64xi32, #tpu.memory_space<vmem>>
      %dma_wait3A_1439 = tpu.memref_squeeze %dma_wait3A_1438 : memref<1x1x64xi32, #tpu.memory_space<vmem>> -> memref<64xi32, #tpu.memory_space<vmem>>
      %dma_wait3A_1440 = tpu.memref_slice %arg4[%add3A_52] : memref<16384xi32, #tpu.memory_space<hbm>> -> memref<64xi32, #tpu.memory_space<hbm>>
      tpu.wait_dma2 semaphore(%run_scoped3A_1424 : memref<!tpu.dma_semaphore, #tpu.memory_space<semaphore_mem>>) src(%dma_wait3A_1440 : memref<64xi32, #tpu.memory_space<hbm>>) dst(%dma_wait3A_1439 : memref<64xi32, #tpu.memory_space<vmem>>)
      tpu.yield
    }) : () -> ()
    %run_scoped3A_57 = arith.constant 1 : i32
    %run_scoped3A_58 = arith.constant 2 : i32
    "tpu.region"() ({
      %run_scoped3A_1424 = tpu.sem_alloc : memref<!tpu.dma_semaphore, #tpu.memory_space<semaphore_mem>>
      %dma_start3A_1425 = arith.constant 0 : i32
      %dma_start3A_1426 = tpu.memref_slice %arg9[%run_scoped3A_57, %run_scoped3A_58, %dma_start3A_1425] : memref<2x3x64xi32, #tpu.memory_space<vmem>> -> memref<1x1x64xi32, #tpu.memory_space<vmem>>
      %dma_start3A_1427 = tpu.memref_squeeze %dma_start3A_1426 : memref<1x1x64xi32, #tpu.memory_space<vmem>> -> memref<64xi32, #tpu.memory_space<vmem>>
      %dma_start3A_1428 = tpu.memref_slice %arg5[%add3A_52] : memref<16384xi32, #tpu.memory_space<hbm>> -> memref<64xi32, #tpu.memory_space<hbm>>
      %dma_start3A_1429 = arith.constant 0 : i32
      %dma_start3A_1430 = tpu.memref_slice %arg9[%run_scoped3A_57, %run_scoped3A_58, %dma_start3A_1429] : memref<2x3x64xi32, #tpu.memory_space<vmem>> -> memref<1x1x64xi32, #tpu.memory_space<vmem>>
      %dma_start3A_1431 = tpu.memref_squeeze %dma_start3A_1430 : memref<1x1x64xi32, #tpu.memory_space<vmem>> -> memref<64xi32, #tpu.memory_space<vmem>>
      %dma_start3A_1432 = tpu.memref_slice %arg5[%add3A_52] : memref<16384xi32, #tpu.memory_space<hbm>> -> memref<64xi32, #tpu.memory_space<hbm>>
      tpu.enqueue_dma source(%dma_start3A_1432 : memref<64xi32, #tpu.memory_space<hbm>>) target(%dma_start3A_1431 : memref<64xi32, #tpu.memory_space<vmem>>) target_semaphore(%run_scoped3A_1424 : memref<!tpu.dma_semaphore, #tpu.memory_space<semaphore_mem>>)
      %dma_wait3A_1433 = arith.constant 0 : i32
      %dma_wait3A_1434 = tpu.memref_slice %arg9[%run_scoped3A_57, %run_scoped3A_58, %dma_wait3A_1433] : memref<2x3x64xi32, #tpu.memory_space<vmem>> -> memref<1x1x64xi32, #tpu.memory_space<vmem>>
      %dma_wait3A_1435 = tpu.memref_squeeze %dma_wait3A_1434 : memref<1x1x64xi32, #tpu.memory_space<vmem>> -> memref<64xi32, #tpu.memory_space<vmem>>
      %dma_wait3A_1436 = tpu.memref_slice %arg5[%add3A_52] : memref<16384xi32, #tpu.memory_space<hbm>> -> memref<64xi32, #tpu.memory_space<hbm>>
      %dma_wait3A_1437 = arith.constant 0 : i32
      %dma_wait3A_1438 = tpu.memref_slice %arg9[%run_scoped3A_57, %run_scoped3A_58, %dma_wait3A_1437] : memref<2x3x64xi32, #tpu.memory_space<vmem>> -> memref<1x1x64xi32, #tpu.memory_space<vmem>>
      %dma_wait3A_1439 = tpu.memref_squeeze %dma_wait3A_1438 : memref<1x1x64xi32, #tpu.memory_space<vmem>> -> memref<64xi32, #tpu.memory_space<vmem>>
      %dma_wait3A_1440 = tpu.memref_slice %arg5[%add3A_52] : memref<16384xi32, #tpu.memory_space<hbm>> -> memref<64xi32, #tpu.memory_space<hbm>>
      tpu.wait_dma2 semaphore(%run_scoped3A_1424 : memref<!tpu.dma_semaphore, #tpu.memory_space<semaphore_mem>>) src(%dma_wait3A_1440 : memref<64xi32, #tpu.memory_space<hbm>>) dst(%dma_wait3A_1439 : memref<64xi32, #tpu.memory_space<vmem>>)
      tpu.yield
    }) : () -> ()
    %dma_wait3A = arith.constant 0 : i32
    %dma_wait3A_59 = arith.constant 0 : i32
    %dma_wait3A_60 = arith.constant 0 : i32
    %dma_wait3A_61 = arith.constant 0 : i32
    %dma_wait3A_62 = arith.constant 0 : i32
    %dma_wait3A_63 = arith.constant 0 : i32
    %dma_wait3A_64 = tpu.memref_slice %arg10[%dma_wait3A_60, %dma_wait3A_61, %dma_wait3A_62, %dma_wait3A_63] : memref<2x3x64x256xf32, #tpu.memory_space<vmem>> -> memref<1x1x64x256xf32, #tpu.memory_space<vmem>>
    %dma_wait3A_65 = tpu.memref_squeeze %dma_wait3A_64 : memref<1x1x64x256xf32, #tpu.memory_space<vmem>> -> memref<64x256xf32, #tpu.memory_space<vmem>>
    %dma_wait3A_66 = arith.constant 0 : i32
    %dma_wait3A_67 = tpu.memref_slice %arg9[%dma_wait3A, %dma_wait3A_59, %dma_wait3A_66] : memref<2x3x64xi32, #tpu.memory_space<vmem>> -> memref<1x1x64xi32, #tpu.memory_space<vmem>>
    %dma_wait3A_68 = tpu.memref_squeeze %dma_wait3A_67 : memref<1x1x64xi32, #tpu.memory_space<vmem>> -> memref<64xi32, #tpu.memory_space<vmem>>
    %dma_wait3A_69 = arith.constant 0 : i32
    %dma_wait3A_70 = arith.constant 0 : i32
    %dma_wait3A_71 = tpu.memref_slice %arg2[%dma_wait3A_69, %dma_wait3A_70] : memref<4096x256xf32, #tpu.memory_space<hbm>> -> memref<4096x256xf32, #tpu.memory_space<hbm>>
    tpu.wait_indirect_dma semaphore(%arg11 : memref<!tpu.dma_semaphore, #tpu.memory_space<semaphore_mem>>) src(%dma_wait3A_71 : memref<4096x256xf32, #tpu.memory_space<hbm>>) dst(%dma_wait3A_65 : memref<64x256xf32, #tpu.memory_space<vmem>>)
    %dma_wait3A_72 = arith.constant 0 : i32
    %dma_wait3A_73 = arith.constant 1 : i32
    %dma_wait3A_74 = arith.constant 0 : i32
    %dma_wait3A_75 = arith.constant 1 : i32
    %dma_wait3A_76 = arith.constant 0 : i32
    %dma_wait3A_77 = arith.constant 0 : i32
    %dma_wait3A_78 = tpu.memref_slice %arg10[%dma_wait3A_74, %dma_wait3A_75, %dma_wait3A_76, %dma_wait3A_77] : memref<2x3x64x256xf32, #tpu.memory_space<vmem>> -> memref<1x1x64x256xf32, #tpu.memory_space<vmem>>
    %dma_wait3A_79 = tpu.memref_squeeze %dma_wait3A_78 : memref<1x1x64x256xf32, #tpu.memory_space<vmem>> -> memref<64x256xf32, #tpu.memory_space<vmem>>
    %dma_wait3A_80 = arith.constant 0 : i32
    %dma_wait3A_81 = tpu.memref_slice %arg9[%dma_wait3A_72, %dma_wait3A_73, %dma_wait3A_80] : memref<2x3x64xi32, #tpu.memory_space<vmem>> -> memref<1x1x64xi32, #tpu.memory_space<vmem>>
    %dma_wait3A_82 = tpu.memref_squeeze %dma_wait3A_81 : memref<1x1x64xi32, #tpu.memory_space<vmem>> -> memref<64xi32, #tpu.memory_space<vmem>>
    %dma_wait3A_83 = arith.constant 0 : i32
    %dma_wait3A_84 = arith.constant 0 : i32
    %dma_wait3A_85 = tpu.memref_slice %arg2[%dma_wait3A_83, %dma_wait3A_84] : memref<4096x256xf32, #tpu.memory_space<hbm>> -> memref<4096x256xf32, #tpu.memory_space<hbm>>
    tpu.wait_indirect_dma semaphore(%arg11 : memref<!tpu.dma_semaphore, #tpu.memory_space<semaphore_mem>>) src(%dma_wait3A_85 : memref<4096x256xf32, #tpu.memory_space<hbm>>) dst(%dma_wait3A_79 : memref<64x256xf32, #tpu.memory_space<vmem>>)
    %dma_wait3A_86 = arith.constant 0 : i32
    %dma_wait3A_87 = arith.constant 2 : i32
    %dma_wait3A_88 = arith.constant 0 : i32
    %dma_wait3A_89 = arith.constant 2 : i32
    %dma_wait3A_90 = arith.constant 0 : i32
    %dma_wait3A_91 = arith.constant 0 : i32
    %dma_wait3A_92 = tpu.memref_slice %arg10[%dma_wait3A_88, %dma_wait3A_89, %dma_wait3A_90, %dma_wait3A_91] : memref<2x3x64x256xf32, #tpu.memory_space<vmem>> -> memref<1x1x64x256xf32, #tpu.memory_space<vmem>>
    %dma_wait3A_93 = tpu.memref_squeeze %dma_wait3A_92 : memref<1x1x64x256xf32, #tpu.memory_space<vmem>> -> memref<64x256xf32, #tpu.memory_space<vmem>>
    %dma_wait3A_94 = arith.constant 0 : i32
    %dma_wait3A_95 = tpu.memref_slice %arg9[%dma_wait3A_86, %dma_wait3A_87, %dma_wait3A_94] : memref<2x3x64xi32, #tpu.memory_space<vmem>> -> memref<1x1x64xi32, #tpu.memory_space<vmem>>
    %dma_wait3A_96 = tpu.memref_squeeze %dma_wait3A_95 : memref<1x1x64xi32, #tpu.memory_space<vmem>> -> memref<64xi32, #tpu.memory_space<vmem>>
    %dma_wait3A_97 = arith.constant 0 : i32
    %dma_wait3A_98 = arith.constant 0 : i32
    %dma_wait3A_99 = tpu.memref_slice %arg2[%dma_wait3A_97, %dma_wait3A_98] : memref<4096x256xf32, #tpu.memory_space<hbm>> -> memref<4096x256xf32, #tpu.memory_space<hbm>>
    tpu.wait_indirect_dma semaphore(%arg11 : memref<!tpu.dma_semaphore, #tpu.memory_space<semaphore_mem>>) src(%dma_wait3A_99 : memref<4096x256xf32, #tpu.memory_space<hbm>>) dst(%dma_wait3A_93 : memref<64x256xf32, #tpu.memory_space<vmem>>)
    %dma_start3A_100 = arith.constant 1 : i32
    %dma_start3A_101 = arith.constant 0 : i32
    %dma_start3A_102 = arith.constant 1 : i32
    %dma_start3A_103 = arith.constant 0 : i32
    %dma_start3A_104 = arith.constant 0 : i32
    %dma_start3A_105 = arith.constant 0 : i32
    %dma_start3A_106 = tpu.memref_slice %arg10[%dma_start3A_102, %dma_start3A_103, %dma_start3A_104, %dma_start3A_105] : memref<2x3x64x256xf32, #tpu.memory_space<vmem>> -> memref<1x1x64x256xf32, #tpu.memory_space<vmem>>
    %dma_start3A_107 = tpu.memref_squeeze %dma_start3A_106 : memref<1x1x64x256xf32, #tpu.memory_space<vmem>> -> memref<64x256xf32, #tpu.memory_space<vmem>>
    %dma_start3A_108 = arith.constant 0 : i32
    %dma_start3A_109 = tpu.memref_slice %arg9[%dma_start3A_100, %dma_start3A_101, %dma_start3A_108] : memref<2x3x64xi32, #tpu.memory_space<vmem>> -> memref<1x1x64xi32, #tpu.memory_space<vmem>>
    %dma_start3A_110 = tpu.memref_squeeze %dma_start3A_109 : memref<1x1x64xi32, #tpu.memory_space<vmem>> -> memref<64xi32, #tpu.memory_space<vmem>>
    %dma_start3A_111 = arith.constant 0 : i32
    %dma_start3A_112 = arith.constant 0 : i32
    %dma_start3A_113 = tpu.memref_slice %arg2[%dma_start3A_111, %dma_start3A_112] : memref<4096x256xf32, #tpu.memory_space<hbm>> -> memref<4096x256xf32, #tpu.memory_space<hbm>>
    tpu.enqueue_indirect_dma source(%dma_start3A_113 : memref<4096x256xf32, #tpu.memory_space<hbm>>) target(%dma_start3A_107 : memref<64x256xf32, #tpu.memory_space<vmem>>) offsets(%dma_start3A_110 : memref<64xi32, #tpu.memory_space<vmem>>) semaphore(%arg11 : memref<!tpu.dma_semaphore, #tpu.memory_space<semaphore_mem>>)
    %dma_start3A_114 = arith.constant 1 : i32
    %dma_start3A_115 = arith.constant 1 : i32
    %dma_start3A_116 = arith.constant 1 : i32
    %dma_start3A_117 = arith.constant 1 : i32
    %dma_start3A_118 = arith.constant 0 : i32
    %dma_start3A_119 = arith.constant 0 : i32
    %dma_start3A_120 = tpu.memref_slice %arg10[%dma_start3A_116, %dma_start3A_117, %dma_start3A_118, %dma_start3A_119] : memref<2x3x64x256xf32, #tpu.memory_space<vmem>> -> memref<1x1x64x256xf32, #tpu.memory_space<vmem>>
    %dma_start3A_121 = tpu.memref_squeeze %dma_start3A_120 : memref<1x1x64x256xf32, #tpu.memory_space<vmem>> -> memref<64x256xf32, #tpu.memory_space<vmem>>
    %dma_start3A_122 = arith.constant 0 : i32
    %dma_start3A_123 = tpu.memref_slice %arg9[%dma_start3A_114, %dma_start3A_115, %dma_start3A_122] : memref<2x3x64xi32, #tpu.memory_space<vmem>> -> memref<1x1x64xi32, #tpu.memory_space<vmem>>
    %dma_start3A_124 = tpu.memref_squeeze %dma_start3A_123 : memref<1x1x64xi32, #tpu.memory_space<vmem>> -> memref<64xi32, #tpu.memory_space<vmem>>
    %dma_start3A_125 = arith.constant 0 : i32
    %dma_start3A_126 = arith.constant 0 : i32
    %dma_start3A_127 = tpu.memref_slice %arg2[%dma_start3A_125, %dma_start3A_126] : memref<4096x256xf32, #tpu.memory_space<hbm>> -> memref<4096x256xf32, #tpu.memory_space<hbm>>
    tpu.enqueue_indirect_dma source(%dma_start3A_127 : memref<4096x256xf32, #tpu.memory_space<hbm>>) target(%dma_start3A_121 : memref<64x256xf32, #tpu.memory_space<vmem>>) offsets(%dma_start3A_124 : memref<64xi32, #tpu.memory_space<vmem>>) semaphore(%arg11 : memref<!tpu.dma_semaphore, #tpu.memory_space<semaphore_mem>>)
    %dma_start3A_128 = arith.constant 1 : i32
    %dma_start3A_129 = arith.constant 2 : i32
    %dma_start3A_130 = arith.constant 1 : i32
    %dma_start3A_131 = arith.constant 2 : i32
    %dma_start3A_132 = arith.constant 0 : i32
    %dma_start3A_133 = arith.constant 0 : i32
    %dma_start3A_134 = tpu.memref_slice %arg10[%dma_start3A_130, %dma_start3A_131, %dma_start3A_132, %dma_start3A_133] : memref<2x3x64x256xf32, #tpu.memory_space<vmem>> -> memref<1x1x64x256xf32, #tpu.memory_space<vmem>>
    %dma_start3A_135 = tpu.memref_squeeze %dma_start3A_134 : memref<1x1x64x256xf32, #tpu.memory_space<vmem>> -> memref<64x256xf32, #tpu.memory_space<vmem>>
    %dma_start3A_136 = arith.constant 0 : i32
    %dma_start3A_137 = tpu.memref_slice %arg9[%dma_start3A_128, %dma_start3A_129, %dma_start3A_136] : memref<2x3x64xi32, #tpu.memory_space<vmem>> -> memref<1x1x64xi32, #tpu.memory_space<vmem>>
    %dma_start3A_138 = tpu.memref_squeeze %dma_start3A_137 : memref<1x1x64xi32, #tpu.memory_space<vmem>> -> memref<64xi32, #tpu.memory_space<vmem>>
    %dma_start3A_139 = arith.constant 0 : i32
    %dma_start3A_140 = arith.constant 0 : i32
    %dma_start3A_141 = tpu.memref_slice %arg2[%dma_start3A_139, %dma_start3A_140] : memref<4096x256xf32, #tpu.memory_space<hbm>> -> memref<4096x256xf32, #tpu.memory_space<hbm>>
    tpu.enqueue_indirect_dma source(%dma_start3A_141 : memref<4096x256xf32, #tpu.memory_space<hbm>>) target(%dma_start3A_135 : memref<64x256xf32, #tpu.memory_space<vmem>>) offsets(%dma_start3A_138 : memref<64xi32, #tpu.memory_space<vmem>>) semaphore(%arg11 : memref<!tpu.dma_semaphore, #tpu.memory_space<semaphore_mem>>)
    %add3A_142 = arith.constant 0 : i32
    %add3A_143 = arith.addi %mul3A_2, %add3A_142 : i32
    %dma_start3A_144 = arith.constant 0 : i32
    %dma_start3A_145 = arith.constant 0 : i32
    %dma_start3A_146 = arith.constant 0 : i32
    %dma_start3A_147 = arith.constant 0 : i32
    %dma_start3A_148 = tpu.memref_slice %arg10[%dma_start3A_144, %dma_start3A_145, %dma_start3A_146, %dma_start3A_147] : memref<2x3x64x256xf32, #tpu.memory_space<vmem>> -> memref<1x1x64x256xf32, #tpu.memory_space<vmem>>
    %dma_start3A_149 = tpu.memref_squeeze %dma_start3A_148 : memref<1x1x64x256xf32, #tpu.memory_space<vmem>> -> memref<64x256xf32, #tpu.memory_space<vmem>>
    %dma_start3A_150 = arith.constant 0 : i32
    %dma_start3A_151 = tpu.memref_slice %arg6[%add3A_143, %dma_start3A_150] : memref<16384x256xf32, #tpu.memory_space<hbm>> -> memref<64x256xf32, #tpu.memory_space<hbm>>
    %dma_start3A_152 = arith.constant 0 : i32
    %dma_start3A_153 = tpu.memref_slice %arg6[%add3A_143, %dma_start3A_152] : memref<16384x256xf32, #tpu.memory_space<hbm>> -> memref<64x256xf32, #tpu.memory_space<hbm>>
    %dma_start3A_154 = arith.constant 0 : i32
    %dma_start3A_155 = arith.constant 0 : i32
    %dma_start3A_156 = tpu.memref_slice %arg10[%dma_start3A_144, %dma_start3A_145, %dma_start3A_154, %dma_start3A_155] : memref<2x3x64x256xf32, #tpu.memory_space<vmem>> -> memref<1x1x64x256xf32, #tpu.memory_space<vmem>>
    %dma_start3A_157 = tpu.memref_squeeze %dma_start3A_156 : memref<1x1x64x256xf32, #tpu.memory_space<vmem>> -> memref<64x256xf32, #tpu.memory_space<vmem>>
    tpu.enqueue_dma source(%dma_start3A_157 : memref<64x256xf32, #tpu.memory_space<vmem>>) target(%dma_start3A_153 : memref<64x256xf32, #tpu.memory_space<hbm>>) target_semaphore(%arg12 : memref<!tpu.dma_semaphore, #tpu.memory_space<semaphore_mem>>)
    %dma_start3A_158 = arith.constant 0 : i32
    %dma_start3A_159 = arith.constant 1 : i32
    %dma_start3A_160 = arith.constant 0 : i32
    %dma_start3A_161 = arith.constant 0 : i32
    %dma_start3A_162 = tpu.memref_slice %arg10[%dma_start3A_158, %dma_start3A_159, %dma_start3A_160, %dma_start3A_161] : memref<2x3x64x256xf32, #tpu.memory_space<vmem>> -> memref<1x1x64x256xf32, #tpu.memory_space<vmem>>
    %dma_start3A_163 = tpu.memref_squeeze %dma_start3A_162 : memref<1x1x64x256xf32, #tpu.memory_space<vmem>> -> memref<64x256xf32, #tpu.memory_space<vmem>>
    %dma_start3A_164 = arith.constant 0 : i32
    %dma_start3A_165 = tpu.memref_slice %arg7[%add3A_143, %dma_start3A_164] : memref<16384x256xf32, #tpu.memory_space<hbm>> -> memref<64x256xf32, #tpu.memory_space<hbm>>
    %dma_start3A_166 = arith.constant 0 : i32
    %dma_start3A_167 = tpu.memref_slice %arg7[%add3A_143, %dma_start3A_166] : memref<16384x256xf32, #tpu.memory_space<hbm>> -> memref<64x256xf32, #tpu.memory_space<hbm>>
    %dma_start3A_168 = arith.constant 0 : i32
    %dma_start3A_169 = arith.constant 0 : i32
    %dma_start3A_170 = tpu.memref_slice %arg10[%dma_start3A_158, %dma_start3A_159, %dma_start3A_168, %dma_start3A_169] : memref<2x3x64x256xf32, #tpu.memory_space<vmem>> -> memref<1x1x64x256xf32, #tpu.memory_space<vmem>>
    %dma_start3A_171 = tpu.memref_squeeze %dma_start3A_170 : memref<1x1x64x256xf32, #tpu.memory_space<vmem>> -> memref<64x256xf32, #tpu.memory_space<vmem>>
    tpu.enqueue_dma source(%dma_start3A_171 : memref<64x256xf32, #tpu.memory_space<vmem>>) target(%dma_start3A_167 : memref<64x256xf32, #tpu.memory_space<hbm>>) target_semaphore(%arg12 : memref<!tpu.dma_semaphore, #tpu.memory_space<semaphore_mem>>)
    %dma_start3A_172 = arith.constant 0 : i32
    %dma_start3A_173 = arith.constant 2 : i32
    %dma_start3A_174 = arith.constant 0 : i32
    %dma_start3A_175 = arith.constant 0 : i32
    %dma_start3A_176 = tpu.memref_slice %arg10[%dma_start3A_172, %dma_start3A_173, %dma_start3A_174, %dma_start3A_175] : memref<2x3x64x256xf32, #tpu.memory_space<vmem>> -> memref<1x1x64x256xf32, #tpu.memory_space<vmem>>
    %dma_start3A_177 = tpu.memref_squeeze %dma_start3A_176 : memref<1x1x64x256xf32, #tpu.memory_space<vmem>> -> memref<64x256xf32, #tpu.memory_space<vmem>>
    %dma_start3A_178 = arith.constant 0 : i32
    %dma_start3A_179 = tpu.memref_slice %arg8[%add3A_143, %dma_start3A_178] : memref<16384x256xf32, #tpu.memory_space<hbm>> -> memref<64x256xf32, #tpu.memory_space<hbm>>
    %dma_start3A_180 = arith.constant 0 : i32
    %dma_start3A_181 = tpu.memref_slice %arg8[%add3A_143, %dma_start3A_180] : memref<16384x256xf32, #tpu.memory_space<hbm>> -> memref<64x256xf32, #tpu.memory_space<hbm>>
    %dma_start3A_182 = arith.constant 0 : i32
    %dma_start3A_183 = arith.constant 0 : i32
    %dma_start3A_184 = tpu.memref_slice %arg10[%dma_start3A_172, %dma_start3A_173, %dma_start3A_182, %dma_start3A_183] : memref<2x3x64x256xf32, #tpu.memory_space<vmem>> -> memref<1x1x64x256xf32, #tpu.memory_space<vmem>>
    %dma_start3A_185 = tpu.memref_squeeze %dma_start3A_184 : memref<1x1x64x256xf32, #tpu.memory_space<vmem>> -> memref<64x256xf32, #tpu.memory_space<vmem>>
    tpu.enqueue_dma source(%dma_start3A_185 : memref<64x256xf32, #tpu.memory_space<vmem>>) target(%dma_start3A_181 : memref<64x256xf32, #tpu.memory_space<hbm>>) target_semaphore(%arg12 : memref<!tpu.dma_semaphore, #tpu.memory_space<semaphore_mem>>)
    %add3A_186 = arith.constant 128 : i32
    %add3A_187 = arith.addi %mul3A_2, %add3A_186 : i32
    %run_scoped3A_188 = arith.constant 0 : i32
    %run_scoped3A_189 = arith.constant 0 : i32
    "tpu.region"() ({
      %run_scoped3A_1424 = tpu.sem_alloc : memref<!tpu.dma_semaphore, #tpu.memory_space<semaphore_mem>>
      %dma_start3A_1425 = arith.constant 0 : i32
      %dma_start3A_1426 = tpu.memref_slice %arg9[%run_scoped3A_188, %run_scoped3A_189, %dma_start3A_1425] : memref<2x3x64xi32, #tpu.memory_space<vmem>> -> memref<1x1x64xi32, #tpu.memory_space<vmem>>
      %dma_start3A_1427 = tpu.memref_squeeze %dma_start3A_1426 : memref<1x1x64xi32, #tpu.memory_space<vmem>> -> memref<64xi32, #tpu.memory_space<vmem>>
      %dma_start3A_1428 = tpu.memref_slice %arg3[%add3A_187] : memref<16384xi32, #tpu.memory_space<hbm>> -> memref<64xi32, #tpu.memory_space<hbm>>
      %dma_start3A_1429 = arith.constant 0 : i32
      %dma_start3A_1430 = tpu.memref_slice %arg9[%run_scoped3A_188, %run_scoped3A_189, %dma_start3A_1429] : memref<2x3x64xi32, #tpu.memory_space<vmem>> -> memref<1x1x64xi32, #tpu.memory_space<vmem>>
      %dma_start3A_1431 = tpu.memref_squeeze %dma_start3A_1430 : memref<1x1x64xi32, #tpu.memory_space<vmem>> -> memref<64xi32, #tpu.memory_space<vmem>>
      %dma_start3A_1432 = tpu.memref_slice %arg3[%add3A_187] : memref<16384xi32, #tpu.memory_space<hbm>> -> memref<64xi32, #tpu.memory_space<hbm>>
      tpu.enqueue_dma source(%dma_start3A_1432 : memref<64xi32, #tpu.memory_space<hbm>>) target(%dma_start3A_1431 : memref<64xi32, #tpu.memory_space<vmem>>) target_semaphore(%run_scoped3A_1424 : memref<!tpu.dma_semaphore, #tpu.memory_space<semaphore_mem>>)
      %dma_wait3A_1433 = arith.constant 0 : i32
      %dma_wait3A_1434 = tpu.memref_slice %arg9[%run_scoped3A_188, %run_scoped3A_189, %dma_wait3A_1433] : memref<2x3x64xi32, #tpu.memory_space<vmem>> -> memref<1x1x64xi32, #tpu.memory_space<vmem>>
      %dma_wait3A_1435 = tpu.memref_squeeze %dma_wait3A_1434 : memref<1x1x64xi32, #tpu.memory_space<vmem>> -> memref<64xi32, #tpu.memory_space<vmem>>
      %dma_wait3A_1436 = tpu.memref_slice %arg3[%add3A_187] : memref<16384xi32, #tpu.memory_space<hbm>> -> memref<64xi32, #tpu.memory_space<hbm>>
      %dma_wait3A_1437 = arith.constant 0 : i32
      %dma_wait3A_1438 = tpu.memref_slice %arg9[%run_scoped3A_188, %run_scoped3A_189, %dma_wait3A_1437] : memref<2x3x64xi32, #tpu.memory_space<vmem>> -> memref<1x1x64xi32, #tpu.memory_space<vmem>>
      %dma_wait3A_1439 = tpu.memref_squeeze %dma_wait3A_1438 : memref<1x1x64xi32, #tpu.memory_space<vmem>> -> memref<64xi32, #tpu.memory_space<vmem>>
      %dma_wait3A_1440 = tpu.memref_slice %arg3[%add3A_187] : memref<16384xi32, #tpu.memory_space<hbm>> -> memref<64xi32, #tpu.memory_space<hbm>>
      tpu.wait_dma2 semaphore(%run_scoped3A_1424 : memref<!tpu.dma_semaphore, #tpu.memory_space<semaphore_mem>>) src(%dma_wait3A_1440 : memref<64xi32, #tpu.memory_space<hbm>>) dst(%dma_wait3A_1439 : memref<64xi32, #tpu.memory_space<vmem>>)
      tpu.yield
    }) : () -> ()
    %run_scoped3A_190 = arith.constant 0 : i32
    %run_scoped3A_191 = arith.constant 1 : i32
    "tpu.region"() ({
      %run_scoped3A_1424 = tpu.sem_alloc : memref<!tpu.dma_semaphore, #tpu.memory_space<semaphore_mem>>
      %dma_start3A_1425 = arith.constant 0 : i32
      %dma_start3A_1426 = tpu.memref_slice %arg9[%run_scoped3A_190, %run_scoped3A_191, %dma_start3A_1425] : memref<2x3x64xi32, #tpu.memory_space<vmem>> -> memref<1x1x64xi32, #tpu.memory_space<vmem>>
      %dma_start3A_1427 = tpu.memref_squeeze %dma_start3A_1426 : memref<1x1x64xi32, #tpu.memory_space<vmem>> -> memref<64xi32, #tpu.memory_space<vmem>>
      %dma_start3A_1428 = tpu.memref_slice %arg4[%add3A_187] : memref<16384xi32, #tpu.memory_space<hbm>> -> memref<64xi32, #tpu.memory_space<hbm>>
      %dma_start3A_1429 = arith.constant 0 : i32
      %dma_start3A_1430 = tpu.memref_slice %arg9[%run_scoped3A_190, %run_scoped3A_191, %dma_start3A_1429] : memref<2x3x64xi32, #tpu.memory_space<vmem>> -> memref<1x1x64xi32, #tpu.memory_space<vmem>>
      %dma_start3A_1431 = tpu.memref_squeeze %dma_start3A_1430 : memref<1x1x64xi32, #tpu.memory_space<vmem>> -> memref<64xi32, #tpu.memory_space<vmem>>
      %dma_start3A_1432 = tpu.memref_slice %arg4[%add3A_187] : memref<16384xi32, #tpu.memory_space<hbm>> -> memref<64xi32, #tpu.memory_space<hbm>>
      tpu.enqueue_dma source(%dma_start3A_1432 : memref<64xi32, #tpu.memory_space<hbm>>) target(%dma_start3A_1431 : memref<64xi32, #tpu.memory_space<vmem>>) target_semaphore(%run_scoped3A_1424 : memref<!tpu.dma_semaphore, #tpu.memory_space<semaphore_mem>>)
      %dma_wait3A_1433 = arith.constant 0 : i32
      %dma_wait3A_1434 = tpu.memref_slice %arg9[%run_scoped3A_190, %run_scoped3A_191, %dma_wait3A_1433] : memref<2x3x64xi32, #tpu.memory_space<vmem>> -> memref<1x1x64xi32, #tpu.memory_space<vmem>>
      %dma_wait3A_1435 = tpu.memref_squeeze %dma_wait3A_1434 : memref<1x1x64xi32, #tpu.memory_space<vmem>> -> memref<64xi32, #tpu.memory_space<vmem>>
      %dma_wait3A_1436 = tpu.memref_slice %arg4[%add3A_187] : memref<16384xi32, #tpu.memory_space<hbm>> -> memref<64xi32, #tpu.memory_space<hbm>>
      %dma_wait3A_1437 = arith.constant 0 : i32
      %dma_wait3A_1438 = tpu.memref_slice %arg9[%run_scoped3A_190, %run_scoped3A_191, %dma_wait3A_1437] : memref<2x3x64xi32, #tpu.memory_space<vmem>> -> memref<1x1x64xi32, #tpu.memory_space<vmem>>
      %dma_wait3A_1439 = tpu.memref_squeeze %dma_wait3A_1438 : memref<1x1x64xi32, #tpu.memory_space<vmem>> -> memref<64xi32, #tpu.memory_space<vmem>>
      %dma_wait3A_1440 = tpu.memref_slice %arg4[%add3A_187] : memref<16384xi32, #tpu.memory_space<hbm>> -> memref<64xi32, #tpu.memory_space<hbm>>
      tpu.wait_dma2 semaphore(%run_scoped3A_1424 : memref<!tpu.dma_semaphore, #tpu.memory_space<semaphore_mem>>) src(%dma_wait3A_1440 : memref<64xi32, #tpu.memory_space<hbm>>) dst(%dma_wait3A_1439 : memref<64xi32, #tpu.memory_space<vmem>>)
      tpu.yield
    }) : () -> ()
    %run_scoped3A_192 = arith.constant 0 : i32
    %run_scoped3A_193 = arith.constant 2 : i32
    "tpu.region"() ({
      %run_scoped3A_1424 = tpu.sem_alloc : memref<!tpu.dma_semaphore, #tpu.memory_space<semaphore_mem>>
      %dma_start3A_1425 = arith.constant 0 : i32
      %dma_start3A_1426 = tpu.memref_slice %arg9[%run_scoped3A_192, %run_scoped3A_193, %dma_start3A_1425] : memref<2x3x64xi32, #tpu.memory_space<vmem>> -> memref<1x1x64xi32, #tpu.memory_space<vmem>>
      %dma_start3A_1427 = tpu.memref_squeeze %dma_start3A_1426 : memref<1x1x64xi32, #tpu.memory_space<vmem>> -> memref<64xi32, #tpu.memory_space<vmem>>
      %dma_start3A_1428 = tpu.memref_slice %arg5[%add3A_187] : memref<16384xi32, #tpu.memory_space<hbm>> -> memref<64xi32, #tpu.memory_space<hbm>>
      %dma_start3A_1429 = arith.constant 0 : i32
      %dma_start3A_1430 = tpu.memref_slice %arg9[%run_scoped3A_192, %run_scoped3A_193, %dma_start3A_1429] : memref<2x3x64xi32, #tpu.memory_space<vmem>> -> memref<1x1x64xi32, #tpu.memory_space<vmem>>
      %dma_start3A_1431 = tpu.memref_squeeze %dma_start3A_1430 : memref<1x1x64xi32, #tpu.memory_space<vmem>> -> memref<64xi32, #tpu.memory_space<vmem>>
      %dma_start3A_1432 = tpu.memref_slice %arg5[%add3A_187] : memref<16384xi32, #tpu.memory_space<hbm>> -> memref<64xi32, #tpu.memory_space<hbm>>
      tpu.enqueue_dma source(%dma_start3A_1432 : memref<64xi32, #tpu.memory_space<hbm>>) target(%dma_start3A_1431 : memref<64xi32, #tpu.memory_space<vmem>>) target_semaphore(%run_scoped3A_1424 : memref<!tpu.dma_semaphore, #tpu.memory_space<semaphore_mem>>)
      %dma_wait3A_1433 = arith.constant 0 : i32
      %dma_wait3A_1434 = tpu.memref_slice %arg9[%run_scoped3A_192, %run_scoped3A_193, %dma_wait3A_1433] : memref<2x3x64xi32, #tpu.memory_space<vmem>> -> memref<1x1x64xi32, #tpu.memory_space<vmem>>
      %dma_wait3A_1435 = tpu.memref_squeeze %dma_wait3A_1434 : memref<1x1x64xi32, #tpu.memory_space<vmem>> -> memref<64xi32, #tpu.memory_space<vmem>>
      %dma_wait3A_1436 = tpu.memref_slice %arg5[%add3A_187] : memref<16384xi32, #tpu.memory_space<hbm>> -> memref<64xi32, #tpu.memory_space<hbm>>
      %dma_wait3A_1437 = arith.constant 0 : i32
      %dma_wait3A_1438 = tpu.memref_slice %arg9[%run_scoped3A_192, %run_scoped3A_193, %dma_wait3A_1437] : memref<2x3x64xi32, #tpu.memory_space<vmem>> -> memref<1x1x64xi32, #tpu.memory_space<vmem>>
      %dma_wait3A_1439 = tpu.memref_squeeze %dma_wait3A_1438 : memref<1x1x64xi32, #tpu.memory_space<vmem>> -> memref<64xi32, #tpu.memory_space<vmem>>
      %dma_wait3A_1440 = tpu.memref_slice %arg5[%add3A_187] : memref<16384xi32, #tpu.memory_space<hbm>> -> memref<64xi32, #tpu.memory_space<hbm>>
      tpu.wait_dma2 semaphore(%run_scoped3A_1424 : memref<!tpu.dma_semaphore, #tpu.memory_space<semaphore_mem>>) src(%dma_wait3A_1440 : memref<64xi32, #tpu.memory_space<hbm>>) dst(%dma_wait3A_1439 : memref<64xi32, #tpu.memory_space<vmem>>)
      tpu.yield
    }) : () -> ()
    %dma_wait3A_194 = arith.constant 1 : i32
    %dma_wait3A_195 = arith.constant 0 : i32
    %dma_wait3A_196 = arith.constant 1 : i32
    %dma_wait3A_197 = arith.constant 0 : i32
    %dma_wait3A_198 = arith.constant 0 : i32
    %dma_wait3A_199 = arith.constant 0 : i32
    %dma_wait3A_200 = tpu.memref_slice %arg10[%dma_wait3A_196, %dma_wait3A_197, %dma_wait3A_198, %dma_wait3A_199] : memref<2x3x64x256xf32, #tpu.memory_space<vmem>> -> memref<1x1x64x256xf32, #tpu.memory_space<vmem>>
    %dma_wait3A_201 = tpu.memref_squeeze %dma_wait3A_200 : memref<1x1x64x256xf32, #tpu.memory_space<vmem>> -> memref<64x256xf32, #tpu.memory_space<vmem>>
    %dma_wait3A_202 = arith.constant 0 : i32
    %dma_wait3A_203 = tpu.memref_slice %arg9[%dma_wait3A_194, %dma_wait3A_195, %dma_wait3A_202] : memref<2x3x64xi32, #tpu.memory_space<vmem>> -> memref<1x1x64xi32, #tpu.memory_space<vmem>>
    %dma_wait3A_204 = tpu.memref_squeeze %dma_wait3A_203 : memref<1x1x64xi32, #tpu.memory_space<vmem>> -> memref<64xi32, #tpu.memory_space<vmem>>
    %dma_wait3A_205 = arith.constant 0 : i32
    %dma_wait3A_206 = arith.constant 0 : i32
    %dma_wait3A_207 = tpu.memref_slice %arg2[%dma_wait3A_205, %dma_wait3A_206] : memref<4096x256xf32, #tpu.memory_space<hbm>> -> memref<4096x256xf32, #tpu.memory_space<hbm>>
    tpu.wait_indirect_dma semaphore(%arg11 : memref<!tpu.dma_semaphore, #tpu.memory_space<semaphore_mem>>) src(%dma_wait3A_207 : memref<4096x256xf32, #tpu.memory_space<hbm>>) dst(%dma_wait3A_201 : memref<64x256xf32, #tpu.memory_space<vmem>>)
    %dma_wait3A_208 = arith.constant 1 : i32
    %dma_wait3A_209 = arith.constant 1 : i32
    %dma_wait3A_210 = arith.constant 1 : i32
    %dma_wait3A_211 = arith.constant 1 : i32
    %dma_wait3A_212 = arith.constant 0 : i32
    %dma_wait3A_213 = arith.constant 0 : i32
    %dma_wait3A_214 = tpu.memref_slice %arg10[%dma_wait3A_210, %dma_wait3A_211, %dma_wait3A_212, %dma_wait3A_213] : memref<2x3x64x256xf32, #tpu.memory_space<vmem>> -> memref<1x1x64x256xf32, #tpu.memory_space<vmem>>
    %dma_wait3A_215 = tpu.memref_squeeze %dma_wait3A_214 : memref<1x1x64x256xf32, #tpu.memory_space<vmem>> -> memref<64x256xf32, #tpu.memory_space<vmem>>
    %dma_wait3A_216 = arith.constant 0 : i32
    %dma_wait3A_217 = tpu.memref_slice %arg9[%dma_wait3A_208, %dma_wait3A_209, %dma_wait3A_216] : memref<2x3x64xi32, #tpu.memory_space<vmem>> -> memref<1x1x64xi32, #tpu.memory_space<vmem>>
    %dma_wait3A_218 = tpu.memref_squeeze %dma_wait3A_217 : memref<1x1x64xi32, #tpu.memory_space<vmem>> -> memref<64xi32, #tpu.memory_space<vmem>>
    %dma_wait3A_219 = arith.constant 0 : i32
    %dma_wait3A_220 = arith.constant 0 : i32
    %dma_wait3A_221 = tpu.memref_slice %arg2[%dma_wait3A_219, %dma_wait3A_220] : memref<4096x256xf32, #tpu.memory_space<hbm>> -> memref<4096x256xf32, #tpu.memory_space<hbm>>
    tpu.wait_indirect_dma semaphore(%arg11 : memref<!tpu.dma_semaphore, #tpu.memory_space<semaphore_mem>>) src(%dma_wait3A_221 : memref<4096x256xf32, #tpu.memory_space<hbm>>) dst(%dma_wait3A_215 : memref<64x256xf32, #tpu.memory_space<vmem>>)
    %dma_wait3A_222 = arith.constant 1 : i32
    %dma_wait3A_223 = arith.constant 2 : i32
    %dma_wait3A_224 = arith.constant 1 : i32
    %dma_wait3A_225 = arith.constant 2 : i32
    %dma_wait3A_226 = arith.constant 0 : i32
    %dma_wait3A_227 = arith.constant 0 : i32
    %dma_wait3A_228 = tpu.memref_slice %arg10[%dma_wait3A_224, %dma_wait3A_225, %dma_wait3A_226, %dma_wait3A_227] : memref<2x3x64x256xf32, #tpu.memory_space<vmem>> -> memref<1x1x64x256xf32, #tpu.memory_space<vmem>>
    %dma_wait3A_229 = tpu.memref_squeeze %dma_wait3A_228 : memref<1x1x64x256xf32, #tpu.memory_space<vmem>> -> memref<64x256xf32, #tpu.memory_space<vmem>>
    %dma_wait3A_230 = arith.constant 0 : i32
    %dma_wait3A_231 = tpu.memref_slice %arg9[%dma_wait3A_222, %dma_wait3A_223, %dma_wait3A_230] : memref<2x3x64xi32, #tpu.memory_space<vmem>> -> memref<1x1x64xi32, #tpu.memory_space<vmem>>
    %dma_wait3A_232 = tpu.memref_squeeze %dma_wait3A_231 : memref<1x1x64xi32, #tpu.memory_space<vmem>> -> memref<64xi32, #tpu.memory_space<vmem>>
    %dma_wait3A_233 = arith.constant 0 : i32
    %dma_wait3A_234 = arith.constant 0 : i32
    %dma_wait3A_235 = tpu.memref_slice %arg2[%dma_wait3A_233, %dma_wait3A_234] : memref<4096x256xf32, #tpu.memory_space<hbm>> -> memref<4096x256xf32, #tpu.memory_space<hbm>>
    tpu.wait_indirect_dma semaphore(%arg11 : memref<!tpu.dma_semaphore, #tpu.memory_space<semaphore_mem>>) src(%dma_wait3A_235 : memref<4096x256xf32, #tpu.memory_space<hbm>>) dst(%dma_wait3A_229 : memref<64x256xf32, #tpu.memory_space<vmem>>)
    %dma_wait3A_236 = arith.constant 0 : i32
    %dma_wait3A_237 = arith.constant 0 : i32
    %dma_wait3A_238 = arith.constant 0 : i32
    %dma_wait3A_239 = arith.constant 0 : i32
    %dma_wait3A_240 = tpu.memref_slice %arg10[%dma_wait3A_236, %dma_wait3A_237, %dma_wait3A_238, %dma_wait3A_239] : memref<2x3x64x256xf32, #tpu.memory_space<vmem>> -> memref<1x1x64x256xf32, #tpu.memory_space<vmem>>
    %dma_wait3A_241 = tpu.memref_squeeze %dma_wait3A_240 : memref<1x1x64x256xf32, #tpu.memory_space<vmem>> -> memref<64x256xf32, #tpu.memory_space<vmem>>
    %dma_wait3A_242 = arith.constant 0 : i32
    %dma_wait3A_243 = tpu.memref_slice %arg6[%add3A_143, %dma_wait3A_242] : memref<16384x256xf32, #tpu.memory_space<hbm>> -> memref<64x256xf32, #tpu.memory_space<hbm>>
    %dma_wait3A_244 = arith.constant 0 : i32
    %dma_wait3A_245 = tpu.memref_slice %arg6[%add3A_143, %dma_wait3A_244] : memref<16384x256xf32, #tpu.memory_space<hbm>> -> memref<64x256xf32, #tpu.memory_space<hbm>>
    %dma_wait3A_246 = arith.constant 0 : i32
    %dma_wait3A_247 = arith.constant 0 : i32
    %dma_wait3A_248 = tpu.memref_slice %arg10[%dma_wait3A_236, %dma_wait3A_237, %dma_wait3A_246, %dma_wait3A_247] : memref<2x3x64x256xf32, #tpu.memory_space<vmem>> -> memref<1x1x64x256xf32, #tpu.memory_space<vmem>>
    %dma_wait3A_249 = tpu.memref_squeeze %dma_wait3A_248 : memref<1x1x64x256xf32, #tpu.memory_space<vmem>> -> memref<64x256xf32, #tpu.memory_space<vmem>>
    tpu.wait_dma2 semaphore(%arg12 : memref<!tpu.dma_semaphore, #tpu.memory_space<semaphore_mem>>) src(%dma_wait3A_249 : memref<64x256xf32, #tpu.memory_space<vmem>>) dst(%dma_wait3A_245 : memref<64x256xf32, #tpu.memory_space<hbm>>)
    %dma_wait3A_250 = arith.constant 0 : i32
    %dma_wait3A_251 = arith.constant 1 : i32
    %dma_wait3A_252 = arith.constant 0 : i32
    %dma_wait3A_253 = arith.constant 0 : i32
    %dma_wait3A_254 = tpu.memref_slice %arg10[%dma_wait3A_250, %dma_wait3A_251, %dma_wait3A_252, %dma_wait3A_253] : memref<2x3x64x256xf32, #tpu.memory_space<vmem>> -> memref<1x1x64x256xf32, #tpu.memory_space<vmem>>
    %dma_wait3A_255 = tpu.memref_squeeze %dma_wait3A_254 : memref<1x1x64x256xf32, #tpu.memory_space<vmem>> -> memref<64x256xf32, #tpu.memory_space<vmem>>
    %dma_wait3A_256 = arith.constant 0 : i32
    %dma_wait3A_257 = tpu.memref_slice %arg7[%add3A_143, %dma_wait3A_256] : memref<16384x256xf32, #tpu.memory_space<hbm>> -> memref<64x256xf32, #tpu.memory_space<hbm>>
    %dma_wait3A_258 = arith.constant 0 : i32
    %dma_wait3A_259 = tpu.memref_slice %arg7[%add3A_143, %dma_wait3A_258] : memref<16384x256xf32, #tpu.memory_space<hbm>> -> memref<64x256xf32, #tpu.memory_space<hbm>>
    %dma_wait3A_260 = arith.constant 0 : i32
    %dma_wait3A_261 = arith.constant 0 : i32
    %dma_wait3A_262 = tpu.memref_slice %arg10[%dma_wait3A_250, %dma_wait3A_251, %dma_wait3A_260, %dma_wait3A_261] : memref<2x3x64x256xf32, #tpu.memory_space<vmem>> -> memref<1x1x64x256xf32, #tpu.memory_space<vmem>>
    %dma_wait3A_263 = tpu.memref_squeeze %dma_wait3A_262 : memref<1x1x64x256xf32, #tpu.memory_space<vmem>> -> memref<64x256xf32, #tpu.memory_space<vmem>>
    tpu.wait_dma2 semaphore(%arg12 : memref<!tpu.dma_semaphore, #tpu.memory_space<semaphore_mem>>) src(%dma_wait3A_263 : memref<64x256xf32, #tpu.memory_space<vmem>>) dst(%dma_wait3A_259 : memref<64x256xf32, #tpu.memory_space<hbm>>)
    %dma_wait3A_264 = arith.constant 0 : i32
    %dma_wait3A_265 = arith.constant 2 : i32
    %dma_wait3A_266 = arith.constant 0 : i32
    %dma_wait3A_267 = arith.constant 0 : i32
    %dma_wait3A_268 = tpu.memref_slice %arg10[%dma_wait3A_264, %dma_wait3A_265, %dma_wait3A_266, %dma_wait3A_267] : memref<2x3x64x256xf32, #tpu.memory_space<vmem>> -> memref<1x1x64x256xf32, #tpu.memory_space<vmem>>
    %dma_wait3A_269 = tpu.memref_squeeze %dma_wait3A_268 : memref<1x1x64x256xf32, #tpu.memory_space<vmem>> -> memref<64x256xf32, #tpu.memory_space<vmem>>
    %dma_wait3A_270 = arith.constant 0 : i32
    %dma_wait3A_271 = tpu.memref_slice %arg8[%add3A_143, %dma_wait3A_270] : memref<16384x256xf32, #tpu.memory_space<hbm>> -> memref<64x256xf32, #tpu.memory_space<hbm>>
    %dma_wait3A_272 = arith.constant 0 : i32
    %dma_wait3A_273 = tpu.memref_slice %arg8[%add3A_143, %dma_wait3A_272] : memref<16384x256xf32, #tpu.memory_space<hbm>> -> memref<64x256xf32, #tpu.memory_space<hbm>>
    %dma_wait3A_274 = arith.constant 0 : i32
    %dma_wait3A_275 = arith.constant 0 : i32
    %dma_wait3A_276 = tpu.memref_slice %arg10[%dma_wait3A_264, %dma_wait3A_265, %dma_wait3A_274, %dma_wait3A_275] : memref<2x3x64x256xf32, #tpu.memory_space<vmem>> -> memref<1x1x64x256xf32, #tpu.memory_space<vmem>>
    %dma_wait3A_277 = tpu.memref_squeeze %dma_wait3A_276 : memref<1x1x64x256xf32, #tpu.memory_space<vmem>> -> memref<64x256xf32, #tpu.memory_space<vmem>>
    tpu.wait_dma2 semaphore(%arg12 : memref<!tpu.dma_semaphore, #tpu.memory_space<semaphore_mem>>) src(%dma_wait3A_277 : memref<64x256xf32, #tpu.memory_space<vmem>>) dst(%dma_wait3A_273 : memref<64x256xf32, #tpu.memory_space<hbm>>)
    %dma_start3A_278 = arith.constant 0 : i32
    %dma_start3A_279 = arith.constant 0 : i32
    %dma_start3A_280 = arith.constant 0 : i32
    %dma_start3A_281 = arith.constant 0 : i32
    %dma_start3A_282 = arith.constant 0 : i32
    %dma_start3A_283 = arith.constant 0 : i32
    %dma_start3A_284 = tpu.memref_slice %arg10[%dma_start3A_280, %dma_start3A_281, %dma_start3A_282, %dma_start3A_283] : memref<2x3x64x256xf32, #tpu.memory_space<vmem>> -> memref<1x1x64x256xf32, #tpu.memory_space<vmem>>
    %dma_start3A_285 = tpu.memref_squeeze %dma_start3A_284 : memref<1x1x64x256xf32, #tpu.memory_space<vmem>> -> memref<64x256xf32, #tpu.memory_space<vmem>>
    %dma_start3A_286 = arith.constant 0 : i32
    %dma_start3A_287 = tpu.memref_slice %arg9[%dma_start3A_278, %dma_start3A_279, %dma_start3A_286] : memref<2x3x64xi32, #tpu.memory_space<vmem>> -> memref<1x1x64xi32, #tpu.memory_space<vmem>>
    %dma_start3A_288 = tpu.memref_squeeze %dma_start3A_287 : memref<1x1x64xi32, #tpu.memory_space<vmem>> -> memref<64xi32, #tpu.memory_space<vmem>>
    %dma_start3A_289 = arith.constant 0 : i32
    %dma_start3A_290 = arith.constant 0 : i32
    %dma_start3A_291 = tpu.memref_slice %arg2[%dma_start3A_289, %dma_start3A_290] : memref<4096x256xf32, #tpu.memory_space<hbm>> -> memref<4096x256xf32, #tpu.memory_space<hbm>>
    tpu.enqueue_indirect_dma source(%dma_start3A_291 : memref<4096x256xf32, #tpu.memory_space<hbm>>) target(%dma_start3A_285 : memref<64x256xf32, #tpu.memory_space<vmem>>) offsets(%dma_start3A_288 : memref<64xi32, #tpu.memory_space<vmem>>) semaphore(%arg11 : memref<!tpu.dma_semaphore, #tpu.memory_space<semaphore_mem>>)
    %dma_start3A_292 = arith.constant 0 : i32
    %dma_start3A_293 = arith.constant 1 : i32
    %dma_start3A_294 = arith.constant 0 : i32
    %dma_start3A_295 = arith.constant 1 : i32
    %dma_start3A_296 = arith.constant 0 : i32
    %dma_start3A_297 = arith.constant 0 : i32
    %dma_start3A_298 = tpu.memref_slice %arg10[%dma_start3A_294, %dma_start3A_295, %dma_start3A_296, %dma_start3A_297] : memref<2x3x64x256xf32, #tpu.memory_space<vmem>> -> memref<1x1x64x256xf32, #tpu.memory_space<vmem>>
    %dma_start3A_299 = tpu.memref_squeeze %dma_start3A_298 : memref<1x1x64x256xf32, #tpu.memory_space<vmem>> -> memref<64x256xf32, #tpu.memory_space<vmem>>
    %dma_start3A_300 = arith.constant 0 : i32
    %dma_start3A_301 = tpu.memref_slice %arg9[%dma_start3A_292, %dma_start3A_293, %dma_start3A_300] : memref<2x3x64xi32, #tpu.memory_space<vmem>> -> memref<1x1x64xi32, #tpu.memory_space<vmem>>
    %dma_start3A_302 = tpu.memref_squeeze %dma_start3A_301 : memref<1x1x64xi32, #tpu.memory_space<vmem>> -> memref<64xi32, #tpu.memory_space<vmem>>
    %dma_start3A_303 = arith.constant 0 : i32
    %dma_start3A_304 = arith.constant 0 : i32
    %dma_start3A_305 = tpu.memref_slice %arg2[%dma_start3A_303, %dma_start3A_304] : memref<4096x256xf32, #tpu.memory_space<hbm>> -> memref<4096x256xf32, #tpu.memory_space<hbm>>
    tpu.enqueue_indirect_dma source(%dma_start3A_305 : memref<4096x256xf32, #tpu.memory_space<hbm>>) target(%dma_start3A_299 : memref<64x256xf32, #tpu.memory_space<vmem>>) offsets(%dma_start3A_302 : memref<64xi32, #tpu.memory_space<vmem>>) semaphore(%arg11 : memref<!tpu.dma_semaphore, #tpu.memory_space<semaphore_mem>>)
    %dma_start3A_306 = arith.constant 0 : i32
    %dma_start3A_307 = arith.constant 2 : i32
    %dma_start3A_308 = arith.constant 0 : i32
    %dma_start3A_309 = arith.constant 2 : i32
    %dma_start3A_310 = arith.constant 0 : i32
    %dma_start3A_311 = arith.constant 0 : i32
    %dma_start3A_312 = tpu.memref_slice %arg10[%dma_start3A_308, %dma_start3A_309, %dma_start3A_310, %dma_start3A_311] : memref<2x3x64x256xf32, #tpu.memory_space<vmem>> -> memref<1x1x64x256xf32, #tpu.memory_space<vmem>>
    %dma_start3A_313 = tpu.memref_squeeze %dma_start3A_312 : memref<1x1x64x256xf32, #tpu.memory_space<vmem>> -> memref<64x256xf32, #tpu.memory_space<vmem>>
    %dma_start3A_314 = arith.constant 0 : i32
    %dma_start3A_315 = tpu.memref_slice %arg9[%dma_start3A_306, %dma_start3A_307, %dma_start3A_314] : memref<2x3x64xi32, #tpu.memory_space<vmem>> -> memref<1x1x64xi32, #tpu.memory_space<vmem>>
    %dma_start3A_316 = tpu.memref_squeeze %dma_start3A_315 : memref<1x1x64xi32, #tpu.memory_space<vmem>> -> memref<64xi32, #tpu.memory_space<vmem>>
    %dma_start3A_317 = arith.constant 0 : i32
    %dma_start3A_318 = arith.constant 0 : i32
    %dma_start3A_319 = tpu.memref_slice %arg2[%dma_start3A_317, %dma_start3A_318] : memref<4096x256xf32, #tpu.memory_space<hbm>> -> memref<4096x256xf32, #tpu.memory_space<hbm>>
    tpu.enqueue_indirect_dma source(%dma_start3A_319 : memref<4096x256xf32, #tpu.memory_space<hbm>>) target(%dma_start3A_313 : memref<64x256xf32, #tpu.memory_space<vmem>>) offsets(%dma_start3A_316 : memref<64xi32, #tpu.memory_space<vmem>>) semaphore(%arg11 : memref<!tpu.dma_semaphore, #tpu.memory_space<semaphore_mem>>)
    %add3A_320 = arith.constant 64 : i32
    %add3A_321 = arith.addi %mul3A_2, %add3A_320 : i32
    %dma_start3A_322 = arith.constant 1 : i32
    %dma_start3A_323 = arith.constant 0 : i32
    %dma_start3A_324 = arith.constant 0 : i32
    %dma_start3A_325 = arith.constant 0 : i32
    %dma_start3A_326 = tpu.memref_slice %arg10[%dma_start3A_322, %dma_start3A_323, %dma_start3A_324, %dma_start3A_325] : memref<2x3x64x256xf32, #tpu.memory_space<vmem>> -> memref<1x1x64x256xf32, #tpu.memory_space<vmem>>
    %dma_start3A_327 = tpu.memref_squeeze %dma_start3A_326 : memref<1x1x64x256xf32, #tpu.memory_space<vmem>> -> memref<64x256xf32, #tpu.memory_space<vmem>>
    %dma_start3A_328 = arith.constant 0 : i32
    %dma_start3A_329 = tpu.memref_slice %arg6[%add3A_321, %dma_start3A_328] : memref<16384x256xf32, #tpu.memory_space<hbm>> -> memref<64x256xf32, #tpu.memory_space<hbm>>
    %dma_start3A_330 = arith.constant 0 : i32
    %dma_start3A_331 = tpu.memref_slice %arg6[%add3A_321, %dma_start3A_330] : memref<16384x256xf32, #tpu.memory_space<hbm>> -> memref<64x256xf32, #tpu.memory_space<hbm>>
    %dma_start3A_332 = arith.constant 0 : i32
    %dma_start3A_333 = arith.constant 0 : i32
    %dma_start3A_334 = tpu.memref_slice %arg10[%dma_start3A_322, %dma_start3A_323, %dma_start3A_332, %dma_start3A_333] : memref<2x3x64x256xf32, #tpu.memory_space<vmem>> -> memref<1x1x64x256xf32, #tpu.memory_space<vmem>>
    %dma_start3A_335 = tpu.memref_squeeze %dma_start3A_334 : memref<1x1x64x256xf32, #tpu.memory_space<vmem>> -> memref<64x256xf32, #tpu.memory_space<vmem>>
    tpu.enqueue_dma source(%dma_start3A_335 : memref<64x256xf32, #tpu.memory_space<vmem>>) target(%dma_start3A_331 : memref<64x256xf32, #tpu.memory_space<hbm>>) target_semaphore(%arg12 : memref<!tpu.dma_semaphore, #tpu.memory_space<semaphore_mem>>)
    %dma_start3A_336 = arith.constant 1 : i32
    %dma_start3A_337 = arith.constant 1 : i32
    %dma_start3A_338 = arith.constant 0 : i32
    %dma_start3A_339 = arith.constant 0 : i32
    %dma_start3A_340 = tpu.memref_slice %arg10[%dma_start3A_336, %dma_start3A_337, %dma_start3A_338, %dma_start3A_339] : memref<2x3x64x256xf32, #tpu.memory_space<vmem>> -> memref<1x1x64x256xf32, #tpu.memory_space<vmem>>
    %dma_start3A_341 = tpu.memref_squeeze %dma_start3A_340 : memref<1x1x64x256xf32, #tpu.memory_space<vmem>> -> memref<64x256xf32, #tpu.memory_space<vmem>>
    %dma_start3A_342 = arith.constant 0 : i32
    %dma_start3A_343 = tpu.memref_slice %arg7[%add3A_321, %dma_start3A_342] : memref<16384x256xf32, #tpu.memory_space<hbm>> -> memref<64x256xf32, #tpu.memory_space<hbm>>
    %dma_start3A_344 = arith.constant 0 : i32
    %dma_start3A_345 = tpu.memref_slice %arg7[%add3A_321, %dma_start3A_344] : memref<16384x256xf32, #tpu.memory_space<hbm>> -> memref<64x256xf32, #tpu.memory_space<hbm>>
    %dma_start3A_346 = arith.constant 0 : i32
    %dma_start3A_347 = arith.constant 0 : i32
    %dma_start3A_348 = tpu.memref_slice %arg10[%dma_start3A_336, %dma_start3A_337, %dma_start3A_346, %dma_start3A_347] : memref<2x3x64x256xf32, #tpu.memory_space<vmem>> -> memref<1x1x64x256xf32, #tpu.memory_space<vmem>>
    %dma_start3A_349 = tpu.memref_squeeze %dma_start3A_348 : memref<1x1x64x256xf32, #tpu.memory_space<vmem>> -> memref<64x256xf32, #tpu.memory_space<vmem>>
    tpu.enqueue_dma source(%dma_start3A_349 : memref<64x256xf32, #tpu.memory_space<vmem>>) target(%dma_start3A_345 : memref<64x256xf32, #tpu.memory_space<hbm>>) target_semaphore(%arg12 : memref<!tpu.dma_semaphore, #tpu.memory_space<semaphore_mem>>)
    %dma_start3A_350 = arith.constant 1 : i32
    %dma_start3A_351 = arith.constant 2 : i32
    %dma_start3A_352 = arith.constant 0 : i32
    %dma_start3A_353 = arith.constant 0 : i32
    %dma_start3A_354 = tpu.memref_slice %arg10[%dma_start3A_350, %dma_start3A_351, %dma_start3A_352, %dma_start3A_353] : memref<2x3x64x256xf32, #tpu.memory_space<vmem>> -> memref<1x1x64x256xf32, #tpu.memory_space<vmem>>
    %dma_start3A_355 = tpu.memref_squeeze %dma_start3A_354 : memref<1x1x64x256xf32, #tpu.memory_space<vmem>> -> memref<64x256xf32, #tpu.memory_space<vmem>>
    %dma_start3A_356 = arith.constant 0 : i32
    %dma_start3A_357 = tpu.memref_slice %arg8[%add3A_321, %dma_start3A_356] : memref<16384x256xf32, #tpu.memory_space<hbm>> -> memref<64x256xf32, #tpu.memory_space<hbm>>
    %dma_start3A_358 = arith.constant 0 : i32
    %dma_start3A_359 = tpu.memref_slice %arg8[%add3A_321, %dma_start3A_358] : memref<16384x256xf32, #tpu.memory_space<hbm>> -> memref<64x256xf32, #tpu.memory_space<hbm>>
    %dma_start3A_360 = arith.constant 0 : i32
    %dma_start3A_361 = arith.constant 0 : i32
    %dma_start3A_362 = tpu.memref_slice %arg10[%dma_start3A_350, %dma_start3A_351, %dma_start3A_360, %dma_start3A_361] : memref<2x3x64x256xf32, #tpu.memory_space<vmem>> -> memref<1x1x64x256xf32, #tpu.memory_space<vmem>>
    %dma_start3A_363 = tpu.memref_squeeze %dma_start3A_362 : memref<1x1x64x256xf32, #tpu.memory_space<vmem>> -> memref<64x256xf32, #tpu.memory_space<vmem>>
    tpu.enqueue_dma source(%dma_start3A_363 : memref<64x256xf32, #tpu.memory_space<vmem>>) target(%dma_start3A_359 : memref<64x256xf32, #tpu.memory_space<hbm>>) target_semaphore(%arg12 : memref<!tpu.dma_semaphore, #tpu.memory_space<semaphore_mem>>)
    %add3A_364 = arith.constant 192 : i32
    %add3A_365 = arith.addi %mul3A_2, %add3A_364 : i32
    %run_scoped3A_366 = arith.constant 1 : i32
    %run_scoped3A_367 = arith.constant 0 : i32
    "tpu.region"() ({
      %run_scoped3A_1424 = tpu.sem_alloc : memref<!tpu.dma_semaphore, #tpu.memory_space<semaphore_mem>>
      %dma_start3A_1425 = arith.constant 0 : i32
      %dma_start3A_1426 = tpu.memref_slice %arg9[%run_scoped3A_366, %run_scoped3A_367, %dma_start3A_1425] : memref<2x3x64xi32, #tpu.memory_space<vmem>> -> memref<1x1x64xi32, #tpu.memory_space<vmem>>
      %dma_start3A_1427 = tpu.memref_squeeze %dma_start3A_1426 : memref<1x1x64xi32, #tpu.memory_space<vmem>> -> memref<64xi32, #tpu.memory_space<vmem>>
      %dma_start3A_1428 = tpu.memref_slice %arg3[%add3A_365] : memref<16384xi32, #tpu.memory_space<hbm>> -> memref<64xi32, #tpu.memory_space<hbm>>
      %dma_start3A_1429 = arith.constant 0 : i32
      %dma_start3A_1430 = tpu.memref_slice %arg9[%run_scoped3A_366, %run_scoped3A_367, %dma_start3A_1429] : memref<2x3x64xi32, #tpu.memory_space<vmem>> -> memref<1x1x64xi32, #tpu.memory_space<vmem>>
      %dma_start3A_1431 = tpu.memref_squeeze %dma_start3A_1430 : memref<1x1x64xi32, #tpu.memory_space<vmem>> -> memref<64xi32, #tpu.memory_space<vmem>>
      %dma_start3A_1432 = tpu.memref_slice %arg3[%add3A_365] : memref<16384xi32, #tpu.memory_space<hbm>> -> memref<64xi32, #tpu.memory_space<hbm>>
      tpu.enqueue_dma source(%dma_start3A_1432 : memref<64xi32, #tpu.memory_space<hbm>>) target(%dma_start3A_1431 : memref<64xi32, #tpu.memory_space<vmem>>) target_semaphore(%run_scoped3A_1424 : memref<!tpu.dma_semaphore, #tpu.memory_space<semaphore_mem>>)
      %dma_wait3A_1433 = arith.constant 0 : i32
      %dma_wait3A_1434 = tpu.memref_slice %arg9[%run_scoped3A_366, %run_scoped3A_367, %dma_wait3A_1433] : memref<2x3x64xi32, #tpu.memory_space<vmem>> -> memref<1x1x64xi32, #tpu.memory_space<vmem>>
      %dma_wait3A_1435 = tpu.memref_squeeze %dma_wait3A_1434 : memref<1x1x64xi32, #tpu.memory_space<vmem>> -> memref<64xi32, #tpu.memory_space<vmem>>
      %dma_wait3A_1436 = tpu.memref_slice %arg3[%add3A_365] : memref<16384xi32, #tpu.memory_space<hbm>> -> memref<64xi32, #tpu.memory_space<hbm>>
      %dma_wait3A_1437 = arith.constant 0 : i32
      %dma_wait3A_1438 = tpu.memref_slice %arg9[%run_scoped3A_366, %run_scoped3A_367, %dma_wait3A_1437] : memref<2x3x64xi32, #tpu.memory_space<vmem>> -> memref<1x1x64xi32, #tpu.memory_space<vmem>>
      %dma_wait3A_1439 = tpu.memref_squeeze %dma_wait3A_1438 : memref<1x1x64xi32, #tpu.memory_space<vmem>> -> memref<64xi32, #tpu.memory_space<vmem>>
      %dma_wait3A_1440 = tpu.memref_slice %arg3[%add3A_365] : memref<16384xi32, #tpu.memory_space<hbm>> -> memref<64xi32, #tpu.memory_space<hbm>>
      tpu.wait_dma2 semaphore(%run_scoped3A_1424 : memref<!tpu.dma_semaphore, #tpu.memory_space<semaphore_mem>>) src(%dma_wait3A_1440 : memref<64xi32, #tpu.memory_space<hbm>>) dst(%dma_wait3A_1439 : memref<64xi32, #tpu.memory_space<vmem>>)
      tpu.yield
    }) : () -> ()
    %run_scoped3A_368 = arith.constant 1 : i32
    %run_scoped3A_369 = arith.constant 1 : i32
    "tpu.region"() ({
      %run_scoped3A_1424 = tpu.sem_alloc : memref<!tpu.dma_semaphore, #tpu.memory_space<semaphore_mem>>
      %dma_start3A_1425 = arith.constant 0 : i32
      %dma_start3A_1426 = tpu.memref_slice %arg9[%run_scoped3A_368, %run_scoped3A_369, %dma_start3A_1425] : memref<2x3x64xi32, #tpu.memory_space<vmem>> -> memref<1x1x64xi32, #tpu.memory_space<vmem>>
      %dma_start3A_1427 = tpu.memref_squeeze %dma_start3A_1426 : memref<1x1x64xi32, #tpu.memory_space<vmem>> -> memref<64xi32, #tpu.memory_space<vmem>>
      %dma_start3A_1428 = tpu.memref_slice %arg4[%add3A_365] : memref<16384xi32, #tpu.memory_space<hbm>> -> memref<64xi32, #tpu.memory_space<hbm>>
      %dma_start3A_1429 = arith.constant 0 : i32
      %dma_start3A_1430 = tpu.memref_slice %arg9[%run_scoped3A_368, %run_scoped3A_369, %dma_start3A_1429] : memref<2x3x64xi32, #tpu.memory_space<vmem>> -> memref<1x1x64xi32, #tpu.memory_space<vmem>>
      %dma_start3A_1431 = tpu.memref_squeeze %dma_start3A_1430 : memref<1x1x64xi32, #tpu.memory_space<vmem>> -> memref<64xi32, #tpu.memory_space<vmem>>
      %dma_start3A_1432 = tpu.memref_slice %arg4[%add3A_365] : memref<16384xi32, #tpu.memory_space<hbm>> -> memref<64xi32, #tpu.memory_space<hbm>>
      tpu.enqueue_dma source(%dma_start3A_1432 : memref<64xi32, #tpu.memory_space<hbm>>) target(%dma_start3A_1431 : memref<64xi32, #tpu.memory_space<vmem>>) target_semaphore(%run_scoped3A_1424 : memref<!tpu.dma_semaphore, #tpu.memory_space<semaphore_mem>>)
      %dma_wait3A_1433 = arith.constant 0 : i32
      %dma_wait3A_1434 = tpu.memref_slice %arg9[%run_scoped3A_368, %run_scoped3A_369, %dma_wait3A_1433] : memref<2x3x64xi32, #tpu.memory_space<vmem>> -> memref<1x1x64xi32, #tpu.memory_space<vmem>>
      %dma_wait3A_1435 = tpu.memref_squeeze %dma_wait3A_1434 : memref<1x1x64xi32, #tpu.memory_space<vmem>> -> memref<64xi32, #tpu.memory_space<vmem>>
      %dma_wait3A_1436 = tpu.memref_slice %arg4[%add3A_365] : memref<16384xi32, #tpu.memory_space<hbm>> -> memref<64xi32, #tpu.memory_space<hbm>>
      %dma_wait3A_1437 = arith.constant 0 : i32
      %dma_wait3A_1438 = tpu.memref_slice %arg9[%run_scoped3A_368, %run_scoped3A_369, %dma_wait3A_1437] : memref<2x3x64xi32, #tpu.memory_space<vmem>> -> memref<1x1x64xi32, #tpu.memory_space<vmem>>
      %dma_wait3A_1439 = tpu.memref_squeeze %dma_wait3A_1438 : memref<1x1x64xi32, #tpu.memory_space<vmem>> -> memref<64xi32, #tpu.memory_space<vmem>>
      %dma_wait3A_1440 = tpu.memref_slice %arg4[%add3A_365] : memref<16384xi32, #tpu.memory_space<hbm>> -> memref<64xi32, #tpu.memory_space<hbm>>
      tpu.wait_dma2 semaphore(%run_scoped3A_1424 : memref<!tpu.dma_semaphore, #tpu.memory_space<semaphore_mem>>) src(%dma_wait3A_1440 : memref<64xi32, #tpu.memory_space<hbm>>) dst(%dma_wait3A_1439 : memref<64xi32, #tpu.memory_space<vmem>>)
      tpu.yield
    }) : () -> ()
    %run_scoped3A_370 = arith.constant 1 : i32
    %run_scoped3A_371 = arith.constant 2 : i32
    "tpu.region"() ({
      %run_scoped3A_1424 = tpu.sem_alloc : memref<!tpu.dma_semaphore, #tpu.memory_space<semaphore_mem>>
      %dma_start3A_1425 = arith.constant 0 : i32
      %dma_start3A_1426 = tpu.memref_slice %arg9[%run_scoped3A_370, %run_scoped3A_371, %dma_start3A_1425] : memref<2x3x64xi32, #tpu.memory_space<vmem>> -> memref<1x1x64xi32, #tpu.memory_space<vmem>>
      %dma_start3A_1427 = tpu.memref_squeeze %dma_start3A_1426 : memref<1x1x64xi32, #tpu.memory_space<vmem>> -> memref<64xi32, #tpu.memory_space<vmem>>
      %dma_start3A_1428 = tpu.memref_slice %arg5[%add3A_365] : memref<16384xi32, #tpu.memory_space<hbm>> -> memref<64xi32, #tpu.memory_space<hbm>>
      %dma_start3A_1429 = arith.constant 0 : i32
      %dma_start3A_1430 = tpu.memref_slice %arg9[%run_scoped3A_370, %run_scoped3A_371, %dma_start3A_1429] : memref<2x3x64xi32, #tpu.memory_space<vmem>> -> memref<1x1x64xi32, #tpu.memory_space<vmem>>
      %dma_start3A_1431 = tpu.memref_squeeze %dma_start3A_1430 : memref<1x1x64xi32, #tpu.memory_space<vmem>> -> memref<64xi32, #tpu.memory_space<vmem>>
      %dma_start3A_1432 = tpu.memref_slice %arg5[%add3A_365] : memref<16384xi32, #tpu.memory_space<hbm>> -> memref<64xi32, #tpu.memory_space<hbm>>
      tpu.enqueue_dma source(%dma_start3A_1432 : memref<64xi32, #tpu.memory_space<hbm>>) target(%dma_start3A_1431 : memref<64xi32, #tpu.memory_space<vmem>>) target_semaphore(%run_scoped3A_1424 : memref<!tpu.dma_semaphore, #tpu.memory_space<semaphore_mem>>)
      %dma_wait3A_1433 = arith.constant 0 : i32
      %dma_wait3A_1434 = tpu.memref_slice %arg9[%run_scoped3A_370, %run_scoped3A_371, %dma_wait3A_1433] : memref<2x3x64xi32, #tpu.memory_space<vmem>> -> memref<1x1x64xi32, #tpu.memory_space<vmem>>
      %dma_wait3A_1435 = tpu.memref_squeeze %dma_wait3A_1434 : memref<1x1x64xi32, #tpu.memory_space<vmem>> -> memref<64xi32, #tpu.memory_space<vmem>>
      %dma_wait3A_1436 = tpu.memref_slice %arg5[%add3A_365] : memref<16384xi32, #tpu.memory_space<hbm>> -> memref<64xi32, #tpu.memory_space<hbm>>
      %dma_wait3A_1437 = arith.constant 0 : i32
      %dma_wait3A_1438 = tpu.memref_slice %arg9[%run_scoped3A_370, %run_scoped3A_371, %dma_wait3A_1437] : memref<2x3x64xi32, #tpu.memory_space<vmem>> -> memref<1x1x64xi32, #tpu.memory_space<vmem>>
      %dma_wait3A_1439 = tpu.memref_squeeze %dma_wait3A_1438 : memref<1x1x64xi32, #tpu.memory_space<vmem>> -> memref<64xi32, #tpu.memory_space<vmem>>
      %dma_wait3A_1440 = tpu.memref_slice %arg5[%add3A_365] : memref<16384xi32, #tpu.memory_space<hbm>> -> memref<64xi32, #tpu.memory_space<hbm>>
      tpu.wait_dma2 semaphore(%run_scoped3A_1424 : memref<!tpu.dma_semaphore, #tpu.memory_space<semaphore_mem>>) src(%dma_wait3A_1440 : memref<64xi32, #tpu.memory_space<hbm>>) dst(%dma_wait3A_1439 : memref<64xi32, #tpu.memory_space<vmem>>)
      tpu.yield
    }) : () -> ()
    %dma_wait3A_372 = arith.constant 0 : i32
    %dma_wait3A_373 = arith.constant 0 : i32
    %dma_wait3A_374 = arith.constant 0 : i32
    %dma_wait3A_375 = arith.constant 0 : i32
    %dma_wait3A_376 = arith.constant 0 : i32
    %dma_wait3A_377 = arith.constant 0 : i32
    %dma_wait3A_378 = tpu.memref_slice %arg10[%dma_wait3A_374, %dma_wait3A_375, %dma_wait3A_376, %dma_wait3A_377] : memref<2x3x64x256xf32, #tpu.memory_space<vmem>> -> memref<1x1x64x256xf32, #tpu.memory_space<vmem>>
    %dma_wait3A_379 = tpu.memref_squeeze %dma_wait3A_378 : memref<1x1x64x256xf32, #tpu.memory_space<vmem>> -> memref<64x256xf32, #tpu.memory_space<vmem>>
    %dma_wait3A_380 = arith.constant 0 : i32
    %dma_wait3A_381 = tpu.memref_slice %arg9[%dma_wait3A_372, %dma_wait3A_373, %dma_wait3A_380] : memref<2x3x64xi32, #tpu.memory_space<vmem>> -> memref<1x1x64xi32, #tpu.memory_space<vmem>>
    %dma_wait3A_382 = tpu.memref_squeeze %dma_wait3A_381 : memref<1x1x64xi32, #tpu.memory_space<vmem>> -> memref<64xi32, #tpu.memory_space<vmem>>
    %dma_wait3A_383 = arith.constant 0 : i32
    %dma_wait3A_384 = arith.constant 0 : i32
    %dma_wait3A_385 = tpu.memref_slice %arg2[%dma_wait3A_383, %dma_wait3A_384] : memref<4096x256xf32, #tpu.memory_space<hbm>> -> memref<4096x256xf32, #tpu.memory_space<hbm>>
    tpu.wait_indirect_dma semaphore(%arg11 : memref<!tpu.dma_semaphore, #tpu.memory_space<semaphore_mem>>) src(%dma_wait3A_385 : memref<4096x256xf32, #tpu.memory_space<hbm>>) dst(%dma_wait3A_379 : memref<64x256xf32, #tpu.memory_space<vmem>>)
    %dma_wait3A_386 = arith.constant 0 : i32
    %dma_wait3A_387 = arith.constant 1 : i32
    %dma_wait3A_388 = arith.constant 0 : i32
    %dma_wait3A_389 = arith.constant 1 : i32
    %dma_wait3A_390 = arith.constant 0 : i32
    %dma_wait3A_391 = arith.constant 0 : i32
    %dma_wait3A_392 = tpu.memref_slice %arg10[%dma_wait3A_388, %dma_wait3A_389, %dma_wait3A_390, %dma_wait3A_391] : memref<2x3x64x256xf32, #tpu.memory_space<vmem>> -> memref<1x1x64x256xf32, #tpu.memory_space<vmem>>
    %dma_wait3A_393 = tpu.memref_squeeze %dma_wait3A_392 : memref<1x1x64x256xf32, #tpu.memory_space<vmem>> -> memref<64x256xf32, #tpu.memory_space<vmem>>
    %dma_wait3A_394 = arith.constant 0 : i32
    %dma_wait3A_395 = tpu.memref_slice %arg9[%dma_wait3A_386, %dma_wait3A_387, %dma_wait3A_394] : memref<2x3x64xi32, #tpu.memory_space<vmem>> -> memref<1x1x64xi32, #tpu.memory_space<vmem>>
    %dma_wait3A_396 = tpu.memref_squeeze %dma_wait3A_395 : memref<1x1x64xi32, #tpu.memory_space<vmem>> -> memref<64xi32, #tpu.memory_space<vmem>>
    %dma_wait3A_397 = arith.constant 0 : i32
    %dma_wait3A_398 = arith.constant 0 : i32
    %dma_wait3A_399 = tpu.memref_slice %arg2[%dma_wait3A_397, %dma_wait3A_398] : memref<4096x256xf32, #tpu.memory_space<hbm>> -> memref<4096x256xf32, #tpu.memory_space<hbm>>
    tpu.wait_indirect_dma semaphore(%arg11 : memref<!tpu.dma_semaphore, #tpu.memory_space<semaphore_mem>>) src(%dma_wait3A_399 : memref<4096x256xf32, #tpu.memory_space<hbm>>) dst(%dma_wait3A_393 : memref<64x256xf32, #tpu.memory_space<vmem>>)
    %dma_wait3A_400 = arith.constant 0 : i32
    %dma_wait3A_401 = arith.constant 2 : i32
    %dma_wait3A_402 = arith.constant 0 : i32
    %dma_wait3A_403 = arith.constant 2 : i32
    %dma_wait3A_404 = arith.constant 0 : i32
    %dma_wait3A_405 = arith.constant 0 : i32
    %dma_wait3A_406 = tpu.memref_slice %arg10[%dma_wait3A_402, %dma_wait3A_403, %dma_wait3A_404, %dma_wait3A_405] : memref<2x3x64x256xf32, #tpu.memory_space<vmem>> -> memref<1x1x64x256xf32, #tpu.memory_space<vmem>>
    %dma_wait3A_407 = tpu.memref_squeeze %dma_wait3A_406 : memref<1x1x64x256xf32, #tpu.memory_space<vmem>> -> memref<64x256xf32, #tpu.memory_space<vmem>>
    %dma_wait3A_408 = arith.constant 0 : i32
    %dma_wait3A_409 = tpu.memref_slice %arg9[%dma_wait3A_400, %dma_wait3A_401, %dma_wait3A_408] : memref<2x3x64xi32, #tpu.memory_space<vmem>> -> memref<1x1x64xi32, #tpu.memory_space<vmem>>
    %dma_wait3A_410 = tpu.memref_squeeze %dma_wait3A_409 : memref<1x1x64xi32, #tpu.memory_space<vmem>> -> memref<64xi32, #tpu.memory_space<vmem>>
    %dma_wait3A_411 = arith.constant 0 : i32
    %dma_wait3A_412 = arith.constant 0 : i32
    %dma_wait3A_413 = tpu.memref_slice %arg2[%dma_wait3A_411, %dma_wait3A_412] : memref<4096x256xf32, #tpu.memory_space<hbm>> -> memref<4096x256xf32, #tpu.memory_space<hbm>>
    tpu.wait_indirect_dma semaphore(%arg11 : memref<!tpu.dma_semaphore, #tpu.memory_space<semaphore_mem>>) src(%dma_wait3A_413 : memref<4096x256xf32, #tpu.memory_space<hbm>>) dst(%dma_wait3A_407 : memref<64x256xf32, #tpu.memory_space<vmem>>)
    %dma_wait3A_414 = arith.constant 1 : i32
    %dma_wait3A_415 = arith.constant 0 : i32
    %dma_wait3A_416 = arith.constant 0 : i32
    %dma_wait3A_417 = arith.constant 0 : i32
    %dma_wait3A_418 = tpu.memref_slice %arg10[%dma_wait3A_414, %dma_wait3A_415, %dma_wait3A_416, %dma_wait3A_417] : memref<2x3x64x256xf32, #tpu.memory_space<vmem>> -> memref<1x1x64x256xf32, #tpu.memory_space<vmem>>
    %dma_wait3A_419 = tpu.memref_squeeze %dma_wait3A_418 : memref<1x1x64x256xf32, #tpu.memory_space<vmem>> -> memref<64x256xf32, #tpu.memory_space<vmem>>
    %dma_wait3A_420 = arith.constant 0 : i32
    %dma_wait3A_421 = tpu.memref_slice %arg6[%add3A_321, %dma_wait3A_420] : memref<16384x256xf32, #tpu.memory_space<hbm>> -> memref<64x256xf32, #tpu.memory_space<hbm>>
    %dma_wait3A_422 = arith.constant 0 : i32
    %dma_wait3A_423 = tpu.memref_slice %arg6[%add3A_321, %dma_wait3A_422] : memref<16384x256xf32, #tpu.memory_space<hbm>> -> memref<64x256xf32, #tpu.memory_space<hbm>>
    %dma_wait3A_424 = arith.constant 0 : i32
    %dma_wait3A_425 = arith.constant 0 : i32
    %dma_wait3A_426 = tpu.memref_slice %arg10[%dma_wait3A_414, %dma_wait3A_415, %dma_wait3A_424, %dma_wait3A_425] : memref<2x3x64x256xf32, #tpu.memory_space<vmem>> -> memref<1x1x64x256xf32, #tpu.memory_space<vmem>>
    %dma_wait3A_427 = tpu.memref_squeeze %dma_wait3A_426 : memref<1x1x64x256xf32, #tpu.memory_space<vmem>> -> memref<64x256xf32, #tpu.memory_space<vmem>>
    tpu.wait_dma2 semaphore(%arg12 : memref<!tpu.dma_semaphore, #tpu.memory_space<semaphore_mem>>) src(%dma_wait3A_427 : memref<64x256xf32, #tpu.memory_space<vmem>>) dst(%dma_wait3A_423 : memref<64x256xf32, #tpu.memory_space<hbm>>)
    %dma_wait3A_428 = arith.constant 1 : i32
    %dma_wait3A_429 = arith.constant 1 : i32
    %dma_wait3A_430 = arith.constant 0 : i32
    %dma_wait3A_431 = arith.constant 0 : i32
    %dma_wait3A_432 = tpu.memref_slice %arg10[%dma_wait3A_428, %dma_wait3A_429, %dma_wait3A_430, %dma_wait3A_431] : memref<2x3x64x256xf32, #tpu.memory_space<vmem>> -> memref<1x1x64x256xf32, #tpu.memory_space<vmem>>
    %dma_wait3A_433 = tpu.memref_squeeze %dma_wait3A_432 : memref<1x1x64x256xf32, #tpu.memory_space<vmem>> -> memref<64x256xf32, #tpu.memory_space<vmem>>
    %dma_wait3A_434 = arith.constant 0 : i32
    %dma_wait3A_435 = tpu.memref_slice %arg7[%add3A_321, %dma_wait3A_434] : memref<16384x256xf32, #tpu.memory_space<hbm>> -> memref<64x256xf32, #tpu.memory_space<hbm>>
    %dma_wait3A_436 = arith.constant 0 : i32
    %dma_wait3A_437 = tpu.memref_slice %arg7[%add3A_321, %dma_wait3A_436] : memref<16384x256xf32, #tpu.memory_space<hbm>> -> memref<64x256xf32, #tpu.memory_space<hbm>>
    %dma_wait3A_438 = arith.constant 0 : i32
    %dma_wait3A_439 = arith.constant 0 : i32
    %dma_wait3A_440 = tpu.memref_slice %arg10[%dma_wait3A_428, %dma_wait3A_429, %dma_wait3A_438, %dma_wait3A_439] : memref<2x3x64x256xf32, #tpu.memory_space<vmem>> -> memref<1x1x64x256xf32, #tpu.memory_space<vmem>>
    %dma_wait3A_441 = tpu.memref_squeeze %dma_wait3A_440 : memref<1x1x64x256xf32, #tpu.memory_space<vmem>> -> memref<64x256xf32, #tpu.memory_space<vmem>>
    tpu.wait_dma2 semaphore(%arg12 : memref<!tpu.dma_semaphore, #tpu.memory_space<semaphore_mem>>) src(%dma_wait3A_441 : memref<64x256xf32, #tpu.memory_space<vmem>>) dst(%dma_wait3A_437 : memref<64x256xf32, #tpu.memory_space<hbm>>)
    %dma_wait3A_442 = arith.constant 1 : i32
    %dma_wait3A_443 = arith.constant 2 : i32
    %dma_wait3A_444 = arith.constant 0 : i32
    %dma_wait3A_445 = arith.constant 0 : i32
    %dma_wait3A_446 = tpu.memref_slice %arg10[%dma_wait3A_442, %dma_wait3A_443, %dma_wait3A_444, %dma_wait3A_445] : memref<2x3x64x256xf32, #tpu.memory_space<vmem>> -> memref<1x1x64x256xf32, #tpu.memory_space<vmem>>
    %dma_wait3A_447 = tpu.memref_squeeze %dma_wait3A_446 : memref<1x1x64x256xf32, #tpu.memory_space<vmem>> -> memref<64x256xf32, #tpu.memory_space<vmem>>
    %dma_wait3A_448 = arith.constant 0 : i32
    %dma_wait3A_449 = tpu.memref_slice %arg8[%add3A_321, %dma_wait3A_448] : memref<16384x256xf32, #tpu.memory_space<hbm>> -> memref<64x256xf32, #tpu.memory_space<hbm>>
    %dma_wait3A_450 = arith.constant 0 : i32
    %dma_wait3A_451 = tpu.memref_slice %arg8[%add3A_321, %dma_wait3A_450] : memref<16384x256xf32, #tpu.memory_space<hbm>> -> memref<64x256xf32, #tpu.memory_space<hbm>>
    %dma_wait3A_452 = arith.constant 0 : i32
    %dma_wait3A_453 = arith.constant 0 : i32
    %dma_wait3A_454 = tpu.memref_slice %arg10[%dma_wait3A_442, %dma_wait3A_443, %dma_wait3A_452, %dma_wait3A_453] : memref<2x3x64x256xf32, #tpu.memory_space<vmem>> -> memref<1x1x64x256xf32, #tpu.memory_space<vmem>>
    %dma_wait3A_455 = tpu.memref_squeeze %dma_wait3A_454 : memref<1x1x64x256xf32, #tpu.memory_space<vmem>> -> memref<64x256xf32, #tpu.memory_space<vmem>>
    tpu.wait_dma2 semaphore(%arg12 : memref<!tpu.dma_semaphore, #tpu.memory_space<semaphore_mem>>) src(%dma_wait3A_455 : memref<64x256xf32, #tpu.memory_space<vmem>>) dst(%dma_wait3A_451 : memref<64x256xf32, #tpu.memory_space<hbm>>)
    %dma_start3A_456 = arith.constant 1 : i32
    %dma_start3A_457 = arith.constant 0 : i32
    %dma_start3A_458 = arith.constant 1 : i32
    %dma_start3A_459 = arith.constant 0 : i32
    %dma_start3A_460 = arith.constant 0 : i32
    %dma_start3A_461 = arith.constant 0 : i32
    %dma_start3A_462 = tpu.memref_slice %arg10[%dma_start3A_458, %dma_start3A_459, %dma_start3A_460, %dma_start3A_461] : memref<2x3x64x256xf32, #tpu.memory_space<vmem>> -> memref<1x1x64x256xf32, #tpu.memory_space<vmem>>
    %dma_start3A_463 = tpu.memref_squeeze %dma_start3A_462 : memref<1x1x64x256xf32, #tpu.memory_space<vmem>> -> memref<64x256xf32, #tpu.memory_space<vmem>>
    %dma_start3A_464 = arith.constant 0 : i32
    %dma_start3A_465 = tpu.memref_slice %arg9[%dma_start3A_456, %dma_start3A_457, %dma_start3A_464] : memref<2x3x64xi32, #tpu.memory_space<vmem>> -> memref<1x1x64xi32, #tpu.memory_space<vmem>>
    %dma_start3A_466 = tpu.memref_squeeze %dma_start3A_465 : memref<1x1x64xi32, #tpu.memory_space<vmem>> -> memref<64xi32, #tpu.memory_space<vmem>>
    %dma_start3A_467 = arith.constant 0 : i32
    %dma_start3A_468 = arith.constant 0 : i32
    %dma_start3A_469 = tpu.memref_slice %arg2[%dma_start3A_467, %dma_start3A_468] : memref<4096x256xf32, #tpu.memory_space<hbm>> -> memref<4096x256xf32, #tpu.memory_space<hbm>>
    tpu.enqueue_indirect_dma source(%dma_start3A_469 : memref<4096x256xf32, #tpu.memory_space<hbm>>) target(%dma_start3A_463 : memref<64x256xf32, #tpu.memory_space<vmem>>) offsets(%dma_start3A_466 : memref<64xi32, #tpu.memory_space<vmem>>) semaphore(%arg11 : memref<!tpu.dma_semaphore, #tpu.memory_space<semaphore_mem>>)
    %dma_start3A_470 = arith.constant 1 : i32
    %dma_start3A_471 = arith.constant 1 : i32
    %dma_start3A_472 = arith.constant 1 : i32
    %dma_start3A_473 = arith.constant 1 : i32
    %dma_start3A_474 = arith.constant 0 : i32
    %dma_start3A_475 = arith.constant 0 : i32
    %dma_start3A_476 = tpu.memref_slice %arg10[%dma_start3A_472, %dma_start3A_473, %dma_start3A_474, %dma_start3A_475] : memref<2x3x64x256xf32, #tpu.memory_space<vmem>> -> memref<1x1x64x256xf32, #tpu.memory_space<vmem>>
    %dma_start3A_477 = tpu.memref_squeeze %dma_start3A_476 : memref<1x1x64x256xf32, #tpu.memory_space<vmem>> -> memref<64x256xf32, #tpu.memory_space<vmem>>
    %dma_start3A_478 = arith.constant 0 : i32
    %dma_start3A_479 = tpu.memref_slice %arg9[%dma_start3A_470, %dma_start3A_471, %dma_start3A_478] : memref<2x3x64xi32, #tpu.memory_space<vmem>> -> memref<1x1x64xi32, #tpu.memory_space<vmem>>
    %dma_start3A_480 = tpu.memref_squeeze %dma_start3A_479 : memref<1x1x64xi32, #tpu.memory_space<vmem>> -> memref<64xi32, #tpu.memory_space<vmem>>
    %dma_start3A_481 = arith.constant 0 : i32
    %dma_start3A_482 = arith.constant 0 : i32
    %dma_start3A_483 = tpu.memref_slice %arg2[%dma_start3A_481, %dma_start3A_482] : memref<4096x256xf32, #tpu.memory_space<hbm>> -> memref<4096x256xf32, #tpu.memory_space<hbm>>
    tpu.enqueue_indirect_dma source(%dma_start3A_483 : memref<4096x256xf32, #tpu.memory_space<hbm>>) target(%dma_start3A_477 : memref<64x256xf32, #tpu.memory_space<vmem>>) offsets(%dma_start3A_480 : memref<64xi32, #tpu.memory_space<vmem>>) semaphore(%arg11 : memref<!tpu.dma_semaphore, #tpu.memory_space<semaphore_mem>>)
    %dma_start3A_484 = arith.constant 1 : i32
    %dma_start3A_485 = arith.constant 2 : i32
    %dma_start3A_486 = arith.constant 1 : i32
    %dma_start3A_487 = arith.constant 2 : i32
    %dma_start3A_488 = arith.constant 0 : i32
    %dma_start3A_489 = arith.constant 0 : i32
    %dma_start3A_490 = tpu.memref_slice %arg10[%dma_start3A_486, %dma_start3A_487, %dma_start3A_488, %dma_start3A_489] : memref<2x3x64x256xf32, #tpu.memory_space<vmem>> -> memref<1x1x64x256xf32, #tpu.memory_space<vmem>>
    %dma_start3A_491 = tpu.memref_squeeze %dma_start3A_490 : memref<1x1x64x256xf32, #tpu.memory_space<vmem>> -> memref<64x256xf32, #tpu.memory_space<vmem>>
    %dma_start3A_492 = arith.constant 0 : i32
    %dma_start3A_493 = tpu.memref_slice %arg9[%dma_start3A_484, %dma_start3A_485, %dma_start3A_492] : memref<2x3x64xi32, #tpu.memory_space<vmem>> -> memref<1x1x64xi32, #tpu.memory_space<vmem>>
    %dma_start3A_494 = tpu.memref_squeeze %dma_start3A_493 : memref<1x1x64xi32, #tpu.memory_space<vmem>> -> memref<64xi32, #tpu.memory_space<vmem>>
    %dma_start3A_495 = arith.constant 0 : i32
    %dma_start3A_496 = arith.constant 0 : i32
    %dma_start3A_497 = tpu.memref_slice %arg2[%dma_start3A_495, %dma_start3A_496] : memref<4096x256xf32, #tpu.memory_space<hbm>> -> memref<4096x256xf32, #tpu.memory_space<hbm>>
    tpu.enqueue_indirect_dma source(%dma_start3A_497 : memref<4096x256xf32, #tpu.memory_space<hbm>>) target(%dma_start3A_491 : memref<64x256xf32, #tpu.memory_space<vmem>>) offsets(%dma_start3A_494 : memref<64xi32, #tpu.memory_space<vmem>>) semaphore(%arg11 : memref<!tpu.dma_semaphore, #tpu.memory_space<semaphore_mem>>)
    %add3A_498 = arith.constant 128 : i32
    %add3A_499 = arith.addi %mul3A_2, %add3A_498 : i32
    %dma_start3A_500 = arith.constant 0 : i32
    %dma_start3A_501 = arith.constant 0 : i32
    %dma_start3A_502 = arith.constant 0 : i32
    %dma_start3A_503 = arith.constant 0 : i32
    %dma_start3A_504 = tpu.memref_slice %arg10[%dma_start3A_500, %dma_start3A_501, %dma_start3A_502, %dma_start3A_503] : memref<2x3x64x256xf32, #tpu.memory_space<vmem>> -> memref<1x1x64x256xf32, #tpu.memory_space<vmem>>
    %dma_start3A_505 = tpu.memref_squeeze %dma_start3A_504 : memref<1x1x64x256xf32, #tpu.memory_space<vmem>> -> memref<64x256xf32, #tpu.memory_space<vmem>>
    %dma_start3A_506 = arith.constant 0 : i32
    %dma_start3A_507 = tpu.memref_slice %arg6[%add3A_499, %dma_start3A_506] : memref<16384x256xf32, #tpu.memory_space<hbm>> -> memref<64x256xf32, #tpu.memory_space<hbm>>
    %dma_start3A_508 = arith.constant 0 : i32
    %dma_start3A_509 = tpu.memref_slice %arg6[%add3A_499, %dma_start3A_508] : memref<16384x256xf32, #tpu.memory_space<hbm>> -> memref<64x256xf32, #tpu.memory_space<hbm>>
    %dma_start3A_510 = arith.constant 0 : i32
    %dma_start3A_511 = arith.constant 0 : i32
    %dma_start3A_512 = tpu.memref_slice %arg10[%dma_start3A_500, %dma_start3A_501, %dma_start3A_510, %dma_start3A_511] : memref<2x3x64x256xf32, #tpu.memory_space<vmem>> -> memref<1x1x64x256xf32, #tpu.memory_space<vmem>>
    %dma_start3A_513 = tpu.memref_squeeze %dma_start3A_512 : memref<1x1x64x256xf32, #tpu.memory_space<vmem>> -> memref<64x256xf32, #tpu.memory_space<vmem>>
    tpu.enqueue_dma source(%dma_start3A_513 : memref<64x256xf32, #tpu.memory_space<vmem>>) target(%dma_start3A_509 : memref<64x256xf32, #tpu.memory_space<hbm>>) target_semaphore(%arg12 : memref<!tpu.dma_semaphore, #tpu.memory_space<semaphore_mem>>)
    %dma_start3A_514 = arith.constant 0 : i32
    %dma_start3A_515 = arith.constant 1 : i32
    %dma_start3A_516 = arith.constant 0 : i32
    %dma_start3A_517 = arith.constant 0 : i32
    %dma_start3A_518 = tpu.memref_slice %arg10[%dma_start3A_514, %dma_start3A_515, %dma_start3A_516, %dma_start3A_517] : memref<2x3x64x256xf32, #tpu.memory_space<vmem>> -> memref<1x1x64x256xf32, #tpu.memory_space<vmem>>
    %dma_start3A_519 = tpu.memref_squeeze %dma_start3A_518 : memref<1x1x64x256xf32, #tpu.memory_space<vmem>> -> memref<64x256xf32, #tpu.memory_space<vmem>>
    %dma_start3A_520 = arith.constant 0 : i32
    %dma_start3A_521 = tpu.memref_slice %arg7[%add3A_499, %dma_start3A_520] : memref<16384x256xf32, #tpu.memory_space<hbm>> -> memref<64x256xf32, #tpu.memory_space<hbm>>
    %dma_start3A_522 = arith.constant 0 : i32
    %dma_start3A_523 = tpu.memref_slice %arg7[%add3A_499, %dma_start3A_522] : memref<16384x256xf32, #tpu.memory_space<hbm>> -> memref<64x256xf32, #tpu.memory_space<hbm>>
    %dma_start3A_524 = arith.constant 0 : i32
    %dma_start3A_525 = arith.constant 0 : i32
    %dma_start3A_526 = tpu.memref_slice %arg10[%dma_start3A_514, %dma_start3A_515, %dma_start3A_524, %dma_start3A_525] : memref<2x3x64x256xf32, #tpu.memory_space<vmem>> -> memref<1x1x64x256xf32, #tpu.memory_space<vmem>>
    %dma_start3A_527 = tpu.memref_squeeze %dma_start3A_526 : memref<1x1x64x256xf32, #tpu.memory_space<vmem>> -> memref<64x256xf32, #tpu.memory_space<vmem>>
    tpu.enqueue_dma source(%dma_start3A_527 : memref<64x256xf32, #tpu.memory_space<vmem>>) target(%dma_start3A_523 : memref<64x256xf32, #tpu.memory_space<hbm>>) target_semaphore(%arg12 : memref<!tpu.dma_semaphore, #tpu.memory_space<semaphore_mem>>)
    %dma_start3A_528 = arith.constant 0 : i32
    %dma_start3A_529 = arith.constant 2 : i32
    %dma_start3A_530 = arith.constant 0 : i32
    %dma_start3A_531 = arith.constant 0 : i32
    %dma_start3A_532 = tpu.memref_slice %arg10[%dma_start3A_528, %dma_start3A_529, %dma_start3A_530, %dma_start3A_531] : memref<2x3x64x256xf32, #tpu.memory_space<vmem>> -> memref<1x1x64x256xf32, #tpu.memory_space<vmem>>
    %dma_start3A_533 = tpu.memref_squeeze %dma_start3A_532 : memref<1x1x64x256xf32, #tpu.memory_space<vmem>> -> memref<64x256xf32, #tpu.memory_space<vmem>>
    %dma_start3A_534 = arith.constant 0 : i32
    %dma_start3A_535 = tpu.memref_slice %arg8[%add3A_499, %dma_start3A_534] : memref<16384x256xf32, #tpu.memory_space<hbm>> -> memref<64x256xf32, #tpu.memory_space<hbm>>
    %dma_start3A_536 = arith.constant 0 : i32
    %dma_start3A_537 = tpu.memref_slice %arg8[%add3A_499, %dma_start3A_536] : memref<16384x256xf32, #tpu.memory_space<hbm>> -> memref<64x256xf32, #tpu.memory_space<hbm>>
    %dma_start3A_538 = arith.constant 0 : i32
    %dma_start3A_539 = arith.constant 0 : i32
    %dma_start3A_540 = tpu.memref_slice %arg10[%dma_start3A_528, %dma_start3A_529, %dma_start3A_538, %dma_start3A_539] : memref<2x3x64x256xf32, #tpu.memory_space<vmem>> -> memref<1x1x64x256xf32, #tpu.memory_space<vmem>>
    %dma_start3A_541 = tpu.memref_squeeze %dma_start3A_540 : memref<1x1x64x256xf32, #tpu.memory_space<vmem>> -> memref<64x256xf32, #tpu.memory_space<vmem>>
    tpu.enqueue_dma source(%dma_start3A_541 : memref<64x256xf32, #tpu.memory_space<vmem>>) target(%dma_start3A_537 : memref<64x256xf32, #tpu.memory_space<hbm>>) target_semaphore(%arg12 : memref<!tpu.dma_semaphore, #tpu.memory_space<semaphore_mem>>)
    %add3A_542 = arith.constant 256 : i32
    %add3A_543 = arith.addi %mul3A_2, %add3A_542 : i32
    %run_scoped3A_544 = arith.constant 0 : i32
    %run_scoped3A_545 = arith.constant 0 : i32
    "tpu.region"() ({
      %run_scoped3A_1424 = tpu.sem_alloc : memref<!tpu.dma_semaphore, #tpu.memory_space<semaphore_mem>>
      %dma_start3A_1425 = arith.constant 0 : i32
      %dma_start3A_1426 = tpu.memref_slice %arg9[%run_scoped3A_544, %run_scoped3A_545, %dma_start3A_1425] : memref<2x3x64xi32, #tpu.memory_space<vmem>> -> memref<1x1x64xi32, #tpu.memory_space<vmem>>
      %dma_start3A_1427 = tpu.memref_squeeze %dma_start3A_1426 : memref<1x1x64xi32, #tpu.memory_space<vmem>> -> memref<64xi32, #tpu.memory_space<vmem>>
      %dma_start3A_1428 = tpu.memref_slice %arg3[%add3A_543] : memref<16384xi32, #tpu.memory_space<hbm>> -> memref<64xi32, #tpu.memory_space<hbm>>
      %dma_start3A_1429 = arith.constant 0 : i32
      %dma_start3A_1430 = tpu.memref_slice %arg9[%run_scoped3A_544, %run_scoped3A_545, %dma_start3A_1429] : memref<2x3x64xi32, #tpu.memory_space<vmem>> -> memref<1x1x64xi32, #tpu.memory_space<vmem>>
      %dma_start3A_1431 = tpu.memref_squeeze %dma_start3A_1430 : memref<1x1x64xi32, #tpu.memory_space<vmem>> -> memref<64xi32, #tpu.memory_space<vmem>>
      %dma_start3A_1432 = tpu.memref_slice %arg3[%add3A_543] : memref<16384xi32, #tpu.memory_space<hbm>> -> memref<64xi32, #tpu.memory_space<hbm>>
      tpu.enqueue_dma source(%dma_start3A_1432 : memref<64xi32, #tpu.memory_space<hbm>>) target(%dma_start3A_1431 : memref<64xi32, #tpu.memory_space<vmem>>) target_semaphore(%run_scoped3A_1424 : memref<!tpu.dma_semaphore, #tpu.memory_space<semaphore_mem>>)
      %dma_wait3A_1433 = arith.constant 0 : i32
      %dma_wait3A_1434 = tpu.memref_slice %arg9[%run_scoped3A_544, %run_scoped3A_545, %dma_wait3A_1433] : memref<2x3x64xi32, #tpu.memory_space<vmem>> -> memref<1x1x64xi32, #tpu.memory_space<vmem>>
      %dma_wait3A_1435 = tpu.memref_squeeze %dma_wait3A_1434 : memref<1x1x64xi32, #tpu.memory_space<vmem>> -> memref<64xi32, #tpu.memory_space<vmem>>
      %dma_wait3A_1436 = tpu.memref_slice %arg3[%add3A_543] : memref<16384xi32, #tpu.memory_space<hbm>> -> memref<64xi32, #tpu.memory_space<hbm>>
      %dma_wait3A_1437 = arith.constant 0 : i32
      %dma_wait3A_1438 = tpu.memref_slice %arg9[%run_scoped3A_544, %run_scoped3A_545, %dma_wait3A_1437] : memref<2x3x64xi32, #tpu.memory_space<vmem>> -> memref<1x1x64xi32, #tpu.memory_space<vmem>>
      %dma_wait3A_1439 = tpu.memref_squeeze %dma_wait3A_1438 : memref<1x1x64xi32, #tpu.memory_space<vmem>> -> memref<64xi32, #tpu.memory_space<vmem>>
      %dma_wait3A_1440 = tpu.memref_slice %arg3[%add3A_543] : memref<16384xi32, #tpu.memory_space<hbm>> -> memref<64xi32, #tpu.memory_space<hbm>>
      tpu.wait_dma2 semaphore(%run_scoped3A_1424 : memref<!tpu.dma_semaphore, #tpu.memory_space<semaphore_mem>>) src(%dma_wait3A_1440 : memref<64xi32, #tpu.memory_space<hbm>>) dst(%dma_wait3A_1439 : memref<64xi32, #tpu.memory_space<vmem>>)
      tpu.yield
    }) : () -> ()
    %run_scoped3A_546 = arith.constant 0 : i32
    %run_scoped3A_547 = arith.constant 1 : i32
    "tpu.region"() ({
      %run_scoped3A_1424 = tpu.sem_alloc : memref<!tpu.dma_semaphore, #tpu.memory_space<semaphore_mem>>
      %dma_start3A_1425 = arith.constant 0 : i32
      %dma_start3A_1426 = tpu.memref_slice %arg9[%run_scoped3A_546, %run_scoped3A_547, %dma_start3A_1425] : memref<2x3x64xi32, #tpu.memory_space<vmem>> -> memref<1x1x64xi32, #tpu.memory_space<vmem>>
      %dma_start3A_1427 = tpu.memref_squeeze %dma_start3A_1426 : memref<1x1x64xi32, #tpu.memory_space<vmem>> -> memref<64xi32, #tpu.memory_space<vmem>>
      %dma_start3A_1428 = tpu.memref_slice %arg4[%add3A_543] : memref<16384xi32, #tpu.memory_space<hbm>> -> memref<64xi32, #tpu.memory_space<hbm>>
      %dma_start3A_1429 = arith.constant 0 : i32
      %dma_start3A_1430 = tpu.memref_slice %arg9[%run_scoped3A_546, %run_scoped3A_547, %dma_start3A_1429] : memref<2x3x64xi32, #tpu.memory_space<vmem>> -> memref<1x1x64xi32, #tpu.memory_space<vmem>>
      %dma_start3A_1431 = tpu.memref_squeeze %dma_start3A_1430 : memref<1x1x64xi32, #tpu.memory_space<vmem>> -> memref<64xi32, #tpu.memory_space<vmem>>
      %dma_start3A_1432 = tpu.memref_slice %arg4[%add3A_543] : memref<16384xi32, #tpu.memory_space<hbm>> -> memref<64xi32, #tpu.memory_space<hbm>>
      tpu.enqueue_dma source(%dma_start3A_1432 : memref<64xi32, #tpu.memory_space<hbm>>) target(%dma_start3A_1431 : memref<64xi32, #tpu.memory_space<vmem>>) target_semaphore(%run_scoped3A_1424 : memref<!tpu.dma_semaphore, #tpu.memory_space<semaphore_mem>>)
      %dma_wait3A_1433 = arith.constant 0 : i32
      %dma_wait3A_1434 = tpu.memref_slice %arg9[%run_scoped3A_546, %run_scoped3A_547, %dma_wait3A_1433] : memref<2x3x64xi32, #tpu.memory_space<vmem>> -> memref<1x1x64xi32, #tpu.memory_space<vmem>>
      %dma_wait3A_1435 = tpu.memref_squeeze %dma_wait3A_1434 : memref<1x1x64xi32, #tpu.memory_space<vmem>> -> memref<64xi32, #tpu.memory_space<vmem>>
      %dma_wait3A_1436 = tpu.memref_slice %arg4[%add3A_543] : memref<16384xi32, #tpu.memory_space<hbm>> -> memref<64xi32, #tpu.memory_space<hbm>>
      %dma_wait3A_1437 = arith.constant 0 : i32
      %dma_wait3A_1438 = tpu.memref_slice %arg9[%run_scoped3A_546, %run_scoped3A_547, %dma_wait3A_1437] : memref<2x3x64xi32, #tpu.memory_space<vmem>> -> memref<1x1x64xi32, #tpu.memory_space<vmem>>
      %dma_wait3A_1439 = tpu.memref_squeeze %dma_wait3A_1438 : memref<1x1x64xi32, #tpu.memory_space<vmem>> -> memref<64xi32, #tpu.memory_space<vmem>>
      %dma_wait3A_1440 = tpu.memref_slice %arg4[%add3A_543] : memref<16384xi32, #tpu.memory_space<hbm>> -> memref<64xi32, #tpu.memory_space<hbm>>
      tpu.wait_dma2 semaphore(%run_scoped3A_1424 : memref<!tpu.dma_semaphore, #tpu.memory_space<semaphore_mem>>) src(%dma_wait3A_1440 : memref<64xi32, #tpu.memory_space<hbm>>) dst(%dma_wait3A_1439 : memref<64xi32, #tpu.memory_space<vmem>>)
      tpu.yield
    }) : () -> ()
    %run_scoped3A_548 = arith.constant 0 : i32
    %run_scoped3A_549 = arith.constant 2 : i32
    "tpu.region"() ({
      %run_scoped3A_1424 = tpu.sem_alloc : memref<!tpu.dma_semaphore, #tpu.memory_space<semaphore_mem>>
      %dma_start3A_1425 = arith.constant 0 : i32
      %dma_start3A_1426 = tpu.memref_slice %arg9[%run_scoped3A_548, %run_scoped3A_549, %dma_start3A_1425] : memref<2x3x64xi32, #tpu.memory_space<vmem>> -> memref<1x1x64xi32, #tpu.memory_space<vmem>>
      %dma_start3A_1427 = tpu.memref_squeeze %dma_start3A_1426 : memref<1x1x64xi32, #tpu.memory_space<vmem>> -> memref<64xi32, #tpu.memory_space<vmem>>
      %dma_start3A_1428 = tpu.memref_slice %arg5[%add3A_543] : memref<16384xi32, #tpu.memory_space<hbm>> -> memref<64xi32, #tpu.memory_space<hbm>>
      %dma_start3A_1429 = arith.constant 0 : i32
      %dma_start3A_1430 = tpu.memref_slice %arg9[%run_scoped3A_548, %run_scoped3A_549, %dma_start3A_1429] : memref<2x3x64xi32, #tpu.memory_space<vmem>> -> memref<1x1x64xi32, #tpu.memory_space<vmem>>
      %dma_start3A_1431 = tpu.memref_squeeze %dma_start3A_1430 : memref<1x1x64xi32, #tpu.memory_space<vmem>> -> memref<64xi32, #tpu.memory_space<vmem>>
      %dma_start3A_1432 = tpu.memref_slice %arg5[%add3A_543] : memref<16384xi32, #tpu.memory_space<hbm>> -> memref<64xi32, #tpu.memory_space<hbm>>
      tpu.enqueue_dma source(%dma_start3A_1432 : memref<64xi32, #tpu.memory_space<hbm>>) target(%dma_start3A_1431 : memref<64xi32, #tpu.memory_space<vmem>>) target_semaphore(%run_scoped3A_1424 : memref<!tpu.dma_semaphore, #tpu.memory_space<semaphore_mem>>)
      %dma_wait3A_1433 = arith.constant 0 : i32
      %dma_wait3A_1434 = tpu.memref_slice %arg9[%run_scoped3A_548, %run_scoped3A_549, %dma_wait3A_1433] : memref<2x3x64xi32, #tpu.memory_space<vmem>> -> memref<1x1x64xi32, #tpu.memory_space<vmem>>
      %dma_wait3A_1435 = tpu.memref_squeeze %dma_wait3A_1434 : memref<1x1x64xi32, #tpu.memory_space<vmem>> -> memref<64xi32, #tpu.memory_space<vmem>>
      %dma_wait3A_1436 = tpu.memref_slice %arg5[%add3A_543] : memref<16384xi32, #tpu.memory_space<hbm>> -> memref<64xi32, #tpu.memory_space<hbm>>
      %dma_wait3A_1437 = arith.constant 0 : i32
      %dma_wait3A_1438 = tpu.memref_slice %arg9[%run_scoped3A_548, %run_scoped3A_549, %dma_wait3A_1437] : memref<2x3x64xi32, #tpu.memory_space<vmem>> -> memref<1x1x64xi32, #tpu.memory_space<vmem>>
      %dma_wait3A_1439 = tpu.memref_squeeze %dma_wait3A_1438 : memref<1x1x64xi32, #tpu.memory_space<vmem>> -> memref<64xi32, #tpu.memory_space<vmem>>
      %dma_wait3A_1440 = tpu.memref_slice %arg5[%add3A_543] : memref<16384xi32, #tpu.memory_space<hbm>> -> memref<64xi32, #tpu.memory_space<hbm>>
      tpu.wait_dma2 semaphore(%run_scoped3A_1424 : memref<!tpu.dma_semaphore, #tpu.memory_space<semaphore_mem>>) src(%dma_wait3A_1440 : memref<64xi32, #tpu.memory_space<hbm>>) dst(%dma_wait3A_1439 : memref<64xi32, #tpu.memory_space<vmem>>)
      tpu.yield
    }) : () -> ()
    %dma_wait3A_550 = arith.constant 1 : i32
    %dma_wait3A_551 = arith.constant 0 : i32
    %dma_wait3A_552 = arith.constant 1 : i32
    %dma_wait3A_553 = arith.constant 0 : i32
    %dma_wait3A_554 = arith.constant 0 : i32
    %dma_wait3A_555 = arith.constant 0 : i32
    %dma_wait3A_556 = tpu.memref_slice %arg10[%dma_wait3A_552, %dma_wait3A_553, %dma_wait3A_554, %dma_wait3A_555] : memref<2x3x64x256xf32, #tpu.memory_space<vmem>> -> memref<1x1x64x256xf32, #tpu.memory_space<vmem>>
    %dma_wait3A_557 = tpu.memref_squeeze %dma_wait3A_556 : memref<1x1x64x256xf32, #tpu.memory_space<vmem>> -> memref<64x256xf32, #tpu.memory_space<vmem>>
    %dma_wait3A_558 = arith.constant 0 : i32
    %dma_wait3A_559 = tpu.memref_slice %arg9[%dma_wait3A_550, %dma_wait3A_551, %dma_wait3A_558] : memref<2x3x64xi32, #tpu.memory_space<vmem>> -> memref<1x1x64xi32, #tpu.memory_space<vmem>>
    %dma_wait3A_560 = tpu.memref_squeeze %dma_wait3A_559 : memref<1x1x64xi32, #tpu.memory_space<vmem>> -> memref<64xi32, #tpu.memory_space<vmem>>
    %dma_wait3A_561 = arith.constant 0 : i32
    %dma_wait3A_562 = arith.constant 0 : i32
    %dma_wait3A_563 = tpu.memref_slice %arg2[%dma_wait3A_561, %dma_wait3A_562] : memref<4096x256xf32, #tpu.memory_space<hbm>> -> memref<4096x256xf32, #tpu.memory_space<hbm>>
    tpu.wait_indirect_dma semaphore(%arg11 : memref<!tpu.dma_semaphore, #tpu.memory_space<semaphore_mem>>) src(%dma_wait3A_563 : memref<4096x256xf32, #tpu.memory_space<hbm>>) dst(%dma_wait3A_557 : memref<64x256xf32, #tpu.memory_space<vmem>>)
    %dma_wait3A_564 = arith.constant 1 : i32
    %dma_wait3A_565 = arith.constant 1 : i32
    %dma_wait3A_566 = arith.constant 1 : i32
    %dma_wait3A_567 = arith.constant 1 : i32
    %dma_wait3A_568 = arith.constant 0 : i32
    %dma_wait3A_569 = arith.constant 0 : i32
    %dma_wait3A_570 = tpu.memref_slice %arg10[%dma_wait3A_566, %dma_wait3A_567, %dma_wait3A_568, %dma_wait3A_569] : memref<2x3x64x256xf32, #tpu.memory_space<vmem>> -> memref<1x1x64x256xf32, #tpu.memory_space<vmem>>
    %dma_wait3A_571 = tpu.memref_squeeze %dma_wait3A_570 : memref<1x1x64x256xf32, #tpu.memory_space<vmem>> -> memref<64x256xf32, #tpu.memory_space<vmem>>
    %dma_wait3A_572 = arith.constant 0 : i32
    %dma_wait3A_573 = tpu.memref_slice %arg9[%dma_wait3A_564, %dma_wait3A_565, %dma_wait3A_572] : memref<2x3x64xi32, #tpu.memory_space<vmem>> -> memref<1x1x64xi32, #tpu.memory_space<vmem>>
    %dma_wait3A_574 = tpu.memref_squeeze %dma_wait3A_573 : memref<1x1x64xi32, #tpu.memory_space<vmem>> -> memref<64xi32, #tpu.memory_space<vmem>>
    %dma_wait3A_575 = arith.constant 0 : i32
    %dma_wait3A_576 = arith.constant 0 : i32
    %dma_wait3A_577 = tpu.memref_slice %arg2[%dma_wait3A_575, %dma_wait3A_576] : memref<4096x256xf32, #tpu.memory_space<hbm>> -> memref<4096x256xf32, #tpu.memory_space<hbm>>
    tpu.wait_indirect_dma semaphore(%arg11 : memref<!tpu.dma_semaphore, #tpu.memory_space<semaphore_mem>>) src(%dma_wait3A_577 : memref<4096x256xf32, #tpu.memory_space<hbm>>) dst(%dma_wait3A_571 : memref<64x256xf32, #tpu.memory_space<vmem>>)
    %dma_wait3A_578 = arith.constant 1 : i32
    %dma_wait3A_579 = arith.constant 2 : i32
    %dma_wait3A_580 = arith.constant 1 : i32
    %dma_wait3A_581 = arith.constant 2 : i32
    %dma_wait3A_582 = arith.constant 0 : i32
    %dma_wait3A_583 = arith.constant 0 : i32
    %dma_wait3A_584 = tpu.memref_slice %arg10[%dma_wait3A_580, %dma_wait3A_581, %dma_wait3A_582, %dma_wait3A_583] : memref<2x3x64x256xf32, #tpu.memory_space<vmem>> -> memref<1x1x64x256xf32, #tpu.memory_space<vmem>>
    %dma_wait3A_585 = tpu.memref_squeeze %dma_wait3A_584 : memref<1x1x64x256xf32, #tpu.memory_space<vmem>> -> memref<64x256xf32, #tpu.memory_space<vmem>>
    %dma_wait3A_586 = arith.constant 0 : i32
    %dma_wait3A_587 = tpu.memref_slice %arg9[%dma_wait3A_578, %dma_wait3A_579, %dma_wait3A_586] : memref<2x3x64xi32, #tpu.memory_space<vmem>> -> memref<1x1x64xi32, #tpu.memory_space<vmem>>
    %dma_wait3A_588 = tpu.memref_squeeze %dma_wait3A_587 : memref<1x1x64xi32, #tpu.memory_space<vmem>> -> memref<64xi32, #tpu.memory_space<vmem>>
    %dma_wait3A_589 = arith.constant 0 : i32
    %dma_wait3A_590 = arith.constant 0 : i32
    %dma_wait3A_591 = tpu.memref_slice %arg2[%dma_wait3A_589, %dma_wait3A_590] : memref<4096x256xf32, #tpu.memory_space<hbm>> -> memref<4096x256xf32, #tpu.memory_space<hbm>>
    tpu.wait_indirect_dma semaphore(%arg11 : memref<!tpu.dma_semaphore, #tpu.memory_space<semaphore_mem>>) src(%dma_wait3A_591 : memref<4096x256xf32, #tpu.memory_space<hbm>>) dst(%dma_wait3A_585 : memref<64x256xf32, #tpu.memory_space<vmem>>)
    %dma_wait3A_592 = arith.constant 0 : i32
    %dma_wait3A_593 = arith.constant 0 : i32
    %dma_wait3A_594 = arith.constant 0 : i32
    %dma_wait3A_595 = arith.constant 0 : i32
    %dma_wait3A_596 = tpu.memref_slice %arg10[%dma_wait3A_592, %dma_wait3A_593, %dma_wait3A_594, %dma_wait3A_595] : memref<2x3x64x256xf32, #tpu.memory_space<vmem>> -> memref<1x1x64x256xf32, #tpu.memory_space<vmem>>
    %dma_wait3A_597 = tpu.memref_squeeze %dma_wait3A_596 : memref<1x1x64x256xf32, #tpu.memory_space<vmem>> -> memref<64x256xf32, #tpu.memory_space<vmem>>
    %dma_wait3A_598 = arith.constant 0 : i32
    %dma_wait3A_599 = tpu.memref_slice %arg6[%add3A_499, %dma_wait3A_598] : memref<16384x256xf32, #tpu.memory_space<hbm>> -> memref<64x256xf32, #tpu.memory_space<hbm>>
    %dma_wait3A_600 = arith.constant 0 : i32
    %dma_wait3A_601 = tpu.memref_slice %arg6[%add3A_499, %dma_wait3A_600] : memref<16384x256xf32, #tpu.memory_space<hbm>> -> memref<64x256xf32, #tpu.memory_space<hbm>>
    %dma_wait3A_602 = arith.constant 0 : i32
    %dma_wait3A_603 = arith.constant 0 : i32
    %dma_wait3A_604 = tpu.memref_slice %arg10[%dma_wait3A_592, %dma_wait3A_593, %dma_wait3A_602, %dma_wait3A_603] : memref<2x3x64x256xf32, #tpu.memory_space<vmem>> -> memref<1x1x64x256xf32, #tpu.memory_space<vmem>>
    %dma_wait3A_605 = tpu.memref_squeeze %dma_wait3A_604 : memref<1x1x64x256xf32, #tpu.memory_space<vmem>> -> memref<64x256xf32, #tpu.memory_space<vmem>>
    tpu.wait_dma2 semaphore(%arg12 : memref<!tpu.dma_semaphore, #tpu.memory_space<semaphore_mem>>) src(%dma_wait3A_605 : memref<64x256xf32, #tpu.memory_space<vmem>>) dst(%dma_wait3A_601 : memref<64x256xf32, #tpu.memory_space<hbm>>)
    %dma_wait3A_606 = arith.constant 0 : i32
    %dma_wait3A_607 = arith.constant 1 : i32
    %dma_wait3A_608 = arith.constant 0 : i32
    %dma_wait3A_609 = arith.constant 0 : i32
    %dma_wait3A_610 = tpu.memref_slice %arg10[%dma_wait3A_606, %dma_wait3A_607, %dma_wait3A_608, %dma_wait3A_609] : memref<2x3x64x256xf32, #tpu.memory_space<vmem>> -> memref<1x1x64x256xf32, #tpu.memory_space<vmem>>
    %dma_wait3A_611 = tpu.memref_squeeze %dma_wait3A_610 : memref<1x1x64x256xf32, #tpu.memory_space<vmem>> -> memref<64x256xf32, #tpu.memory_space<vmem>>
    %dma_wait3A_612 = arith.constant 0 : i32
    %dma_wait3A_613 = tpu.memref_slice %arg7[%add3A_499, %dma_wait3A_612] : memref<16384x256xf32, #tpu.memory_space<hbm>> -> memref<64x256xf32, #tpu.memory_space<hbm>>
    %dma_wait3A_614 = arith.constant 0 : i32
    %dma_wait3A_615 = tpu.memref_slice %arg7[%add3A_499, %dma_wait3A_614] : memref<16384x256xf32, #tpu.memory_space<hbm>> -> memref<64x256xf32, #tpu.memory_space<hbm>>
    %dma_wait3A_616 = arith.constant 0 : i32
    %dma_wait3A_617 = arith.constant 0 : i32
    %dma_wait3A_618 = tpu.memref_slice %arg10[%dma_wait3A_606, %dma_wait3A_607, %dma_wait3A_616, %dma_wait3A_617] : memref<2x3x64x256xf32, #tpu.memory_space<vmem>> -> memref<1x1x64x256xf32, #tpu.memory_space<vmem>>
    %dma_wait3A_619 = tpu.memref_squeeze %dma_wait3A_618 : memref<1x1x64x256xf32, #tpu.memory_space<vmem>> -> memref<64x256xf32, #tpu.memory_space<vmem>>
    tpu.wait_dma2 semaphore(%arg12 : memref<!tpu.dma_semaphore, #tpu.memory_space<semaphore_mem>>) src(%dma_wait3A_619 : memref<64x256xf32, #tpu.memory_space<vmem>>) dst(%dma_wait3A_615 : memref<64x256xf32, #tpu.memory_space<hbm>>)
    %dma_wait3A_620 = arith.constant 0 : i32
    %dma_wait3A_621 = arith.constant 2 : i32
    %dma_wait3A_622 = arith.constant 0 : i32
    %dma_wait3A_623 = arith.constant 0 : i32
    %dma_wait3A_624 = tpu.memref_slice %arg10[%dma_wait3A_620, %dma_wait3A_621, %dma_wait3A_622, %dma_wait3A_623] : memref<2x3x64x256xf32, #tpu.memory_space<vmem>> -> memref<1x1x64x256xf32, #tpu.memory_space<vmem>>
    %dma_wait3A_625 = tpu.memref_squeeze %dma_wait3A_624 : memref<1x1x64x256xf32, #tpu.memory_space<vmem>> -> memref<64x256xf32, #tpu.memory_space<vmem>>
    %dma_wait3A_626 = arith.constant 0 : i32
    %dma_wait3A_627 = tpu.memref_slice %arg8[%add3A_499, %dma_wait3A_626] : memref<16384x256xf32, #tpu.memory_space<hbm>> -> memref<64x256xf32, #tpu.memory_space<hbm>>
    %dma_wait3A_628 = arith.constant 0 : i32
    %dma_wait3A_629 = tpu.memref_slice %arg8[%add3A_499, %dma_wait3A_628] : memref<16384x256xf32, #tpu.memory_space<hbm>> -> memref<64x256xf32, #tpu.memory_space<hbm>>
    %dma_wait3A_630 = arith.constant 0 : i32
    %dma_wait3A_631 = arith.constant 0 : i32
    %dma_wait3A_632 = tpu.memref_slice %arg10[%dma_wait3A_620, %dma_wait3A_621, %dma_wait3A_630, %dma_wait3A_631] : memref<2x3x64x256xf32, #tpu.memory_space<vmem>> -> memref<1x1x64x256xf32, #tpu.memory_space<vmem>>
    %dma_wait3A_633 = tpu.memref_squeeze %dma_wait3A_632 : memref<1x1x64x256xf32, #tpu.memory_space<vmem>> -> memref<64x256xf32, #tpu.memory_space<vmem>>
    tpu.wait_dma2 semaphore(%arg12 : memref<!tpu.dma_semaphore, #tpu.memory_space<semaphore_mem>>) src(%dma_wait3A_633 : memref<64x256xf32, #tpu.memory_space<vmem>>) dst(%dma_wait3A_629 : memref<64x256xf32, #tpu.memory_space<hbm>>)
    %dma_start3A_634 = arith.constant 0 : i32
    %dma_start3A_635 = arith.constant 0 : i32
    %dma_start3A_636 = arith.constant 0 : i32
    %dma_start3A_637 = arith.constant 0 : i32
    %dma_start3A_638 = arith.constant 0 : i32
    %dma_start3A_639 = arith.constant 0 : i32
    %dma_start3A_640 = tpu.memref_slice %arg10[%dma_start3A_636, %dma_start3A_637, %dma_start3A_638, %dma_start3A_639] : memref<2x3x64x256xf32, #tpu.memory_space<vmem>> -> memref<1x1x64x256xf32, #tpu.memory_space<vmem>>
    %dma_start3A_641 = tpu.memref_squeeze %dma_start3A_640 : memref<1x1x64x256xf32, #tpu.memory_space<vmem>> -> memref<64x256xf32, #tpu.memory_space<vmem>>
    %dma_start3A_642 = arith.constant 0 : i32
    %dma_start3A_643 = tpu.memref_slice %arg9[%dma_start3A_634, %dma_start3A_635, %dma_start3A_642] : memref<2x3x64xi32, #tpu.memory_space<vmem>> -> memref<1x1x64xi32, #tpu.memory_space<vmem>>
    %dma_start3A_644 = tpu.memref_squeeze %dma_start3A_643 : memref<1x1x64xi32, #tpu.memory_space<vmem>> -> memref<64xi32, #tpu.memory_space<vmem>>
    %dma_start3A_645 = arith.constant 0 : i32
    %dma_start3A_646 = arith.constant 0 : i32
    %dma_start3A_647 = tpu.memref_slice %arg2[%dma_start3A_645, %dma_start3A_646] : memref<4096x256xf32, #tpu.memory_space<hbm>> -> memref<4096x256xf32, #tpu.memory_space<hbm>>
    tpu.enqueue_indirect_dma source(%dma_start3A_647 : memref<4096x256xf32, #tpu.memory_space<hbm>>) target(%dma_start3A_641 : memref<64x256xf32, #tpu.memory_space<vmem>>) offsets(%dma_start3A_644 : memref<64xi32, #tpu.memory_space<vmem>>) semaphore(%arg11 : memref<!tpu.dma_semaphore, #tpu.memory_space<semaphore_mem>>)
    %dma_start3A_648 = arith.constant 0 : i32
    %dma_start3A_649 = arith.constant 1 : i32
    %dma_start3A_650 = arith.constant 0 : i32
    %dma_start3A_651 = arith.constant 1 : i32
    %dma_start3A_652 = arith.constant 0 : i32
    %dma_start3A_653 = arith.constant 0 : i32
    %dma_start3A_654 = tpu.memref_slice %arg10[%dma_start3A_650, %dma_start3A_651, %dma_start3A_652, %dma_start3A_653] : memref<2x3x64x256xf32, #tpu.memory_space<vmem>> -> memref<1x1x64x256xf32, #tpu.memory_space<vmem>>
    %dma_start3A_655 = tpu.memref_squeeze %dma_start3A_654 : memref<1x1x64x256xf32, #tpu.memory_space<vmem>> -> memref<64x256xf32, #tpu.memory_space<vmem>>
    %dma_start3A_656 = arith.constant 0 : i32
    %dma_start3A_657 = tpu.memref_slice %arg9[%dma_start3A_648, %dma_start3A_649, %dma_start3A_656] : memref<2x3x64xi32, #tpu.memory_space<vmem>> -> memref<1x1x64xi32, #tpu.memory_space<vmem>>
    %dma_start3A_658 = tpu.memref_squeeze %dma_start3A_657 : memref<1x1x64xi32, #tpu.memory_space<vmem>> -> memref<64xi32, #tpu.memory_space<vmem>>
    %dma_start3A_659 = arith.constant 0 : i32
    %dma_start3A_660 = arith.constant 0 : i32
    %dma_start3A_661 = tpu.memref_slice %arg2[%dma_start3A_659, %dma_start3A_660] : memref<4096x256xf32, #tpu.memory_space<hbm>> -> memref<4096x256xf32, #tpu.memory_space<hbm>>
    tpu.enqueue_indirect_dma source(%dma_start3A_661 : memref<4096x256xf32, #tpu.memory_space<hbm>>) target(%dma_start3A_655 : memref<64x256xf32, #tpu.memory_space<vmem>>) offsets(%dma_start3A_658 : memref<64xi32, #tpu.memory_space<vmem>>) semaphore(%arg11 : memref<!tpu.dma_semaphore, #tpu.memory_space<semaphore_mem>>)
    %dma_start3A_662 = arith.constant 0 : i32
    %dma_start3A_663 = arith.constant 2 : i32
    %dma_start3A_664 = arith.constant 0 : i32
    %dma_start3A_665 = arith.constant 2 : i32
    %dma_start3A_666 = arith.constant 0 : i32
    %dma_start3A_667 = arith.constant 0 : i32
    %dma_start3A_668 = tpu.memref_slice %arg10[%dma_start3A_664, %dma_start3A_665, %dma_start3A_666, %dma_start3A_667] : memref<2x3x64x256xf32, #tpu.memory_space<vmem>> -> memref<1x1x64x256xf32, #tpu.memory_space<vmem>>
    %dma_start3A_669 = tpu.memref_squeeze %dma_start3A_668 : memref<1x1x64x256xf32, #tpu.memory_space<vmem>> -> memref<64x256xf32, #tpu.memory_space<vmem>>
    %dma_start3A_670 = arith.constant 0 : i32
    %dma_start3A_671 = tpu.memref_slice %arg9[%dma_start3A_662, %dma_start3A_663, %dma_start3A_670] : memref<2x3x64xi32, #tpu.memory_space<vmem>> -> memref<1x1x64xi32, #tpu.memory_space<vmem>>
    %dma_start3A_672 = tpu.memref_squeeze %dma_start3A_671 : memref<1x1x64xi32, #tpu.memory_space<vmem>> -> memref<64xi32, #tpu.memory_space<vmem>>
    %dma_start3A_673 = arith.constant 0 : i32
    %dma_start3A_674 = arith.constant 0 : i32
    %dma_start3A_675 = tpu.memref_slice %arg2[%dma_start3A_673, %dma_start3A_674] : memref<4096x256xf32, #tpu.memory_space<hbm>> -> memref<4096x256xf32, #tpu.memory_space<hbm>>
    tpu.enqueue_indirect_dma source(%dma_start3A_675 : memref<4096x256xf32, #tpu.memory_space<hbm>>) target(%dma_start3A_669 : memref<64x256xf32, #tpu.memory_space<vmem>>) offsets(%dma_start3A_672 : memref<64xi32, #tpu.memory_space<vmem>>) semaphore(%arg11 : memref<!tpu.dma_semaphore, #tpu.memory_space<semaphore_mem>>)
    %add3A_676 = arith.constant 192 : i32
    %add3A_677 = arith.addi %mul3A_2, %add3A_676 : i32
    %dma_start3A_678 = arith.constant 1 : i32
    %dma_start3A_679 = arith.constant 0 : i32
    %dma_start3A_680 = arith.constant 0 : i32
    %dma_start3A_681 = arith.constant 0 : i32
    %dma_start3A_682 = tpu.memref_slice %arg10[%dma_start3A_678, %dma_start3A_679, %dma_start3A_680, %dma_start3A_681] : memref<2x3x64x256xf32, #tpu.memory_space<vmem>> -> memref<1x1x64x256xf32, #tpu.memory_space<vmem>>
    %dma_start3A_683 = tpu.memref_squeeze %dma_start3A_682 : memref<1x1x64x256xf32, #tpu.memory_space<vmem>> -> memref<64x256xf32, #tpu.memory_space<vmem>>
    %dma_start3A_684 = arith.constant 0 : i32
    %dma_start3A_685 = tpu.memref_slice %arg6[%add3A_677, %dma_start3A_684] : memref<16384x256xf32, #tpu.memory_space<hbm>> -> memref<64x256xf32, #tpu.memory_space<hbm>>
    %dma_start3A_686 = arith.constant 0 : i32
    %dma_start3A_687 = tpu.memref_slice %arg6[%add3A_677, %dma_start3A_686] : memref<16384x256xf32, #tpu.memory_space<hbm>> -> memref<64x256xf32, #tpu.memory_space<hbm>>
    %dma_start3A_688 = arith.constant 0 : i32
    %dma_start3A_689 = arith.constant 0 : i32
    %dma_start3A_690 = tpu.memref_slice %arg10[%dma_start3A_678, %dma_start3A_679, %dma_start3A_688, %dma_start3A_689] : memref<2x3x64x256xf32, #tpu.memory_space<vmem>> -> memref<1x1x64x256xf32, #tpu.memory_space<vmem>>
    %dma_start3A_691 = tpu.memref_squeeze %dma_start3A_690 : memref<1x1x64x256xf32, #tpu.memory_space<vmem>> -> memref<64x256xf32, #tpu.memory_space<vmem>>
    tpu.enqueue_dma source(%dma_start3A_691 : memref<64x256xf32, #tpu.memory_space<vmem>>) target(%dma_start3A_687 : memref<64x256xf32, #tpu.memory_space<hbm>>) target_semaphore(%arg12 : memref<!tpu.dma_semaphore, #tpu.memory_space<semaphore_mem>>)
    %dma_start3A_692 = arith.constant 1 : i32
    %dma_start3A_693 = arith.constant 1 : i32
    %dma_start3A_694 = arith.constant 0 : i32
    %dma_start3A_695 = arith.constant 0 : i32
    %dma_start3A_696 = tpu.memref_slice %arg10[%dma_start3A_692, %dma_start3A_693, %dma_start3A_694, %dma_start3A_695] : memref<2x3x64x256xf32, #tpu.memory_space<vmem>> -> memref<1x1x64x256xf32, #tpu.memory_space<vmem>>
    %dma_start3A_697 = tpu.memref_squeeze %dma_start3A_696 : memref<1x1x64x256xf32, #tpu.memory_space<vmem>> -> memref<64x256xf32, #tpu.memory_space<vmem>>
    %dma_start3A_698 = arith.constant 0 : i32
    %dma_start3A_699 = tpu.memref_slice %arg7[%add3A_677, %dma_start3A_698] : memref<16384x256xf32, #tpu.memory_space<hbm>> -> memref<64x256xf32, #tpu.memory_space<hbm>>
    %dma_start3A_700 = arith.constant 0 : i32
    %dma_start3A_701 = tpu.memref_slice %arg7[%add3A_677, %dma_start3A_700] : memref<16384x256xf32, #tpu.memory_space<hbm>> -> memref<64x256xf32, #tpu.memory_space<hbm>>
    %dma_start3A_702 = arith.constant 0 : i32
    %dma_start3A_703 = arith.constant 0 : i32
    %dma_start3A_704 = tpu.memref_slice %arg10[%dma_start3A_692, %dma_start3A_693, %dma_start3A_702, %dma_start3A_703] : memref<2x3x64x256xf32, #tpu.memory_space<vmem>> -> memref<1x1x64x256xf32, #tpu.memory_space<vmem>>
    %dma_start3A_705 = tpu.memref_squeeze %dma_start3A_704 : memref<1x1x64x256xf32, #tpu.memory_space<vmem>> -> memref<64x256xf32, #tpu.memory_space<vmem>>
    tpu.enqueue_dma source(%dma_start3A_705 : memref<64x256xf32, #tpu.memory_space<vmem>>) target(%dma_start3A_701 : memref<64x256xf32, #tpu.memory_space<hbm>>) target_semaphore(%arg12 : memref<!tpu.dma_semaphore, #tpu.memory_space<semaphore_mem>>)
    %dma_start3A_706 = arith.constant 1 : i32
    %dma_start3A_707 = arith.constant 2 : i32
    %dma_start3A_708 = arith.constant 0 : i32
    %dma_start3A_709 = arith.constant 0 : i32
    %dma_start3A_710 = tpu.memref_slice %arg10[%dma_start3A_706, %dma_start3A_707, %dma_start3A_708, %dma_start3A_709] : memref<2x3x64x256xf32, #tpu.memory_space<vmem>> -> memref<1x1x64x256xf32, #tpu.memory_space<vmem>>
    %dma_start3A_711 = tpu.memref_squeeze %dma_start3A_710 : memref<1x1x64x256xf32, #tpu.memory_space<vmem>> -> memref<64x256xf32, #tpu.memory_space<vmem>>
    %dma_start3A_712 = arith.constant 0 : i32
    %dma_start3A_713 = tpu.memref_slice %arg8[%add3A_677, %dma_start3A_712] : memref<16384x256xf32, #tpu.memory_space<hbm>> -> memref<64x256xf32, #tpu.memory_space<hbm>>
    %dma_start3A_714 = arith.constant 0 : i32
    %dma_start3A_715 = tpu.memref_slice %arg8[%add3A_677, %dma_start3A_714] : memref<16384x256xf32, #tpu.memory_space<hbm>> -> memref<64x256xf32, #tpu.memory_space<hbm>>
    %dma_start3A_716 = arith.constant 0 : i32
    %dma_start3A_717 = arith.constant 0 : i32
    %dma_start3A_718 = tpu.memref_slice %arg10[%dma_start3A_706, %dma_start3A_707, %dma_start3A_716, %dma_start3A_717] : memref<2x3x64x256xf32, #tpu.memory_space<vmem>> -> memref<1x1x64x256xf32, #tpu.memory_space<vmem>>
    %dma_start3A_719 = tpu.memref_squeeze %dma_start3A_718 : memref<1x1x64x256xf32, #tpu.memory_space<vmem>> -> memref<64x256xf32, #tpu.memory_space<vmem>>
    tpu.enqueue_dma source(%dma_start3A_719 : memref<64x256xf32, #tpu.memory_space<vmem>>) target(%dma_start3A_715 : memref<64x256xf32, #tpu.memory_space<hbm>>) target_semaphore(%arg12 : memref<!tpu.dma_semaphore, #tpu.memory_space<semaphore_mem>>)
    %add3A_720 = arith.constant 320 : i32
    %add3A_721 = arith.addi %mul3A_2, %add3A_720 : i32
    %run_scoped3A_722 = arith.constant 1 : i32
    %run_scoped3A_723 = arith.constant 0 : i32
    "tpu.region"() ({
      %run_scoped3A_1424 = tpu.sem_alloc : memref<!tpu.dma_semaphore, #tpu.memory_space<semaphore_mem>>
      %dma_start3A_1425 = arith.constant 0 : i32
      %dma_start3A_1426 = tpu.memref_slice %arg9[%run_scoped3A_722, %run_scoped3A_723, %dma_start3A_1425] : memref<2x3x64xi32, #tpu.memory_space<vmem>> -> memref<1x1x64xi32, #tpu.memory_space<vmem>>
      %dma_start3A_1427 = tpu.memref_squeeze %dma_start3A_1426 : memref<1x1x64xi32, #tpu.memory_space<vmem>> -> memref<64xi32, #tpu.memory_space<vmem>>
      %dma_start3A_1428 = tpu.memref_slice %arg3[%add3A_721] : memref<16384xi32, #tpu.memory_space<hbm>> -> memref<64xi32, #tpu.memory_space<hbm>>
      %dma_start3A_1429 = arith.constant 0 : i32
      %dma_start3A_1430 = tpu.memref_slice %arg9[%run_scoped3A_722, %run_scoped3A_723, %dma_start3A_1429] : memref<2x3x64xi32, #tpu.memory_space<vmem>> -> memref<1x1x64xi32, #tpu.memory_space<vmem>>
      %dma_start3A_1431 = tpu.memref_squeeze %dma_start3A_1430 : memref<1x1x64xi32, #tpu.memory_space<vmem>> -> memref<64xi32, #tpu.memory_space<vmem>>
      %dma_start3A_1432 = tpu.memref_slice %arg3[%add3A_721] : memref<16384xi32, #tpu.memory_space<hbm>> -> memref<64xi32, #tpu.memory_space<hbm>>
      tpu.enqueue_dma source(%dma_start3A_1432 : memref<64xi32, #tpu.memory_space<hbm>>) target(%dma_start3A_1431 : memref<64xi32, #tpu.memory_space<vmem>>) target_semaphore(%run_scoped3A_1424 : memref<!tpu.dma_semaphore, #tpu.memory_space<semaphore_mem>>)
      %dma_wait3A_1433 = arith.constant 0 : i32
      %dma_wait3A_1434 = tpu.memref_slice %arg9[%run_scoped3A_722, %run_scoped3A_723, %dma_wait3A_1433] : memref<2x3x64xi32, #tpu.memory_space<vmem>> -> memref<1x1x64xi32, #tpu.memory_space<vmem>>
      %dma_wait3A_1435 = tpu.memref_squeeze %dma_wait3A_1434 : memref<1x1x64xi32, #tpu.memory_space<vmem>> -> memref<64xi32, #tpu.memory_space<vmem>>
      %dma_wait3A_1436 = tpu.memref_slice %arg3[%add3A_721] : memref<16384xi32, #tpu.memory_space<hbm>> -> memref<64xi32, #tpu.memory_space<hbm>>
      %dma_wait3A_1437 = arith.constant 0 : i32
      %dma_wait3A_1438 = tpu.memref_slice %arg9[%run_scoped3A_722, %run_scoped3A_723, %dma_wait3A_1437] : memref<2x3x64xi32, #tpu.memory_space<vmem>> -> memref<1x1x64xi32, #tpu.memory_space<vmem>>
      %dma_wait3A_1439 = tpu.memref_squeeze %dma_wait3A_1438 : memref<1x1x64xi32, #tpu.memory_space<vmem>> -> memref<64xi32, #tpu.memory_space<vmem>>
      %dma_wait3A_1440 = tpu.memref_slice %arg3[%add3A_721] : memref<16384xi32, #tpu.memory_space<hbm>> -> memref<64xi32, #tpu.memory_space<hbm>>
      tpu.wait_dma2 semaphore(%run_scoped3A_1424 : memref<!tpu.dma_semaphore, #tpu.memory_space<semaphore_mem>>) src(%dma_wait3A_1440 : memref<64xi32, #tpu.memory_space<hbm>>) dst(%dma_wait3A_1439 : memref<64xi32, #tpu.memory_space<vmem>>)
      tpu.yield
    }) : () -> ()
    %run_scoped3A_724 = arith.constant 1 : i32
    %run_scoped3A_725 = arith.constant 1 : i32
    "tpu.region"() ({
      %run_scoped3A_1424 = tpu.sem_alloc : memref<!tpu.dma_semaphore, #tpu.memory_space<semaphore_mem>>
      %dma_start3A_1425 = arith.constant 0 : i32
      %dma_start3A_1426 = tpu.memref_slice %arg9[%run_scoped3A_724, %run_scoped3A_725, %dma_start3A_1425] : memref<2x3x64xi32, #tpu.memory_space<vmem>> -> memref<1x1x64xi32, #tpu.memory_space<vmem>>
      %dma_start3A_1427 = tpu.memref_squeeze %dma_start3A_1426 : memref<1x1x64xi32, #tpu.memory_space<vmem>> -> memref<64xi32, #tpu.memory_space<vmem>>
      %dma_start3A_1428 = tpu.memref_slice %arg4[%add3A_721] : memref<16384xi32, #tpu.memory_space<hbm>> -> memref<64xi32, #tpu.memory_space<hbm>>
      %dma_start3A_1429 = arith.constant 0 : i32
      %dma_start3A_1430 = tpu.memref_slice %arg9[%run_scoped3A_724, %run_scoped3A_725, %dma_start3A_1429] : memref<2x3x64xi32, #tpu.memory_space<vmem>> -> memref<1x1x64xi32, #tpu.memory_space<vmem>>
      %dma_start3A_1431 = tpu.memref_squeeze %dma_start3A_1430 : memref<1x1x64xi32, #tpu.memory_space<vmem>> -> memref<64xi32, #tpu.memory_space<vmem>>
      %dma_start3A_1432 = tpu.memref_slice %arg4[%add3A_721] : memref<16384xi32, #tpu.memory_space<hbm>> -> memref<64xi32, #tpu.memory_space<hbm>>
      tpu.enqueue_dma source(%dma_start3A_1432 : memref<64xi32, #tpu.memory_space<hbm>>) target(%dma_start3A_1431 : memref<64xi32, #tpu.memory_space<vmem>>) target_semaphore(%run_scoped3A_1424 : memref<!tpu.dma_semaphore, #tpu.memory_space<semaphore_mem>>)
      %dma_wait3A_1433 = arith.constant 0 : i32
      %dma_wait3A_1434 = tpu.memref_slice %arg9[%run_scoped3A_724, %run_scoped3A_725, %dma_wait3A_1433] : memref<2x3x64xi32, #tpu.memory_space<vmem>> -> memref<1x1x64xi32, #tpu.memory_space<vmem>>
      %dma_wait3A_1435 = tpu.memref_squeeze %dma_wait3A_1434 : memref<1x1x64xi32, #tpu.memory_space<vmem>> -> memref<64xi32, #tpu.memory_space<vmem>>
      %dma_wait3A_1436 = tpu.memref_slice %arg4[%add3A_721] : memref<16384xi32, #tpu.memory_space<hbm>> -> memref<64xi32, #tpu.memory_space<hbm>>
      %dma_wait3A_1437 = arith.constant 0 : i32
      %dma_wait3A_1438 = tpu.memref_slice %arg9[%run_scoped3A_724, %run_scoped3A_725, %dma_wait3A_1437] : memref<2x3x64xi32, #tpu.memory_space<vmem>> -> memref<1x1x64xi32, #tpu.memory_space<vmem>>
      %dma_wait3A_1439 = tpu.memref_squeeze %dma_wait3A_1438 : memref<1x1x64xi32, #tpu.memory_space<vmem>> -> memref<64xi32, #tpu.memory_space<vmem>>
      %dma_wait3A_1440 = tpu.memref_slice %arg4[%add3A_721] : memref<16384xi32, #tpu.memory_space<hbm>> -> memref<64xi32, #tpu.memory_space<hbm>>
      tpu.wait_dma2 semaphore(%run_scoped3A_1424 : memref<!tpu.dma_semaphore, #tpu.memory_space<semaphore_mem>>) src(%dma_wait3A_1440 : memref<64xi32, #tpu.memory_space<hbm>>) dst(%dma_wait3A_1439 : memref<64xi32, #tpu.memory_space<vmem>>)
      tpu.yield
    }) : () -> ()
    %run_scoped3A_726 = arith.constant 1 : i32
    %run_scoped3A_727 = arith.constant 2 : i32
    "tpu.region"() ({
      %run_scoped3A_1424 = tpu.sem_alloc : memref<!tpu.dma_semaphore, #tpu.memory_space<semaphore_mem>>
      %dma_start3A_1425 = arith.constant 0 : i32
      %dma_start3A_1426 = tpu.memref_slice %arg9[%run_scoped3A_726, %run_scoped3A_727, %dma_start3A_1425] : memref<2x3x64xi32, #tpu.memory_space<vmem>> -> memref<1x1x64xi32, #tpu.memory_space<vmem>>
      %dma_start3A_1427 = tpu.memref_squeeze %dma_start3A_1426 : memref<1x1x64xi32, #tpu.memory_space<vmem>> -> memref<64xi32, #tpu.memory_space<vmem>>
      %dma_start3A_1428 = tpu.memref_slice %arg5[%add3A_721] : memref<16384xi32, #tpu.memory_space<hbm>> -> memref<64xi32, #tpu.memory_space<hbm>>
      %dma_start3A_1429 = arith.constant 0 : i32
      %dma_start3A_1430 = tpu.memref_slice %arg9[%run_scoped3A_726, %run_scoped3A_727, %dma_start3A_1429] : memref<2x3x64xi32, #tpu.memory_space<vmem>> -> memref<1x1x64xi32, #tpu.memory_space<vmem>>
      %dma_start3A_1431 = tpu.memref_squeeze %dma_start3A_1430 : memref<1x1x64xi32, #tpu.memory_space<vmem>> -> memref<64xi32, #tpu.memory_space<vmem>>
      %dma_start3A_1432 = tpu.memref_slice %arg5[%add3A_721] : memref<16384xi32, #tpu.memory_space<hbm>> -> memref<64xi32, #tpu.memory_space<hbm>>
      tpu.enqueue_dma source(%dma_start3A_1432 : memref<64xi32, #tpu.memory_space<hbm>>) target(%dma_start3A_1431 : memref<64xi32, #tpu.memory_space<vmem>>) target_semaphore(%run_scoped3A_1424 : memref<!tpu.dma_semaphore, #tpu.memory_space<semaphore_mem>>)
      %dma_wait3A_1433 = arith.constant 0 : i32
      %dma_wait3A_1434 = tpu.memref_slice %arg9[%run_scoped3A_726, %run_scoped3A_727, %dma_wait3A_1433] : memref<2x3x64xi32, #tpu.memory_space<vmem>> -> memref<1x1x64xi32, #tpu.memory_space<vmem>>
      %dma_wait3A_1435 = tpu.memref_squeeze %dma_wait3A_1434 : memref<1x1x64xi32, #tpu.memory_space<vmem>> -> memref<64xi32, #tpu.memory_space<vmem>>
      %dma_wait3A_1436 = tpu.memref_slice %arg5[%add3A_721] : memref<16384xi32, #tpu.memory_space<hbm>> -> memref<64xi32, #tpu.memory_space<hbm>>
      %dma_wait3A_1437 = arith.constant 0 : i32
      %dma_wait3A_1438 = tpu.memref_slice %arg9[%run_scoped3A_726, %run_scoped3A_727, %dma_wait3A_1437] : memref<2x3x64xi32, #tpu.memory_space<vmem>> -> memref<1x1x64xi32, #tpu.memory_space<vmem>>
      %dma_wait3A_1439 = tpu.memref_squeeze %dma_wait3A_1438 : memref<1x1x64xi32, #tpu.memory_space<vmem>> -> memref<64xi32, #tpu.memory_space<vmem>>
      %dma_wait3A_1440 = tpu.memref_slice %arg5[%add3A_721] : memref<16384xi32, #tpu.memory_space<hbm>> -> memref<64xi32, #tpu.memory_space<hbm>>
      tpu.wait_dma2 semaphore(%run_scoped3A_1424 : memref<!tpu.dma_semaphore, #tpu.memory_space<semaphore_mem>>) src(%dma_wait3A_1440 : memref<64xi32, #tpu.memory_space<hbm>>) dst(%dma_wait3A_1439 : memref<64xi32, #tpu.memory_space<vmem>>)
      tpu.yield
    }) : () -> ()
    %dma_wait3A_728 = arith.constant 0 : i32
    %dma_wait3A_729 = arith.constant 0 : i32
    %dma_wait3A_730 = arith.constant 0 : i32
    %dma_wait3A_731 = arith.constant 0 : i32
    %dma_wait3A_732 = arith.constant 0 : i32
    %dma_wait3A_733 = arith.constant 0 : i32
    %dma_wait3A_734 = tpu.memref_slice %arg10[%dma_wait3A_730, %dma_wait3A_731, %dma_wait3A_732, %dma_wait3A_733] : memref<2x3x64x256xf32, #tpu.memory_space<vmem>> -> memref<1x1x64x256xf32, #tpu.memory_space<vmem>>
    %dma_wait3A_735 = tpu.memref_squeeze %dma_wait3A_734 : memref<1x1x64x256xf32, #tpu.memory_space<vmem>> -> memref<64x256xf32, #tpu.memory_space<vmem>>
    %dma_wait3A_736 = arith.constant 0 : i32
    %dma_wait3A_737 = tpu.memref_slice %arg9[%dma_wait3A_728, %dma_wait3A_729, %dma_wait3A_736] : memref<2x3x64xi32, #tpu.memory_space<vmem>> -> memref<1x1x64xi32, #tpu.memory_space<vmem>>
    %dma_wait3A_738 = tpu.memref_squeeze %dma_wait3A_737 : memref<1x1x64xi32, #tpu.memory_space<vmem>> -> memref<64xi32, #tpu.memory_space<vmem>>
    %dma_wait3A_739 = arith.constant 0 : i32
    %dma_wait3A_740 = arith.constant 0 : i32
    %dma_wait3A_741 = tpu.memref_slice %arg2[%dma_wait3A_739, %dma_wait3A_740] : memref<4096x256xf32, #tpu.memory_space<hbm>> -> memref<4096x256xf32, #tpu.memory_space<hbm>>
    tpu.wait_indirect_dma semaphore(%arg11 : memref<!tpu.dma_semaphore, #tpu.memory_space<semaphore_mem>>) src(%dma_wait3A_741 : memref<4096x256xf32, #tpu.memory_space<hbm>>) dst(%dma_wait3A_735 : memref<64x256xf32, #tpu.memory_space<vmem>>)
    %dma_wait3A_742 = arith.constant 0 : i32
    %dma_wait3A_743 = arith.constant 1 : i32
    %dma_wait3A_744 = arith.constant 0 : i32
    %dma_wait3A_745 = arith.constant 1 : i32
    %dma_wait3A_746 = arith.constant 0 : i32
    %dma_wait3A_747 = arith.constant 0 : i32
    %dma_wait3A_748 = tpu.memref_slice %arg10[%dma_wait3A_744, %dma_wait3A_745, %dma_wait3A_746, %dma_wait3A_747] : memref<2x3x64x256xf32, #tpu.memory_space<vmem>> -> memref<1x1x64x256xf32, #tpu.memory_space<vmem>>
    %dma_wait3A_749 = tpu.memref_squeeze %dma_wait3A_748 : memref<1x1x64x256xf32, #tpu.memory_space<vmem>> -> memref<64x256xf32, #tpu.memory_space<vmem>>
    %dma_wait3A_750 = arith.constant 0 : i32
    %dma_wait3A_751 = tpu.memref_slice %arg9[%dma_wait3A_742, %dma_wait3A_743, %dma_wait3A_750] : memref<2x3x64xi32, #tpu.memory_space<vmem>> -> memref<1x1x64xi32, #tpu.memory_space<vmem>>
    %dma_wait3A_752 = tpu.memref_squeeze %dma_wait3A_751 : memref<1x1x64xi32, #tpu.memory_space<vmem>> -> memref<64xi32, #tpu.memory_space<vmem>>
    %dma_wait3A_753 = arith.constant 0 : i32
    %dma_wait3A_754 = arith.constant 0 : i32
    %dma_wait3A_755 = tpu.memref_slice %arg2[%dma_wait3A_753, %dma_wait3A_754] : memref<4096x256xf32, #tpu.memory_space<hbm>> -> memref<4096x256xf32, #tpu.memory_space<hbm>>
    tpu.wait_indirect_dma semaphore(%arg11 : memref<!tpu.dma_semaphore, #tpu.memory_space<semaphore_mem>>) src(%dma_wait3A_755 : memref<4096x256xf32, #tpu.memory_space<hbm>>) dst(%dma_wait3A_749 : memref<64x256xf32, #tpu.memory_space<vmem>>)
    %dma_wait3A_756 = arith.constant 0 : i32
    %dma_wait3A_757 = arith.constant 2 : i32
    %dma_wait3A_758 = arith.constant 0 : i32
    %dma_wait3A_759 = arith.constant 2 : i32
    %dma_wait3A_760 = arith.constant 0 : i32
    %dma_wait3A_761 = arith.constant 0 : i32
    %dma_wait3A_762 = tpu.memref_slice %arg10[%dma_wait3A_758, %dma_wait3A_759, %dma_wait3A_760, %dma_wait3A_761] : memref<2x3x64x256xf32, #tpu.memory_space<vmem>> -> memref<1x1x64x256xf32, #tpu.memory_space<vmem>>
    %dma_wait3A_763 = tpu.memref_squeeze %dma_wait3A_762 : memref<1x1x64x256xf32, #tpu.memory_space<vmem>> -> memref<64x256xf32, #tpu.memory_space<vmem>>
    %dma_wait3A_764 = arith.constant 0 : i32
    %dma_wait3A_765 = tpu.memref_slice %arg9[%dma_wait3A_756, %dma_wait3A_757, %dma_wait3A_764] : memref<2x3x64xi32, #tpu.memory_space<vmem>> -> memref<1x1x64xi32, #tpu.memory_space<vmem>>
    %dma_wait3A_766 = tpu.memref_squeeze %dma_wait3A_765 : memref<1x1x64xi32, #tpu.memory_space<vmem>> -> memref<64xi32, #tpu.memory_space<vmem>>
    %dma_wait3A_767 = arith.constant 0 : i32
    %dma_wait3A_768 = arith.constant 0 : i32
    %dma_wait3A_769 = tpu.memref_slice %arg2[%dma_wait3A_767, %dma_wait3A_768] : memref<4096x256xf32, #tpu.memory_space<hbm>> -> memref<4096x256xf32, #tpu.memory_space<hbm>>
    tpu.wait_indirect_dma semaphore(%arg11 : memref<!tpu.dma_semaphore, #tpu.memory_space<semaphore_mem>>) src(%dma_wait3A_769 : memref<4096x256xf32, #tpu.memory_space<hbm>>) dst(%dma_wait3A_763 : memref<64x256xf32, #tpu.memory_space<vmem>>)
    %dma_wait3A_770 = arith.constant 1 : i32
    %dma_wait3A_771 = arith.constant 0 : i32
    %dma_wait3A_772 = arith.constant 0 : i32
    %dma_wait3A_773 = arith.constant 0 : i32
    %dma_wait3A_774 = tpu.memref_slice %arg10[%dma_wait3A_770, %dma_wait3A_771, %dma_wait3A_772, %dma_wait3A_773] : memref<2x3x64x256xf32, #tpu.memory_space<vmem>> -> memref<1x1x64x256xf32, #tpu.memory_space<vmem>>
    %dma_wait3A_775 = tpu.memref_squeeze %dma_wait3A_774 : memref<1x1x64x256xf32, #tpu.memory_space<vmem>> -> memref<64x256xf32, #tpu.memory_space<vmem>>
    %dma_wait3A_776 = arith.constant 0 : i32
    %dma_wait3A_777 = tpu.memref_slice %arg6[%add3A_677, %dma_wait3A_776] : memref<16384x256xf32, #tpu.memory_space<hbm>> -> memref<64x256xf32, #tpu.memory_space<hbm>>
    %dma_wait3A_778 = arith.constant 0 : i32
    %dma_wait3A_779 = tpu.memref_slice %arg6[%add3A_677, %dma_wait3A_778] : memref<16384x256xf32, #tpu.memory_space<hbm>> -> memref<64x256xf32, #tpu.memory_space<hbm>>
    %dma_wait3A_780 = arith.constant 0 : i32
    %dma_wait3A_781 = arith.constant 0 : i32
    %dma_wait3A_782 = tpu.memref_slice %arg10[%dma_wait3A_770, %dma_wait3A_771, %dma_wait3A_780, %dma_wait3A_781] : memref<2x3x64x256xf32, #tpu.memory_space<vmem>> -> memref<1x1x64x256xf32, #tpu.memory_space<vmem>>
    %dma_wait3A_783 = tpu.memref_squeeze %dma_wait3A_782 : memref<1x1x64x256xf32, #tpu.memory_space<vmem>> -> memref<64x256xf32, #tpu.memory_space<vmem>>
    tpu.wait_dma2 semaphore(%arg12 : memref<!tpu.dma_semaphore, #tpu.memory_space<semaphore_mem>>) src(%dma_wait3A_783 : memref<64x256xf32, #tpu.memory_space<vmem>>) dst(%dma_wait3A_779 : memref<64x256xf32, #tpu.memory_space<hbm>>)
    %dma_wait3A_784 = arith.constant 1 : i32
    %dma_wait3A_785 = arith.constant 1 : i32
    %dma_wait3A_786 = arith.constant 0 : i32
    %dma_wait3A_787 = arith.constant 0 : i32
    %dma_wait3A_788 = tpu.memref_slice %arg10[%dma_wait3A_784, %dma_wait3A_785, %dma_wait3A_786, %dma_wait3A_787] : memref<2x3x64x256xf32, #tpu.memory_space<vmem>> -> memref<1x1x64x256xf32, #tpu.memory_space<vmem>>
    %dma_wait3A_789 = tpu.memref_squeeze %dma_wait3A_788 : memref<1x1x64x256xf32, #tpu.memory_space<vmem>> -> memref<64x256xf32, #tpu.memory_space<vmem>>
    %dma_wait3A_790 = arith.constant 0 : i32
    %dma_wait3A_791 = tpu.memref_slice %arg7[%add3A_677, %dma_wait3A_790] : memref<16384x256xf32, #tpu.memory_space<hbm>> -> memref<64x256xf32, #tpu.memory_space<hbm>>
    %dma_wait3A_792 = arith.constant 0 : i32
    %dma_wait3A_793 = tpu.memref_slice %arg7[%add3A_677, %dma_wait3A_792] : memref<16384x256xf32, #tpu.memory_space<hbm>> -> memref<64x256xf32, #tpu.memory_space<hbm>>
    %dma_wait3A_794 = arith.constant 0 : i32
    %dma_wait3A_795 = arith.constant 0 : i32
    %dma_wait3A_796 = tpu.memref_slice %arg10[%dma_wait3A_784, %dma_wait3A_785, %dma_wait3A_794, %dma_wait3A_795] : memref<2x3x64x256xf32, #tpu.memory_space<vmem>> -> memref<1x1x64x256xf32, #tpu.memory_space<vmem>>
    %dma_wait3A_797 = tpu.memref_squeeze %dma_wait3A_796 : memref<1x1x64x256xf32, #tpu.memory_space<vmem>> -> memref<64x256xf32, #tpu.memory_space<vmem>>
    tpu.wait_dma2 semaphore(%arg12 : memref<!tpu.dma_semaphore, #tpu.memory_space<semaphore_mem>>) src(%dma_wait3A_797 : memref<64x256xf32, #tpu.memory_space<vmem>>) dst(%dma_wait3A_793 : memref<64x256xf32, #tpu.memory_space<hbm>>)
    %dma_wait3A_798 = arith.constant 1 : i32
    %dma_wait3A_799 = arith.constant 2 : i32
    %dma_wait3A_800 = arith.constant 0 : i32
    %dma_wait3A_801 = arith.constant 0 : i32
    %dma_wait3A_802 = tpu.memref_slice %arg10[%dma_wait3A_798, %dma_wait3A_799, %dma_wait3A_800, %dma_wait3A_801] : memref<2x3x64x256xf32, #tpu.memory_space<vmem>> -> memref<1x1x64x256xf32, #tpu.memory_space<vmem>>
    %dma_wait3A_803 = tpu.memref_squeeze %dma_wait3A_802 : memref<1x1x64x256xf32, #tpu.memory_space<vmem>> -> memref<64x256xf32, #tpu.memory_space<vmem>>
    %dma_wait3A_804 = arith.constant 0 : i32
    %dma_wait3A_805 = tpu.memref_slice %arg8[%add3A_677, %dma_wait3A_804] : memref<16384x256xf32, #tpu.memory_space<hbm>> -> memref<64x256xf32, #tpu.memory_space<hbm>>
    %dma_wait3A_806 = arith.constant 0 : i32
    %dma_wait3A_807 = tpu.memref_slice %arg8[%add3A_677, %dma_wait3A_806] : memref<16384x256xf32, #tpu.memory_space<hbm>> -> memref<64x256xf32, #tpu.memory_space<hbm>>
    %dma_wait3A_808 = arith.constant 0 : i32
    %dma_wait3A_809 = arith.constant 0 : i32
    %dma_wait3A_810 = tpu.memref_slice %arg10[%dma_wait3A_798, %dma_wait3A_799, %dma_wait3A_808, %dma_wait3A_809] : memref<2x3x64x256xf32, #tpu.memory_space<vmem>> -> memref<1x1x64x256xf32, #tpu.memory_space<vmem>>
    %dma_wait3A_811 = tpu.memref_squeeze %dma_wait3A_810 : memref<1x1x64x256xf32, #tpu.memory_space<vmem>> -> memref<64x256xf32, #tpu.memory_space<vmem>>
    tpu.wait_dma2 semaphore(%arg12 : memref<!tpu.dma_semaphore, #tpu.memory_space<semaphore_mem>>) src(%dma_wait3A_811 : memref<64x256xf32, #tpu.memory_space<vmem>>) dst(%dma_wait3A_807 : memref<64x256xf32, #tpu.memory_space<hbm>>)
    %dma_start3A_812 = arith.constant 1 : i32
    %dma_start3A_813 = arith.constant 0 : i32
    %dma_start3A_814 = arith.constant 1 : i32
    %dma_start3A_815 = arith.constant 0 : i32
    %dma_start3A_816 = arith.constant 0 : i32
    %dma_start3A_817 = arith.constant 0 : i32
    %dma_start3A_818 = tpu.memref_slice %arg10[%dma_start3A_814, %dma_start3A_815, %dma_start3A_816, %dma_start3A_817] : memref<2x3x64x256xf32, #tpu.memory_space<vmem>> -> memref<1x1x64x256xf32, #tpu.memory_space<vmem>>
    %dma_start3A_819 = tpu.memref_squeeze %dma_start3A_818 : memref<1x1x64x256xf32, #tpu.memory_space<vmem>> -> memref<64x256xf32, #tpu.memory_space<vmem>>
    %dma_start3A_820 = arith.constant 0 : i32
    %dma_start3A_821 = tpu.memref_slice %arg9[%dma_start3A_812, %dma_start3A_813, %dma_start3A_820] : memref<2x3x64xi32, #tpu.memory_space<vmem>> -> memref<1x1x64xi32, #tpu.memory_space<vmem>>
    %dma_start3A_822 = tpu.memref_squeeze %dma_start3A_821 : memref<1x1x64xi32, #tpu.memory_space<vmem>> -> memref<64xi32, #tpu.memory_space<vmem>>
    %dma_start3A_823 = arith.constant 0 : i32
    %dma_start3A_824 = arith.constant 0 : i32
    %dma_start3A_825 = tpu.memref_slice %arg2[%dma_start3A_823, %dma_start3A_824] : memref<4096x256xf32, #tpu.memory_space<hbm>> -> memref<4096x256xf32, #tpu.memory_space<hbm>>
    tpu.enqueue_indirect_dma source(%dma_start3A_825 : memref<4096x256xf32, #tpu.memory_space<hbm>>) target(%dma_start3A_819 : memref<64x256xf32, #tpu.memory_space<vmem>>) offsets(%dma_start3A_822 : memref<64xi32, #tpu.memory_space<vmem>>) semaphore(%arg11 : memref<!tpu.dma_semaphore, #tpu.memory_space<semaphore_mem>>)
    %dma_start3A_826 = arith.constant 1 : i32
    %dma_start3A_827 = arith.constant 1 : i32
    %dma_start3A_828 = arith.constant 1 : i32
    %dma_start3A_829 = arith.constant 1 : i32
    %dma_start3A_830 = arith.constant 0 : i32
    %dma_start3A_831 = arith.constant 0 : i32
    %dma_start3A_832 = tpu.memref_slice %arg10[%dma_start3A_828, %dma_start3A_829, %dma_start3A_830, %dma_start3A_831] : memref<2x3x64x256xf32, #tpu.memory_space<vmem>> -> memref<1x1x64x256xf32, #tpu.memory_space<vmem>>
    %dma_start3A_833 = tpu.memref_squeeze %dma_start3A_832 : memref<1x1x64x256xf32, #tpu.memory_space<vmem>> -> memref<64x256xf32, #tpu.memory_space<vmem>>
    %dma_start3A_834 = arith.constant 0 : i32
    %dma_start3A_835 = tpu.memref_slice %arg9[%dma_start3A_826, %dma_start3A_827, %dma_start3A_834] : memref<2x3x64xi32, #tpu.memory_space<vmem>> -> memref<1x1x64xi32, #tpu.memory_space<vmem>>
    %dma_start3A_836 = tpu.memref_squeeze %dma_start3A_835 : memref<1x1x64xi32, #tpu.memory_space<vmem>> -> memref<64xi32, #tpu.memory_space<vmem>>
    %dma_start3A_837 = arith.constant 0 : i32
    %dma_start3A_838 = arith.constant 0 : i32
    %dma_start3A_839 = tpu.memref_slice %arg2[%dma_start3A_837, %dma_start3A_838] : memref<4096x256xf32, #tpu.memory_space<hbm>> -> memref<4096x256xf32, #tpu.memory_space<hbm>>
    tpu.enqueue_indirect_dma source(%dma_start3A_839 : memref<4096x256xf32, #tpu.memory_space<hbm>>) target(%dma_start3A_833 : memref<64x256xf32, #tpu.memory_space<vmem>>) offsets(%dma_start3A_836 : memref<64xi32, #tpu.memory_space<vmem>>) semaphore(%arg11 : memref<!tpu.dma_semaphore, #tpu.memory_space<semaphore_mem>>)
    %dma_start3A_840 = arith.constant 1 : i32
    %dma_start3A_841 = arith.constant 2 : i32
    %dma_start3A_842 = arith.constant 1 : i32
    %dma_start3A_843 = arith.constant 2 : i32
    %dma_start3A_844 = arith.constant 0 : i32
    %dma_start3A_845 = arith.constant 0 : i32
    %dma_start3A_846 = tpu.memref_slice %arg10[%dma_start3A_842, %dma_start3A_843, %dma_start3A_844, %dma_start3A_845] : memref<2x3x64x256xf32, #tpu.memory_space<vmem>> -> memref<1x1x64x256xf32, #tpu.memory_space<vmem>>
    %dma_start3A_847 = tpu.memref_squeeze %dma_start3A_846 : memref<1x1x64x256xf32, #tpu.memory_space<vmem>> -> memref<64x256xf32, #tpu.memory_space<vmem>>
    %dma_start3A_848 = arith.constant 0 : i32
    %dma_start3A_849 = tpu.memref_slice %arg9[%dma_start3A_840, %dma_start3A_841, %dma_start3A_848] : memref<2x3x64xi32, #tpu.memory_space<vmem>> -> memref<1x1x64xi32, #tpu.memory_space<vmem>>
    %dma_start3A_850 = tpu.memref_squeeze %dma_start3A_849 : memref<1x1x64xi32, #tpu.memory_space<vmem>> -> memref<64xi32, #tpu.memory_space<vmem>>
    %dma_start3A_851 = arith.constant 0 : i32
    %dma_start3A_852 = arith.constant 0 : i32
    %dma_start3A_853 = tpu.memref_slice %arg2[%dma_start3A_851, %dma_start3A_852] : memref<4096x256xf32, #tpu.memory_space<hbm>> -> memref<4096x256xf32, #tpu.memory_space<hbm>>
    tpu.enqueue_indirect_dma source(%dma_start3A_853 : memref<4096x256xf32, #tpu.memory_space<hbm>>) target(%dma_start3A_847 : memref<64x256xf32, #tpu.memory_space<vmem>>) offsets(%dma_start3A_850 : memref<64xi32, #tpu.memory_space<vmem>>) semaphore(%arg11 : memref<!tpu.dma_semaphore, #tpu.memory_space<semaphore_mem>>)
    %add3A_854 = arith.constant 256 : i32
    %add3A_855 = arith.addi %mul3A_2, %add3A_854 : i32
    %dma_start3A_856 = arith.constant 0 : i32
    %dma_start3A_857 = arith.constant 0 : i32
    %dma_start3A_858 = arith.constant 0 : i32
    %dma_start3A_859 = arith.constant 0 : i32
    %dma_start3A_860 = tpu.memref_slice %arg10[%dma_start3A_856, %dma_start3A_857, %dma_start3A_858, %dma_start3A_859] : memref<2x3x64x256xf32, #tpu.memory_space<vmem>> -> memref<1x1x64x256xf32, #tpu.memory_space<vmem>>
    %dma_start3A_861 = tpu.memref_squeeze %dma_start3A_860 : memref<1x1x64x256xf32, #tpu.memory_space<vmem>> -> memref<64x256xf32, #tpu.memory_space<vmem>>
    %dma_start3A_862 = arith.constant 0 : i32
    %dma_start3A_863 = tpu.memref_slice %arg6[%add3A_855, %dma_start3A_862] : memref<16384x256xf32, #tpu.memory_space<hbm>> -> memref<64x256xf32, #tpu.memory_space<hbm>>
    %dma_start3A_864 = arith.constant 0 : i32
    %dma_start3A_865 = tpu.memref_slice %arg6[%add3A_855, %dma_start3A_864] : memref<16384x256xf32, #tpu.memory_space<hbm>> -> memref<64x256xf32, #tpu.memory_space<hbm>>
    %dma_start3A_866 = arith.constant 0 : i32
    %dma_start3A_867 = arith.constant 0 : i32
    %dma_start3A_868 = tpu.memref_slice %arg10[%dma_start3A_856, %dma_start3A_857, %dma_start3A_866, %dma_start3A_867] : memref<2x3x64x256xf32, #tpu.memory_space<vmem>> -> memref<1x1x64x256xf32, #tpu.memory_space<vmem>>
    %dma_start3A_869 = tpu.memref_squeeze %dma_start3A_868 : memref<1x1x64x256xf32, #tpu.memory_space<vmem>> -> memref<64x256xf32, #tpu.memory_space<vmem>>
    tpu.enqueue_dma source(%dma_start3A_869 : memref<64x256xf32, #tpu.memory_space<vmem>>) target(%dma_start3A_865 : memref<64x256xf32, #tpu.memory_space<hbm>>) target_semaphore(%arg12 : memref<!tpu.dma_semaphore, #tpu.memory_space<semaphore_mem>>)
    %dma_start3A_870 = arith.constant 0 : i32
    %dma_start3A_871 = arith.constant 1 : i32
    %dma_start3A_872 = arith.constant 0 : i32
    %dma_start3A_873 = arith.constant 0 : i32
    %dma_start3A_874 = tpu.memref_slice %arg10[%dma_start3A_870, %dma_start3A_871, %dma_start3A_872, %dma_start3A_873] : memref<2x3x64x256xf32, #tpu.memory_space<vmem>> -> memref<1x1x64x256xf32, #tpu.memory_space<vmem>>
    %dma_start3A_875 = tpu.memref_squeeze %dma_start3A_874 : memref<1x1x64x256xf32, #tpu.memory_space<vmem>> -> memref<64x256xf32, #tpu.memory_space<vmem>>
    %dma_start3A_876 = arith.constant 0 : i32
    %dma_start3A_877 = tpu.memref_slice %arg7[%add3A_855, %dma_start3A_876] : memref<16384x256xf32, #tpu.memory_space<hbm>> -> memref<64x256xf32, #tpu.memory_space<hbm>>
    %dma_start3A_878 = arith.constant 0 : i32
    %dma_start3A_879 = tpu.memref_slice %arg7[%add3A_855, %dma_start3A_878] : memref<16384x256xf32, #tpu.memory_space<hbm>> -> memref<64x256xf32, #tpu.memory_space<hbm>>
    %dma_start3A_880 = arith.constant 0 : i32
    %dma_start3A_881 = arith.constant 0 : i32
    %dma_start3A_882 = tpu.memref_slice %arg10[%dma_start3A_870, %dma_start3A_871, %dma_start3A_880, %dma_start3A_881] : memref<2x3x64x256xf32, #tpu.memory_space<vmem>> -> memref<1x1x64x256xf32, #tpu.memory_space<vmem>>
    %dma_start3A_883 = tpu.memref_squeeze %dma_start3A_882 : memref<1x1x64x256xf32, #tpu.memory_space<vmem>> -> memref<64x256xf32, #tpu.memory_space<vmem>>
    tpu.enqueue_dma source(%dma_start3A_883 : memref<64x256xf32, #tpu.memory_space<vmem>>) target(%dma_start3A_879 : memref<64x256xf32, #tpu.memory_space<hbm>>) target_semaphore(%arg12 : memref<!tpu.dma_semaphore, #tpu.memory_space<semaphore_mem>>)
    %dma_start3A_884 = arith.constant 0 : i32
    %dma_start3A_885 = arith.constant 2 : i32
    %dma_start3A_886 = arith.constant 0 : i32
    %dma_start3A_887 = arith.constant 0 : i32
    %dma_start3A_888 = tpu.memref_slice %arg10[%dma_start3A_884, %dma_start3A_885, %dma_start3A_886, %dma_start3A_887] : memref<2x3x64x256xf32, #tpu.memory_space<vmem>> -> memref<1x1x64x256xf32, #tpu.memory_space<vmem>>
    %dma_start3A_889 = tpu.memref_squeeze %dma_start3A_888 : memref<1x1x64x256xf32, #tpu.memory_space<vmem>> -> memref<64x256xf32, #tpu.memory_space<vmem>>
    %dma_start3A_890 = arith.constant 0 : i32
    %dma_start3A_891 = tpu.memref_slice %arg8[%add3A_855, %dma_start3A_890] : memref<16384x256xf32, #tpu.memory_space<hbm>> -> memref<64x256xf32, #tpu.memory_space<hbm>>
    %dma_start3A_892 = arith.constant 0 : i32
    %dma_start3A_893 = tpu.memref_slice %arg8[%add3A_855, %dma_start3A_892] : memref<16384x256xf32, #tpu.memory_space<hbm>> -> memref<64x256xf32, #tpu.memory_space<hbm>>
    %dma_start3A_894 = arith.constant 0 : i32
    %dma_start3A_895 = arith.constant 0 : i32
    %dma_start3A_896 = tpu.memref_slice %arg10[%dma_start3A_884, %dma_start3A_885, %dma_start3A_894, %dma_start3A_895] : memref<2x3x64x256xf32, #tpu.memory_space<vmem>> -> memref<1x1x64x256xf32, #tpu.memory_space<vmem>>
    %dma_start3A_897 = tpu.memref_squeeze %dma_start3A_896 : memref<1x1x64x256xf32, #tpu.memory_space<vmem>> -> memref<64x256xf32, #tpu.memory_space<vmem>>
    tpu.enqueue_dma source(%dma_start3A_897 : memref<64x256xf32, #tpu.memory_space<vmem>>) target(%dma_start3A_893 : memref<64x256xf32, #tpu.memory_space<hbm>>) target_semaphore(%arg12 : memref<!tpu.dma_semaphore, #tpu.memory_space<semaphore_mem>>)
    %add3A_898 = arith.constant 384 : i32
    %add3A_899 = arith.addi %mul3A_2, %add3A_898 : i32
    %run_scoped3A_900 = arith.constant 0 : i32
    %run_scoped3A_901 = arith.constant 0 : i32
    "tpu.region"() ({
      %run_scoped3A_1424 = tpu.sem_alloc : memref<!tpu.dma_semaphore, #tpu.memory_space<semaphore_mem>>
      %dma_start3A_1425 = arith.constant 0 : i32
      %dma_start3A_1426 = tpu.memref_slice %arg9[%run_scoped3A_900, %run_scoped3A_901, %dma_start3A_1425] : memref<2x3x64xi32, #tpu.memory_space<vmem>> -> memref<1x1x64xi32, #tpu.memory_space<vmem>>
      %dma_start3A_1427 = tpu.memref_squeeze %dma_start3A_1426 : memref<1x1x64xi32, #tpu.memory_space<vmem>> -> memref<64xi32, #tpu.memory_space<vmem>>
      %dma_start3A_1428 = tpu.memref_slice %arg3[%add3A_899] : memref<16384xi32, #tpu.memory_space<hbm>> -> memref<64xi32, #tpu.memory_space<hbm>>
      %dma_start3A_1429 = arith.constant 0 : i32
      %dma_start3A_1430 = tpu.memref_slice %arg9[%run_scoped3A_900, %run_scoped3A_901, %dma_start3A_1429] : memref<2x3x64xi32, #tpu.memory_space<vmem>> -> memref<1x1x64xi32, #tpu.memory_space<vmem>>
      %dma_start3A_1431 = tpu.memref_squeeze %dma_start3A_1430 : memref<1x1x64xi32, #tpu.memory_space<vmem>> -> memref<64xi32, #tpu.memory_space<vmem>>
      %dma_start3A_1432 = tpu.memref_slice %arg3[%add3A_899] : memref<16384xi32, #tpu.memory_space<hbm>> -> memref<64xi32, #tpu.memory_space<hbm>>
      tpu.enqueue_dma source(%dma_start3A_1432 : memref<64xi32, #tpu.memory_space<hbm>>) target(%dma_start3A_1431 : memref<64xi32, #tpu.memory_space<vmem>>) target_semaphore(%run_scoped3A_1424 : memref<!tpu.dma_semaphore, #tpu.memory_space<semaphore_mem>>)
      %dma_wait3A_1433 = arith.constant 0 : i32
      %dma_wait3A_1434 = tpu.memref_slice %arg9[%run_scoped3A_900, %run_scoped3A_901, %dma_wait3A_1433] : memref<2x3x64xi32, #tpu.memory_space<vmem>> -> memref<1x1x64xi32, #tpu.memory_space<vmem>>
      %dma_wait3A_1435 = tpu.memref_squeeze %dma_wait3A_1434 : memref<1x1x64xi32, #tpu.memory_space<vmem>> -> memref<64xi32, #tpu.memory_space<vmem>>
      %dma_wait3A_1436 = tpu.memref_slice %arg3[%add3A_899] : memref<16384xi32, #tpu.memory_space<hbm>> -> memref<64xi32, #tpu.memory_space<hbm>>
      %dma_wait3A_1437 = arith.constant 0 : i32
      %dma_wait3A_1438 = tpu.memref_slice %arg9[%run_scoped3A_900, %run_scoped3A_901, %dma_wait3A_1437] : memref<2x3x64xi32, #tpu.memory_space<vmem>> -> memref<1x1x64xi32, #tpu.memory_space<vmem>>
      %dma_wait3A_1439 = tpu.memref_squeeze %dma_wait3A_1438 : memref<1x1x64xi32, #tpu.memory_space<vmem>> -> memref<64xi32, #tpu.memory_space<vmem>>
      %dma_wait3A_1440 = tpu.memref_slice %arg3[%add3A_899] : memref<16384xi32, #tpu.memory_space<hbm>> -> memref<64xi32, #tpu.memory_space<hbm>>
      tpu.wait_dma2 semaphore(%run_scoped3A_1424 : memref<!tpu.dma_semaphore, #tpu.memory_space<semaphore_mem>>) src(%dma_wait3A_1440 : memref<64xi32, #tpu.memory_space<hbm>>) dst(%dma_wait3A_1439 : memref<64xi32, #tpu.memory_space<vmem>>)
      tpu.yield
    }) : () -> ()
    %run_scoped3A_902 = arith.constant 0 : i32
    %run_scoped3A_903 = arith.constant 1 : i32
    "tpu.region"() ({
      %run_scoped3A_1424 = tpu.sem_alloc : memref<!tpu.dma_semaphore, #tpu.memory_space<semaphore_mem>>
      %dma_start3A_1425 = arith.constant 0 : i32
      %dma_start3A_1426 = tpu.memref_slice %arg9[%run_scoped3A_902, %run_scoped3A_903, %dma_start3A_1425] : memref<2x3x64xi32, #tpu.memory_space<vmem>> -> memref<1x1x64xi32, #tpu.memory_space<vmem>>
      %dma_start3A_1427 = tpu.memref_squeeze %dma_start3A_1426 : memref<1x1x64xi32, #tpu.memory_space<vmem>> -> memref<64xi32, #tpu.memory_space<vmem>>
      %dma_start3A_1428 = tpu.memref_slice %arg4[%add3A_899] : memref<16384xi32, #tpu.memory_space<hbm>> -> memref<64xi32, #tpu.memory_space<hbm>>
      %dma_start3A_1429 = arith.constant 0 : i32
      %dma_start3A_1430 = tpu.memref_slice %arg9[%run_scoped3A_902, %run_scoped3A_903, %dma_start3A_1429] : memref<2x3x64xi32, #tpu.memory_space<vmem>> -> memref<1x1x64xi32, #tpu.memory_space<vmem>>
      %dma_start3A_1431 = tpu.memref_squeeze %dma_start3A_1430 : memref<1x1x64xi32, #tpu.memory_space<vmem>> -> memref<64xi32, #tpu.memory_space<vmem>>
      %dma_start3A_1432 = tpu.memref_slice %arg4[%add3A_899] : memref<16384xi32, #tpu.memory_space<hbm>> -> memref<64xi32, #tpu.memory_space<hbm>>
      tpu.enqueue_dma source(%dma_start3A_1432 : memref<64xi32, #tpu.memory_space<hbm>>) target(%dma_start3A_1431 : memref<64xi32, #tpu.memory_space<vmem>>) target_semaphore(%run_scoped3A_1424 : memref<!tpu.dma_semaphore, #tpu.memory_space<semaphore_mem>>)
      %dma_wait3A_1433 = arith.constant 0 : i32
      %dma_wait3A_1434 = tpu.memref_slice %arg9[%run_scoped3A_902, %run_scoped3A_903, %dma_wait3A_1433] : memref<2x3x64xi32, #tpu.memory_space<vmem>> -> memref<1x1x64xi32, #tpu.memory_space<vmem>>
      %dma_wait3A_1435 = tpu.memref_squeeze %dma_wait3A_1434 : memref<1x1x64xi32, #tpu.memory_space<vmem>> -> memref<64xi32, #tpu.memory_space<vmem>>
      %dma_wait3A_1436 = tpu.memref_slice %arg4[%add3A_899] : memref<16384xi32, #tpu.memory_space<hbm>> -> memref<64xi32, #tpu.memory_space<hbm>>
      %dma_wait3A_1437 = arith.constant 0 : i32
      %dma_wait3A_1438 = tpu.memref_slice %arg9[%run_scoped3A_902, %run_scoped3A_903, %dma_wait3A_1437] : memref<2x3x64xi32, #tpu.memory_space<vmem>> -> memref<1x1x64xi32, #tpu.memory_space<vmem>>
      %dma_wait3A_1439 = tpu.memref_squeeze %dma_wait3A_1438 : memref<1x1x64xi32, #tpu.memory_space<vmem>> -> memref<64xi32, #tpu.memory_space<vmem>>
      %dma_wait3A_1440 = tpu.memref_slice %arg4[%add3A_899] : memref<16384xi32, #tpu.memory_space<hbm>> -> memref<64xi32, #tpu.memory_space<hbm>>
      tpu.wait_dma2 semaphore(%run_scoped3A_1424 : memref<!tpu.dma_semaphore, #tpu.memory_space<semaphore_mem>>) src(%dma_wait3A_1440 : memref<64xi32, #tpu.memory_space<hbm>>) dst(%dma_wait3A_1439 : memref<64xi32, #tpu.memory_space<vmem>>)
      tpu.yield
    }) : () -> ()
    %run_scoped3A_904 = arith.constant 0 : i32
    %run_scoped3A_905 = arith.constant 2 : i32
    "tpu.region"() ({
      %run_scoped3A_1424 = tpu.sem_alloc : memref<!tpu.dma_semaphore, #tpu.memory_space<semaphore_mem>>
      %dma_start3A_1425 = arith.constant 0 : i32
      %dma_start3A_1426 = tpu.memref_slice %arg9[%run_scoped3A_904, %run_scoped3A_905, %dma_start3A_1425] : memref<2x3x64xi32, #tpu.memory_space<vmem>> -> memref<1x1x64xi32, #tpu.memory_space<vmem>>
      %dma_start3A_1427 = tpu.memref_squeeze %dma_start3A_1426 : memref<1x1x64xi32, #tpu.memory_space<vmem>> -> memref<64xi32, #tpu.memory_space<vmem>>
      %dma_start3A_1428 = tpu.memref_slice %arg5[%add3A_899] : memref<16384xi32, #tpu.memory_space<hbm>> -> memref<64xi32, #tpu.memory_space<hbm>>
      %dma_start3A_1429 = arith.constant 0 : i32
      %dma_start3A_1430 = tpu.memref_slice %arg9[%run_scoped3A_904, %run_scoped3A_905, %dma_start3A_1429] : memref<2x3x64xi32, #tpu.memory_space<vmem>> -> memref<1x1x64xi32, #tpu.memory_space<vmem>>
      %dma_start3A_1431 = tpu.memref_squeeze %dma_start3A_1430 : memref<1x1x64xi32, #tpu.memory_space<vmem>> -> memref<64xi32, #tpu.memory_space<vmem>>
      %dma_start3A_1432 = tpu.memref_slice %arg5[%add3A_899] : memref<16384xi32, #tpu.memory_space<hbm>> -> memref<64xi32, #tpu.memory_space<hbm>>
      tpu.enqueue_dma source(%dma_start3A_1432 : memref<64xi32, #tpu.memory_space<hbm>>) target(%dma_start3A_1431 : memref<64xi32, #tpu.memory_space<vmem>>) target_semaphore(%run_scoped3A_1424 : memref<!tpu.dma_semaphore, #tpu.memory_space<semaphore_mem>>)
      %dma_wait3A_1433 = arith.constant 0 : i32
      %dma_wait3A_1434 = tpu.memref_slice %arg9[%run_scoped3A_904, %run_scoped3A_905, %dma_wait3A_1433] : memref<2x3x64xi32, #tpu.memory_space<vmem>> -> memref<1x1x64xi32, #tpu.memory_space<vmem>>
      %dma_wait3A_1435 = tpu.memref_squeeze %dma_wait3A_1434 : memref<1x1x64xi32, #tpu.memory_space<vmem>> -> memref<64xi32, #tpu.memory_space<vmem>>
      %dma_wait3A_1436 = tpu.memref_slice %arg5[%add3A_899] : memref<16384xi32, #tpu.memory_space<hbm>> -> memref<64xi32, #tpu.memory_space<hbm>>
      %dma_wait3A_1437 = arith.constant 0 : i32
      %dma_wait3A_1438 = tpu.memref_slice %arg9[%run_scoped3A_904, %run_scoped3A_905, %dma_wait3A_1437] : memref<2x3x64xi32, #tpu.memory_space<vmem>> -> memref<1x1x64xi32, #tpu.memory_space<vmem>>
      %dma_wait3A_1439 = tpu.memref_squeeze %dma_wait3A_1438 : memref<1x1x64xi32, #tpu.memory_space<vmem>> -> memref<64xi32, #tpu.memory_space<vmem>>
      %dma_wait3A_1440 = tpu.memref_slice %arg5[%add3A_899] : memref<16384xi32, #tpu.memory_space<hbm>> -> memref<64xi32, #tpu.memory_space<hbm>>
      tpu.wait_dma2 semaphore(%run_scoped3A_1424 : memref<!tpu.dma_semaphore, #tpu.memory_space<semaphore_mem>>) src(%dma_wait3A_1440 : memref<64xi32, #tpu.memory_space<hbm>>) dst(%dma_wait3A_1439 : memref<64xi32, #tpu.memory_space<vmem>>)
      tpu.yield
    }) : () -> ()
    %dma_wait3A_906 = arith.constant 1 : i32
    %dma_wait3A_907 = arith.constant 0 : i32
    %dma_wait3A_908 = arith.constant 1 : i32
    %dma_wait3A_909 = arith.constant 0 : i32
    %dma_wait3A_910 = arith.constant 0 : i32
    %dma_wait3A_911 = arith.constant 0 : i32
    %dma_wait3A_912 = tpu.memref_slice %arg10[%dma_wait3A_908, %dma_wait3A_909, %dma_wait3A_910, %dma_wait3A_911] : memref<2x3x64x256xf32, #tpu.memory_space<vmem>> -> memref<1x1x64x256xf32, #tpu.memory_space<vmem>>
    %dma_wait3A_913 = tpu.memref_squeeze %dma_wait3A_912 : memref<1x1x64x256xf32, #tpu.memory_space<vmem>> -> memref<64x256xf32, #tpu.memory_space<vmem>>
    %dma_wait3A_914 = arith.constant 0 : i32
    %dma_wait3A_915 = tpu.memref_slice %arg9[%dma_wait3A_906, %dma_wait3A_907, %dma_wait3A_914] : memref<2x3x64xi32, #tpu.memory_space<vmem>> -> memref<1x1x64xi32, #tpu.memory_space<vmem>>
    %dma_wait3A_916 = tpu.memref_squeeze %dma_wait3A_915 : memref<1x1x64xi32, #tpu.memory_space<vmem>> -> memref<64xi32, #tpu.memory_space<vmem>>
    %dma_wait3A_917 = arith.constant 0 : i32
    %dma_wait3A_918 = arith.constant 0 : i32
    %dma_wait3A_919 = tpu.memref_slice %arg2[%dma_wait3A_917, %dma_wait3A_918] : memref<4096x256xf32, #tpu.memory_space<hbm>> -> memref<4096x256xf32, #tpu.memory_space<hbm>>
    tpu.wait_indirect_dma semaphore(%arg11 : memref<!tpu.dma_semaphore, #tpu.memory_space<semaphore_mem>>) src(%dma_wait3A_919 : memref<4096x256xf32, #tpu.memory_space<hbm>>) dst(%dma_wait3A_913 : memref<64x256xf32, #tpu.memory_space<vmem>>)
    %dma_wait3A_920 = arith.constant 1 : i32
    %dma_wait3A_921 = arith.constant 1 : i32
    %dma_wait3A_922 = arith.constant 1 : i32
    %dma_wait3A_923 = arith.constant 1 : i32
    %dma_wait3A_924 = arith.constant 0 : i32
    %dma_wait3A_925 = arith.constant 0 : i32
    %dma_wait3A_926 = tpu.memref_slice %arg10[%dma_wait3A_922, %dma_wait3A_923, %dma_wait3A_924, %dma_wait3A_925] : memref<2x3x64x256xf32, #tpu.memory_space<vmem>> -> memref<1x1x64x256xf32, #tpu.memory_space<vmem>>
    %dma_wait3A_927 = tpu.memref_squeeze %dma_wait3A_926 : memref<1x1x64x256xf32, #tpu.memory_space<vmem>> -> memref<64x256xf32, #tpu.memory_space<vmem>>
    %dma_wait3A_928 = arith.constant 0 : i32
    %dma_wait3A_929 = tpu.memref_slice %arg9[%dma_wait3A_920, %dma_wait3A_921, %dma_wait3A_928] : memref<2x3x64xi32, #tpu.memory_space<vmem>> -> memref<1x1x64xi32, #tpu.memory_space<vmem>>
    %dma_wait3A_930 = tpu.memref_squeeze %dma_wait3A_929 : memref<1x1x64xi32, #tpu.memory_space<vmem>> -> memref<64xi32, #tpu.memory_space<vmem>>
    %dma_wait3A_931 = arith.constant 0 : i32
    %dma_wait3A_932 = arith.constant 0 : i32
    %dma_wait3A_933 = tpu.memref_slice %arg2[%dma_wait3A_931, %dma_wait3A_932] : memref<4096x256xf32, #tpu.memory_space<hbm>> -> memref<4096x256xf32, #tpu.memory_space<hbm>>
    tpu.wait_indirect_dma semaphore(%arg11 : memref<!tpu.dma_semaphore, #tpu.memory_space<semaphore_mem>>) src(%dma_wait3A_933 : memref<4096x256xf32, #tpu.memory_space<hbm>>) dst(%dma_wait3A_927 : memref<64x256xf32, #tpu.memory_space<vmem>>)
    %dma_wait3A_934 = arith.constant 1 : i32
    %dma_wait3A_935 = arith.constant 2 : i32
    %dma_wait3A_936 = arith.constant 1 : i32
    %dma_wait3A_937 = arith.constant 2 : i32
    %dma_wait3A_938 = arith.constant 0 : i32
    %dma_wait3A_939 = arith.constant 0 : i32
    %dma_wait3A_940 = tpu.memref_slice %arg10[%dma_wait3A_936, %dma_wait3A_937, %dma_wait3A_938, %dma_wait3A_939] : memref<2x3x64x256xf32, #tpu.memory_space<vmem>> -> memref<1x1x64x256xf32, #tpu.memory_space<vmem>>
    %dma_wait3A_941 = tpu.memref_squeeze %dma_wait3A_940 : memref<1x1x64x256xf32, #tpu.memory_space<vmem>> -> memref<64x256xf32, #tpu.memory_space<vmem>>
    %dma_wait3A_942 = arith.constant 0 : i32
    %dma_wait3A_943 = tpu.memref_slice %arg9[%dma_wait3A_934, %dma_wait3A_935, %dma_wait3A_942] : memref<2x3x64xi32, #tpu.memory_space<vmem>> -> memref<1x1x64xi32, #tpu.memory_space<vmem>>
    %dma_wait3A_944 = tpu.memref_squeeze %dma_wait3A_943 : memref<1x1x64xi32, #tpu.memory_space<vmem>> -> memref<64xi32, #tpu.memory_space<vmem>>
    %dma_wait3A_945 = arith.constant 0 : i32
    %dma_wait3A_946 = arith.constant 0 : i32
    %dma_wait3A_947 = tpu.memref_slice %arg2[%dma_wait3A_945, %dma_wait3A_946] : memref<4096x256xf32, #tpu.memory_space<hbm>> -> memref<4096x256xf32, #tpu.memory_space<hbm>>
    tpu.wait_indirect_dma semaphore(%arg11 : memref<!tpu.dma_semaphore, #tpu.memory_space<semaphore_mem>>) src(%dma_wait3A_947 : memref<4096x256xf32, #tpu.memory_space<hbm>>) dst(%dma_wait3A_941 : memref<64x256xf32, #tpu.memory_space<vmem>>)
    %dma_wait3A_948 = arith.constant 0 : i32
    %dma_wait3A_949 = arith.constant 0 : i32
    %dma_wait3A_950 = arith.constant 0 : i32
    %dma_wait3A_951 = arith.constant 0 : i32
    %dma_wait3A_952 = tpu.memref_slice %arg10[%dma_wait3A_948, %dma_wait3A_949, %dma_wait3A_950, %dma_wait3A_951] : memref<2x3x64x256xf32, #tpu.memory_space<vmem>> -> memref<1x1x64x256xf32, #tpu.memory_space<vmem>>
    %dma_wait3A_953 = tpu.memref_squeeze %dma_wait3A_952 : memref<1x1x64x256xf32, #tpu.memory_space<vmem>> -> memref<64x256xf32, #tpu.memory_space<vmem>>
    %dma_wait3A_954 = arith.constant 0 : i32
    %dma_wait3A_955 = tpu.memref_slice %arg6[%add3A_855, %dma_wait3A_954] : memref<16384x256xf32, #tpu.memory_space<hbm>> -> memref<64x256xf32, #tpu.memory_space<hbm>>
    %dma_wait3A_956 = arith.constant 0 : i32
    %dma_wait3A_957 = tpu.memref_slice %arg6[%add3A_855, %dma_wait3A_956] : memref<16384x256xf32, #tpu.memory_space<hbm>> -> memref<64x256xf32, #tpu.memory_space<hbm>>
    %dma_wait3A_958 = arith.constant 0 : i32
    %dma_wait3A_959 = arith.constant 0 : i32
    %dma_wait3A_960 = tpu.memref_slice %arg10[%dma_wait3A_948, %dma_wait3A_949, %dma_wait3A_958, %dma_wait3A_959] : memref<2x3x64x256xf32, #tpu.memory_space<vmem>> -> memref<1x1x64x256xf32, #tpu.memory_space<vmem>>
    %dma_wait3A_961 = tpu.memref_squeeze %dma_wait3A_960 : memref<1x1x64x256xf32, #tpu.memory_space<vmem>> -> memref<64x256xf32, #tpu.memory_space<vmem>>
    tpu.wait_dma2 semaphore(%arg12 : memref<!tpu.dma_semaphore, #tpu.memory_space<semaphore_mem>>) src(%dma_wait3A_961 : memref<64x256xf32, #tpu.memory_space<vmem>>) dst(%dma_wait3A_957 : memref<64x256xf32, #tpu.memory_space<hbm>>)
    %dma_wait3A_962 = arith.constant 0 : i32
    %dma_wait3A_963 = arith.constant 1 : i32
    %dma_wait3A_964 = arith.constant 0 : i32
    %dma_wait3A_965 = arith.constant 0 : i32
    %dma_wait3A_966 = tpu.memref_slice %arg10[%dma_wait3A_962, %dma_wait3A_963, %dma_wait3A_964, %dma_wait3A_965] : memref<2x3x64x256xf32, #tpu.memory_space<vmem>> -> memref<1x1x64x256xf32, #tpu.memory_space<vmem>>
    %dma_wait3A_967 = tpu.memref_squeeze %dma_wait3A_966 : memref<1x1x64x256xf32, #tpu.memory_space<vmem>> -> memref<64x256xf32, #tpu.memory_space<vmem>>
    %dma_wait3A_968 = arith.constant 0 : i32
    %dma_wait3A_969 = tpu.memref_slice %arg7[%add3A_855, %dma_wait3A_968] : memref<16384x256xf32, #tpu.memory_space<hbm>> -> memref<64x256xf32, #tpu.memory_space<hbm>>
    %dma_wait3A_970 = arith.constant 0 : i32
    %dma_wait3A_971 = tpu.memref_slice %arg7[%add3A_855, %dma_wait3A_970] : memref<16384x256xf32, #tpu.memory_space<hbm>> -> memref<64x256xf32, #tpu.memory_space<hbm>>
    %dma_wait3A_972 = arith.constant 0 : i32
    %dma_wait3A_973 = arith.constant 0 : i32
    %dma_wait3A_974 = tpu.memref_slice %arg10[%dma_wait3A_962, %dma_wait3A_963, %dma_wait3A_972, %dma_wait3A_973] : memref<2x3x64x256xf32, #tpu.memory_space<vmem>> -> memref<1x1x64x256xf32, #tpu.memory_space<vmem>>
    %dma_wait3A_975 = tpu.memref_squeeze %dma_wait3A_974 : memref<1x1x64x256xf32, #tpu.memory_space<vmem>> -> memref<64x256xf32, #tpu.memory_space<vmem>>
    tpu.wait_dma2 semaphore(%arg12 : memref<!tpu.dma_semaphore, #tpu.memory_space<semaphore_mem>>) src(%dma_wait3A_975 : memref<64x256xf32, #tpu.memory_space<vmem>>) dst(%dma_wait3A_971 : memref<64x256xf32, #tpu.memory_space<hbm>>)
    %dma_wait3A_976 = arith.constant 0 : i32
    %dma_wait3A_977 = arith.constant 2 : i32
    %dma_wait3A_978 = arith.constant 0 : i32
    %dma_wait3A_979 = arith.constant 0 : i32
    %dma_wait3A_980 = tpu.memref_slice %arg10[%dma_wait3A_976, %dma_wait3A_977, %dma_wait3A_978, %dma_wait3A_979] : memref<2x3x64x256xf32, #tpu.memory_space<vmem>> -> memref<1x1x64x256xf32, #tpu.memory_space<vmem>>
    %dma_wait3A_981 = tpu.memref_squeeze %dma_wait3A_980 : memref<1x1x64x256xf32, #tpu.memory_space<vmem>> -> memref<64x256xf32, #tpu.memory_space<vmem>>
    %dma_wait3A_982 = arith.constant 0 : i32
    %dma_wait3A_983 = tpu.memref_slice %arg8[%add3A_855, %dma_wait3A_982] : memref<16384x256xf32, #tpu.memory_space<hbm>> -> memref<64x256xf32, #tpu.memory_space<hbm>>
    %dma_wait3A_984 = arith.constant 0 : i32
    %dma_wait3A_985 = tpu.memref_slice %arg8[%add3A_855, %dma_wait3A_984] : memref<16384x256xf32, #tpu.memory_space<hbm>> -> memref<64x256xf32, #tpu.memory_space<hbm>>
    %dma_wait3A_986 = arith.constant 0 : i32
    %dma_wait3A_987 = arith.constant 0 : i32
    %dma_wait3A_988 = tpu.memref_slice %arg10[%dma_wait3A_976, %dma_wait3A_977, %dma_wait3A_986, %dma_wait3A_987] : memref<2x3x64x256xf32, #tpu.memory_space<vmem>> -> memref<1x1x64x256xf32, #tpu.memory_space<vmem>>
    %dma_wait3A_989 = tpu.memref_squeeze %dma_wait3A_988 : memref<1x1x64x256xf32, #tpu.memory_space<vmem>> -> memref<64x256xf32, #tpu.memory_space<vmem>>
    tpu.wait_dma2 semaphore(%arg12 : memref<!tpu.dma_semaphore, #tpu.memory_space<semaphore_mem>>) src(%dma_wait3A_989 : memref<64x256xf32, #tpu.memory_space<vmem>>) dst(%dma_wait3A_985 : memref<64x256xf32, #tpu.memory_space<hbm>>)
    %dma_start3A_990 = arith.constant 0 : i32
    %dma_start3A_991 = arith.constant 0 : i32
    %dma_start3A_992 = arith.constant 0 : i32
    %dma_start3A_993 = arith.constant 0 : i32
    %dma_start3A_994 = arith.constant 0 : i32
    %dma_start3A_995 = arith.constant 0 : i32
    %dma_start3A_996 = tpu.memref_slice %arg10[%dma_start3A_992, %dma_start3A_993, %dma_start3A_994, %dma_start3A_995] : memref<2x3x64x256xf32, #tpu.memory_space<vmem>> -> memref<1x1x64x256xf32, #tpu.memory_space<vmem>>
    %dma_start3A_997 = tpu.memref_squeeze %dma_start3A_996 : memref<1x1x64x256xf32, #tpu.memory_space<vmem>> -> memref<64x256xf32, #tpu.memory_space<vmem>>
    %dma_start3A_998 = arith.constant 0 : i32
    %dma_start3A_999 = tpu.memref_slice %arg9[%dma_start3A_990, %dma_start3A_991, %dma_start3A_998] : memref<2x3x64xi32, #tpu.memory_space<vmem>> -> memref<1x1x64xi32, #tpu.memory_space<vmem>>
    %dma_start3A_1000 = tpu.memref_squeeze %dma_start3A_999 : memref<1x1x64xi32, #tpu.memory_space<vmem>> -> memref<64xi32, #tpu.memory_space<vmem>>
    %dma_start3A_1001 = arith.constant 0 : i32
    %dma_start3A_1002 = arith.constant 0 : i32
    %dma_start3A_1003 = tpu.memref_slice %arg2[%dma_start3A_1001, %dma_start3A_1002] : memref<4096x256xf32, #tpu.memory_space<hbm>> -> memref<4096x256xf32, #tpu.memory_space<hbm>>
    tpu.enqueue_indirect_dma source(%dma_start3A_1003 : memref<4096x256xf32, #tpu.memory_space<hbm>>) target(%dma_start3A_997 : memref<64x256xf32, #tpu.memory_space<vmem>>) offsets(%dma_start3A_1000 : memref<64xi32, #tpu.memory_space<vmem>>) semaphore(%arg11 : memref<!tpu.dma_semaphore, #tpu.memory_space<semaphore_mem>>)
    %dma_start3A_1004 = arith.constant 0 : i32
    %dma_start3A_1005 = arith.constant 1 : i32
    %dma_start3A_1006 = arith.constant 0 : i32
    %dma_start3A_1007 = arith.constant 1 : i32
    %dma_start3A_1008 = arith.constant 0 : i32
    %dma_start3A_1009 = arith.constant 0 : i32
    %dma_start3A_1010 = tpu.memref_slice %arg10[%dma_start3A_1006, %dma_start3A_1007, %dma_start3A_1008, %dma_start3A_1009] : memref<2x3x64x256xf32, #tpu.memory_space<vmem>> -> memref<1x1x64x256xf32, #tpu.memory_space<vmem>>
    %dma_start3A_1011 = tpu.memref_squeeze %dma_start3A_1010 : memref<1x1x64x256xf32, #tpu.memory_space<vmem>> -> memref<64x256xf32, #tpu.memory_space<vmem>>
    %dma_start3A_1012 = arith.constant 0 : i32
    %dma_start3A_1013 = tpu.memref_slice %arg9[%dma_start3A_1004, %dma_start3A_1005, %dma_start3A_1012] : memref<2x3x64xi32, #tpu.memory_space<vmem>> -> memref<1x1x64xi32, #tpu.memory_space<vmem>>
    %dma_start3A_1014 = tpu.memref_squeeze %dma_start3A_1013 : memref<1x1x64xi32, #tpu.memory_space<vmem>> -> memref<64xi32, #tpu.memory_space<vmem>>
    %dma_start3A_1015 = arith.constant 0 : i32
    %dma_start3A_1016 = arith.constant 0 : i32
    %dma_start3A_1017 = tpu.memref_slice %arg2[%dma_start3A_1015, %dma_start3A_1016] : memref<4096x256xf32, #tpu.memory_space<hbm>> -> memref<4096x256xf32, #tpu.memory_space<hbm>>
    tpu.enqueue_indirect_dma source(%dma_start3A_1017 : memref<4096x256xf32, #tpu.memory_space<hbm>>) target(%dma_start3A_1011 : memref<64x256xf32, #tpu.memory_space<vmem>>) offsets(%dma_start3A_1014 : memref<64xi32, #tpu.memory_space<vmem>>) semaphore(%arg11 : memref<!tpu.dma_semaphore, #tpu.memory_space<semaphore_mem>>)
    %dma_start3A_1018 = arith.constant 0 : i32
    %dma_start3A_1019 = arith.constant 2 : i32
    %dma_start3A_1020 = arith.constant 0 : i32
    %dma_start3A_1021 = arith.constant 2 : i32
    %dma_start3A_1022 = arith.constant 0 : i32
    %dma_start3A_1023 = arith.constant 0 : i32
    %dma_start3A_1024 = tpu.memref_slice %arg10[%dma_start3A_1020, %dma_start3A_1021, %dma_start3A_1022, %dma_start3A_1023] : memref<2x3x64x256xf32, #tpu.memory_space<vmem>> -> memref<1x1x64x256xf32, #tpu.memory_space<vmem>>
    %dma_start3A_1025 = tpu.memref_squeeze %dma_start3A_1024 : memref<1x1x64x256xf32, #tpu.memory_space<vmem>> -> memref<64x256xf32, #tpu.memory_space<vmem>>
    %dma_start3A_1026 = arith.constant 0 : i32
    %dma_start3A_1027 = tpu.memref_slice %arg9[%dma_start3A_1018, %dma_start3A_1019, %dma_start3A_1026] : memref<2x3x64xi32, #tpu.memory_space<vmem>> -> memref<1x1x64xi32, #tpu.memory_space<vmem>>
    %dma_start3A_1028 = tpu.memref_squeeze %dma_start3A_1027 : memref<1x1x64xi32, #tpu.memory_space<vmem>> -> memref<64xi32, #tpu.memory_space<vmem>>
    %dma_start3A_1029 = arith.constant 0 : i32
    %dma_start3A_1030 = arith.constant 0 : i32
    %dma_start3A_1031 = tpu.memref_slice %arg2[%dma_start3A_1029, %dma_start3A_1030] : memref<4096x256xf32, #tpu.memory_space<hbm>> -> memref<4096x256xf32, #tpu.memory_space<hbm>>
    tpu.enqueue_indirect_dma source(%dma_start3A_1031 : memref<4096x256xf32, #tpu.memory_space<hbm>>) target(%dma_start3A_1025 : memref<64x256xf32, #tpu.memory_space<vmem>>) offsets(%dma_start3A_1028 : memref<64xi32, #tpu.memory_space<vmem>>) semaphore(%arg11 : memref<!tpu.dma_semaphore, #tpu.memory_space<semaphore_mem>>)
    %add3A_1032 = arith.constant 320 : i32
    %add3A_1033 = arith.addi %mul3A_2, %add3A_1032 : i32
    %dma_start3A_1034 = arith.constant 1 : i32
    %dma_start3A_1035 = arith.constant 0 : i32
    %dma_start3A_1036 = arith.constant 0 : i32
    %dma_start3A_1037 = arith.constant 0 : i32
    %dma_start3A_1038 = tpu.memref_slice %arg10[%dma_start3A_1034, %dma_start3A_1035, %dma_start3A_1036, %dma_start3A_1037] : memref<2x3x64x256xf32, #tpu.memory_space<vmem>> -> memref<1x1x64x256xf32, #tpu.memory_space<vmem>>
    %dma_start3A_1039 = tpu.memref_squeeze %dma_start3A_1038 : memref<1x1x64x256xf32, #tpu.memory_space<vmem>> -> memref<64x256xf32, #tpu.memory_space<vmem>>
    %dma_start3A_1040 = arith.constant 0 : i32
    %dma_start3A_1041 = tpu.memref_slice %arg6[%add3A_1033, %dma_start3A_1040] : memref<16384x256xf32, #tpu.memory_space<hbm>> -> memref<64x256xf32, #tpu.memory_space<hbm>>
    %dma_start3A_1042 = arith.constant 0 : i32
    %dma_start3A_1043 = tpu.memref_slice %arg6[%add3A_1033, %dma_start3A_1042] : memref<16384x256xf32, #tpu.memory_space<hbm>> -> memref<64x256xf32, #tpu.memory_space<hbm>>
    %dma_start3A_1044 = arith.constant 0 : i32
    %dma_start3A_1045 = arith.constant 0 : i32
    %dma_start3A_1046 = tpu.memref_slice %arg10[%dma_start3A_1034, %dma_start3A_1035, %dma_start3A_1044, %dma_start3A_1045] : memref<2x3x64x256xf32, #tpu.memory_space<vmem>> -> memref<1x1x64x256xf32, #tpu.memory_space<vmem>>
    %dma_start3A_1047 = tpu.memref_squeeze %dma_start3A_1046 : memref<1x1x64x256xf32, #tpu.memory_space<vmem>> -> memref<64x256xf32, #tpu.memory_space<vmem>>
    tpu.enqueue_dma source(%dma_start3A_1047 : memref<64x256xf32, #tpu.memory_space<vmem>>) target(%dma_start3A_1043 : memref<64x256xf32, #tpu.memory_space<hbm>>) target_semaphore(%arg12 : memref<!tpu.dma_semaphore, #tpu.memory_space<semaphore_mem>>)
    %dma_start3A_1048 = arith.constant 1 : i32
    %dma_start3A_1049 = arith.constant 1 : i32
    %dma_start3A_1050 = arith.constant 0 : i32
    %dma_start3A_1051 = arith.constant 0 : i32
    %dma_start3A_1052 = tpu.memref_slice %arg10[%dma_start3A_1048, %dma_start3A_1049, %dma_start3A_1050, %dma_start3A_1051] : memref<2x3x64x256xf32, #tpu.memory_space<vmem>> -> memref<1x1x64x256xf32, #tpu.memory_space<vmem>>
    %dma_start3A_1053 = tpu.memref_squeeze %dma_start3A_1052 : memref<1x1x64x256xf32, #tpu.memory_space<vmem>> -> memref<64x256xf32, #tpu.memory_space<vmem>>
    %dma_start3A_1054 = arith.constant 0 : i32
    %dma_start3A_1055 = tpu.memref_slice %arg7[%add3A_1033, %dma_start3A_1054] : memref<16384x256xf32, #tpu.memory_space<hbm>> -> memref<64x256xf32, #tpu.memory_space<hbm>>
    %dma_start3A_1056 = arith.constant 0 : i32
    %dma_start3A_1057 = tpu.memref_slice %arg7[%add3A_1033, %dma_start3A_1056] : memref<16384x256xf32, #tpu.memory_space<hbm>> -> memref<64x256xf32, #tpu.memory_space<hbm>>
    %dma_start3A_1058 = arith.constant 0 : i32
    %dma_start3A_1059 = arith.constant 0 : i32
    %dma_start3A_1060 = tpu.memref_slice %arg10[%dma_start3A_1048, %dma_start3A_1049, %dma_start3A_1058, %dma_start3A_1059] : memref<2x3x64x256xf32, #tpu.memory_space<vmem>> -> memref<1x1x64x256xf32, #tpu.memory_space<vmem>>
    %dma_start3A_1061 = tpu.memref_squeeze %dma_start3A_1060 : memref<1x1x64x256xf32, #tpu.memory_space<vmem>> -> memref<64x256xf32, #tpu.memory_space<vmem>>
    tpu.enqueue_dma source(%dma_start3A_1061 : memref<64x256xf32, #tpu.memory_space<vmem>>) target(%dma_start3A_1057 : memref<64x256xf32, #tpu.memory_space<hbm>>) target_semaphore(%arg12 : memref<!tpu.dma_semaphore, #tpu.memory_space<semaphore_mem>>)
    %dma_start3A_1062 = arith.constant 1 : i32
    %dma_start3A_1063 = arith.constant 2 : i32
    %dma_start3A_1064 = arith.constant 0 : i32
    %dma_start3A_1065 = arith.constant 0 : i32
    %dma_start3A_1066 = tpu.memref_slice %arg10[%dma_start3A_1062, %dma_start3A_1063, %dma_start3A_1064, %dma_start3A_1065] : memref<2x3x64x256xf32, #tpu.memory_space<vmem>> -> memref<1x1x64x256xf32, #tpu.memory_space<vmem>>
    %dma_start3A_1067 = tpu.memref_squeeze %dma_start3A_1066 : memref<1x1x64x256xf32, #tpu.memory_space<vmem>> -> memref<64x256xf32, #tpu.memory_space<vmem>>
    %dma_start3A_1068 = arith.constant 0 : i32
    %dma_start3A_1069 = tpu.memref_slice %arg8[%add3A_1033, %dma_start3A_1068] : memref<16384x256xf32, #tpu.memory_space<hbm>> -> memref<64x256xf32, #tpu.memory_space<hbm>>
    %dma_start3A_1070 = arith.constant 0 : i32
    %dma_start3A_1071 = tpu.memref_slice %arg8[%add3A_1033, %dma_start3A_1070] : memref<16384x256xf32, #tpu.memory_space<hbm>> -> memref<64x256xf32, #tpu.memory_space<hbm>>
    %dma_start3A_1072 = arith.constant 0 : i32
    %dma_start3A_1073 = arith.constant 0 : i32
    %dma_start3A_1074 = tpu.memref_slice %arg10[%dma_start3A_1062, %dma_start3A_1063, %dma_start3A_1072, %dma_start3A_1073] : memref<2x3x64x256xf32, #tpu.memory_space<vmem>> -> memref<1x1x64x256xf32, #tpu.memory_space<vmem>>
    %dma_start3A_1075 = tpu.memref_squeeze %dma_start3A_1074 : memref<1x1x64x256xf32, #tpu.memory_space<vmem>> -> memref<64x256xf32, #tpu.memory_space<vmem>>
    tpu.enqueue_dma source(%dma_start3A_1075 : memref<64x256xf32, #tpu.memory_space<vmem>>) target(%dma_start3A_1071 : memref<64x256xf32, #tpu.memory_space<hbm>>) target_semaphore(%arg12 : memref<!tpu.dma_semaphore, #tpu.memory_space<semaphore_mem>>)
    %add3A_1076 = arith.constant 448 : i32
    %add3A_1077 = arith.addi %mul3A_2, %add3A_1076 : i32
    %run_scoped3A_1078 = arith.constant 1 : i32
    %run_scoped3A_1079 = arith.constant 0 : i32
    "tpu.region"() ({
      %run_scoped3A_1424 = tpu.sem_alloc : memref<!tpu.dma_semaphore, #tpu.memory_space<semaphore_mem>>
      %dma_start3A_1425 = arith.constant 0 : i32
      %dma_start3A_1426 = tpu.memref_slice %arg9[%run_scoped3A_1078, %run_scoped3A_1079, %dma_start3A_1425] : memref<2x3x64xi32, #tpu.memory_space<vmem>> -> memref<1x1x64xi32, #tpu.memory_space<vmem>>
      %dma_start3A_1427 = tpu.memref_squeeze %dma_start3A_1426 : memref<1x1x64xi32, #tpu.memory_space<vmem>> -> memref<64xi32, #tpu.memory_space<vmem>>
      %dma_start3A_1428 = tpu.memref_slice %arg3[%add3A_1077] : memref<16384xi32, #tpu.memory_space<hbm>> -> memref<64xi32, #tpu.memory_space<hbm>>
      %dma_start3A_1429 = arith.constant 0 : i32
      %dma_start3A_1430 = tpu.memref_slice %arg9[%run_scoped3A_1078, %run_scoped3A_1079, %dma_start3A_1429] : memref<2x3x64xi32, #tpu.memory_space<vmem>> -> memref<1x1x64xi32, #tpu.memory_space<vmem>>
      %dma_start3A_1431 = tpu.memref_squeeze %dma_start3A_1430 : memref<1x1x64xi32, #tpu.memory_space<vmem>> -> memref<64xi32, #tpu.memory_space<vmem>>
      %dma_start3A_1432 = tpu.memref_slice %arg3[%add3A_1077] : memref<16384xi32, #tpu.memory_space<hbm>> -> memref<64xi32, #tpu.memory_space<hbm>>
      tpu.enqueue_dma source(%dma_start3A_1432 : memref<64xi32, #tpu.memory_space<hbm>>) target(%dma_start3A_1431 : memref<64xi32, #tpu.memory_space<vmem>>) target_semaphore(%run_scoped3A_1424 : memref<!tpu.dma_semaphore, #tpu.memory_space<semaphore_mem>>)
      %dma_wait3A_1433 = arith.constant 0 : i32
      %dma_wait3A_1434 = tpu.memref_slice %arg9[%run_scoped3A_1078, %run_scoped3A_1079, %dma_wait3A_1433] : memref<2x3x64xi32, #tpu.memory_space<vmem>> -> memref<1x1x64xi32, #tpu.memory_space<vmem>>
      %dma_wait3A_1435 = tpu.memref_squeeze %dma_wait3A_1434 : memref<1x1x64xi32, #tpu.memory_space<vmem>> -> memref<64xi32, #tpu.memory_space<vmem>>
      %dma_wait3A_1436 = tpu.memref_slice %arg3[%add3A_1077] : memref<16384xi32, #tpu.memory_space<hbm>> -> memref<64xi32, #tpu.memory_space<hbm>>
      %dma_wait3A_1437 = arith.constant 0 : i32
      %dma_wait3A_1438 = tpu.memref_slice %arg9[%run_scoped3A_1078, %run_scoped3A_1079, %dma_wait3A_1437] : memref<2x3x64xi32, #tpu.memory_space<vmem>> -> memref<1x1x64xi32, #tpu.memory_space<vmem>>
      %dma_wait3A_1439 = tpu.memref_squeeze %dma_wait3A_1438 : memref<1x1x64xi32, #tpu.memory_space<vmem>> -> memref<64xi32, #tpu.memory_space<vmem>>
      %dma_wait3A_1440 = tpu.memref_slice %arg3[%add3A_1077] : memref<16384xi32, #tpu.memory_space<hbm>> -> memref<64xi32, #tpu.memory_space<hbm>>
      tpu.wait_dma2 semaphore(%run_scoped3A_1424 : memref<!tpu.dma_semaphore, #tpu.memory_space<semaphore_mem>>) src(%dma_wait3A_1440 : memref<64xi32, #tpu.memory_space<hbm>>) dst(%dma_wait3A_1439 : memref<64xi32, #tpu.memory_space<vmem>>)
      tpu.yield
    }) : () -> ()
    %run_scoped3A_1080 = arith.constant 1 : i32
    %run_scoped3A_1081 = arith.constant 1 : i32
    "tpu.region"() ({
      %run_scoped3A_1424 = tpu.sem_alloc : memref<!tpu.dma_semaphore, #tpu.memory_space<semaphore_mem>>
      %dma_start3A_1425 = arith.constant 0 : i32
      %dma_start3A_1426 = tpu.memref_slice %arg9[%run_scoped3A_1080, %run_scoped3A_1081, %dma_start3A_1425] : memref<2x3x64xi32, #tpu.memory_space<vmem>> -> memref<1x1x64xi32, #tpu.memory_space<vmem>>
      %dma_start3A_1427 = tpu.memref_squeeze %dma_start3A_1426 : memref<1x1x64xi32, #tpu.memory_space<vmem>> -> memref<64xi32, #tpu.memory_space<vmem>>
      %dma_start3A_1428 = tpu.memref_slice %arg4[%add3A_1077] : memref<16384xi32, #tpu.memory_space<hbm>> -> memref<64xi32, #tpu.memory_space<hbm>>
      %dma_start3A_1429 = arith.constant 0 : i32
      %dma_start3A_1430 = tpu.memref_slice %arg9[%run_scoped3A_1080, %run_scoped3A_1081, %dma_start3A_1429] : memref<2x3x64xi32, #tpu.memory_space<vmem>> -> memref<1x1x64xi32, #tpu.memory_space<vmem>>
      %dma_start3A_1431 = tpu.memref_squeeze %dma_start3A_1430 : memref<1x1x64xi32, #tpu.memory_space<vmem>> -> memref<64xi32, #tpu.memory_space<vmem>>
      %dma_start3A_1432 = tpu.memref_slice %arg4[%add3A_1077] : memref<16384xi32, #tpu.memory_space<hbm>> -> memref<64xi32, #tpu.memory_space<hbm>>
      tpu.enqueue_dma source(%dma_start3A_1432 : memref<64xi32, #tpu.memory_space<hbm>>) target(%dma_start3A_1431 : memref<64xi32, #tpu.memory_space<vmem>>) target_semaphore(%run_scoped3A_1424 : memref<!tpu.dma_semaphore, #tpu.memory_space<semaphore_mem>>)
      %dma_wait3A_1433 = arith.constant 0 : i32
      %dma_wait3A_1434 = tpu.memref_slice %arg9[%run_scoped3A_1080, %run_scoped3A_1081, %dma_wait3A_1433] : memref<2x3x64xi32, #tpu.memory_space<vmem>> -> memref<1x1x64xi32, #tpu.memory_space<vmem>>
      %dma_wait3A_1435 = tpu.memref_squeeze %dma_wait3A_1434 : memref<1x1x64xi32, #tpu.memory_space<vmem>> -> memref<64xi32, #tpu.memory_space<vmem>>
      %dma_wait3A_1436 = tpu.memref_slice %arg4[%add3A_1077] : memref<16384xi32, #tpu.memory_space<hbm>> -> memref<64xi32, #tpu.memory_space<hbm>>
      %dma_wait3A_1437 = arith.constant 0 : i32
      %dma_wait3A_1438 = tpu.memref_slice %arg9[%run_scoped3A_1080, %run_scoped3A_1081, %dma_wait3A_1437] : memref<2x3x64xi32, #tpu.memory_space<vmem>> -> memref<1x1x64xi32, #tpu.memory_space<vmem>>
      %dma_wait3A_1439 = tpu.memref_squeeze %dma_wait3A_1438 : memref<1x1x64xi32, #tpu.memory_space<vmem>> -> memref<64xi32, #tpu.memory_space<vmem>>
      %dma_wait3A_1440 = tpu.memref_slice %arg4[%add3A_1077] : memref<16384xi32, #tpu.memory_space<hbm>> -> memref<64xi32, #tpu.memory_space<hbm>>
      tpu.wait_dma2 semaphore(%run_scoped3A_1424 : memref<!tpu.dma_semaphore, #tpu.memory_space<semaphore_mem>>) src(%dma_wait3A_1440 : memref<64xi32, #tpu.memory_space<hbm>>) dst(%dma_wait3A_1439 : memref<64xi32, #tpu.memory_space<vmem>>)
      tpu.yield
    }) : () -> ()
    %run_scoped3A_1082 = arith.constant 1 : i32
    %run_scoped3A_1083 = arith.constant 2 : i32
    "tpu.region"() ({
      %run_scoped3A_1424 = tpu.sem_alloc : memref<!tpu.dma_semaphore, #tpu.memory_space<semaphore_mem>>
      %dma_start3A_1425 = arith.constant 0 : i32
      %dma_start3A_1426 = tpu.memref_slice %arg9[%run_scoped3A_1082, %run_scoped3A_1083, %dma_start3A_1425] : memref<2x3x64xi32, #tpu.memory_space<vmem>> -> memref<1x1x64xi32, #tpu.memory_space<vmem>>
      %dma_start3A_1427 = tpu.memref_squeeze %dma_start3A_1426 : memref<1x1x64xi32, #tpu.memory_space<vmem>> -> memref<64xi32, #tpu.memory_space<vmem>>
      %dma_start3A_1428 = tpu.memref_slice %arg5[%add3A_1077] : memref<16384xi32, #tpu.memory_space<hbm>> -> memref<64xi32, #tpu.memory_space<hbm>>
      %dma_start3A_1429 = arith.constant 0 : i32
      %dma_start3A_1430 = tpu.memref_slice %arg9[%run_scoped3A_1082, %run_scoped3A_1083, %dma_start3A_1429] : memref<2x3x64xi32, #tpu.memory_space<vmem>> -> memref<1x1x64xi32, #tpu.memory_space<vmem>>
      %dma_start3A_1431 = tpu.memref_squeeze %dma_start3A_1430 : memref<1x1x64xi32, #tpu.memory_space<vmem>> -> memref<64xi32, #tpu.memory_space<vmem>>
      %dma_start3A_1432 = tpu.memref_slice %arg5[%add3A_1077] : memref<16384xi32, #tpu.memory_space<hbm>> -> memref<64xi32, #tpu.memory_space<hbm>>
      tpu.enqueue_dma source(%dma_start3A_1432 : memref<64xi32, #tpu.memory_space<hbm>>) target(%dma_start3A_1431 : memref<64xi32, #tpu.memory_space<vmem>>) target_semaphore(%run_scoped3A_1424 : memref<!tpu.dma_semaphore, #tpu.memory_space<semaphore_mem>>)
      %dma_wait3A_1433 = arith.constant 0 : i32
      %dma_wait3A_1434 = tpu.memref_slice %arg9[%run_scoped3A_1082, %run_scoped3A_1083, %dma_wait3A_1433] : memref<2x3x64xi32, #tpu.memory_space<vmem>> -> memref<1x1x64xi32, #tpu.memory_space<vmem>>
      %dma_wait3A_1435 = tpu.memref_squeeze %dma_wait3A_1434 : memref<1x1x64xi32, #tpu.memory_space<vmem>> -> memref<64xi32, #tpu.memory_space<vmem>>
      %dma_wait3A_1436 = tpu.memref_slice %arg5[%add3A_1077] : memref<16384xi32, #tpu.memory_space<hbm>> -> memref<64xi32, #tpu.memory_space<hbm>>
      %dma_wait3A_1437 = arith.constant 0 : i32
      %dma_wait3A_1438 = tpu.memref_slice %arg9[%run_scoped3A_1082, %run_scoped3A_1083, %dma_wait3A_1437] : memref<2x3x64xi32, #tpu.memory_space<vmem>> -> memref<1x1x64xi32, #tpu.memory_space<vmem>>
      %dma_wait3A_1439 = tpu.memref_squeeze %dma_wait3A_1438 : memref<1x1x64xi32, #tpu.memory_space<vmem>> -> memref<64xi32, #tpu.memory_space<vmem>>
      %dma_wait3A_1440 = tpu.memref_slice %arg5[%add3A_1077] : memref<16384xi32, #tpu.memory_space<hbm>> -> memref<64xi32, #tpu.memory_space<hbm>>
      tpu.wait_dma2 semaphore(%run_scoped3A_1424 : memref<!tpu.dma_semaphore, #tpu.memory_space<semaphore_mem>>) src(%dma_wait3A_1440 : memref<64xi32, #tpu.memory_space<hbm>>) dst(%dma_wait3A_1439 : memref<64xi32, #tpu.memory_space<vmem>>)
      tpu.yield
    }) : () -> ()
    %dma_wait3A_1084 = arith.constant 0 : i32
    %dma_wait3A_1085 = arith.constant 0 : i32
    %dma_wait3A_1086 = arith.constant 0 : i32
    %dma_wait3A_1087 = arith.constant 0 : i32
    %dma_wait3A_1088 = arith.constant 0 : i32
    %dma_wait3A_1089 = arith.constant 0 : i32
    %dma_wait3A_1090 = tpu.memref_slice %arg10[%dma_wait3A_1086, %dma_wait3A_1087, %dma_wait3A_1088, %dma_wait3A_1089] : memref<2x3x64x256xf32, #tpu.memory_space<vmem>> -> memref<1x1x64x256xf32, #tpu.memory_space<vmem>>
    %dma_wait3A_1091 = tpu.memref_squeeze %dma_wait3A_1090 : memref<1x1x64x256xf32, #tpu.memory_space<vmem>> -> memref<64x256xf32, #tpu.memory_space<vmem>>
    %dma_wait3A_1092 = arith.constant 0 : i32
    %dma_wait3A_1093 = tpu.memref_slice %arg9[%dma_wait3A_1084, %dma_wait3A_1085, %dma_wait3A_1092] : memref<2x3x64xi32, #tpu.memory_space<vmem>> -> memref<1x1x64xi32, #tpu.memory_space<vmem>>
    %dma_wait3A_1094 = tpu.memref_squeeze %dma_wait3A_1093 : memref<1x1x64xi32, #tpu.memory_space<vmem>> -> memref<64xi32, #tpu.memory_space<vmem>>
    %dma_wait3A_1095 = arith.constant 0 : i32
    %dma_wait3A_1096 = arith.constant 0 : i32
    %dma_wait3A_1097 = tpu.memref_slice %arg2[%dma_wait3A_1095, %dma_wait3A_1096] : memref<4096x256xf32, #tpu.memory_space<hbm>> -> memref<4096x256xf32, #tpu.memory_space<hbm>>
    tpu.wait_indirect_dma semaphore(%arg11 : memref<!tpu.dma_semaphore, #tpu.memory_space<semaphore_mem>>) src(%dma_wait3A_1097 : memref<4096x256xf32, #tpu.memory_space<hbm>>) dst(%dma_wait3A_1091 : memref<64x256xf32, #tpu.memory_space<vmem>>)
    %dma_wait3A_1098 = arith.constant 0 : i32
    %dma_wait3A_1099 = arith.constant 1 : i32
    %dma_wait3A_1100 = arith.constant 0 : i32
    %dma_wait3A_1101 = arith.constant 1 : i32
    %dma_wait3A_1102 = arith.constant 0 : i32
    %dma_wait3A_1103 = arith.constant 0 : i32
    %dma_wait3A_1104 = tpu.memref_slice %arg10[%dma_wait3A_1100, %dma_wait3A_1101, %dma_wait3A_1102, %dma_wait3A_1103] : memref<2x3x64x256xf32, #tpu.memory_space<vmem>> -> memref<1x1x64x256xf32, #tpu.memory_space<vmem>>
    %dma_wait3A_1105 = tpu.memref_squeeze %dma_wait3A_1104 : memref<1x1x64x256xf32, #tpu.memory_space<vmem>> -> memref<64x256xf32, #tpu.memory_space<vmem>>
    %dma_wait3A_1106 = arith.constant 0 : i32
    %dma_wait3A_1107 = tpu.memref_slice %arg9[%dma_wait3A_1098, %dma_wait3A_1099, %dma_wait3A_1106] : memref<2x3x64xi32, #tpu.memory_space<vmem>> -> memref<1x1x64xi32, #tpu.memory_space<vmem>>
    %dma_wait3A_1108 = tpu.memref_squeeze %dma_wait3A_1107 : memref<1x1x64xi32, #tpu.memory_space<vmem>> -> memref<64xi32, #tpu.memory_space<vmem>>
    %dma_wait3A_1109 = arith.constant 0 : i32
    %dma_wait3A_1110 = arith.constant 0 : i32
    %dma_wait3A_1111 = tpu.memref_slice %arg2[%dma_wait3A_1109, %dma_wait3A_1110] : memref<4096x256xf32, #tpu.memory_space<hbm>> -> memref<4096x256xf32, #tpu.memory_space<hbm>>
    tpu.wait_indirect_dma semaphore(%arg11 : memref<!tpu.dma_semaphore, #tpu.memory_space<semaphore_mem>>) src(%dma_wait3A_1111 : memref<4096x256xf32, #tpu.memory_space<hbm>>) dst(%dma_wait3A_1105 : memref<64x256xf32, #tpu.memory_space<vmem>>)
    %dma_wait3A_1112 = arith.constant 0 : i32
    %dma_wait3A_1113 = arith.constant 2 : i32
    %dma_wait3A_1114 = arith.constant 0 : i32
    %dma_wait3A_1115 = arith.constant 2 : i32
    %dma_wait3A_1116 = arith.constant 0 : i32
    %dma_wait3A_1117 = arith.constant 0 : i32
    %dma_wait3A_1118 = tpu.memref_slice %arg10[%dma_wait3A_1114, %dma_wait3A_1115, %dma_wait3A_1116, %dma_wait3A_1117] : memref<2x3x64x256xf32, #tpu.memory_space<vmem>> -> memref<1x1x64x256xf32, #tpu.memory_space<vmem>>
    %dma_wait3A_1119 = tpu.memref_squeeze %dma_wait3A_1118 : memref<1x1x64x256xf32, #tpu.memory_space<vmem>> -> memref<64x256xf32, #tpu.memory_space<vmem>>
    %dma_wait3A_1120 = arith.constant 0 : i32
    %dma_wait3A_1121 = tpu.memref_slice %arg9[%dma_wait3A_1112, %dma_wait3A_1113, %dma_wait3A_1120] : memref<2x3x64xi32, #tpu.memory_space<vmem>> -> memref<1x1x64xi32, #tpu.memory_space<vmem>>
    %dma_wait3A_1122 = tpu.memref_squeeze %dma_wait3A_1121 : memref<1x1x64xi32, #tpu.memory_space<vmem>> -> memref<64xi32, #tpu.memory_space<vmem>>
    %dma_wait3A_1123 = arith.constant 0 : i32
    %dma_wait3A_1124 = arith.constant 0 : i32
    %dma_wait3A_1125 = tpu.memref_slice %arg2[%dma_wait3A_1123, %dma_wait3A_1124] : memref<4096x256xf32, #tpu.memory_space<hbm>> -> memref<4096x256xf32, #tpu.memory_space<hbm>>
    tpu.wait_indirect_dma semaphore(%arg11 : memref<!tpu.dma_semaphore, #tpu.memory_space<semaphore_mem>>) src(%dma_wait3A_1125 : memref<4096x256xf32, #tpu.memory_space<hbm>>) dst(%dma_wait3A_1119 : memref<64x256xf32, #tpu.memory_space<vmem>>)
    %dma_wait3A_1126 = arith.constant 1 : i32
    %dma_wait3A_1127 = arith.constant 0 : i32
    %dma_wait3A_1128 = arith.constant 0 : i32
    %dma_wait3A_1129 = arith.constant 0 : i32
    %dma_wait3A_1130 = tpu.memref_slice %arg10[%dma_wait3A_1126, %dma_wait3A_1127, %dma_wait3A_1128, %dma_wait3A_1129] : memref<2x3x64x256xf32, #tpu.memory_space<vmem>> -> memref<1x1x64x256xf32, #tpu.memory_space<vmem>>
    %dma_wait3A_1131 = tpu.memref_squeeze %dma_wait3A_1130 : memref<1x1x64x256xf32, #tpu.memory_space<vmem>> -> memref<64x256xf32, #tpu.memory_space<vmem>>
    %dma_wait3A_1132 = arith.constant 0 : i32
    %dma_wait3A_1133 = tpu.memref_slice %arg6[%add3A_1033, %dma_wait3A_1132] : memref<16384x256xf32, #tpu.memory_space<hbm>> -> memref<64x256xf32, #tpu.memory_space<hbm>>
    %dma_wait3A_1134 = arith.constant 0 : i32
    %dma_wait3A_1135 = tpu.memref_slice %arg6[%add3A_1033, %dma_wait3A_1134] : memref<16384x256xf32, #tpu.memory_space<hbm>> -> memref<64x256xf32, #tpu.memory_space<hbm>>
    %dma_wait3A_1136 = arith.constant 0 : i32
    %dma_wait3A_1137 = arith.constant 0 : i32
    %dma_wait3A_1138 = tpu.memref_slice %arg10[%dma_wait3A_1126, %dma_wait3A_1127, %dma_wait3A_1136, %dma_wait3A_1137] : memref<2x3x64x256xf32, #tpu.memory_space<vmem>> -> memref<1x1x64x256xf32, #tpu.memory_space<vmem>>
    %dma_wait3A_1139 = tpu.memref_squeeze %dma_wait3A_1138 : memref<1x1x64x256xf32, #tpu.memory_space<vmem>> -> memref<64x256xf32, #tpu.memory_space<vmem>>
    tpu.wait_dma2 semaphore(%arg12 : memref<!tpu.dma_semaphore, #tpu.memory_space<semaphore_mem>>) src(%dma_wait3A_1139 : memref<64x256xf32, #tpu.memory_space<vmem>>) dst(%dma_wait3A_1135 : memref<64x256xf32, #tpu.memory_space<hbm>>)
    %dma_wait3A_1140 = arith.constant 1 : i32
    %dma_wait3A_1141 = arith.constant 1 : i32
    %dma_wait3A_1142 = arith.constant 0 : i32
    %dma_wait3A_1143 = arith.constant 0 : i32
    %dma_wait3A_1144 = tpu.memref_slice %arg10[%dma_wait3A_1140, %dma_wait3A_1141, %dma_wait3A_1142, %dma_wait3A_1143] : memref<2x3x64x256xf32, #tpu.memory_space<vmem>> -> memref<1x1x64x256xf32, #tpu.memory_space<vmem>>
    %dma_wait3A_1145 = tpu.memref_squeeze %dma_wait3A_1144 : memref<1x1x64x256xf32, #tpu.memory_space<vmem>> -> memref<64x256xf32, #tpu.memory_space<vmem>>
    %dma_wait3A_1146 = arith.constant 0 : i32
    %dma_wait3A_1147 = tpu.memref_slice %arg7[%add3A_1033, %dma_wait3A_1146] : memref<16384x256xf32, #tpu.memory_space<hbm>> -> memref<64x256xf32, #tpu.memory_space<hbm>>
    %dma_wait3A_1148 = arith.constant 0 : i32
    %dma_wait3A_1149 = tpu.memref_slice %arg7[%add3A_1033, %dma_wait3A_1148] : memref<16384x256xf32, #tpu.memory_space<hbm>> -> memref<64x256xf32, #tpu.memory_space<hbm>>
    %dma_wait3A_1150 = arith.constant 0 : i32
    %dma_wait3A_1151 = arith.constant 0 : i32
    %dma_wait3A_1152 = tpu.memref_slice %arg10[%dma_wait3A_1140, %dma_wait3A_1141, %dma_wait3A_1150, %dma_wait3A_1151] : memref<2x3x64x256xf32, #tpu.memory_space<vmem>> -> memref<1x1x64x256xf32, #tpu.memory_space<vmem>>
    %dma_wait3A_1153 = tpu.memref_squeeze %dma_wait3A_1152 : memref<1x1x64x256xf32, #tpu.memory_space<vmem>> -> memref<64x256xf32, #tpu.memory_space<vmem>>
    tpu.wait_dma2 semaphore(%arg12 : memref<!tpu.dma_semaphore, #tpu.memory_space<semaphore_mem>>) src(%dma_wait3A_1153 : memref<64x256xf32, #tpu.memory_space<vmem>>) dst(%dma_wait3A_1149 : memref<64x256xf32, #tpu.memory_space<hbm>>)
    %dma_wait3A_1154 = arith.constant 1 : i32
    %dma_wait3A_1155 = arith.constant 2 : i32
    %dma_wait3A_1156 = arith.constant 0 : i32
    %dma_wait3A_1157 = arith.constant 0 : i32
    %dma_wait3A_1158 = tpu.memref_slice %arg10[%dma_wait3A_1154, %dma_wait3A_1155, %dma_wait3A_1156, %dma_wait3A_1157] : memref<2x3x64x256xf32, #tpu.memory_space<vmem>> -> memref<1x1x64x256xf32, #tpu.memory_space<vmem>>
    %dma_wait3A_1159 = tpu.memref_squeeze %dma_wait3A_1158 : memref<1x1x64x256xf32, #tpu.memory_space<vmem>> -> memref<64x256xf32, #tpu.memory_space<vmem>>
    %dma_wait3A_1160 = arith.constant 0 : i32
    %dma_wait3A_1161 = tpu.memref_slice %arg8[%add3A_1033, %dma_wait3A_1160] : memref<16384x256xf32, #tpu.memory_space<hbm>> -> memref<64x256xf32, #tpu.memory_space<hbm>>
    %dma_wait3A_1162 = arith.constant 0 : i32
    %dma_wait3A_1163 = tpu.memref_slice %arg8[%add3A_1033, %dma_wait3A_1162] : memref<16384x256xf32, #tpu.memory_space<hbm>> -> memref<64x256xf32, #tpu.memory_space<hbm>>
    %dma_wait3A_1164 = arith.constant 0 : i32
    %dma_wait3A_1165 = arith.constant 0 : i32
    %dma_wait3A_1166 = tpu.memref_slice %arg10[%dma_wait3A_1154, %dma_wait3A_1155, %dma_wait3A_1164, %dma_wait3A_1165] : memref<2x3x64x256xf32, #tpu.memory_space<vmem>> -> memref<1x1x64x256xf32, #tpu.memory_space<vmem>>
    %dma_wait3A_1167 = tpu.memref_squeeze %dma_wait3A_1166 : memref<1x1x64x256xf32, #tpu.memory_space<vmem>> -> memref<64x256xf32, #tpu.memory_space<vmem>>
    tpu.wait_dma2 semaphore(%arg12 : memref<!tpu.dma_semaphore, #tpu.memory_space<semaphore_mem>>) src(%dma_wait3A_1167 : memref<64x256xf32, #tpu.memory_space<vmem>>) dst(%dma_wait3A_1163 : memref<64x256xf32, #tpu.memory_space<hbm>>)
    %dma_start3A_1168 = arith.constant 1 : i32
    %dma_start3A_1169 = arith.constant 0 : i32
    %dma_start3A_1170 = arith.constant 1 : i32
    %dma_start3A_1171 = arith.constant 0 : i32
    %dma_start3A_1172 = arith.constant 0 : i32
    %dma_start3A_1173 = arith.constant 0 : i32
    %dma_start3A_1174 = tpu.memref_slice %arg10[%dma_start3A_1170, %dma_start3A_1171, %dma_start3A_1172, %dma_start3A_1173] : memref<2x3x64x256xf32, #tpu.memory_space<vmem>> -> memref<1x1x64x256xf32, #tpu.memory_space<vmem>>
    %dma_start3A_1175 = tpu.memref_squeeze %dma_start3A_1174 : memref<1x1x64x256xf32, #tpu.memory_space<vmem>> -> memref<64x256xf32, #tpu.memory_space<vmem>>
    %dma_start3A_1176 = arith.constant 0 : i32
    %dma_start3A_1177 = tpu.memref_slice %arg9[%dma_start3A_1168, %dma_start3A_1169, %dma_start3A_1176] : memref<2x3x64xi32, #tpu.memory_space<vmem>> -> memref<1x1x64xi32, #tpu.memory_space<vmem>>
    %dma_start3A_1178 = tpu.memref_squeeze %dma_start3A_1177 : memref<1x1x64xi32, #tpu.memory_space<vmem>> -> memref<64xi32, #tpu.memory_space<vmem>>
    %dma_start3A_1179 = arith.constant 0 : i32
    %dma_start3A_1180 = arith.constant 0 : i32
    %dma_start3A_1181 = tpu.memref_slice %arg2[%dma_start3A_1179, %dma_start3A_1180] : memref<4096x256xf32, #tpu.memory_space<hbm>> -> memref<4096x256xf32, #tpu.memory_space<hbm>>
    tpu.enqueue_indirect_dma source(%dma_start3A_1181 : memref<4096x256xf32, #tpu.memory_space<hbm>>) target(%dma_start3A_1175 : memref<64x256xf32, #tpu.memory_space<vmem>>) offsets(%dma_start3A_1178 : memref<64xi32, #tpu.memory_space<vmem>>) semaphore(%arg11 : memref<!tpu.dma_semaphore, #tpu.memory_space<semaphore_mem>>)
    %dma_start3A_1182 = arith.constant 1 : i32
    %dma_start3A_1183 = arith.constant 1 : i32
    %dma_start3A_1184 = arith.constant 1 : i32
    %dma_start3A_1185 = arith.constant 1 : i32
    %dma_start3A_1186 = arith.constant 0 : i32
    %dma_start3A_1187 = arith.constant 0 : i32
    %dma_start3A_1188 = tpu.memref_slice %arg10[%dma_start3A_1184, %dma_start3A_1185, %dma_start3A_1186, %dma_start3A_1187] : memref<2x3x64x256xf32, #tpu.memory_space<vmem>> -> memref<1x1x64x256xf32, #tpu.memory_space<vmem>>
    %dma_start3A_1189 = tpu.memref_squeeze %dma_start3A_1188 : memref<1x1x64x256xf32, #tpu.memory_space<vmem>> -> memref<64x256xf32, #tpu.memory_space<vmem>>
    %dma_start3A_1190 = arith.constant 0 : i32
    %dma_start3A_1191 = tpu.memref_slice %arg9[%dma_start3A_1182, %dma_start3A_1183, %dma_start3A_1190] : memref<2x3x64xi32, #tpu.memory_space<vmem>> -> memref<1x1x64xi32, #tpu.memory_space<vmem>>
    %dma_start3A_1192 = tpu.memref_squeeze %dma_start3A_1191 : memref<1x1x64xi32, #tpu.memory_space<vmem>> -> memref<64xi32, #tpu.memory_space<vmem>>
    %dma_start3A_1193 = arith.constant 0 : i32
    %dma_start3A_1194 = arith.constant 0 : i32
    %dma_start3A_1195 = tpu.memref_slice %arg2[%dma_start3A_1193, %dma_start3A_1194] : memref<4096x256xf32, #tpu.memory_space<hbm>> -> memref<4096x256xf32, #tpu.memory_space<hbm>>
    tpu.enqueue_indirect_dma source(%dma_start3A_1195 : memref<4096x256xf32, #tpu.memory_space<hbm>>) target(%dma_start3A_1189 : memref<64x256xf32, #tpu.memory_space<vmem>>) offsets(%dma_start3A_1192 : memref<64xi32, #tpu.memory_space<vmem>>) semaphore(%arg11 : memref<!tpu.dma_semaphore, #tpu.memory_space<semaphore_mem>>)
    %dma_start3A_1196 = arith.constant 1 : i32
    %dma_start3A_1197 = arith.constant 2 : i32
    %dma_start3A_1198 = arith.constant 1 : i32
    %dma_start3A_1199 = arith.constant 2 : i32
    %dma_start3A_1200 = arith.constant 0 : i32
    %dma_start3A_1201 = arith.constant 0 : i32
    %dma_start3A_1202 = tpu.memref_slice %arg10[%dma_start3A_1198, %dma_start3A_1199, %dma_start3A_1200, %dma_start3A_1201] : memref<2x3x64x256xf32, #tpu.memory_space<vmem>> -> memref<1x1x64x256xf32, #tpu.memory_space<vmem>>
    %dma_start3A_1203 = tpu.memref_squeeze %dma_start3A_1202 : memref<1x1x64x256xf32, #tpu.memory_space<vmem>> -> memref<64x256xf32, #tpu.memory_space<vmem>>
    %dma_start3A_1204 = arith.constant 0 : i32
    %dma_start3A_1205 = tpu.memref_slice %arg9[%dma_start3A_1196, %dma_start3A_1197, %dma_start3A_1204] : memref<2x3x64xi32, #tpu.memory_space<vmem>> -> memref<1x1x64xi32, #tpu.memory_space<vmem>>
    %dma_start3A_1206 = tpu.memref_squeeze %dma_start3A_1205 : memref<1x1x64xi32, #tpu.memory_space<vmem>> -> memref<64xi32, #tpu.memory_space<vmem>>
    %dma_start3A_1207 = arith.constant 0 : i32
    %dma_start3A_1208 = arith.constant 0 : i32
    %dma_start3A_1209 = tpu.memref_slice %arg2[%dma_start3A_1207, %dma_start3A_1208] : memref<4096x256xf32, #tpu.memory_space<hbm>> -> memref<4096x256xf32, #tpu.memory_space<hbm>>
    tpu.enqueue_indirect_dma source(%dma_start3A_1209 : memref<4096x256xf32, #tpu.memory_space<hbm>>) target(%dma_start3A_1203 : memref<64x256xf32, #tpu.memory_space<vmem>>) offsets(%dma_start3A_1206 : memref<64xi32, #tpu.memory_space<vmem>>) semaphore(%arg11 : memref<!tpu.dma_semaphore, #tpu.memory_space<semaphore_mem>>)
    %add3A_1210 = arith.constant 384 : i32
    %add3A_1211 = arith.addi %mul3A_2, %add3A_1210 : i32
    %dma_start3A_1212 = arith.constant 0 : i32
    %dma_start3A_1213 = arith.constant 0 : i32
    %dma_start3A_1214 = arith.constant 0 : i32
    %dma_start3A_1215 = arith.constant 0 : i32
    %dma_start3A_1216 = tpu.memref_slice %arg10[%dma_start3A_1212, %dma_start3A_1213, %dma_start3A_1214, %dma_start3A_1215] : memref<2x3x64x256xf32, #tpu.memory_space<vmem>> -> memref<1x1x64x256xf32, #tpu.memory_space<vmem>>
    %dma_start3A_1217 = tpu.memref_squeeze %dma_start3A_1216 : memref<1x1x64x256xf32, #tpu.memory_space<vmem>> -> memref<64x256xf32, #tpu.memory_space<vmem>>
    %dma_start3A_1218 = arith.constant 0 : i32
    %dma_start3A_1219 = tpu.memref_slice %arg6[%add3A_1211, %dma_start3A_1218] : memref<16384x256xf32, #tpu.memory_space<hbm>> -> memref<64x256xf32, #tpu.memory_space<hbm>>
    %dma_start3A_1220 = arith.constant 0 : i32
    %dma_start3A_1221 = tpu.memref_slice %arg6[%add3A_1211, %dma_start3A_1220] : memref<16384x256xf32, #tpu.memory_space<hbm>> -> memref<64x256xf32, #tpu.memory_space<hbm>>
    %dma_start3A_1222 = arith.constant 0 : i32
    %dma_start3A_1223 = arith.constant 0 : i32
    %dma_start3A_1224 = tpu.memref_slice %arg10[%dma_start3A_1212, %dma_start3A_1213, %dma_start3A_1222, %dma_start3A_1223] : memref<2x3x64x256xf32, #tpu.memory_space<vmem>> -> memref<1x1x64x256xf32, #tpu.memory_space<vmem>>
    %dma_start3A_1225 = tpu.memref_squeeze %dma_start3A_1224 : memref<1x1x64x256xf32, #tpu.memory_space<vmem>> -> memref<64x256xf32, #tpu.memory_space<vmem>>
    tpu.enqueue_dma source(%dma_start3A_1225 : memref<64x256xf32, #tpu.memory_space<vmem>>) target(%dma_start3A_1221 : memref<64x256xf32, #tpu.memory_space<hbm>>) target_semaphore(%arg12 : memref<!tpu.dma_semaphore, #tpu.memory_space<semaphore_mem>>)
    %dma_start3A_1226 = arith.constant 0 : i32
    %dma_start3A_1227 = arith.constant 1 : i32
    %dma_start3A_1228 = arith.constant 0 : i32
    %dma_start3A_1229 = arith.constant 0 : i32
    %dma_start3A_1230 = tpu.memref_slice %arg10[%dma_start3A_1226, %dma_start3A_1227, %dma_start3A_1228, %dma_start3A_1229] : memref<2x3x64x256xf32, #tpu.memory_space<vmem>> -> memref<1x1x64x256xf32, #tpu.memory_space<vmem>>
    %dma_start3A_1231 = tpu.memref_squeeze %dma_start3A_1230 : memref<1x1x64x256xf32, #tpu.memory_space<vmem>> -> memref<64x256xf32, #tpu.memory_space<vmem>>
    %dma_start3A_1232 = arith.constant 0 : i32
    %dma_start3A_1233 = tpu.memref_slice %arg7[%add3A_1211, %dma_start3A_1232] : memref<16384x256xf32, #tpu.memory_space<hbm>> -> memref<64x256xf32, #tpu.memory_space<hbm>>
    %dma_start3A_1234 = arith.constant 0 : i32
    %dma_start3A_1235 = tpu.memref_slice %arg7[%add3A_1211, %dma_start3A_1234] : memref<16384x256xf32, #tpu.memory_space<hbm>> -> memref<64x256xf32, #tpu.memory_space<hbm>>
    %dma_start3A_1236 = arith.constant 0 : i32
    %dma_start3A_1237 = arith.constant 0 : i32
    %dma_start3A_1238 = tpu.memref_slice %arg10[%dma_start3A_1226, %dma_start3A_1227, %dma_start3A_1236, %dma_start3A_1237] : memref<2x3x64x256xf32, #tpu.memory_space<vmem>> -> memref<1x1x64x256xf32, #tpu.memory_space<vmem>>
    %dma_start3A_1239 = tpu.memref_squeeze %dma_start3A_1238 : memref<1x1x64x256xf32, #tpu.memory_space<vmem>> -> memref<64x256xf32, #tpu.memory_space<vmem>>
    tpu.enqueue_dma source(%dma_start3A_1239 : memref<64x256xf32, #tpu.memory_space<vmem>>) target(%dma_start3A_1235 : memref<64x256xf32, #tpu.memory_space<hbm>>) target_semaphore(%arg12 : memref<!tpu.dma_semaphore, #tpu.memory_space<semaphore_mem>>)
    %dma_start3A_1240 = arith.constant 0 : i32
    %dma_start3A_1241 = arith.constant 2 : i32
    %dma_start3A_1242 = arith.constant 0 : i32
    %dma_start3A_1243 = arith.constant 0 : i32
    %dma_start3A_1244 = tpu.memref_slice %arg10[%dma_start3A_1240, %dma_start3A_1241, %dma_start3A_1242, %dma_start3A_1243] : memref<2x3x64x256xf32, #tpu.memory_space<vmem>> -> memref<1x1x64x256xf32, #tpu.memory_space<vmem>>
    %dma_start3A_1245 = tpu.memref_squeeze %dma_start3A_1244 : memref<1x1x64x256xf32, #tpu.memory_space<vmem>> -> memref<64x256xf32, #tpu.memory_space<vmem>>
    %dma_start3A_1246 = arith.constant 0 : i32
    %dma_start3A_1247 = tpu.memref_slice %arg8[%add3A_1211, %dma_start3A_1246] : memref<16384x256xf32, #tpu.memory_space<hbm>> -> memref<64x256xf32, #tpu.memory_space<hbm>>
    %dma_start3A_1248 = arith.constant 0 : i32
    %dma_start3A_1249 = tpu.memref_slice %arg8[%add3A_1211, %dma_start3A_1248] : memref<16384x256xf32, #tpu.memory_space<hbm>> -> memref<64x256xf32, #tpu.memory_space<hbm>>
    %dma_start3A_1250 = arith.constant 0 : i32
    %dma_start3A_1251 = arith.constant 0 : i32
    %dma_start3A_1252 = tpu.memref_slice %arg10[%dma_start3A_1240, %dma_start3A_1241, %dma_start3A_1250, %dma_start3A_1251] : memref<2x3x64x256xf32, #tpu.memory_space<vmem>> -> memref<1x1x64x256xf32, #tpu.memory_space<vmem>>
    %dma_start3A_1253 = tpu.memref_squeeze %dma_start3A_1252 : memref<1x1x64x256xf32, #tpu.memory_space<vmem>> -> memref<64x256xf32, #tpu.memory_space<vmem>>
    tpu.enqueue_dma source(%dma_start3A_1253 : memref<64x256xf32, #tpu.memory_space<vmem>>) target(%dma_start3A_1249 : memref<64x256xf32, #tpu.memory_space<hbm>>) target_semaphore(%arg12 : memref<!tpu.dma_semaphore, #tpu.memory_space<semaphore_mem>>)
    %dma_wait3A_1254 = arith.constant 1 : i32
    %dma_wait3A_1255 = arith.constant 0 : i32
    %dma_wait3A_1256 = arith.constant 1 : i32
    %dma_wait3A_1257 = arith.constant 0 : i32
    %dma_wait3A_1258 = arith.constant 0 : i32
    %dma_wait3A_1259 = arith.constant 0 : i32
    %dma_wait3A_1260 = tpu.memref_slice %arg10[%dma_wait3A_1256, %dma_wait3A_1257, %dma_wait3A_1258, %dma_wait3A_1259] : memref<2x3x64x256xf32, #tpu.memory_space<vmem>> -> memref<1x1x64x256xf32, #tpu.memory_space<vmem>>
    %dma_wait3A_1261 = tpu.memref_squeeze %dma_wait3A_1260 : memref<1x1x64x256xf32, #tpu.memory_space<vmem>> -> memref<64x256xf32, #tpu.memory_space<vmem>>
    %dma_wait3A_1262 = arith.constant 0 : i32
    %dma_wait3A_1263 = tpu.memref_slice %arg9[%dma_wait3A_1254, %dma_wait3A_1255, %dma_wait3A_1262] : memref<2x3x64xi32, #tpu.memory_space<vmem>> -> memref<1x1x64xi32, #tpu.memory_space<vmem>>
    %dma_wait3A_1264 = tpu.memref_squeeze %dma_wait3A_1263 : memref<1x1x64xi32, #tpu.memory_space<vmem>> -> memref<64xi32, #tpu.memory_space<vmem>>
    %dma_wait3A_1265 = arith.constant 0 : i32
    %dma_wait3A_1266 = arith.constant 0 : i32
    %dma_wait3A_1267 = tpu.memref_slice %arg2[%dma_wait3A_1265, %dma_wait3A_1266] : memref<4096x256xf32, #tpu.memory_space<hbm>> -> memref<4096x256xf32, #tpu.memory_space<hbm>>
    tpu.wait_indirect_dma semaphore(%arg11 : memref<!tpu.dma_semaphore, #tpu.memory_space<semaphore_mem>>) src(%dma_wait3A_1267 : memref<4096x256xf32, #tpu.memory_space<hbm>>) dst(%dma_wait3A_1261 : memref<64x256xf32, #tpu.memory_space<vmem>>)
    %dma_wait3A_1268 = arith.constant 1 : i32
    %dma_wait3A_1269 = arith.constant 1 : i32
    %dma_wait3A_1270 = arith.constant 1 : i32
    %dma_wait3A_1271 = arith.constant 1 : i32
    %dma_wait3A_1272 = arith.constant 0 : i32
    %dma_wait3A_1273 = arith.constant 0 : i32
    %dma_wait3A_1274 = tpu.memref_slice %arg10[%dma_wait3A_1270, %dma_wait3A_1271, %dma_wait3A_1272, %dma_wait3A_1273] : memref<2x3x64x256xf32, #tpu.memory_space<vmem>> -> memref<1x1x64x256xf32, #tpu.memory_space<vmem>>
    %dma_wait3A_1275 = tpu.memref_squeeze %dma_wait3A_1274 : memref<1x1x64x256xf32, #tpu.memory_space<vmem>> -> memref<64x256xf32, #tpu.memory_space<vmem>>
    %dma_wait3A_1276 = arith.constant 0 : i32
    %dma_wait3A_1277 = tpu.memref_slice %arg9[%dma_wait3A_1268, %dma_wait3A_1269, %dma_wait3A_1276] : memref<2x3x64xi32, #tpu.memory_space<vmem>> -> memref<1x1x64xi32, #tpu.memory_space<vmem>>
    %dma_wait3A_1278 = tpu.memref_squeeze %dma_wait3A_1277 : memref<1x1x64xi32, #tpu.memory_space<vmem>> -> memref<64xi32, #tpu.memory_space<vmem>>
    %dma_wait3A_1279 = arith.constant 0 : i32
    %dma_wait3A_1280 = arith.constant 0 : i32
    %dma_wait3A_1281 = tpu.memref_slice %arg2[%dma_wait3A_1279, %dma_wait3A_1280] : memref<4096x256xf32, #tpu.memory_space<hbm>> -> memref<4096x256xf32, #tpu.memory_space<hbm>>
    tpu.wait_indirect_dma semaphore(%arg11 : memref<!tpu.dma_semaphore, #tpu.memory_space<semaphore_mem>>) src(%dma_wait3A_1281 : memref<4096x256xf32, #tpu.memory_space<hbm>>) dst(%dma_wait3A_1275 : memref<64x256xf32, #tpu.memory_space<vmem>>)
    %dma_wait3A_1282 = arith.constant 1 : i32
    %dma_wait3A_1283 = arith.constant 2 : i32
    %dma_wait3A_1284 = arith.constant 1 : i32
    %dma_wait3A_1285 = arith.constant 2 : i32
    %dma_wait3A_1286 = arith.constant 0 : i32
    %dma_wait3A_1287 = arith.constant 0 : i32
    %dma_wait3A_1288 = tpu.memref_slice %arg10[%dma_wait3A_1284, %dma_wait3A_1285, %dma_wait3A_1286, %dma_wait3A_1287] : memref<2x3x64x256xf32, #tpu.memory_space<vmem>> -> memref<1x1x64x256xf32, #tpu.memory_space<vmem>>
    %dma_wait3A_1289 = tpu.memref_squeeze %dma_wait3A_1288 : memref<1x1x64x256xf32, #tpu.memory_space<vmem>> -> memref<64x256xf32, #tpu.memory_space<vmem>>
    %dma_wait3A_1290 = arith.constant 0 : i32
    %dma_wait3A_1291 = tpu.memref_slice %arg9[%dma_wait3A_1282, %dma_wait3A_1283, %dma_wait3A_1290] : memref<2x3x64xi32, #tpu.memory_space<vmem>> -> memref<1x1x64xi32, #tpu.memory_space<vmem>>
    %dma_wait3A_1292 = tpu.memref_squeeze %dma_wait3A_1291 : memref<1x1x64xi32, #tpu.memory_space<vmem>> -> memref<64xi32, #tpu.memory_space<vmem>>
    %dma_wait3A_1293 = arith.constant 0 : i32
    %dma_wait3A_1294 = arith.constant 0 : i32
    %dma_wait3A_1295 = tpu.memref_slice %arg2[%dma_wait3A_1293, %dma_wait3A_1294] : memref<4096x256xf32, #tpu.memory_space<hbm>> -> memref<4096x256xf32, #tpu.memory_space<hbm>>
    tpu.wait_indirect_dma semaphore(%arg11 : memref<!tpu.dma_semaphore, #tpu.memory_space<semaphore_mem>>) src(%dma_wait3A_1295 : memref<4096x256xf32, #tpu.memory_space<hbm>>) dst(%dma_wait3A_1289 : memref<64x256xf32, #tpu.memory_space<vmem>>)
    %add3A_1296 = arith.constant 448 : i32
    %add3A_1297 = arith.addi %mul3A_2, %add3A_1296 : i32
    %dma_start3A_1298 = arith.constant 1 : i32
    %dma_start3A_1299 = arith.constant 0 : i32
    %dma_start3A_1300 = arith.constant 0 : i32
    %dma_start3A_1301 = arith.constant 0 : i32
    %dma_start3A_1302 = tpu.memref_slice %arg10[%dma_start3A_1298, %dma_start3A_1299, %dma_start3A_1300, %dma_start3A_1301] : memref<2x3x64x256xf32, #tpu.memory_space<vmem>> -> memref<1x1x64x256xf32, #tpu.memory_space<vmem>>
    %dma_start3A_1303 = tpu.memref_squeeze %dma_start3A_1302 : memref<1x1x64x256xf32, #tpu.memory_space<vmem>> -> memref<64x256xf32, #tpu.memory_space<vmem>>
    %dma_start3A_1304 = arith.constant 0 : i32
    %dma_start3A_1305 = tpu.memref_slice %arg6[%add3A_1297, %dma_start3A_1304] : memref<16384x256xf32, #tpu.memory_space<hbm>> -> memref<64x256xf32, #tpu.memory_space<hbm>>
    %dma_start3A_1306 = arith.constant 0 : i32
    %dma_start3A_1307 = tpu.memref_slice %arg6[%add3A_1297, %dma_start3A_1306] : memref<16384x256xf32, #tpu.memory_space<hbm>> -> memref<64x256xf32, #tpu.memory_space<hbm>>
    %dma_start3A_1308 = arith.constant 0 : i32
    %dma_start3A_1309 = arith.constant 0 : i32
    %dma_start3A_1310 = tpu.memref_slice %arg10[%dma_start3A_1298, %dma_start3A_1299, %dma_start3A_1308, %dma_start3A_1309] : memref<2x3x64x256xf32, #tpu.memory_space<vmem>> -> memref<1x1x64x256xf32, #tpu.memory_space<vmem>>
    %dma_start3A_1311 = tpu.memref_squeeze %dma_start3A_1310 : memref<1x1x64x256xf32, #tpu.memory_space<vmem>> -> memref<64x256xf32, #tpu.memory_space<vmem>>
    tpu.enqueue_dma source(%dma_start3A_1311 : memref<64x256xf32, #tpu.memory_space<vmem>>) target(%dma_start3A_1307 : memref<64x256xf32, #tpu.memory_space<hbm>>) target_semaphore(%arg12 : memref<!tpu.dma_semaphore, #tpu.memory_space<semaphore_mem>>)
    %dma_start3A_1312 = arith.constant 1 : i32
    %dma_start3A_1313 = arith.constant 1 : i32
    %dma_start3A_1314 = arith.constant 0 : i32
    %dma_start3A_1315 = arith.constant 0 : i32
    %dma_start3A_1316 = tpu.memref_slice %arg10[%dma_start3A_1312, %dma_start3A_1313, %dma_start3A_1314, %dma_start3A_1315] : memref<2x3x64x256xf32, #tpu.memory_space<vmem>> -> memref<1x1x64x256xf32, #tpu.memory_space<vmem>>
    %dma_start3A_1317 = tpu.memref_squeeze %dma_start3A_1316 : memref<1x1x64x256xf32, #tpu.memory_space<vmem>> -> memref<64x256xf32, #tpu.memory_space<vmem>>
    %dma_start3A_1318 = arith.constant 0 : i32
    %dma_start3A_1319 = tpu.memref_slice %arg7[%add3A_1297, %dma_start3A_1318] : memref<16384x256xf32, #tpu.memory_space<hbm>> -> memref<64x256xf32, #tpu.memory_space<hbm>>
    %dma_start3A_1320 = arith.constant 0 : i32
    %dma_start3A_1321 = tpu.memref_slice %arg7[%add3A_1297, %dma_start3A_1320] : memref<16384x256xf32, #tpu.memory_space<hbm>> -> memref<64x256xf32, #tpu.memory_space<hbm>>
    %dma_start3A_1322 = arith.constant 0 : i32
    %dma_start3A_1323 = arith.constant 0 : i32
    %dma_start3A_1324 = tpu.memref_slice %arg10[%dma_start3A_1312, %dma_start3A_1313, %dma_start3A_1322, %dma_start3A_1323] : memref<2x3x64x256xf32, #tpu.memory_space<vmem>> -> memref<1x1x64x256xf32, #tpu.memory_space<vmem>>
    %dma_start3A_1325 = tpu.memref_squeeze %dma_start3A_1324 : memref<1x1x64x256xf32, #tpu.memory_space<vmem>> -> memref<64x256xf32, #tpu.memory_space<vmem>>
    tpu.enqueue_dma source(%dma_start3A_1325 : memref<64x256xf32, #tpu.memory_space<vmem>>) target(%dma_start3A_1321 : memref<64x256xf32, #tpu.memory_space<hbm>>) target_semaphore(%arg12 : memref<!tpu.dma_semaphore, #tpu.memory_space<semaphore_mem>>)
    %dma_start3A_1326 = arith.constant 1 : i32
    %dma_start3A_1327 = arith.constant 2 : i32
    %dma_start3A_1328 = arith.constant 0 : i32
    %dma_start3A_1329 = arith.constant 0 : i32
    %dma_start3A_1330 = tpu.memref_slice %arg10[%dma_start3A_1326, %dma_start3A_1327, %dma_start3A_1328, %dma_start3A_1329] : memref<2x3x64x256xf32, #tpu.memory_space<vmem>> -> memref<1x1x64x256xf32, #tpu.memory_space<vmem>>
    %dma_start3A_1331 = tpu.memref_squeeze %dma_start3A_1330 : memref<1x1x64x256xf32, #tpu.memory_space<vmem>> -> memref<64x256xf32, #tpu.memory_space<vmem>>
    %dma_start3A_1332 = arith.constant 0 : i32
    %dma_start3A_1333 = tpu.memref_slice %arg8[%add3A_1297, %dma_start3A_1332] : memref<16384x256xf32, #tpu.memory_space<hbm>> -> memref<64x256xf32, #tpu.memory_space<hbm>>
    %dma_start3A_1334 = arith.constant 0 : i32
    %dma_start3A_1335 = tpu.memref_slice %arg8[%add3A_1297, %dma_start3A_1334] : memref<16384x256xf32, #tpu.memory_space<hbm>> -> memref<64x256xf32, #tpu.memory_space<hbm>>
    %dma_start3A_1336 = arith.constant 0 : i32
    %dma_start3A_1337 = arith.constant 0 : i32
    %dma_start3A_1338 = tpu.memref_slice %arg10[%dma_start3A_1326, %dma_start3A_1327, %dma_start3A_1336, %dma_start3A_1337] : memref<2x3x64x256xf32, #tpu.memory_space<vmem>> -> memref<1x1x64x256xf32, #tpu.memory_space<vmem>>
    %dma_start3A_1339 = tpu.memref_squeeze %dma_start3A_1338 : memref<1x1x64x256xf32, #tpu.memory_space<vmem>> -> memref<64x256xf32, #tpu.memory_space<vmem>>
    tpu.enqueue_dma source(%dma_start3A_1339 : memref<64x256xf32, #tpu.memory_space<vmem>>) target(%dma_start3A_1335 : memref<64x256xf32, #tpu.memory_space<hbm>>) target_semaphore(%arg12 : memref<!tpu.dma_semaphore, #tpu.memory_space<semaphore_mem>>)
    %dma_wait3A_1340 = arith.constant 0 : i32
    %dma_wait3A_1341 = arith.constant 0 : i32
    %dma_wait3A_1342 = arith.constant 0 : i32
    %dma_wait3A_1343 = arith.constant 0 : i32
    %dma_wait3A_1344 = tpu.memref_slice %arg10[%dma_wait3A_1340, %dma_wait3A_1341, %dma_wait3A_1342, %dma_wait3A_1343] : memref<2x3x64x256xf32, #tpu.memory_space<vmem>> -> memref<1x1x64x256xf32, #tpu.memory_space<vmem>>
    %dma_wait3A_1345 = tpu.memref_squeeze %dma_wait3A_1344 : memref<1x1x64x256xf32, #tpu.memory_space<vmem>> -> memref<64x256xf32, #tpu.memory_space<vmem>>
    %dma_wait3A_1346 = arith.constant 0 : i32
    %dma_wait3A_1347 = tpu.memref_slice %arg6[%add3A_1211, %dma_wait3A_1346] : memref<16384x256xf32, #tpu.memory_space<hbm>> -> memref<64x256xf32, #tpu.memory_space<hbm>>
    %dma_wait3A_1348 = arith.constant 0 : i32
    %dma_wait3A_1349 = tpu.memref_slice %arg6[%add3A_1211, %dma_wait3A_1348] : memref<16384x256xf32, #tpu.memory_space<hbm>> -> memref<64x256xf32, #tpu.memory_space<hbm>>
    %dma_wait3A_1350 = arith.constant 0 : i32
    %dma_wait3A_1351 = arith.constant 0 : i32
    %dma_wait3A_1352 = tpu.memref_slice %arg10[%dma_wait3A_1340, %dma_wait3A_1341, %dma_wait3A_1350, %dma_wait3A_1351] : memref<2x3x64x256xf32, #tpu.memory_space<vmem>> -> memref<1x1x64x256xf32, #tpu.memory_space<vmem>>
    %dma_wait3A_1353 = tpu.memref_squeeze %dma_wait3A_1352 : memref<1x1x64x256xf32, #tpu.memory_space<vmem>> -> memref<64x256xf32, #tpu.memory_space<vmem>>
    tpu.wait_dma2 semaphore(%arg12 : memref<!tpu.dma_semaphore, #tpu.memory_space<semaphore_mem>>) src(%dma_wait3A_1353 : memref<64x256xf32, #tpu.memory_space<vmem>>) dst(%dma_wait3A_1349 : memref<64x256xf32, #tpu.memory_space<hbm>>)
    %dma_wait3A_1354 = arith.constant 0 : i32
    %dma_wait3A_1355 = arith.constant 1 : i32
    %dma_wait3A_1356 = arith.constant 0 : i32
    %dma_wait3A_1357 = arith.constant 0 : i32
    %dma_wait3A_1358 = tpu.memref_slice %arg10[%dma_wait3A_1354, %dma_wait3A_1355, %dma_wait3A_1356, %dma_wait3A_1357] : memref<2x3x64x256xf32, #tpu.memory_space<vmem>> -> memref<1x1x64x256xf32, #tpu.memory_space<vmem>>
    %dma_wait3A_1359 = tpu.memref_squeeze %dma_wait3A_1358 : memref<1x1x64x256xf32, #tpu.memory_space<vmem>> -> memref<64x256xf32, #tpu.memory_space<vmem>>
    %dma_wait3A_1360 = arith.constant 0 : i32
    %dma_wait3A_1361 = tpu.memref_slice %arg7[%add3A_1211, %dma_wait3A_1360] : memref<16384x256xf32, #tpu.memory_space<hbm>> -> memref<64x256xf32, #tpu.memory_space<hbm>>
    %dma_wait3A_1362 = arith.constant 0 : i32
    %dma_wait3A_1363 = tpu.memref_slice %arg7[%add3A_1211, %dma_wait3A_1362] : memref<16384x256xf32, #tpu.memory_space<hbm>> -> memref<64x256xf32, #tpu.memory_space<hbm>>
    %dma_wait3A_1364 = arith.constant 0 : i32
    %dma_wait3A_1365 = arith.constant 0 : i32
    %dma_wait3A_1366 = tpu.memref_slice %arg10[%dma_wait3A_1354, %dma_wait3A_1355, %dma_wait3A_1364, %dma_wait3A_1365] : memref<2x3x64x256xf32, #tpu.memory_space<vmem>> -> memref<1x1x64x256xf32, #tpu.memory_space<vmem>>
    %dma_wait3A_1367 = tpu.memref_squeeze %dma_wait3A_1366 : memref<1x1x64x256xf32, #tpu.memory_space<vmem>> -> memref<64x256xf32, #tpu.memory_space<vmem>>
    tpu.wait_dma2 semaphore(%arg12 : memref<!tpu.dma_semaphore, #tpu.memory_space<semaphore_mem>>) src(%dma_wait3A_1367 : memref<64x256xf32, #tpu.memory_space<vmem>>) dst(%dma_wait3A_1363 : memref<64x256xf32, #tpu.memory_space<hbm>>)
    %dma_wait3A_1368 = arith.constant 0 : i32
    %dma_wait3A_1369 = arith.constant 2 : i32
    %dma_wait3A_1370 = arith.constant 0 : i32
    %dma_wait3A_1371 = arith.constant 0 : i32
    %dma_wait3A_1372 = tpu.memref_slice %arg10[%dma_wait3A_1368, %dma_wait3A_1369, %dma_wait3A_1370, %dma_wait3A_1371] : memref<2x3x64x256xf32, #tpu.memory_space<vmem>> -> memref<1x1x64x256xf32, #tpu.memory_space<vmem>>
    %dma_wait3A_1373 = tpu.memref_squeeze %dma_wait3A_1372 : memref<1x1x64x256xf32, #tpu.memory_space<vmem>> -> memref<64x256xf32, #tpu.memory_space<vmem>>
    %dma_wait3A_1374 = arith.constant 0 : i32
    %dma_wait3A_1375 = tpu.memref_slice %arg8[%add3A_1211, %dma_wait3A_1374] : memref<16384x256xf32, #tpu.memory_space<hbm>> -> memref<64x256xf32, #tpu.memory_space<hbm>>
    %dma_wait3A_1376 = arith.constant 0 : i32
    %dma_wait3A_1377 = tpu.memref_slice %arg8[%add3A_1211, %dma_wait3A_1376] : memref<16384x256xf32, #tpu.memory_space<hbm>> -> memref<64x256xf32, #tpu.memory_space<hbm>>
    %dma_wait3A_1378 = arith.constant 0 : i32
    %dma_wait3A_1379 = arith.constant 0 : i32
    %dma_wait3A_1380 = tpu.memref_slice %arg10[%dma_wait3A_1368, %dma_wait3A_1369, %dma_wait3A_1378, %dma_wait3A_1379] : memref<2x3x64x256xf32, #tpu.memory_space<vmem>> -> memref<1x1x64x256xf32, #tpu.memory_space<vmem>>
    %dma_wait3A_1381 = tpu.memref_squeeze %dma_wait3A_1380 : memref<1x1x64x256xf32, #tpu.memory_space<vmem>> -> memref<64x256xf32, #tpu.memory_space<vmem>>
    tpu.wait_dma2 semaphore(%arg12 : memref<!tpu.dma_semaphore, #tpu.memory_space<semaphore_mem>>) src(%dma_wait3A_1381 : memref<64x256xf32, #tpu.memory_space<vmem>>) dst(%dma_wait3A_1377 : memref<64x256xf32, #tpu.memory_space<hbm>>)
    %dma_wait3A_1382 = arith.constant 1 : i32
    %dma_wait3A_1383 = arith.constant 0 : i32
    %dma_wait3A_1384 = arith.constant 0 : i32
    %dma_wait3A_1385 = arith.constant 0 : i32
    %dma_wait3A_1386 = tpu.memref_slice %arg10[%dma_wait3A_1382, %dma_wait3A_1383, %dma_wait3A_1384, %dma_wait3A_1385] : memref<2x3x64x256xf32, #tpu.memory_space<vmem>> -> memref<1x1x64x256xf32, #tpu.memory_space<vmem>>
    %dma_wait3A_1387 = tpu.memref_squeeze %dma_wait3A_1386 : memref<1x1x64x256xf32, #tpu.memory_space<vmem>> -> memref<64x256xf32, #tpu.memory_space<vmem>>
    %dma_wait3A_1388 = arith.constant 0 : i32
    %dma_wait3A_1389 = tpu.memref_slice %arg6[%add3A_1297, %dma_wait3A_1388] : memref<16384x256xf32, #tpu.memory_space<hbm>> -> memref<64x256xf32, #tpu.memory_space<hbm>>
    %dma_wait3A_1390 = arith.constant 0 : i32
    %dma_wait3A_1391 = tpu.memref_slice %arg6[%add3A_1297, %dma_wait3A_1390] : memref<16384x256xf32, #tpu.memory_space<hbm>> -> memref<64x256xf32, #tpu.memory_space<hbm>>
    %dma_wait3A_1392 = arith.constant 0 : i32
    %dma_wait3A_1393 = arith.constant 0 : i32
    %dma_wait3A_1394 = tpu.memref_slice %arg10[%dma_wait3A_1382, %dma_wait3A_1383, %dma_wait3A_1392, %dma_wait3A_1393] : memref<2x3x64x256xf32, #tpu.memory_space<vmem>> -> memref<1x1x64x256xf32, #tpu.memory_space<vmem>>
    %dma_wait3A_1395 = tpu.memref_squeeze %dma_wait3A_1394 : memref<1x1x64x256xf32, #tpu.memory_space<vmem>> -> memref<64x256xf32, #tpu.memory_space<vmem>>
    tpu.wait_dma2 semaphore(%arg12 : memref<!tpu.dma_semaphore, #tpu.memory_space<semaphore_mem>>) src(%dma_wait3A_1395 : memref<64x256xf32, #tpu.memory_space<vmem>>) dst(%dma_wait3A_1391 : memref<64x256xf32, #tpu.memory_space<hbm>>)
    %dma_wait3A_1396 = arith.constant 1 : i32
    %dma_wait3A_1397 = arith.constant 1 : i32
    %dma_wait3A_1398 = arith.constant 0 : i32
    %dma_wait3A_1399 = arith.constant 0 : i32
    %dma_wait3A_1400 = tpu.memref_slice %arg10[%dma_wait3A_1396, %dma_wait3A_1397, %dma_wait3A_1398, %dma_wait3A_1399] : memref<2x3x64x256xf32, #tpu.memory_space<vmem>> -> memref<1x1x64x256xf32, #tpu.memory_space<vmem>>
    %dma_wait3A_1401 = tpu.memref_squeeze %dma_wait3A_1400 : memref<1x1x64x256xf32, #tpu.memory_space<vmem>> -> memref<64x256xf32, #tpu.memory_space<vmem>>
    %dma_wait3A_1402 = arith.constant 0 : i32
    %dma_wait3A_1403 = tpu.memref_slice %arg7[%add3A_1297, %dma_wait3A_1402] : memref<16384x256xf32, #tpu.memory_space<hbm>> -> memref<64x256xf32, #tpu.memory_space<hbm>>
    %dma_wait3A_1404 = arith.constant 0 : i32
    %dma_wait3A_1405 = tpu.memref_slice %arg7[%add3A_1297, %dma_wait3A_1404] : memref<16384x256xf32, #tpu.memory_space<hbm>> -> memref<64x256xf32, #tpu.memory_space<hbm>>
    %dma_wait3A_1406 = arith.constant 0 : i32
    %dma_wait3A_1407 = arith.constant 0 : i32
    %dma_wait3A_1408 = tpu.memref_slice %arg10[%dma_wait3A_1396, %dma_wait3A_1397, %dma_wait3A_1406, %dma_wait3A_1407] : memref<2x3x64x256xf32, #tpu.memory_space<vmem>> -> memref<1x1x64x256xf32, #tpu.memory_space<vmem>>
    %dma_wait3A_1409 = tpu.memref_squeeze %dma_wait3A_1408 : memref<1x1x64x256xf32, #tpu.memory_space<vmem>> -> memref<64x256xf32, #tpu.memory_space<vmem>>
    tpu.wait_dma2 semaphore(%arg12 : memref<!tpu.dma_semaphore, #tpu.memory_space<semaphore_mem>>) src(%dma_wait3A_1409 : memref<64x256xf32, #tpu.memory_space<vmem>>) dst(%dma_wait3A_1405 : memref<64x256xf32, #tpu.memory_space<hbm>>)
    %dma_wait3A_1410 = arith.constant 1 : i32
    %dma_wait3A_1411 = arith.constant 2 : i32
    %dma_wait3A_1412 = arith.constant 0 : i32
    %dma_wait3A_1413 = arith.constant 0 : i32
    %dma_wait3A_1414 = tpu.memref_slice %arg10[%dma_wait3A_1410, %dma_wait3A_1411, %dma_wait3A_1412, %dma_wait3A_1413] : memref<2x3x64x256xf32, #tpu.memory_space<vmem>> -> memref<1x1x64x256xf32, #tpu.memory_space<vmem>>
    %dma_wait3A_1415 = tpu.memref_squeeze %dma_wait3A_1414 : memref<1x1x64x256xf32, #tpu.memory_space<vmem>> -> memref<64x256xf32, #tpu.memory_space<vmem>>
    %dma_wait3A_1416 = arith.constant 0 : i32
    %dma_wait3A_1417 = tpu.memref_slice %arg8[%add3A_1297, %dma_wait3A_1416] : memref<16384x256xf32, #tpu.memory_space<hbm>> -> memref<64x256xf32, #tpu.memory_space<hbm>>
    %dma_wait3A_1418 = arith.constant 0 : i32
    %dma_wait3A_1419 = tpu.memref_slice %arg8[%add3A_1297, %dma_wait3A_1418] : memref<16384x256xf32, #tpu.memory_space<hbm>> -> memref<64x256xf32, #tpu.memory_space<hbm>>
    %dma_wait3A_1420 = arith.constant 0 : i32
    %dma_wait3A_1421 = arith.constant 0 : i32
    %dma_wait3A_1422 = tpu.memref_slice %arg10[%dma_wait3A_1410, %dma_wait3A_1411, %dma_wait3A_1420, %dma_wait3A_1421] : memref<2x3x64x256xf32, #tpu.memory_space<vmem>> -> memref<1x1x64x256xf32, #tpu.memory_space<vmem>>
    %dma_wait3A_1423 = tpu.memref_squeeze %dma_wait3A_1422 : memref<1x1x64x256xf32, #tpu.memory_space<vmem>> -> memref<64x256xf32, #tpu.memory_space<vmem>>
    tpu.wait_dma2 semaphore(%arg12 : memref<!tpu.dma_semaphore, #tpu.memory_space<semaphore_mem>>) src(%dma_wait3A_1423 : memref<64x256xf32, #tpu.memory_space<vmem>>) dst(%dma_wait3A_1419 : memref<64x256xf32, #tpu.memory_space<hbm>>)
    return
  }
}

module attributes {stable_mosaic.version = 14 : i64} {
  func.func @_knn_body(%arg0: i32, %arg1: memref<512x8xf32, #tpu.memory_space<vmem>>, %arg2: memref<8x4096xf32, #tpu.memory_space<vmem>>, %arg3: memref<512x1xi32, #tpu.memory_space<vmem>>, %arg4: memref<512x1xi32, #tpu.memory_space<vmem>>, %arg5: memref<512x1xi32, #tpu.memory_space<vmem>>, %arg6: memref<512x1xf32, #tpu.memory_space<vmem>>, %arg7: memref<512x1xf32, #tpu.memory_space<vmem>>, %arg8: memref<512x1xf32, #tpu.memory_space<vmem>>) attributes {dimension_semantics = [#tpu.dimension_semantics<arbitrary>], iteration_bounds = array<i64: 32>, scalar_prefetch = 0 : i64, scratch_operands = 0 : i64, tpu.core_type = #tpu.core_type<tc>, window_params = [{transform_indices = @transform_0, window_bounds = array<i64: 512, 8>}, {pipeline_mode = #tpu.pipeline_mode<synchronous>, transform_indices = @transform_1, window_bounds = array<i64: 8, 4096>}, {transform_indices = @transform_2, window_bounds = array<i64: 512, 1>}, {transform_indices = @transform_3, window_bounds = array<i64: 512, 1>}, {transform_indices = @transform_4, window_bounds = array<i64: 512, 1>}, {transform_indices = @transform_5, window_bounds = array<i64: 512, 1>}, {transform_indices = @transform_6, window_bounds = array<i64: 512, 1>}, {transform_indices = @transform_7, window_bounds = array<i64: 512, 1>}]} {
    %get3A = arith.constant 0 : index
    %get3A_0 = arith.constant 0 : index
    %get3A_1 = vector.load %arg1[%get3A, %get3A_0] : memref<512x8xf32, #tpu.memory_space<vmem>>, vector<512x8xf32>
    %get3A_2 = arith.constant 0 : index
    %get3A_3 = arith.constant 0 : index
    %get3A_4 = vector.load %arg2[%get3A_2, %get3A_3] : memref<8x4096xf32, #tpu.memory_space<vmem>>, vector<8x4096xf32>
    %dot_general3A = arith.constant dense<0.000000e+00> : vector<512x4096xf32>
    %dot_general3A_5 = tpu.matmul %get3A_1, %get3A_4, %dot_general3A {dimension_numbers = #tpu.dot_dimension_numbers<[1], [0], [0], [1], [0, 0, 1, 1], [], []>, transpose_lhs_hint = false} : vector<512x8xf32>, vector<8x4096xf32>, vector<512x4096xf32> -> vector<512x4096xf32>
    %mul3A = arith.mulf %get3A_1, %get3A_1 : vector<512x8xf32>
    %reduce_sum3A = arith.constant dense<0.000000e+00> : vector<512xf32>
    %reduce_sum3A_6 = vector.multi_reduction <add>, %mul3A, %reduce_sum3A [1] : vector<512x8xf32> to vector<512xf32>
    %broadcast_in_dim3A = vector.shape_cast %reduce_sum3A_6 : vector<512xf32> to vector<512x1xf32>
    %mul3A_7 = arith.mulf %get3A_4, %get3A_4 : vector<8x4096xf32>
    %reduce_sum3A_8 = arith.constant dense<0.000000e+00> : vector<4096xf32>
    %reduce_sum3A_9 = vector.multi_reduction <add>, %mul3A_7, %reduce_sum3A_8 [0] : vector<8x4096xf32> to vector<4096xf32>
    %broadcast_in_dim3A_10 = vector.shape_cast %reduce_sum3A_9 : vector<4096xf32> to vector<1x4096xf32>
    %add3A = vector.broadcast %broadcast_in_dim3A : vector<512x1xf32> to vector<512x4096xf32>
    %add3A_11 = vector.broadcast %broadcast_in_dim3A_10 : vector<1x4096xf32> to vector<512x4096xf32>
    %add3A_12 = arith.addf %add3A, %add3A_11 : vector<512x4096xf32>
    %mul3A_13 = arith.constant 2.000000e+00 : f32
    %mul3A_14 = vector.broadcast %mul3A_13 : f32 to vector<512x4096xf32>
    %mul3A_15 = arith.mulf %mul3A_14, %dot_general3A_5 : vector<512x4096xf32>
    %sub3A = arith.subf %add3A_12, %mul3A_15 : vector<512x4096xf32>
    %iota3A = tpu.iota {dimensions = array<i32: 1>} : vector<512x4096xi32>
    %convert_element_type3A = arith.sitofp %iota3A : vector<512x4096xi32> to vector<512x4096xf32>
    %reduce_min3A = arith.constant dense<0x7F800000> : vector<512xf32>
    %reduce_min3A_16 = vector.multi_reduction <minimumf>, %sub3A, %reduce_min3A [1] : vector<512x4096xf32> to vector<512xf32>
    %broadcast_in_dim3A_17 = vector.shape_cast %reduce_min3A_16 : vector<512xf32> to vector<512x1xf32>
    %eq3A = vector.broadcast %broadcast_in_dim3A_17 : vector<512x1xf32> to vector<512x4096xf32>
    %eq3A_18 = arith.cmpf oeq, %sub3A, %eq3A : vector<512x4096xf32>
    %jit3A = arith.constant 4.096000e+03 : f32
    %broadcast_in_dim3A_19 = vector.broadcast %jit3A : f32 to vector<512x4096xf32>
    %select_n3A = arith.select %eq3A_18, %convert_element_type3A, %broadcast_in_dim3A_19 : vector<512x4096xi1>, vector<512x4096xf32>
    %reduce_min3A_20 = arith.constant dense<0x7F800000> : vector<512xf32>
    %reduce_min3A_21 = vector.multi_reduction <minimumf>, %select_n3A, %reduce_min3A_20 [1] : vector<512x4096xf32> to vector<512xf32>
    %broadcast_in_dim3A_22 = vector.shape_cast %reduce_min3A_21 : vector<512xf32> to vector<512x1xf32>
    %max3A = arith.constant 0.000000e+00 : f32
    %max3A_23 = vector.broadcast %max3A : f32 to vector<512x1xf32>
    %max3A_24 = arith.maximumf %broadcast_in_dim3A_17, %max3A_23 : vector<512x1xf32>
    %sqrt3A = math.sqrt %max3A_24 : vector<512x1xf32>
    %add3A_25 = arith.constant 9.99999993E-9 : f32
    %add3A_26 = vector.broadcast %add3A_25 : f32 to vector<512x1xf32>
    %add3A_27 = arith.addf %sqrt3A, %add3A_26 : vector<512x1xf32>
    %div3A = arith.constant 1.000000e+00 : f32
    %div3A_28 = vector.broadcast %div3A : f32 to vector<512x1xf32>
    %div3A_29 = arith.divf %div3A_28, %add3A_27 : vector<512x1xf32>
    %eq3A_30 = vector.broadcast %broadcast_in_dim3A_22 : vector<512x1xf32> to vector<512x4096xf32>
    %eq3A_31 = arith.cmpf oeq, %convert_element_type3A, %eq3A_30 : vector<512x4096xf32>
    %jit3A_32 = arith.constant 0x7F800000 : f32
    %broadcast_in_dim3A_33 = vector.broadcast %jit3A_32 : f32 to vector<512x4096xf32>
    %select_n3A_34 = arith.select %eq3A_31, %broadcast_in_dim3A_33, %sub3A : vector<512x4096xi1>, vector<512x4096xf32>
    %reduce_min3A_35 = arith.constant dense<0x7F800000> : vector<512xf32>
    %reduce_min3A_36 = vector.multi_reduction <minimumf>, %select_n3A_34, %reduce_min3A_35 [1] : vector<512x4096xf32> to vector<512xf32>
    %broadcast_in_dim3A_37 = vector.shape_cast %reduce_min3A_36 : vector<512xf32> to vector<512x1xf32>
    %eq3A_38 = vector.broadcast %broadcast_in_dim3A_37 : vector<512x1xf32> to vector<512x4096xf32>
    %eq3A_39 = arith.cmpf oeq, %select_n3A_34, %eq3A_38 : vector<512x4096xf32>
    %jit3A_40 = arith.constant 4.096000e+03 : f32
    %broadcast_in_dim3A_41 = vector.broadcast %jit3A_40 : f32 to vector<512x4096xf32>
    %select_n3A_42 = arith.select %eq3A_39, %convert_element_type3A, %broadcast_in_dim3A_41 : vector<512x4096xi1>, vector<512x4096xf32>
    %reduce_min3A_43 = arith.constant dense<0x7F800000> : vector<512xf32>
    %reduce_min3A_44 = vector.multi_reduction <minimumf>, %select_n3A_42, %reduce_min3A_43 [1] : vector<512x4096xf32> to vector<512xf32>
    %broadcast_in_dim3A_45 = vector.shape_cast %reduce_min3A_44 : vector<512xf32> to vector<512x1xf32>
    %max3A_46 = arith.constant 0.000000e+00 : f32
    %max3A_47 = vector.broadcast %max3A_46 : f32 to vector<512x1xf32>
    %max3A_48 = arith.maximumf %broadcast_in_dim3A_37, %max3A_47 : vector<512x1xf32>
    %sqrt3A_49 = math.sqrt %max3A_48 : vector<512x1xf32>
    %add3A_50 = arith.constant 9.99999993E-9 : f32
    %add3A_51 = vector.broadcast %add3A_50 : f32 to vector<512x1xf32>
    %add3A_52 = arith.addf %sqrt3A_49, %add3A_51 : vector<512x1xf32>
    %div3A_53 = arith.constant 1.000000e+00 : f32
    %div3A_54 = vector.broadcast %div3A_53 : f32 to vector<512x1xf32>
    %div3A_55 = arith.divf %div3A_54, %add3A_52 : vector<512x1xf32>
    %eq3A_56 = vector.broadcast %broadcast_in_dim3A_45 : vector<512x1xf32> to vector<512x4096xf32>
    %eq3A_57 = arith.cmpf oeq, %convert_element_type3A, %eq3A_56 : vector<512x4096xf32>
    %jit3A_58 = arith.constant 0x7F800000 : f32
    %broadcast_in_dim3A_59 = vector.broadcast %jit3A_58 : f32 to vector<512x4096xf32>
    %select_n3A_60 = arith.select %eq3A_57, %broadcast_in_dim3A_59, %select_n3A_34 : vector<512x4096xi1>, vector<512x4096xf32>
    %reduce_min3A_61 = arith.constant dense<0x7F800000> : vector<512xf32>
    %reduce_min3A_62 = vector.multi_reduction <minimumf>, %select_n3A_60, %reduce_min3A_61 [1] : vector<512x4096xf32> to vector<512xf32>
    %broadcast_in_dim3A_63 = vector.shape_cast %reduce_min3A_62 : vector<512xf32> to vector<512x1xf32>
    %eq3A_64 = vector.broadcast %broadcast_in_dim3A_63 : vector<512x1xf32> to vector<512x4096xf32>
    %eq3A_65 = arith.cmpf oeq, %select_n3A_60, %eq3A_64 : vector<512x4096xf32>
    %jit3A_66 = arith.constant 4.096000e+03 : f32
    %broadcast_in_dim3A_67 = vector.broadcast %jit3A_66 : f32 to vector<512x4096xf32>
    %select_n3A_68 = arith.select %eq3A_65, %convert_element_type3A, %broadcast_in_dim3A_67 : vector<512x4096xi1>, vector<512x4096xf32>
    %reduce_min3A_69 = arith.constant dense<0x7F800000> : vector<512xf32>
    %reduce_min3A_70 = vector.multi_reduction <minimumf>, %select_n3A_68, %reduce_min3A_69 [1] : vector<512x4096xf32> to vector<512xf32>
    %broadcast_in_dim3A_71 = vector.shape_cast %reduce_min3A_70 : vector<512xf32> to vector<512x1xf32>
    %max3A_72 = arith.constant 0.000000e+00 : f32
    %max3A_73 = vector.broadcast %max3A_72 : f32 to vector<512x1xf32>
    %max3A_74 = arith.maximumf %broadcast_in_dim3A_63, %max3A_73 : vector<512x1xf32>
    %sqrt3A_75 = math.sqrt %max3A_74 : vector<512x1xf32>
    %add3A_76 = arith.constant 9.99999993E-9 : f32
    %add3A_77 = vector.broadcast %add3A_76 : f32 to vector<512x1xf32>
    %add3A_78 = arith.addf %sqrt3A_75, %add3A_77 : vector<512x1xf32>
    %div3A_79 = arith.constant 1.000000e+00 : f32
    %div3A_80 = vector.broadcast %div3A_79 : f32 to vector<512x1xf32>
    %div3A_81 = arith.divf %div3A_80, %add3A_78 : vector<512x1xf32>
    %add3A_82 = arith.addf %div3A_29, %div3A_55 : vector<512x1xf32>
    %add3A_83 = arith.addf %add3A_82, %div3A_81 : vector<512x1xf32>
    %convert_element_type3A_84 = arith.fptosi %broadcast_in_dim3A_22 : vector<512x1xf32> to vector<512x1xi32>
    %swap3A = arith.constant 0 : index
    %swap3A_85 = arith.constant 0 : index
    %swap3A_86 = vector.load %arg3[%swap3A, %swap3A_85] : memref<512x1xi32, #tpu.memory_space<vmem>>, vector<512x1xi32>
    tpu.vector_store %arg3[%swap3A, %swap3A_85], %convert_element_type3A_84 {strides = array<i32>} : memref<512x1xi32, #tpu.memory_space<vmem>>, vector<512x1xi32>,
    %convert_element_type3A_87 = arith.fptosi %broadcast_in_dim3A_45 : vector<512x1xf32> to vector<512x1xi32>
    %swap3A_88 = arith.constant 0 : index
    %swap3A_89 = arith.constant 0 : index
    %swap3A_90 = vector.load %arg4[%swap3A_88, %swap3A_89] : memref<512x1xi32, #tpu.memory_space<vmem>>, vector<512x1xi32>
    tpu.vector_store %arg4[%swap3A_88, %swap3A_89], %convert_element_type3A_87 {strides = array<i32>} : memref<512x1xi32, #tpu.memory_space<vmem>>, vector<512x1xi32>,
    %convert_element_type3A_91 = arith.fptosi %broadcast_in_dim3A_71 : vector<512x1xf32> to vector<512x1xi32>
    %swap3A_92 = arith.constant 0 : index
    %swap3A_93 = arith.constant 0 : index
    %swap3A_94 = vector.load %arg5[%swap3A_92, %swap3A_93] : memref<512x1xi32, #tpu.memory_space<vmem>>, vector<512x1xi32>
    tpu.vector_store %arg5[%swap3A_92, %swap3A_93], %convert_element_type3A_91 {strides = array<i32>} : memref<512x1xi32, #tpu.memory_space<vmem>>, vector<512x1xi32>,
    %div3A_95 = arith.divf %div3A_29, %add3A_83 : vector<512x1xf32>
    %swap3A_96 = arith.constant 0 : index
    %swap3A_97 = arith.constant 0 : index
    %swap3A_98 = vector.load %arg6[%swap3A_96, %swap3A_97] : memref<512x1xf32, #tpu.memory_space<vmem>>, vector<512x1xf32>
    tpu.vector_store %arg6[%swap3A_96, %swap3A_97], %div3A_95 {strides = array<i32>} : memref<512x1xf32, #tpu.memory_space<vmem>>, vector<512x1xf32>,
    %div3A_99 = arith.divf %div3A_55, %add3A_83 : vector<512x1xf32>
    %swap3A_100 = arith.constant 0 : index
    %swap3A_101 = arith.constant 0 : index
    %swap3A_102 = vector.load %arg7[%swap3A_100, %swap3A_101] : memref<512x1xf32, #tpu.memory_space<vmem>>, vector<512x1xf32>
    tpu.vector_store %arg7[%swap3A_100, %swap3A_101], %div3A_99 {strides = array<i32>} : memref<512x1xf32, #tpu.memory_space<vmem>>, vector<512x1xf32>,
    %div3A_103 = arith.divf %div3A_81, %add3A_83 : vector<512x1xf32>
    %swap3A_104 = arith.constant 0 : index
    %swap3A_105 = arith.constant 0 : index
    %swap3A_106 = vector.load %arg8[%swap3A_104, %swap3A_105] : memref<512x1xf32, #tpu.memory_space<vmem>>, vector<512x1xf32>
    tpu.vector_store %arg8[%swap3A_104, %swap3A_105], %div3A_103 {strides = array<i32>} : memref<512x1xf32, #tpu.memory_space<vmem>>, vector<512x1xf32>,
    return
  }
  func.func @transform_0(%arg0: i32) -> (i32, i32) {
    %c0_i32 = arith.constant 0 : i32
    %c0_i32_0 = arith.constant 0 : i32
    return %arg0, %c0_i32 : i32, i32
  }
  func.func @transform_1(%arg0: i32) -> (i32, i32) {
    %c0_i32 = arith.constant 0 : i32
    %c0_i32_0 = arith.constant 0 : i32
    %c0_i32_1 = arith.constant 0 : i32
    return %c0_i32, %c0_i32_0 : i32, i32
  }
  func.func @transform_2(%arg0: i32) -> (i32, i32) {
    %c0_i32 = arith.constant 0 : i32
    %c0_i32_0 = arith.constant 0 : i32
    return %arg0, %c0_i32 : i32, i32
  }
  func.func @transform_3(%arg0: i32) -> (i32, i32) {
    %c0_i32 = arith.constant 0 : i32
    %c0_i32_0 = arith.constant 0 : i32
    return %arg0, %c0_i32 : i32, i32
  }
  func.func @transform_4(%arg0: i32) -> (i32, i32) {
    %c0_i32 = arith.constant 0 : i32
    %c0_i32_0 = arith.constant 0 : i32
    return %arg0, %c0_i32 : i32, i32
  }
  func.func @transform_5(%arg0: i32) -> (i32, i32) {
    %c0_i32 = arith.constant 0 : i32
    %c0_i32_0 = arith.constant 0 : i32
    return %arg0, %c0_i32 : i32, i32
  }
  func.func @transform_6(%arg0: i32) -> (i32, i32) {
    %c0_i32 = arith.constant 0 : i32
    %c0_i32_0 = arith.constant 0 : i32
    return %arg0, %c0_i32 : i32, i32
  }
  func.func @transform_7(%arg0: i32) -> (i32, i32) {
    %c0_i32 = arith.constant 0 : i32
    %c0_i32_0 = arith.constant 0 : i32
    return %arg0, %c0_i32 : i32, i32
  }
}

module attributes {stable_mosaic.version = 14 : i64} {
  func.func @_bn_fused_body(%arg0: i32, %arg1: memref<512x64xf32, #tpu.memory_space<vmem>>, %arg2: memref<512x256xf32, #tpu.memory_space<vmem>>, %arg3: memref<512x256xf32, #tpu.memory_space<vmem>>, %arg4: memref<512x256xf32, #tpu.memory_space<vmem>>, %arg5: memref<512x1xf32, #tpu.memory_space<vmem>>, %arg6: memref<512x1xf32, #tpu.memory_space<vmem>>, %arg7: memref<512x1xf32, #tpu.memory_space<vmem>>, %arg8: memref<64x256xf32, #tpu.memory_space<vmem>>, %arg9: memref<256x256xf32, #tpu.memory_space<vmem>>, %arg10: memref<1x256xf32, #tpu.memory_space<vmem>>, %arg11: memref<1x256xf32, #tpu.memory_space<vmem>>, %arg12: memref<1x256xf32, #tpu.memory_space<vmem>>, %arg13: memref<512x256xf32, #tpu.memory_space<vmem>>, %arg14: memref<16384x256xf32, #tpu.memory_space<vmem>>, %arg15: memref<1x256xf32, #tpu.memory_space<vmem>>, %arg16: memref<1x256xf32, #tpu.memory_space<vmem>>) attributes {dimension_semantics = [#tpu.dimension_semantics<arbitrary>], iteration_bounds = array<i64: 64>, scalar_prefetch = 0 : i64, scratch_operands = 3 : i64, tpu.core_type = #tpu.core_type<tc>, window_params = [{transform_indices = @transform_0, window_bounds = array<i64: 512, 64>}, {transform_indices = @transform_1, window_bounds = array<i64: 512, 256>}, {transform_indices = @transform_2, window_bounds = array<i64: 512, 256>}, {transform_indices = @transform_3, window_bounds = array<i64: 512, 256>}, {transform_indices = @transform_4, window_bounds = array<i64: 512, 1>}, {transform_indices = @transform_5, window_bounds = array<i64: 512, 1>}, {transform_indices = @transform_6, window_bounds = array<i64: 512, 1>}, {pipeline_mode = #tpu.pipeline_mode<synchronous>, transform_indices = @transform_7, window_bounds = array<i64: 64, 256>}, {pipeline_mode = #tpu.pipeline_mode<synchronous>, transform_indices = @transform_8, window_bounds = array<i64: 256, 256>}, {pipeline_mode = #tpu.pipeline_mode<synchronous>, transform_indices = @transform_9, window_bounds = array<i64: 1, 256>}, {pipeline_mode = #tpu.pipeline_mode<synchronous>, transform_indices = @transform_10, window_bounds = array<i64: 1, 256>}, {pipeline_mode = #tpu.pipeline_mode<synchronous>, transform_indices = @transform_11, window_bounds = array<i64: 1, 256>}, {transform_indices = @transform_12, window_bounds = array<i64: 512, 256>}]} {
    %eq3A = arith.constant 0 : i32
    %eq3A_0 = arith.cmpi eq, %arg0, %eq3A : i32
    %convert_element_type3A = arith.extui %eq3A_0 : i1 to i32
    %cond3A = arith.constant 0 : i32
    %cond3A_1 = arith.cmpi ne, %convert_element_type3A, %cond3A : i32
    scf.if %cond3A_1 {
      %broadcast_in_dim3A = arith.constant 0.000000e+00 : f32
      %broadcast_in_dim3A_10 = vector.broadcast %broadcast_in_dim3A : f32 to vector<1x256xf32>
      %swap3A = arith.constant 0 : index
      %swap3A_11 = arith.constant 0 : index
      %swap3A_12 = vector.load %arg15[%swap3A, %swap3A_11] : memref<1x256xf32, #tpu.memory_space<vmem>>, vector<1x256xf32>
      tpu.vector_store %arg15[%swap3A, %swap3A_11], %broadcast_in_dim3A_10 {strides = array<i32>} : memref<1x256xf32, #tpu.memory_space<vmem>>, vector<1x256xf32>,
      %broadcast_in_dim3A_13 = arith.constant 0.000000e+00 : f32
      %broadcast_in_dim3A_14 = vector.broadcast %broadcast_in_dim3A_13 : f32 to vector<1x256xf32>
      %swap3A_15 = arith.constant 0 : index
      %swap3A_16 = arith.constant 0 : index
      %swap3A_17 = vector.load %arg16[%swap3A_15, %swap3A_16] : memref<1x256xf32, #tpu.memory_space<vmem>>, vector<1x256xf32>
      tpu.vector_store %arg16[%swap3A_15, %swap3A_16], %broadcast_in_dim3A_14 {strides = array<i32>} : memref<1x256xf32, #tpu.memory_space<vmem>>, vector<1x256xf32>,
    } else {
    }
    %lt3A = arith.constant 32 : i32
    %lt3A_2 = arith.cmpi slt, %arg0, %lt3A : i32
    %convert_element_type3A_3 = arith.extui %lt3A_2 : i1 to i32
    %cond3A_4 = arith.constant 0 : i32
    %cond3A_5 = arith.cmpi ne, %convert_element_type3A_3, %cond3A_4 : i32
    scf.if %cond3A_5 {
      %get3A = arith.constant 0 : index
      %get3A_10 = arith.constant 0 : index
      %get3A_11 = vector.load %arg5[%get3A, %get3A_10] : memref<512x1xf32, #tpu.memory_space<vmem>>, vector<512x1xf32>
      %get3A_12 = arith.constant 0 : index
      %get3A_13 = arith.constant 0 : index
      %get3A_14 = vector.load %arg2[%get3A_12, %get3A_13] : memref<512x256xf32, #tpu.memory_space<vmem>>, vector<512x256xf32>
      %mul3A = vector.broadcast %get3A_11 : vector<512x1xf32> to vector<512x256xf32>
      %mul3A_15 = arith.mulf %mul3A, %get3A_14 : vector<512x256xf32>
      %get3A_16 = arith.constant 0 : index
      %get3A_17 = arith.constant 0 : index
      %get3A_18 = vector.load %arg6[%get3A_16, %get3A_17] : memref<512x1xf32, #tpu.memory_space<vmem>>, vector<512x1xf32>
      %get3A_19 = arith.constant 0 : index
      %get3A_20 = arith.constant 0 : index
      %get3A_21 = vector.load %arg3[%get3A_19, %get3A_20] : memref<512x256xf32, #tpu.memory_space<vmem>>, vector<512x256xf32>
      %mul3A_22 = vector.broadcast %get3A_18 : vector<512x1xf32> to vector<512x256xf32>
      %mul3A_23 = arith.mulf %mul3A_22, %get3A_21 : vector<512x256xf32>
      %add3A = arith.addf %mul3A_15, %mul3A_23 : vector<512x256xf32>
      %get3A_24 = arith.constant 0 : index
      %get3A_25 = arith.constant 0 : index
      %get3A_26 = vector.load %arg7[%get3A_24, %get3A_25] : memref<512x1xf32, #tpu.memory_space<vmem>>, vector<512x1xf32>
      %get3A_27 = arith.constant 0 : index
      %get3A_28 = arith.constant 0 : index
      %get3A_29 = vector.load %arg4[%get3A_27, %get3A_28] : memref<512x256xf32, #tpu.memory_space<vmem>>, vector<512x256xf32>
      %mul3A_30 = vector.broadcast %get3A_26 : vector<512x1xf32> to vector<512x256xf32>
      %mul3A_31 = arith.mulf %mul3A_30, %get3A_29 : vector<512x256xf32>
      %add3A_32 = arith.addf %add3A, %mul3A_31 : vector<512x256xf32>
      %get3A_33 = arith.constant 0 : index
      %get3A_34 = arith.constant 0 : index
      %get3A_35 = vector.load %arg1[%get3A_33, %get3A_34] : memref<512x64xf32, #tpu.memory_space<vmem>>, vector<512x64xf32>
      %get3A_36 = arith.constant 0 : index
      %get3A_37 = arith.constant 0 : index
      %get3A_38 = vector.load %arg8[%get3A_36, %get3A_37] : memref<64x256xf32, #tpu.memory_space<vmem>>, vector<64x256xf32>
      %dot_general3A = arith.constant dense<0.000000e+00> : vector<512x256xf32>
      %dot_general3A_39 = tpu.matmul %get3A_35, %get3A_38, %dot_general3A {dimension_numbers = #tpu.dot_dimension_numbers<[1], [0], [0], [1], [0, 0, 1, 1], [], []>, transpose_lhs_hint = false} : vector<512x64xf32>, vector<64x256xf32>, vector<512x256xf32> -> vector<512x256xf32>
      %get3A_40 = arith.constant 0 : index
      %get3A_41 = arith.constant 0 : index
      %get3A_42 = vector.load %arg9[%get3A_40, %get3A_41] : memref<256x256xf32, #tpu.memory_space<vmem>>, vector<256x256xf32>
      %dot_general3A_43 = arith.constant dense<0.000000e+00> : vector<512x256xf32>
      %dot_general3A_44 = tpu.matmul %add3A_32, %get3A_42, %dot_general3A_43 {dimension_numbers = #tpu.dot_dimension_numbers<[1], [0], [0], [1], [0, 0, 1, 1], [], []>, transpose_lhs_hint = false} : vector<512x256xf32>, vector<256x256xf32>, vector<512x256xf32> -> vector<512x256xf32>
      %add3A_45 = arith.addf %dot_general3A_39, %dot_general3A_44 : vector<512x256xf32>
      %get3A_46 = arith.constant 0 : index
      %get3A_47 = arith.constant 0 : index
      %get3A_48 = vector.load %arg10[%get3A_46, %get3A_47] : memref<1x256xf32, #tpu.memory_space<vmem>>, vector<1x256xf32>
      %add3A_49 = vector.broadcast %get3A_48 : vector<1x256xf32> to vector<512x256xf32>
      %add3A_50 = arith.addf %add3A_45, %add3A_49 : vector<512x256xf32>
      %mul3A_51 = arith.constant 512 : i32
      %mul3A_52 = arith.muli %arg0, %mul3A_51 : i32
      %swap3A = arith.index_cast %mul3A_52 : i32 to index
      %swap3A_53 = arith.constant 0 : index
      %swap3A_54 = vector.load %arg14[%swap3A, %swap3A_53] : memref<16384x256xf32, #tpu.memory_space<vmem>>, vector<512x256xf32>
      tpu.vector_store %arg14[%swap3A, %swap3A_53], %add3A_50 {strides = array<i32>} : memref<16384x256xf32, #tpu.memory_space<vmem>>, vector<512x256xf32>,
      %get3A_55 = arith.constant 0 : index
      %get3A_56 = arith.constant 0 : index
      %get3A_57 = vector.load %arg15[%get3A_55, %get3A_56] : memref<1x256xf32, #tpu.memory_space<vmem>>, vector<1x256xf32>
      %reduce_sum3A = arith.constant dense<0.000000e+00> : vector<256xf32>
      %reduce_sum3A_58 = vector.multi_reduction <add>, %add3A_50, %reduce_sum3A [0] : vector<512x256xf32> to vector<256xf32>
      %broadcast_in_dim3A = vector.shape_cast %reduce_sum3A_58 : vector<256xf32> to vector<1x256xf32>
      %add3A_59 = arith.addf %get3A_57, %broadcast_in_dim3A : vector<1x256xf32>
      %swap3A_60 = arith.constant 0 : index
      %swap3A_61 = arith.constant 0 : index
      %swap3A_62 = vector.load %arg15[%swap3A_60, %swap3A_61] : memref<1x256xf32, #tpu.memory_space<vmem>>, vector<1x256xf32>
      tpu.vector_store %arg15[%swap3A_60, %swap3A_61], %add3A_59 {strides = array<i32>} : memref<1x256xf32, #tpu.memory_space<vmem>>, vector<1x256xf32>,
      %get3A_63 = arith.constant 0 : index
      %get3A_64 = arith.constant 0 : index
      %get3A_65 = vector.load %arg16[%get3A_63, %get3A_64] : memref<1x256xf32, #tpu.memory_space<vmem>>, vector<1x256xf32>
      %mul3A_66 = arith.mulf %add3A_50, %add3A_50 : vector<512x256xf32>
      %reduce_sum3A_67 = arith.constant dense<0.000000e+00> : vector<256xf32>
      %reduce_sum3A_68 = vector.multi_reduction <add>, %mul3A_66, %reduce_sum3A_67 [0] : vector<512x256xf32> to vector<256xf32>
      %broadcast_in_dim3A_69 = vector.shape_cast %reduce_sum3A_68 : vector<256xf32> to vector<1x256xf32>
      %add3A_70 = arith.addf %get3A_65, %broadcast_in_dim3A_69 : vector<1x256xf32>
      %swap3A_71 = arith.constant 0 : index
      %swap3A_72 = arith.constant 0 : index
      %swap3A_73 = vector.load %arg16[%swap3A_71, %swap3A_72] : memref<1x256xf32, #tpu.memory_space<vmem>>, vector<1x256xf32>
      tpu.vector_store %arg16[%swap3A_71, %swap3A_72], %add3A_70 {strides = array<i32>} : memref<1x256xf32, #tpu.memory_space<vmem>>, vector<1x256xf32>,
    } else {
    }
    %ge3A = arith.constant 32 : i32
    %ge3A_6 = arith.cmpi sge, %arg0, %ge3A : i32
    %convert_element_type3A_7 = arith.extui %ge3A_6 : i1 to i32
    %cond3A_8 = arith.constant 0 : i32
    %cond3A_9 = arith.cmpi ne, %convert_element_type3A_7, %cond3A_8 : i32
    scf.if %cond3A_9 {
      %sub3A = arith.constant 32 : i32
      %sub3A_10 = arith.subi %arg0, %sub3A : i32
      %get3A = arith.constant 0 : index
      %get3A_11 = arith.constant 0 : index
      %get3A_12 = vector.load %arg15[%get3A, %get3A_11] : memref<1x256xf32, #tpu.memory_space<vmem>>, vector<1x256xf32>
      %mul3A = arith.constant 6.10351563E-5 : f32
      %mul3A_13 = vector.broadcast %mul3A : f32 to vector<1x256xf32>
      %mul3A_14 = arith.mulf %get3A_12, %mul3A_13 : vector<1x256xf32>
      %get3A_15 = arith.constant 0 : index
      %get3A_16 = arith.constant 0 : index
      %get3A_17 = vector.load %arg16[%get3A_15, %get3A_16] : memref<1x256xf32, #tpu.memory_space<vmem>>, vector<1x256xf32>
      %mul3A_18 = arith.constant 6.10351563E-5 : f32
      %mul3A_19 = vector.broadcast %mul3A_18 : f32 to vector<1x256xf32>
      %mul3A_20 = arith.mulf %get3A_17, %mul3A_19 : vector<1x256xf32>
      %mul3A_21 = arith.mulf %mul3A_14, %mul3A_14 : vector<1x256xf32>
      %sub3A_22 = arith.subf %mul3A_20, %mul3A_21 : vector<1x256xf32>
      %get3A_23 = arith.constant 0 : index
      %get3A_24 = arith.constant 0 : index
      %get3A_25 = vector.load %arg11[%get3A_23, %get3A_24] : memref<1x256xf32, #tpu.memory_space<vmem>>, vector<1x256xf32>
      %add3A = arith.constant 9.99999974E-6 : f32
      %add3A_26 = vector.broadcast %add3A : f32 to vector<1x256xf32>
      %add3A_27 = arith.addf %sub3A_22, %add3A_26 : vector<1x256xf32>
      %sqrt3A = math.sqrt %add3A_27 : vector<1x256xf32>
      %div3A = arith.divf %get3A_25, %sqrt3A : vector<1x256xf32>
      %get3A_28 = arith.constant 0 : index
      %get3A_29 = arith.constant 0 : index
      %get3A_30 = vector.load %arg12[%get3A_28, %get3A_29] : memref<1x256xf32, #tpu.memory_space<vmem>>, vector<1x256xf32>
      %mul3A_31 = arith.mulf %mul3A_14, %div3A : vector<1x256xf32>
      %sub3A_32 = arith.subf %get3A_30, %mul3A_31 : vector<1x256xf32>
      %mul3A_33 = arith.constant 512 : i32
      %mul3A_34 = arith.muli %sub3A_10, %mul3A_33 : i32
      %get3A_35 = arith.index_cast %mul3A_34 : i32 to index
      %get3A_36 = arith.constant 0 : index
      %get3A_37 = vector.load %arg14[%get3A_35, %get3A_36] : memref<16384x256xf32, #tpu.memory_space<vmem>>, vector<512x256xf32>
      %mul3A_38 = vector.broadcast %div3A : vector<1x256xf32> to vector<512x256xf32>
      %mul3A_39 = arith.mulf %get3A_37, %mul3A_38 : vector<512x256xf32>
      %add3A_40 = vector.broadcast %sub3A_32 : vector<1x256xf32> to vector<512x256xf32>
      %add3A_41 = arith.addf %mul3A_39, %add3A_40 : vector<512x256xf32>
      %max3A = arith.constant 0.000000e+00 : f32
      %max3A_42 = vector.broadcast %max3A : f32 to vector<512x256xf32>
      %max3A_43 = arith.maximumf %add3A_41, %max3A_42 : vector<512x256xf32>
      %swap3A = arith.constant 0 : index
      %swap3A_44 = arith.constant 0 : index
      %swap3A_45 = vector.load %arg13[%swap3A, %swap3A_44] : memref<512x256xf32, #tpu.memory_space<vmem>>, vector<512x256xf32>
      tpu.vector_store %arg13[%swap3A, %swap3A_44], %max3A_43 {strides = array<i32>} : memref<512x256xf32, #tpu.memory_space<vmem>>, vector<512x256xf32>,
    } else {
    }
    return
  }
  func.func @transform_0(%arg0: i32) -> (i32, i32) {
    %lt3A = arith.constant 32 : i32
    %lt3A_0 = arith.cmpi slt, %arg0, %lt3A : i32
    %jit3A = arith.constant 0 : i32
    %select_n3A = arith.select %lt3A_0, %arg0, %jit3A : i32
    %c0_i32 = arith.constant 0 : i32
    %c0_i32_1 = arith.constant 0 : i32
    return %select_n3A, %c0_i32 : i32, i32
  }
  func.func @transform_1(%arg0: i32) -> (i32, i32) {
    %lt3A = arith.constant 32 : i32
    %lt3A_0 = arith.cmpi slt, %arg0, %lt3A : i32
    %jit3A = arith.constant 0 : i32
    %select_n3A = arith.select %lt3A_0, %arg0, %jit3A : i32
    %c0_i32 = arith.constant 0 : i32
    %c0_i32_1 = arith.constant 0 : i32
    return %select_n3A, %c0_i32 : i32, i32
  }
  func.func @transform_2(%arg0: i32) -> (i32, i32) {
    %lt3A = arith.constant 32 : i32
    %lt3A_0 = arith.cmpi slt, %arg0, %lt3A : i32
    %jit3A = arith.constant 0 : i32
    %select_n3A = arith.select %lt3A_0, %arg0, %jit3A : i32
    %c0_i32 = arith.constant 0 : i32
    %c0_i32_1 = arith.constant 0 : i32
    return %select_n3A, %c0_i32 : i32, i32
  }
  func.func @transform_3(%arg0: i32) -> (i32, i32) {
    %lt3A = arith.constant 32 : i32
    %lt3A_0 = arith.cmpi slt, %arg0, %lt3A : i32
    %jit3A = arith.constant 0 : i32
    %select_n3A = arith.select %lt3A_0, %arg0, %jit3A : i32
    %c0_i32 = arith.constant 0 : i32
    %c0_i32_1 = arith.constant 0 : i32
    return %select_n3A, %c0_i32 : i32, i32
  }
  func.func @transform_4(%arg0: i32) -> (i32, i32) {
    %lt3A = arith.constant 32 : i32
    %lt3A_0 = arith.cmpi slt, %arg0, %lt3A : i32
    %jit3A = arith.constant 0 : i32
    %select_n3A = arith.select %lt3A_0, %arg0, %jit3A : i32
    %c0_i32 = arith.constant 0 : i32
    %c0_i32_1 = arith.constant 0 : i32
    return %select_n3A, %c0_i32 : i32, i32
  }
  func.func @transform_5(%arg0: i32) -> (i32, i32) {
    %lt3A = arith.constant 32 : i32
    %lt3A_0 = arith.cmpi slt, %arg0, %lt3A : i32
    %jit3A = arith.constant 0 : i32
    %select_n3A = arith.select %lt3A_0, %arg0, %jit3A : i32
    %c0_i32 = arith.constant 0 : i32
    %c0_i32_1 = arith.constant 0 : i32
    return %select_n3A, %c0_i32 : i32, i32
  }
  func.func @transform_6(%arg0: i32) -> (i32, i32) {
    %lt3A = arith.constant 32 : i32
    %lt3A_0 = arith.cmpi slt, %arg0, %lt3A : i32
    %jit3A = arith.constant 0 : i32
    %select_n3A = arith.select %lt3A_0, %arg0, %jit3A : i32
    %c0_i32 = arith.constant 0 : i32
    %c0_i32_1 = arith.constant 0 : i32
    return %select_n3A, %c0_i32 : i32, i32
  }
  func.func @transform_7(%arg0: i32) -> (i32, i32) {
    %c0_i32 = arith.constant 0 : i32
    %c0_i32_0 = arith.constant 0 : i32
    %c0_i32_1 = arith.constant 0 : i32
    return %c0_i32, %c0_i32_0 : i32, i32
  }
  func.func @transform_8(%arg0: i32) -> (i32, i32) {
    %c0_i32 = arith.constant 0 : i32
    %c0_i32_0 = arith.constant 0 : i32
    %c0_i32_1 = arith.constant 0 : i32
    return %c0_i32, %c0_i32_0 : i32, i32
  }
  func.func @transform_9(%arg0: i32) -> (i32, i32) {
    %c0_i32 = arith.constant 0 : i32
    %c0_i32_0 = arith.constant 0 : i32
    %c0_i32_1 = arith.constant 0 : i32
    return %c0_i32, %c0_i32_0 : i32, i32
  }
  func.func @transform_10(%arg0: i32) -> (i32, i32) {
    %c0_i32 = arith.constant 0 : i32
    %c0_i32_0 = arith.constant 0 : i32
    %c0_i32_1 = arith.constant 0 : i32
    return %c0_i32, %c0_i32_0 : i32, i32
  }
  func.func @transform_11(%arg0: i32) -> (i32, i32) {
    %c0_i32 = arith.constant 0 : i32
    %c0_i32_0 = arith.constant 0 : i32
    %c0_i32_1 = arith.constant 0 : i32
    return %c0_i32, %c0_i32_0 : i32, i32
  }
  func.func @transform_12(%arg0: i32) -> (i32, i32) {
    %lt3A = arith.constant 32 : i32
    %lt3A_0 = arith.cmpi slt, %arg0, %lt3A : i32
    %sub3A = arith.constant 32 : i32
    %sub3A_1 = arith.subi %arg0, %sub3A : i32
    %jit3A = arith.constant 0 : i32
    %select_n3A = arith.select %lt3A_0, %jit3A, %sub3A_1 : i32
    %c0_i32 = arith.constant 0 : i32
    %c0_i32_2 = arith.constant 0 : i32
    return %select_n3A, %c0_i32 : i32, i32
  }
}

</mosaic_0001>

<sc_bundles>
// kernel: kernel.5.cloned.1.call-start
scs
__scs_entry_jumppad:
0x0: {  	(pc) =	sbr.rel $0x88, $3  }
0x1: {  	(tag) =	ssettag $0x0;
	lr =	simm.s32 $0x1  }
0x2: {  	[smem:$0x3F98] =	sst lr;
	_ =	strace $0xD0000000  }
0x3: {  	_ = 	snop  }
0x4: {  	_ = 	snop  }
0x5: {  	_ = 	snop  }
0x6: {  	_ = 	snop  }
0x7: {  	_ = 	snop  }
__scs_overlays_trampoline_lowered:
0x8: {  	[smem:$0x3FA7] =	sst s0  }
0x9: {  	[smem:$0x3FA8] =	sst s1  }
0xa: {  	[smem:$0x3FA9] =	sst s2  }
0xb: {  	[smem:$0x3FAA] =	sst s3  }
0xc: {  	[smem:$0x3FAB] =	sst s4  }
0xd: {  	[smem:$0x3FAC] =	sst s5  }
0xe: {  	[smem:$0x3FAD] =	sst s6  }
0xf: {  	[smem:$0x3FAE] =	sst s7  }
0x10: {  	[smem:$0x3FAF] =	sst s8  }
0x11: {  	[smem:$0x3FB0] =	sst s9;
	s0 =	simm.s32 @!p0 $0x0  }
0x12: {  	s1 =	sld [smem:$0x3F96];
	s0 =	simm.s32 @p0 $0x1  }
0x13: {  	[smem:$0x3FB1] =	sst s0;
	s0 =	simm.s32 @!p1 $0x0  }
0x14: {  	s2 =	sld [smem:$0x3F95];
	s0 =	simm.s32 @p1 $0x1  }
0x15: {  	[smem:$0x3FB2] =	sst s0;
	s0 =	simm.s32 @!p2 $0x0  }
0x16: {  	s3 =	sld [smem:$0x3FDB];
	s0 =	simm.s32 @p2 $0x1  }
0x17: {  	s4 =	simm.s32 $0x1BF5;
	[smem:$0x3FB4] =	sst s0  }
0x18: {  	s0 =	sld [smem:$0x3F97];
	_ =	swait.ge [sflag:s4], $0x0  }
0x19: {  	s7 =	sld [smem:$0x3F98]  }
0x1a: {  	s8 =	sadd.s32 $0xFFFFE003, lr  }
0x1b: {  	s9 =	sadd.s32 $0xFFFFFEF7, lr;
	s5 =	simm.s32 $0xFFFFFFFF;
	p2 =	slt.u32 s8, $0xFFFFF086  }
0x1c: {  	p1 =	slt.u32 s9, $0xF7A;
	s5 =	simm.s32 @!p2 $0x0  }
0x1d: {  	s5 =	simm.s32 @p1 $0x1;
	p0 =	seq.s32 s7, s2  }
0x1e: {  	s7 =	smul.u32 @!p0 $0xF7A, s2;
	p2 =	seq.s32 @!p0 s5, $0x0  }
0x1f: {  	s9 =	smul.u32 $0xF7A, s1;
	s8 =	simm.s32 @!p0 $0x1BF5;
	p2 =	por !p2, p0  }
0x20: {  	[sflag:s8] =	ssyncset.s32 @!p0 $0xFFFFF086;
	s6 =	sadd.s32 @!p0 s3, s7;
	s7 =	simm.s32 @!p0 $0x108  }
0x21: {  	s3 =	sadd.s32 s3, s9;
	s6 =	sadd.s32 @!p0 $0x88, s6;
	s7 =	simm.s32 @p2 $0x1082  }
0x22: {  	[simem:s7], [sflag:s8] =	dma.local @!p0 [hbm:s6], $0xF7A  }
0x23: {  	s9 =	sor.u32 $0xD0000000, s2;
	s6 =	simm.s32 $0x108;
	_ =	swait.ge @!p0 [sflag:s8], $0x0  }
0x24: {  	s3 =	sadd.s32 $0x88, s3;
	s6 =	simm.s32 @!p1 $0x1082;
	[sflag:s4] =	ssyncset.s32 $0xFFFFF086  }
0x25: {  	[simem:s6], [sflag:s4] =	dma.local [hbm:s3], $0xF7A  }
0x26: {  	[smem:$0x3F98] =	sst s1;
	(tag) =	ssettag s2;
	_ =	strace s9  }
0x27: {  	s1 =	sld [smem:$0x3FA8]  }
0x28: {  	s2 =	sld [smem:$0x3FA9]  }
0x29: {  	s4 =	sld [smem:$0x3FAB]  }
0x2a: {  	p0 =	seq.s32 s5, $0x0;
	s5 =	sld [smem:$0x3FAC]  }
0x2b: {  	s6 =	sld [smem:$0x3FAD]  }
0x2c: {  	s7 =	sld [smem:$0x3FAE]  }
0x2d: {  	s3 =	simm.s32 $0x108;
	s8 =	sld [smem:$0x3FAF]  }
0x2e: {  	s3 =	simm.s32 @!p0 $0x1082;
	s9 =	sld [smem:$0x3FB0]  }
0x2f: {  	lr =	sadd.s32 s0, s3;
	s0 =	sld [smem:$0x3FA7]  }
0x30: {  	s3 =	sld [smem:$0x3FAA]  }
0x31: {  	[smem:$0x3FB3] =	sst s10  }
0x32: {  	s10 =	sld [smem:$0x3FB1];
	_ =	sdelay $0x3  }
0x33: {  	p0 =	seq.s32 s10, $0x1;
	s10 =	sld [smem:$0x3FB3];
	_ =	sdelay $0x3  }
0x34: {  	[smem:$0x3FB3] =	sst s10  }
0x35: {  	s10 =	sld [smem:$0x3FB2];
	_ =	sdelay $0x3  }
0x36: {  	p1 =	seq.s32 s10, $0x1;
	s10 =	sld [smem:$0x3FB3];
	_ =	sdelay $0x3  }
0x37: {  	[smem:$0x3FB3] =	sst s10  }
0x38: {  	s10 =	sld [smem:$0x3FB4]  }
0x39: {  	_ = 	snop;
	(pc) =	sbr.ind lr, $3  }
0x3a: {  	_ = 	snop  }
0x3b: {  	_ = 	snop  }
0x3c: {  	p2 =	seq.s32 s10, $0x1;
	s10 =	sld [smem:$0x3FB3]  }
0x3d: {  	_ =	shalt  }
0x3e: {  	_ =	shalt  }
0x3f: {  	_ =	shalt  }
0x40: {  	_ =	shalt  }
0x41: {  	_ =	shalt  }
0x42: {  	_ =	shalt  }
0x43: {  	_ =	shalt  }
0x44: {  	_ =	shalt  }
0x45: {  	_ =	shalt  }
0x46: {  	_ =	shalt  }
0x47: {  	_ =	shalt  }
0x48: {  	_ =	shalt  }
0x49: {  	_ =	shalt  }
0x4a: {  	_ =	shalt  }
0x4b: {  	_ =	shalt  }
0x4c: {  	_ =	shalt  }
0x4d: {  	_ =	shalt  }
0x4e: {  	_ =	shalt  }
0x4f: {  	_ =	shalt  }
0x50: {  	_ =	shalt  }
0x51: {  	_ =	shalt  }
0x52: {  	_ =	shalt  }
0x53: {  	_ =	shalt  }
0x54: {  	_ =	shalt  }
0x55: {  	_ =	shalt  }
0x56: {  	_ =	shalt  }
0x57: {  	_ =	shalt  }
0x58: {  	_ =	shalt  }
0x59: {  	_ =	shalt  }
0x5a: {  	_ =	shalt  }
0x5b: {  	_ =	shalt  }
0x5c: {  	_ =	shalt  }
0x5d: {  	_ =	shalt  }
0x5e: {  	_ =	shalt  }
0x5f: {  	_ =	shalt  }
0x60: {  	_ =	shalt  }
0x61: {  	_ =	shalt  }
0x62: {  	_ =	shalt  }
0x63: {  	_ =	shalt  }
0x64: {  	_ =	shalt  }
0x65: {  	_ =	shalt  }
0x66: {  	_ =	shalt  }
0x67: {  	_ =	shalt  }
0x68: {  	_ =	shalt  }
0x69: {  	_ =	shalt  }
0x6a: {  	_ =	shalt  }
0x6b: {  	_ =	shalt  }
0x6c: {  	_ =	shalt  }
0x6d: {  	_ =	shalt  }
0x6e: {  	_ =	shalt  }
0x6f: {  	_ =	shalt  }
0x70: {  	_ =	shalt  }
0x71: {  	_ =	shalt  }
0x72: {  	_ =	shalt  }
0x73: {  	_ =	shalt  }
0x74: {  	_ =	shalt  }
0x75: {  	_ =	shalt  }
0x76: {  	_ =	shalt  }
0x77: {  	_ =	shalt  }
0x78: {  	_ =	shalt  }
0x79: {  	_ =	shalt  }
0x7a: {  	_ =	shalt  }
0x7b: {  	_ =	shalt  }
0x7c: {  	_ =	shalt  }
0x7d: {  	_ =	shalt  }
0x7e: {  	_ =	shalt  }
0x7f: {  	_ =	shalt  }
0x80: {  	_ =	shalt  }
0x81: {  	_ =	shalt  }
0x82: {  	_ =	shalt  }
0x83: {  	_ =	shalt  }
0x84: {  	_ =	shalt  }
0x85: {  	_ =	shalt  }
0x86: {  	_ =	shalt  }
0x87: {  	_ =	shalt  }
.Lfunc_end0:
.L_simem_size_0:
called_computation_lowered:
.L_overlay_start_0:
0x88: {  	s2 =	sld [smem:$0x3FD9]  }
0x89: {  	s3 =	sld [smem:$0x3FFE];
	_ =	sdelay $0x1  }
0x8a: {  	s1 =	srdreg.scid  }
0x8b: {  	s0 =	sand.u32 $0x1, s1  }
0x8c: {  	s14 =	sshll.u32 s0, $0xA;
	s2 =	sadd.s32 s3, s2  }
0x8d: {  	s2 =	sadd.s32 s2, s14  }
0x8e: {  	[smem:$0x3FBF] =	sst s2  }
0x8f: {  	_ = 	snop  }
0x90: {  	s2 =	sld [smem:$0x3FD0];
	_ =	sdelay $0x2  }
0x91: {  	s4 =	simm.s32 $0xA;
	s5 =	simm.s32 $0x10;
	s15 =	sld [smem:$0x3FC5]  }
0x92: {  	[smem:s5], [sflag:s4] =	dma.local [hbm:s2], $0x1  }
0x93: {  	_ =	swait.eq [sflag:s4], $0x1  }
0x94: {  	[sflag:s4] =	ssyncset.done $0x0  }
0x95: {  	s16 =	sld [smem:$0x10];
	[sflag:s4] =	ssyncadd.s32 $0xFFFFFFFF  }
0x96: {  	s17 =	sld [smem:$0x11];
	(tm) =	ssettm $0x1  }
0x97: {  	s18 =	sld [smem:$0x3FFB];
	_ =	sdelay $0x3  }
0x98: {  	_ =	strace s18  }
0x99: {  	s5 =	sld [smem:$0x3FFC];
	_ =	sdelay $0x3  }
0x9a: {  	_ =	strace s5  }
0x9b: {  	s5 =	sld [smem:$0x3FFD];
	_ =	sdelay $0x3  }
0x9c: {  	_ =	strace s5  }
0x9d: {  	_ =	strace $0x8FFFFFFF  }
0x9e: {  	s19 =	sld [smem:$0x3FDB];
	_ =	sdelay $0x1  }
0x9f: {  	s6 =	simm.s32 $_scs_section_size  }
0xa0: {  	s7 =	simm.s32 $_size__tile_overlayer_lowered;
	s8 =	simm.s32 $_tile_overlayer_lowered  }
0xa1: {  	s22 =	simm.s32 $0x1BFF;
	s21 =	sshll.u32 s8, $0x1;
	s5 =	sadd.s32 s6, s19  }
0xa2: {  	s9 =	simm.s32 $0x0;
	s20 =	sshll.u32 s7, $0x1;
	s7 =	sadd.s32 s21, s5  }
0xa3: {  	[timem:s9], [sflag:s22] =	dma.local [hbm:s7], s20  }
0xa4: {  	_ =	swait.ge [sflag:s22], s20  }
0xa5: {  	s6 =	ssub.s32 $0x0, s20;
	[sflag:s22] =	ssyncset.done $0x0  }
0xa6: {  	[sflag:s22] =	ssyncadd.s32 s6;
	_ =	sdelay $0x1  }
0xa7: {  	s23 =	simm.s32 $0x1B8B  }
0xa8: {  	_ =	swait.ge [sflag:s23], $0x1  }
0xa9: {  	[sflag:s23] =	ssyncset.done $0x0  }
0xaa: {  	s25 =	simm.s32 $0x1B8E;
	s24 =	sld [smem:$0x3FFE];
	[sflag:s23] =	ssyncadd.s32 $0xFFFFFFFF  }
0xab: {  	s26 =	simm.s32 $execute0_lowered;
	[smem:$0x3FD2] =	sst s25  }
0xac: {  	s7 =	sshll.u32 s26, $0x1;
	_ =	strace $0x80000046;
	[dreg:$0x1] =	wrdreg $0xFFFFFFFF  }
0xad: {  	s28 =	simm.s32 $_size_execute0_lowered;
	s5 =	sadd.s32 s5, s7;
	[dreg:$0x0] =	wrdreg $0x0  }
0xae: {  	s7 =	sshll.u32 s28, $0x1;
	[dreg:$0x2] =	wrdreg s5  }
0xaf: {  	[dreg:$0x3] =	wrdreg s7  }
0xb0: {  	[dreg:$0x4] =	wrdreg $0xC0  }
0xb1: {  	_ =	task [dreg:s9], $0x5FFFF  }
0xb2: {  	[dreg:$0x1] =	wrdreg $0xFFFFFFFF  }
0xb3: {  	[dreg:$0x0] =	wrdreg $0x60  }
0xb4: {  	[dreg:$0x2] =	wrdreg s15  }
0xb5: {  	[dreg:$0x3] =	wrdreg s16  }
0xb6: {  	[dreg:$0x4] =	wrdreg s17  }
0xb7: {  	[dreg:$0x5] =	wrdreg s24  }
0xb8: {  	[dreg:$0x6] =	wrdreg $0x9  }
0xb9: {  	_ =	task.clear_ibuf [dreg:s9], $0x7FFFF;
	_ =	strace $0x90000046  }
0xba: {  	s29 =	simm.s32 $0x9;
	_ =	strace $0x80000048  }
0xbb: {  	_ =	swait.ge [sflag:s29], $0x1  }
0xbc: {  	[sflag:s29] =	ssyncadd.s32 $0xFFFFFFFF  }
0xbd: {  	_ =	strace $0x90000048  }
0xbe: {  	_ =	sfence  }
0xbf: {  	s30 =	sld [smem:$0x0];
	_ =	sdelay $0x2  }
0xc0: {  	s31 =	sshll.u32 s1, $0xD;
	s1 =	sshrl.u32 s1, $0x2  }
0xc1: {  	s3 =	sand.u32 $0x4000, s31;
	s1 =	sadd.s32 s1, s30  }
0xc2: {  	s0 =	sor.u32 s3, s0;
	s1 =	sshll.u32 s1, $0x11  }
0xc3: {  	s0 =	sor.u32 s1, s0  }
0xc4: {  	s0 =	sadd.s32 $0x8F2B, s0  }
0xc5: {  	[sflag:s0] =	ssyncadd.remote.s32 $0x1  }
0xc6: {  	_ =	sfence.sel $0xFFFF  }
0xc7: {  	[dreg:$0x0] =	wrdreg $0xFFFFFFFF;
	(pc) =	sbr.abs _section_cstart, $3  }
0xc8: {  	[dreg:$0x1] =	wrdreg $0xFFFFFFFF  }
0xc9: {  	_ =	task.clear_ibuf [dreg:s9], $0x2FFFF;
	_ =	strace $0x9FFFFFFF  }
0xca: {  	(tm) =	ssettm $0x7FFFFFFF  }
0xcb: {  	_ =	shalt  }
tec
execute0_lowered:
.L_overlay_start_1:
0x0: {  	(tag) =	ssettag $0x1  }
0x1: {  	s1 =	rddreg [dreg:$0x0];
	s0 =	srdreg.scid  }
0x2: {  	s2 =	rddreg [dreg:$0x1];
	s3 =	stileid.u32;
	s0 =	sand.u32 $0x1, s0  }
0x3: {  	s4 =	rddreg [dreg:$0x2];
	s5 =	sshll.u32 s3, $0xA;
	s6 =	sshll.u32 s0, $0x9  }
0x4: {  	s8 =	rddreg [dreg:$0x3];
	s3 =	simm.s32 $0x0;
	s9 =	sor.u32 s6, s5  }
0x5: {  	s7 =	sadd.s32 $0x1800, s8;
	[smem:$0x7FF] =	sst s3;
	s5 =	sshrl.u32 s9, $0x3  }
0x6: {  	_ =	strace $0x80000047;
	s6 =	sadd.s32 $0x181800, s8;
	s16 =	sadd.s32 s2, s5  }
0x7: {  	s10 =	sor.u32 $0x40, s9;
	s17 =	sadd.s32 s4, s5;
	[dreg:$0x5] =	wrdreg s16  }
0x8: {  	s20 =	sshll.u32 s9, $0x5;
	s18 =	sadd.s32 s7, s5;
	[dreg:$0x6] =	wrdreg s17  }
0x9: {  	s11 =	sshrl.u32 s10, $0x3;
	s22 =	sadd.s32 s6, s20;
	[dreg:$0x7] =	wrdreg s18  }
0xa: {  	s12 =	sadd.s32 s2, s11;
	[dreg:$0xc] =	wrdreg s22  }
0xb: {  	s13 =	sor.u32 $0x80, s9;
	s19 =	sadd.s32 s4, s11;
	[dreg:$0x8] =	wrdreg s12  }
0xc: {  	s5 =	sadd.s32 $0x101800, s8;
	s11 =	sadd.s32 s7, s11;
	[dreg:$0x9] =	wrdreg s19  }
0xd: {  	s8 =	sadd.s32 $0x201800, s8;
	s21 =	sadd.s32 s5, s20;
	[dreg:$0xa] =	wrdreg s11  }
0xe: {  	s24 =	sshrl.u32 s13, $0x3;
	s23 =	sadd.s32 s8, s20;
	[dreg:$0xb] =	wrdreg s21  }
0xf: {  	s25 =	sadd.s32 s2, s24;
	[dreg:$0xd] =	wrdreg s23  }
0x10: {  	s14 =	sor.u32 $0xC0, s9;
	s26 =	sadd.s32 s4, s24;
	[dreg:$0xe] =	wrdreg s25  }
0x11: {  	s10 =	sshll.u32 s10, $0x5;
	s30 =	sadd.s32 s7, s24;
	[dreg:$0xf] =	wrdreg s26  }
0x12: {  	s15 =	sshrl.u32 s14, $0x3;
	s31 =	sadd.s32 s5, s10;
	[dreg:$0x10] =	wrdreg s30  }
0x13: {  	s16 =	sadd.s32 s2, s15;
	[dreg:$0x11] =	wrdreg s31  }
0x14: {  	s17 =	sadd.s32 s4, s15;
	[dreg:$0x14] =	wrdreg s16  }
0x15: {  	s18 =	sadd.s32 s7, s15;
	[dreg:$0x15] =	wrdreg s17  }
0x16: {  	s12 =	sadd.s32 s6, s10;
	[dreg:$0x16] =	wrdreg s18  }
0x17: {  	s10 =	sadd.s32 s8, s10;
	s19 =	sshll.u32 s13, $0x5;
	[dreg:$0x12] =	wrdreg s12  }
0x18: {  	[dreg:$0x13] =	wrdreg s10;
	s20 =	sadd.s32 s5, s19  }
0x19: {  	s22 =	sor.u32 $0x100, s9;
	s21 =	sadd.s32 s6, s19;
	[dreg:$0x17] =	wrdreg s20  }
0x1a: {  	s24 =	sshrl.u32 s22, $0x3;
	s23 =	sadd.s32 s8, s19;
	[dreg:$0x18] =	wrdreg s21  }
0x1b: {  	s25 =	sadd.s32 s2, s24;
	[dreg:$0x19] =	wrdreg s23  }
0x1c: {  	s26 =	sadd.s32 s4, s24;
	[dreg:$0x1a] =	wrdreg s25  }
0x1d: {  	s31 =	sshll.u32 s14, $0x5;
	s30 =	sadd.s32 s7, s24;
	[dreg:$0x1b] =	wrdreg s26  }
0x1e: {  	s12 =	sadd.s32 s5, s31;
	[dreg:$0x1c] =	wrdreg s30  }
0x1f: {  	s15 =	sor.u32 $0x140, s9;
	s14 =	sadd.s32 s6, s31;
	[dreg:$0x1d] =	wrdreg s12  }
0x20: {  	s17 =	sshrl.u32 s15, $0x3;
	s16 =	sadd.s32 s8, s31;
	[dreg:$0x1e] =	wrdreg s14  }
0x21: {  	s18 =	sadd.s32 s2, s17;
	[dreg:$0x1f] =	wrdreg s16  }
0x22: {  	s19 =	sadd.s32 s4, s17;
	[smem:$0x7E9] =	sst s18  }
0x23: {  	[smem:$0x7EA] =	sst s19;
	s20 =	sadd.s32 s7, s17;
	s21 =	sshll.u32 s22, $0x5  }
0x24: {  	s28 =	simm.s32 $0x400;
	[smem:$0x7EB] =	sst s20;
	s22 =	sadd.s32 s5, s21  }
0x25: {  	s24 =	sor.u32 $0x180, s9;
	s23 =	sadd.s32 s6, s21;
	[smem:$0x7EC] =	sst s22  }
0x26: {  	s26 =	sshrl.u32 s24, $0x3;
	s25 =	sadd.s32 s8, s21;
	[smem:$0x7ED] =	sst s23  }
0x27: {  	s29 =	simm.s32 $0x14400;
	s30 =	sadd.s32 s2, s26;
	[smem:$0x7EE] =	sst s25  }
0x28: {  	s0 =	ssub.s32 $0x2, s0;
	s31 =	sadd.s32 s4, s26;
	[smem:$0x7EF] =	sst s30  }
0x29: {  	s12 =	sshll.u32 s15, $0x5;
	s11 =	sadd.s32 s7, s26;
	[smem:$0x7F0] =	sst s31  }
0x2a: {  	s9 =	sor.u32 $0x1C0, s9;
	s14 =	sadd.s32 s5, s12;
	[smem:$0x7F1] =	sst s11  }
0x2b: {  	s10 =	simm.s32 $0xC400;
	s15 =	sadd.s32 s6, s12;
	[smem:$0x7F2] =	sst s14  }
0x2c: {  	s17 =	sshrl.u32 s9, $0x3;
	s16 =	sadd.s32 s8, s12;
	[smem:$0x7F3] =	sst s15  }
0x2d: {  	s2 =	sadd.s32 s2, s17;
	s18 =	sadd.s32 s4, s17;
	[smem:$0x7F4] =	sst s16  }
0x2e: {  	s19 =	sadd.s32 s7, s17;
	s20 =	sshll.u32 s24, $0x5;
	[smem:$0x7F5] =	sst s2  }
0x2f: {  	s24 =	sshll.u32 s9, $0x5;
	s9 =	simm.s32 $0x1;
	[smem:$0x7F6] =	sst s18  }
0x30: {  	s12 =	simm.s32 $0x2;
	[smem:$0x7F7] =	sst s19;
	s21 =	sadd.s32 s5, s20  }
0x31: {  	s22 =	sadd.s32 s6, s20;
	s23 =	sadd.s32 s8, s20;
	[smem:$0x7F8] =	sst s21  }
0x32: {  	s25 =	sadd.s32 s5, s24;
	s26 =	sadd.s32 s6, s24;
	[smem:$0x7F9] =	sst s22  }
0x33: {  	s30 =	sshrl.u32 s0, $0x1;
	s31 =	sadd.s32 s8, s24;
	[smem:$0x7FA] =	sst s23  }
0x34: {  	v2 =	vlaneseq.u32;
	s5 =	simm.s32 $0x3;
	s16 =	simm.s32 $0x4400;
	[smem:$0x7FB] =	sst s25  }
0x35: {  	vm0 =	vmmov $0xffff;
	v1 =	vshrl.u32 v2, $0x3;
	s24 =	simm.s32 $0x8400;
	[smem:$0x7FC] =	sst s26;
	s0 =	ssub.s32 s0, s30  }
0x36: {  	v0 =	vand.u32 $0x7, v2;
	v2 =	vor.u32 $0x8, v2;
	v1 =	vmul.u32 $0x8, v1;
	s19 =	simm.s32 $0x10400;
	[smem:$0x7FD] =	sst s31;
	s4 =	smax.u32 s0, $0x1  }
.LBB2_1:
0x37: {  	s13 =	rddreg [dreg:$0x5]  }
0x38: {  	[tilespmem:s3], [sflag:$0x3] =	stream.linear.gather [hbm4b:s13+s3], $0x40, $0x38;
	[tilespmem:$0x18400] =	vst v63  }
0x39: {  	_ =	swait.ge [sflag:s5], $0x40  }
0x3a: {  	[sflag:s5] =	ssyncset.done $0x0  }
0x3b: {  	s0 =	simm.s32 $0x80;
	s26 =	rddreg [dreg:$0x6];
	[sflag:s5] =	ssyncadd.s32 $0xFFFFFFC0  }
0x3c: {  	[tilespmem:s0], [sflag:$0x3] =	stream.linear.gather [hbm4b:s26+s3], $0x40, $0x38;
	[tilespmem:$0x18400] =	vst v63  }
0x3d: {  	_ =	swait.ge [sflag:s5], $0x40  }
0x3e: {  	[sflag:s5] =	ssyncset.done $0x0  }
0x3f: {  	s31 =	simm.s32 $0x100;
	s30 =	rddreg [dreg:$0x7];
	[sflag:s5] =	ssyncadd.s32 $0xFFFFFFC0  }
0x40: {  	[tilespmem:s31], [sflag:$0x3] =	stream.linear.gather [hbm4b:s30+s3], $0x40, $0x38;
	[tilespmem:$0x18400] =	vst v63  }
0x41: {  	_ =	swait.ge [sflag:s5], $0x40  }
0x42: {  	[sflag:s5] =	ssyncset.done $0x0  }
0x43: {  	[sflag:s5] =	ssyncadd.s32 $0xFFFFFFC0  }
0x44: {  	v3 =	vld [tilespmem:$0x0];
	_ =	sdelay $0x4  }
0x45: {  	v4 =	vshll.u32 v3, $0x1  }
0x46: {  	v3 =	vand.u32 $0x7, v3;
	v4 =	vand.u32 $0xFFFFFFF0, v4  }
0x47: {  	v3 =	vor.u32 v3, v4  }
0x48: {  	v4 =	vperm.xlane v3, v0;
	_ =	sdelay $0x1  }
0x49: {  	v3 =	vperm.xlane v3, v2;
	v4 =	vadd.s32 v1, v4;
	_ =	sdelay $0x1  }
0x4a: {  	v3 =	vadd.s32 v1, v3;
	_ =	sdelay $0x2  }
0x4b: {  	[tilespmem:s28], [sflag:$0x1] =	stream.indirect_vreg.gather [hbm4b:s1+s3], $0x80, v4, vm0, $0xb8;
	[tilespmem:$0x18400] =	vst v63  }
0x4c: {  	s2 =	simm.s32 $0xC00  }
0x4d: {  	[tilespmem:s2], [sflag:$0x1] =	stream.indirect_vreg.gather [hbm4b:s1+s3], $0x80, v3, vm0, $0xb8;
	[tilespmem:$0x18400] =	vst v63  }
0x4e: {  	v3 =	vld [tilespmem:$0x10];
	_ =	sdelay $0x4  }
0x4f: {  	v25 =	vshll.u32 v3, $0x1  }
0x50: {  	v3 =	vand.u32 $0x7, v3;
	v4 =	vand.u32 $0xFFFFFFF0, v25  }
0x51: {  	v3 =	vor.u32 v3, v4  }
0x52: {  	v4 =	vperm.xlane v3, v0;
	_ =	sdelay $0x1  }
0x53: {  	v3 =	vperm.xlane v3, v2;
	v4 =	vadd.s32 v1, v4;
	_ =	sdelay $0x1  }
0x54: {  	v3 =	vadd.s32 v1, v3;
	_ =	sdelay $0x1  }
0x55: {  	s6 =	simm.s32 $0x1400  }
0x56: {  	[tilespmem:s6], [sflag:$0x1] =	stream.indirect_vreg.gather [hbm4b:s1+s3], $0x80, v4, vm0, $0xb8;
	[tilespmem:$0x18400] =	vst v63  }
0x57: {  	s8 =	simm.s32 $0x1C00  }
0x58: {  	[tilespmem:s8], [sflag:$0x1] =	stream.indirect_vreg.gather [hbm4b:s1+s3], $0x80, v3, vm0, $0xb8;
	[tilespmem:$0x18400] =	vst v63  }
0x59: {  	v3 =	vld [tilespmem:$0x20];
	_ =	sdelay $0x4  }
0x5a: {  	v26 =	vshll.u32 v3, $0x1  }
0x5b: {  	v3 =	vand.u32 $0x7, v3;
	v4 =	vand.u32 $0xFFFFFFF0, v26  }
0x5c: {  	v3 =	vor.u32 v3, v4  }
0x5d: {  	v4 =	vperm.xlane v3, v0;
	_ =	sdelay $0x1  }
0x5e: {  	v3 =	vperm.xlane v3, v2;
	v4 =	vadd.s32 v1, v4;
	_ =	sdelay $0x1  }
0x5f: {  	v3 =	vadd.s32 v1, v3;
	_ =	sdelay $0x1  }
0x60: {  	s11 =	simm.s32 $0x2400  }
0x61: {  	[tilespmem:s11], [sflag:$0x1] =	stream.indirect_vreg.gather [hbm4b:s1+s3], $0x80, v4, vm0, $0xb8;
	[tilespmem:$0x18400] =	vst v63  }
0x62: {  	s13 =	simm.s32 $0x2C00  }
0x63: {  	[tilespmem:s13], [sflag:$0x1] =	stream.indirect_vreg.gather [hbm4b:s1+s3], $0x80, v3, vm0, $0xb8;
	[tilespmem:$0x18400] =	vst v63  }
0x64: {  	v3 =	vld [tilespmem:$0x30];
	_ =	sdelay $0x4  }
0x65: {  	v27 =	vshll.u32 v3, $0x1  }
0x66: {  	v3 =	vand.u32 $0x7, v3;
	v4 =	vand.u32 $0xFFFFFFF0, v27  }
0x67: {  	v3 =	vor.u32 v3, v4  }
0x68: {  	v4 =	vperm.xlane v3, v0;
	_ =	sdelay $0x1  }
0x69: {  	v3 =	vperm.xlane v3, v2;
	v4 =	vadd.s32 v1, v4;
	_ =	sdelay $0x1  }
0x6a: {  	v3 =	vadd.s32 v1, v3;
	_ =	sdelay $0x1  }
0x6b: {  	s14 =	simm.s32 $0x3400  }
0x6c: {  	[tilespmem:s14], [sflag:$0x1] =	stream.indirect_vreg.gather [hbm4b:s1+s3], $0x80, v4, vm0, $0xb8;
	[tilespmem:$0x18400] =	vst v63  }
0x6d: {  	s15 =	simm.s32 $0x3C00  }
0x6e: {  	[tilespmem:s15], [sflag:$0x1] =	stream.indirect_vreg.gather [hbm4b:s1+s3], $0x80, v3, vm0, $0xb8;
	[tilespmem:$0x18400] =	vst v63  }
0x6f: {  	v3 =	vld [tilespmem:$0x80];
	_ =	sdelay $0x4  }
0x70: {  	v28 =	vshll.u32 v3, $0x1  }
0x71: {  	v3 =	vand.u32 $0x7, v3;
	v4 =	vand.u32 $0xFFFFFFF0, v28  }
0x72: {  	v3 =	vor.u32 v3, v4  }
0x73: {  	v4 =	vperm.xlane v3, v0;
	_ =	sdelay $0x1  }
0x74: {  	v3 =	vperm.xlane v3, v2;
	v4 =	vadd.s32 v1, v4;
	_ =	sdelay $0x1  }
0x75: {  	v3 =	vadd.s32 v1, v3;
	_ =	sdelay $0x2  }
0x76: {  	[tilespmem:s16], [sflag:$0x1] =	stream.indirect_vreg.gather [hbm4b:s1+s3], $0x80, v4, vm0, $0xb8;
	[tilespmem:$0x18400] =	vst v63  }
0x77: {  	s17 =	simm.s32 $0x4C00  }
0x78: {  	[tilespmem:s17], [sflag:$0x1] =	stream.indirect_vreg.gather [hbm4b:s1+s3], $0x80, v3, vm0, $0xb8;
	[tilespmem:$0x18400] =	vst v63  }
0x79: {  	v3 =	vld [tilespmem:$0x90];
	_ =	sdelay $0x4  }
0x7a: {  	v29 =	vshll.u32 v3, $0x1  }
0x7b: {  	v3 =	vand.u32 $0x7, v3;
	v4 =	vand.u32 $0xFFFFFFF0, v29  }
0x7c: {  	v3 =	vor.u32 v3, v4  }
0x7d: {  	v4 =	vperm.xlane v3, v0;
	_ =	sdelay $0x1  }
0x7e: {  	v3 =	vperm.xlane v3, v2;
	v4 =	vadd.s32 v1, v4;
	_ =	sdelay $0x1  }
0x7f: {  	v3 =	vadd.s32 v1, v3;
	_ =	sdelay $0x1  }
0x80: {  	s18 =	simm.s32 $0x5400  }
0x81: {  	[tilespmem:s18], [sflag:$0x1] =	stream.indirect_vreg.gather [hbm4b:s1+s3], $0x80, v4, vm0, $0xb8;
	[tilespmem:$0x18400] =	vst v63  }
0x82: {  	s20 =	simm.s32 $0x5C00  }
0x83: {  	[tilespmem:s20], [sflag:$0x1] =	stream.indirect_vreg.gather [hbm4b:s1+s3], $0x80, v3, vm0, $0xb8;
	[tilespmem:$0x18400] =	vst v63  }
0x84: {  	v3 =	vld [tilespmem:$0xA0];
	_ =	sdelay $0x4  }
0x85: {  	v30 =	vshll.u32 v3, $0x1  }
0x86: {  	v3 =	vand.u32 $0x7, v3;
	v4 =	vand.u32 $0xFFFFFFF0, v30  }
0x87: {  	v3 =	vor.u32 v3, v4  }
0x88: {  	v4 =	vperm.xlane v3, v0;
	_ =	sdelay $0x1  }
0x89: {  	v3 =	vperm.xlane v3, v2;
	v4 =	vadd.s32 v1, v4;
	_ =	sdelay $0x1  }
0x8a: {  	v3 =	vadd.s32 v1, v3;
	_ =	sdelay $0x1  }
0x8b: {  	s23 =	simm.s32 $0x6400  }
0x8c: {  	[tilespmem:s23], [sflag:$0x1] =	stream.indirect_vreg.gather [hbm4b:s1+s3], $0x80, v4, vm0, $0xb8;
	[tilespmem:$0x18400] =	vst v63  }
0x8d: {  	s25 =	simm.s32 $0x6C00  }
0x8e: {  	[tilespmem:s25], [sflag:$0x1] =	stream.indirect_vreg.gather [hbm4b:s1+s3], $0x80, v3, vm0, $0xb8;
	[tilespmem:$0x18400] =	vst v63  }
0x8f: {  	v3 =	vld [tilespmem:$0xB0];
	_ =	sdelay $0x4  }
0x90: {  	v31 =	vshll.u32 v3, $0x1  }
0x91: {  	v3 =	vand.u32 $0x7, v3;
	v4 =	vand.u32 $0xFFFFFFF0, v31  }
0x92: {  	v3 =	vor.u32 v3, v4  }
0x93: {  	v4 =	vperm.xlane v3, v0;
	_ =	sdelay $0x1  }
0x94: {  	v3 =	vperm.xlane v3, v2;
	v4 =	vadd.s32 v1, v4;
	_ =	sdelay $0x1  }
0x95: {  	v3 =	vadd.s32 v1, v3;
	_ =	sdelay $0x1  }
0x96: {  	s26 =	simm.s32 $0x7400  }
0x97: {  	[tilespmem:s26], [sflag:$0x1] =	stream.indirect_vreg.gather [hbm4b:s1+s3], $0x80, v4, vm0, $0xb8;
	[tilespmem:$0x18400] =	vst v63  }
0x98: {  	s30 =	simm.s32 $0x7C00  }
0x99: {  	[tilespmem:s30], [sflag:$0x1] =	stream.indirect_vreg.gather [hbm4b:s1+s3], $0x80, v3, vm0, $0xb8;
	[tilespmem:$0x18400] =	vst v63  }
0x9a: {  	v3 =	vld [tilespmem:$0x100];
	_ =	sdelay $0x4  }
0x9b: {  	v32 =	vshll.u32 v3, $0x1  }
0x9c: {  	v3 =	vand.u32 $0x7, v3;
	v4 =	vand.u32 $0xFFFFFFF0, v32  }
0x9d: {  	v3 =	vor.u32 v3, v4  }
0x9e: {  	v4 =	vperm.xlane v3, v0;
	_ =	sdelay $0x1  }
0x9f: {  	v3 =	vperm.xlane v3, v2;
	v4 =	vadd.s32 v1, v4;
	_ =	sdelay $0x1  }
0xa0: {  	v3 =	vadd.s32 v1, v3;
	_ =	sdelay $0x2  }
0xa1: {  	[tilespmem:s24], [sflag:$0x1] =	stream.indirect_vreg.gather [hbm4b:s1+s3], $0x80, v4, vm0, $0xb8;
	[tilespmem:$0x18400] =	vst v63  }
0xa2: {  	s31 =	simm.s32 $0x8C00  }
0xa3: {  	[tilespmem:s31], [sflag:$0x1] =	stream.indirect_vreg.gather [hbm4b:s1+s3], $0x80, v3, vm0, $0xb8;
	[tilespmem:$0x18400] =	vst v63  }
0xa4: {  	v3 =	vld [tilespmem:$0x110];
	_ =	sdelay $0x4  }
0xa5: {  	v33 =	vshll.u32 v3, $0x1  }
0xa6: {  	v3 =	vand.u32 $0x7, v3;
	v4 =	vand.u32 $0xFFFFFFF0, v33  }
0xa7: {  	v3 =	vor.u32 v3, v4  }
0xa8: {  	v4 =	vperm.xlane v3, v0;
	_ =	sdelay $0x1  }
0xa9: {  	v3 =	vperm.xlane v3, v2;
	v4 =	vadd.s32 v1, v4;
	_ =	sdelay $0x1  }
0xaa: {  	v3 =	vadd.s32 v1, v3;
	_ =	sdelay $0x1  }
0xab: {  	s6 =	simm.s32 $0x9400  }
0xac: {  	[tilespmem:s6], [sflag:$0x1] =	stream.indirect_vreg.gather [hbm4b:s1+s3], $0x80, v4, vm0, $0xb8;
	[tilespmem:$0x18400] =	vst v63  }
0xad: {  	s13 =	simm.s32 $0x9C00  }
0xae: {  	[tilespmem:s13], [sflag:$0x1] =	stream.indirect_vreg.gather [hbm4b:s1+s3], $0x80, v3, vm0, $0xb8;
	[tilespmem:$0x18400] =	vst v63  }
0xaf: {  	v3 =	vld [tilespmem:$0x120];
	_ =	sdelay $0x4  }
0xb0: {  	v34 =	vshll.u32 v3, $0x1  }
0xb1: {  	v3 =	vand.u32 $0x7, v3;
	v4 =	vand.u32 $0xFFFFFFF0, v34  }
0xb2: {  	v3 =	vor.u32 v3, v4  }
0xb3: {  	v4 =	vperm.xlane v3, v0;
	_ =	sdelay $0x1  }
0xb4: {  	v3 =	vperm.xlane v3, v2;
	v4 =	vadd.s32 v1, v4;
	_ =	sdelay $0x1  }
0xb5: {  	v3 =	vadd.s32 v1, v3;
	_ =	sdelay $0x1  }
0xb6: {  	s14 =	simm.s32 $0xA400  }
0xb7: {  	[tilespmem:s14], [sflag:$0x1] =	stream.indirect_vreg.gather [hbm4b:s1+s3], $0x80, v4, vm0, $0xb8;
	[tilespmem:$0x18400] =	vst v63  }
0xb8: {  	s23 =	simm.s32 $0xAC00  }
0xb9: {  	[tilespmem:s23], [sflag:$0x1] =	stream.indirect_vreg.gather [hbm4b:s1+s3], $0x80, v3, vm0, $0xb8;
	[tilespmem:$0x18400] =	vst v63  }
0xba: {  	v3 =	vld [tilespmem:$0x130];
	_ =	sdelay $0x4  }
0xbb: {  	v35 =	vshll.u32 v3, $0x1  }
0xbc: {  	v3 =	vand.u32 $0x7, v3;
	v4 =	vand.u32 $0xFFFFFFF0, v35  }
0xbd: {  	v3 =	vor.u32 v3, v4  }
0xbe: {  	v4 =	vperm.xlane v3, v0;
	_ =	sdelay $0x1  }
0xbf: {  	v3 =	vperm.xlane v3, v2;
	v4 =	vadd.s32 v1, v4;
	_ =	sdelay $0x1  }
0xc0: {  	v3 =	vadd.s32 v1, v3;
	_ =	sdelay $0x1  }
0xc1: {  	s25 =	simm.s32 $0xB400  }
0xc2: {  	[tilespmem:s25], [sflag:$0x1] =	stream.indirect_vreg.gather [hbm4b:s1+s3], $0x80, v4, vm0, $0xb8;
	[tilespmem:$0x18400] =	vst v63  }
0xc3: {  	s30 =	simm.s32 $0xBC00  }
0xc4: {  	[tilespmem:s30], [sflag:$0x1] =	stream.indirect_vreg.gather [hbm4b:s1+s3], $0x80, v3, vm0, $0xb8;
	[tilespmem:$0x18400] =	vst v63  }
0xc5: {  	s26 =	rddreg [dreg:$0x8];
	s31 =	simm.s32 $0x200  }
0xc6: {  	[tilespmem:s31], [sflag:$0x3] =	stream.linear.gather [hbm4b:s26+s3], $0x40, $0x38;
	[tilespmem:$0x18400] =	vst v63  }
0xc7: {  	_ =	swait.ge [sflag:s5], $0x40  }
0xc8: {  	[sflag:s5] =	ssyncset.done $0x0  }
0xc9: {  	s14 =	simm.s32 $0x280;
	s6 =	rddreg [dreg:$0x9];
	[sflag:s5] =	ssyncadd.s32 $0xFFFFFFC0  }
0xca: {  	[tilespmem:s14], [sflag:$0x3] =	stream.linear.gather [hbm4b:s6+s3], $0x40, $0x38;
	[tilespmem:$0x18400] =	vst v63  }
0xcb: {  	_ =	swait.ge [sflag:s5], $0x40  }
0xcc: {  	[sflag:s5] =	ssyncset.done $0x0  }
0xcd: {  	s25 =	simm.s32 $0x300;
	s23 =	rddreg [dreg:$0xa];
	[sflag:s5] =	ssyncadd.s32 $0xFFFFFFC0  }
0xce: {  	[tilespmem:s25], [sflag:$0x3] =	stream.linear.gather [hbm4b:s23+s3], $0x40, $0x38;
	[tilespmem:$0x18400] =	vst v63  }
0xcf: {  	_ =	swait.ge [sflag:s5], $0x40  }
0xd0: {  	[sflag:s5] =	ssyncset.done $0x0  }
0xd1: {  	[sflag:s5] =	ssyncadd.s32 $0xFFFFFFC0  }
0xd2: {  	_ =	swait.ge [sflag:s9], $0x4000  }
0xd3: {  	[sflag:s9] =	ssyncset.done $0x0  }
0xd4: {  	[sflag:s9] =	ssyncadd.s32 $0xFFFFC000  }
0xd5: {  	_ =	swait.ge [sflag:s9], $0x4000  }
0xd6: {  	[sflag:s9] =	ssyncset.done $0x0  }
0xd7: {  	[sflag:s9] =	ssyncadd.s32 $0xFFFFC000  }
0xd8: {  	_ =	swait.ge [sflag:s9], $0x4000  }
0xd9: {  	[sflag:s9] =	ssyncset.done $0x0  }
0xda: {  	[sflag:s9] =	ssyncadd.s32 $0xFFFFC000  }
0xdb: {  	v3 =	vld [tilespmem:$0x200];
	_ =	sdelay $0x4  }
0xdc: {  	v36 =	vshll.u32 v3, $0x1  }
0xdd: {  	v3 =	vand.u32 $0x7, v3;
	v4 =	vand.u32 $0xFFFFFFF0, v36  }
0xde: {  	v3 =	vor.u32 v3, v4  }
0xdf: {  	v4 =	vperm.xlane v3, v0;
	_ =	sdelay $0x1  }
0xe0: {  	v3 =	vperm.xlane v3, v2;
	v4 =	vadd.s32 v1, v4;
	_ =	sdelay $0x1  }
0xe1: {  	v3 =	vadd.s32 v1, v3;
	_ =	sdelay $0x2  }
0xe2: {  	[tilespmem:s10], [sflag:$0x1] =	stream.indirect_vreg.gather [hbm4b:s1+s3], $0x80, v4, vm0, $0xb8;
	[tilespmem:$0x18400] =	vst v63  }
0xe3: {  	s26 =	simm.s32 $0xCC00  }
0xe4: {  	[tilespmem:s26], [sflag:$0x1] =	stream.indirect_vreg.gather [hbm4b:s1+s3], $0x80, v3, vm0, $0xb8;
	[tilespmem:$0x18400] =	vst v63  }
0xe5: {  	v3 =	vld [tilespmem:$0x210];
	_ =	sdelay $0x4  }
0xe6: {  	v37 =	vshll.u32 v3, $0x1  }
0xe7: {  	v3 =	vand.u32 $0x7, v3;
	v4 =	vand.u32 $0xFFFFFFF0, v37  }
0xe8: {  	v3 =	vor.u32 v3, v4  }
0xe9: {  	v4 =	vperm.xlane v3, v0;
	_ =	sdelay $0x1  }
0xea: {  	v3 =	vperm.xlane v3, v2;
	v4 =	vadd.s32 v1, v4;
	_ =	sdelay $0x1  }
0xeb: {  	v3 =	vadd.s32 v1, v3;
	_ =	sdelay $0x1  }
0xec: {  	s30 =	simm.s32 $0xD400  }
0xed: {  	[tilespmem:s30], [sflag:$0x1] =	stream.indirect_vreg.gather [hbm4b:s1+s3], $0x80, v4, vm0, $0xb8;
	[tilespmem:$0x18400] =	vst v63  }
0xee: {  	s31 =	simm.s32 $0xDC00  }
0xef: {  	[tilespmem:s31], [sflag:$0x1] =	stream.indirect_vreg.gather [hbm4b:s1+s3], $0x80, v3, vm0, $0xb8;
	[tilespmem:$0x18400] =	vst v63  }
0xf0: {  	v3 =	vld [tilespmem:$0x220];
	_ =	sdelay $0x4  }
0xf1: {  	v38 =	vshll.u32 v3, $0x1  }
0xf2: {  	v3 =	vand.u32 $0x7, v3;
	v4 =	vand.u32 $0xFFFFFFF0, v38  }
0xf3: {  	v3 =	vor.u32 v3, v4  }
0xf4: {  	v4 =	vperm.xlane v3, v0;
	_ =	sdelay $0x1  }
0xf5: {  	v3 =	vperm.xlane v3, v2;
	v4 =	vadd.s32 v1, v4;
	_ =	sdelay $0x1  }
0xf6: {  	v3 =	vadd.s32 v1, v3;
	_ =	sdelay $0x1  }
0xf7: {  	s0 =	simm.s32 $0xE400  }
0xf8: {  	[tilespmem:s0], [sflag:$0x1] =	stream.indirect_vreg.gather [hbm4b:s1+s3], $0x80, v4, vm0, $0xb8;
	[tilespmem:$0x18400] =	vst v63  }
0xf9: {  	s14 =	simm.s32 $0xEC00  }
0xfa: {  	[tilespmem:s14], [sflag:$0x1] =	stream.indirect_vreg.gather [hbm4b:s1+s3], $0x80, v3, vm0, $0xb8;
	[tilespmem:$0x18400] =	vst v63  }
0xfb: {  	v3 =	vld [tilespmem:$0x230];
	_ =	sdelay $0x4  }
0xfc: {  	v39 =	vshll.u32 v3, $0x1  }
0xfd: {  	v3 =	vand.u32 $0x7, v3;
	v4 =	vand.u32 $0xFFFFFFF0, v39  }
0xfe: {  	v3 =	vor.u32 v3, v4  }
0xff: {  	v4 =	vperm.xlane v3, v0;
	_ =	sdelay $0x1  }
0x100: {  	v3 =	vperm.xlane v3, v2;
	v4 =	vadd.s32 v1, v4;
	_ =	sdelay $0x1  }
0x101: {  	v3 =	vadd.s32 v1, v3;
	_ =	sdelay $0x1  }
0x102: {  	s23 =	simm.s32 $0xF400  }
0x103: {  	[tilespmem:s23], [sflag:$0x1] =	stream.indirect_vreg.gather [hbm4b:s1+s3], $0x80, v4, vm0, $0xb8;
	[tilespmem:$0x18400] =	vst v63  }
0x104: {  	s25 =	simm.s32 $0xFC00  }
0x105: {  	[tilespmem:s25], [sflag:$0x1] =	stream.indirect_vreg.gather [hbm4b:s1+s3], $0x80, v3, vm0, $0xb8;
	[tilespmem:$0x18400] =	vst v63  }
0x106: {  	v3 =	vld [tilespmem:$0x280];
	_ =	sdelay $0x4  }
0x107: {  	v40 =	vshll.u32 v3, $0x1  }
0x108: {  	v3 =	vand.u32 $0x7, v3;
	v4 =	vand.u32 $0xFFFFFFF0, v40  }
0x109: {  	v3 =	vor.u32 v3, v4  }
0x10a: {  	v4 =	vperm.xlane v3, v0;
	_ =	sdelay $0x1  }
0x10b: {  	v3 =	vperm.xlane v3, v2;
	v4 =	vadd.s32 v1, v4;
	_ =	sdelay $0x1  }
0x10c: {  	v3 =	vadd.s32 v1, v3;
	_ =	sdelay $0x2  }
0x10d: {  	[tilespmem:s19], [sflag:$0x1] =	stream.indirect_vreg.gather [hbm4b:s1+s3], $0x80, v4, vm0, $0xb8;
	[tilespmem:$0x18400] =	vst v63  }
0x10e: {  	s26 =	simm.s32 $0x10C00  }
0x10f: {  	[tilespmem:s26], [sflag:$0x1] =	stream.indirect_vreg.gather [hbm4b:s1+s3], $0x80, v3, vm0, $0xb8;
	[tilespmem:$0x18400] =	vst v63  }
0x110: {  	v3 =	vld [tilespmem:$0x290];
	_ =	sdelay $0x4  }
0x111: {  	v41 =	vshll.u32 v3, $0x1  }
0x112: {  	v3 =	vand.u32 $0x7, v3;
	v4 =	vand.u32 $0xFFFFFFF0, v41  }
0x113: {  	v3 =	vor.u32 v3, v4  }
0x114: {  	v4 =	vperm.xlane v3, v0;
	_ =	sdelay $0x1  }
0x115: {  	v3 =	vperm.xlane v3, v2;
	v4 =	vadd.s32 v1, v4;
	_ =	sdelay $0x1  }
0x116: {  	v3 =	vadd.s32 v1, v3;
	_ =	sdelay $0x1  }
0x117: {  	s31 =	simm.s32 $0x11400  }
0x118: {  	[tilespmem:s31], [sflag:$0x1] =	stream.indirect_vreg.gather [hbm4b:s1+s3], $0x80, v4, vm0, $0xb8;
	[tilespmem:$0x18400] =	vst v63  }
0x119: {  	s0 =	simm.s32 $0x11C00  }
0x11a: {  	[tilespmem:s0], [sflag:$0x1] =	stream.indirect_vreg.gather [hbm4b:s1+s3], $0x80, v3, vm0, $0xb8;
	[tilespmem:$0x18400] =	vst v63  }
0x11b: {  	v3 =	vld [tilespmem:$0x2A0];
	_ =	sdelay $0x4  }
0x11c: {  	v42 =	vshll.u32 v3, $0x1  }
0x11d: {  	v3 =	vand.u32 $0x7, v3;
	v4 =	vand.u32 $0xFFFFFFF0, v42  }
0x11e: {  	v3 =	vor.u32 v3, v4  }
0x11f: {  	v4 =	vperm.xlane v3, v0;
	_ =	sdelay $0x1  }
0x120: {  	v3 =	vperm.xlane v3, v2;
	v4 =	vadd.s32 v1, v4;
	_ =	sdelay $0x1  }
0x121: {  	v3 =	vadd.s32 v1, v3;
	_ =	sdelay $0x1  }
0x122: {  	s14 =	simm.s32 $0x12400  }
0x123: {  	[tilespmem:s14], [sflag:$0x1] =	stream.indirect_vreg.gather [hbm4b:s1+s3], $0x80, v4, vm0, $0xb8;
	[tilespmem:$0x18400] =	vst v63  }
0x124: {  	s23 =	simm.s32 $0x12C00  }
0x125: {  	[tilespmem:s23], [sflag:$0x1] =	stream.indirect_vreg.gather [hbm4b:s1+s3], $0x80, v3, vm0, $0xb8;
	[tilespmem:$0x18400] =	vst v63  }
0x126: {  	v3 =	vld [tilespmem:$0x2B0];
	_ =	sdelay $0x4  }
0x127: {  	v43 =	vshll.u32 v3, $0x1  }
0x128: {  	v3 =	vand.u32 $0x7, v3;
	v4 =	vand.u32 $0xFFFFFFF0, v43  }
0x129: {  	v3 =	vor.u32 v3, v4  }
0x12a: {  	v4 =	vperm.xlane v3, v0;
	_ =	sdelay $0x1  }
0x12b: {  	v3 =	vperm.xlane v3, v2;
	v4 =	vadd.s32 v1, v4;
	_ =	sdelay $0x1  }
0x12c: {  	v3 =	vadd.s32 v1, v3;
	_ =	sdelay $0x1  }
0x12d: {  	s25 =	simm.s32 $0x13400  }
0x12e: {  	[tilespmem:s25], [sflag:$0x1] =	stream.indirect_vreg.gather [hbm4b:s1+s3], $0x80, v4, vm0, $0xb8;
	[tilespmem:$0x18400] =	vst v63  }
0x12f: {  	s26 =	simm.s32 $0x13C00  }
0x130: {  	[tilespmem:s26], [sflag:$0x1] =	stream.indirect_vreg.gather [hbm4b:s1+s3], $0x80, v3, vm0, $0xb8;
	[tilespmem:$0x18400] =	vst v63  }
0x131: {  	v3 =	vld [tilespmem:$0x300];
	_ =	sdelay $0x4  }
0x132: {  	v44 =	vshll.u32 v3, $0x1  }
0x133: {  	v3 =	vand.u32 $0x7, v3;
	v4 =	vand.u32 $0xFFFFFFF0, v44  }
0x134: {  	v3 =	vor.u32 v3, v4  }
0x135: {  	v4 =	vperm.xlane v3, v0;
	_ =	sdelay $0x1  }
0x136: {  	v3 =	vperm.xlane v3, v2;
	v4 =	vadd.s32 v1, v4;
	_ =	sdelay $0x1  }
0x137: {  	v3 =	vadd.s32 v1, v3;
	_ =	sdelay $0x2  }
0x138: {  	[tilespmem:s29], [sflag:$0x1] =	stream.indirect_vreg.gather [hbm4b:s1+s3], $0x80, v4, vm0, $0xb8;
	[tilespmem:$0x18400] =	vst v63  }
0x139: {  	s31 =	simm.s32 $0x14C00  }
0x13a: {  	[tilespmem:s31], [sflag:$0x1] =	stream.indirect_vreg.gather [hbm4b:s1+s3], $0x80, v3, vm0, $0xb8;
	[tilespmem:$0x18400] =	vst v63  }
0x13b: {  	v3 =	vld [tilespmem:$0x310];
	_ =	sdelay $0x4  }
0x13c: {  	v45 =	vshll.u32 v3, $0x1  }
0x13d: {  	v3 =	vand.u32 $0x7, v3;
	v4 =	vand.u32 $0xFFFFFFF0, v45  }
0x13e: {  	v3 =	vor.u32 v3, v4  }
0x13f: {  	v4 =	vperm.xlane v3, v0;
	_ =	sdelay $0x1  }
0x140: {  	v3 =	vperm.xlane v3, v2;
	v4 =	vadd.s32 v1, v4;
	_ =	sdelay $0x1  }
0x141: {  	v3 =	vadd.s32 v1, v3;
	_ =	sdelay $0x1  }
0x142: {  	s0 =	simm.s32 $0x15400  }
0x143: {  	[tilespmem:s0], [sflag:$0x1] =	stream.indirect_vreg.gather [hbm4b:s1+s3], $0x80, v4, vm0, $0xb8;
	[tilespmem:$0x18400] =	vst v63  }
0x144: {  	s14 =	simm.s32 $0x15C00  }
0x145: {  	[tilespmem:s14], [sflag:$0x1] =	stream.indirect_vreg.gather [hbm4b:s1+s3], $0x80, v3, vm0, $0xb8;
	[tilespmem:$0x18400] =	vst v63  }
0x146: {  	v3 =	vld [tilespmem:$0x320];
	_ =	sdelay $0x4  }
0x147: {  	v46 =	vshll.u32 v3, $0x1  }
0x148: {  	v3 =	vand.u32 $0x7, v3;
	v4 =	vand.u32 $0xFFFFFFF0, v46  }
0x149: {  	v3 =	vor.u32 v3, v4  }
0x14a: {  	v4 =	vperm.xlane v3, v0;
	_ =	sdelay $0x1  }
0x14b: {  	v3 =	vperm.xlane v3, v2;
	v4 =	vadd.s32 v1, v4;
	_ =	sdelay $0x1  }
0x14c: {  	v3 =	vadd.s32 v1, v3;
	_ =	sdelay $0x1  }
0x14d: {  	s23 =	simm.s32 $0x16400  }
0x14e: {  	[tilespmem:s23], [sflag:$0x1] =	stream.indirect_vreg.gather [hbm4b:s1+s3], $0x80, v4, vm0, $0xb8;
	[tilespmem:$0x18400] =	vst v63  }
0x14f: {  	s25 =	simm.s32 $0x16C00  }
0x150: {  	[tilespmem:s25], [sflag:$0x1] =	stream.indirect_vreg.gather [hbm4b:s1+s3], $0x80, v3, vm0, $0xb8;
	[tilespmem:$0x18400] =	vst v63  }
0x151: {  	v3 =	vld [tilespmem:$0x330];
	_ =	sdelay $0x4  }
0x152: {  	v47 =	vshll.u32 v3, $0x1  }
0x153: {  	v3 =	vand.u32 $0x7, v3;
	v4 =	vand.u32 $0xFFFFFFF0, v47  }
0x154: {  	v3 =	vor.u32 v3, v4  }
0x155: {  	v4 =	vperm.xlane v3, v0;
	_ =	sdelay $0x1  }
0x156: {  	v3 =	vperm.xlane v3, v2;
	v4 =	vadd.s32 v1, v4;
	_ =	sdelay $0x1  }
0x157: {  	v3 =	vadd.s32 v1, v3;
	_ =	sdelay $0x1  }
0x158: {  	s26 =	simm.s32 $0x17400  }
0x159: {  	[tilespmem:s26], [sflag:$0x1] =	stream.indirect_vreg.gather [hbm4b:s1+s3], $0x80, v4, vm0, $0xb8;
	[tilespmem:$0x18400] =	vst v63  }
0x15a: {  	s14 =	simm.s32 $0x17C00  }
0x15b: {  	[tilespmem:s14], [sflag:$0x1] =	stream.indirect_vreg.gather [hbm4b:s1+s3], $0x80, v3, vm0, $0xb8;
	[tilespmem:$0x18400] =	vst v63  }
0x15c: {  	s31 =	rddreg [dreg:$0xb]  }
0x15d: {  	[hbm4b:s31+s3] =	stream.linear.scatter [tilespmem:s28], [sflag:$0x2], $0x4000, $0x38;
	[tilespmem:$0x18400] =	vst v63  }
0x15e: {  	s0 =	rddreg [dreg:$0xc]  }
0x15f: {  	[hbm4b:s0+s3] =	stream.linear.scatter [tilespmem:s16], [sflag:$0x2], $0x4000, $0x38;
	[tilespmem:$0x18400] =	vst v63  }
0x160: {  	s23 =	rddreg [dreg:$0xd]  }
0x161: {  	[hbm4b:s23+s3] =	stream.linear.scatter [tilespmem:s24], [sflag:$0x2], $0x4000, $0x38;
	[tilespmem:$0x18400] =	vst v63  }
0x162: {  	s25 =	rddreg [dreg:$0xe]  }
0x163: {  	[tilespmem:s3], [sflag:$0x3] =	stream.linear.gather [hbm4b:s25+s3], $0x40, $0x38;
	[tilespmem:$0x18400] =	vst v63  }
0x164: {  	_ =	swait.ge [sflag:s5], $0x40  }
0x165: {  	[sflag:s5] =	ssyncset.done $0x0  }
0x166: {  	s21 =	simm.s32 $0x80;
	s26 =	rddreg [dreg:$0xf];
	[sflag:s5] =	ssyncadd.s32 $0xFFFFFFC0  }
0x167: {  	[tilespmem:s21], [sflag:$0x3] =	stream.linear.gather [hbm4b:s26+s3], $0x40, $0x38;
	[tilespmem:$0x18400] =	vst v63  }
0x168: {  	_ =	swait.ge [sflag:s5], $0x40  }
0x169: {  	[sflag:s5] =	ssyncset.done $0x0  }
0x16a: {  	s22 =	simm.s32 $0x100;
	s31 =	rddreg [dreg:$0x10];
	[sflag:s5] =	ssyncadd.s32 $0xFFFFFFC0  }
0x16b: {  	[tilespmem:s22], [sflag:$0x3] =	stream.linear.gather [hbm4b:s31+s3], $0x40, $0x38;
	[tilespmem:$0x18400] =	vst v63  }
0x16c: {  	_ =	swait.ge [sflag:s5], $0x40  }
0x16d: {  	[sflag:s5] =	ssyncset.done $0x0  }
0x16e: {  	[sflag:s5] =	ssyncadd.s32 $0xFFFFFFC0  }
0x16f: {  	_ =	swait.ge [sflag:s9], $0x4000  }
0x170: {  	[sflag:s9] =	ssyncset.done $0x0  }
0x171: {  	[sflag:s9] =	ssyncadd.s32 $0xFFFFC000  }
0x172: {  	_ =	swait.ge [sflag:s9], $0x4000  }
0x173: {  	[sflag:s9] =	ssyncset.done $0x0  }
0x174: {  	[sflag:s9] =	ssyncadd.s32 $0xFFFFC000  }
0x175: {  	_ =	swait.ge [sflag:s9], $0x4000  }
0x176: {  	[sflag:s9] =	ssyncset.done $0x0  }
0x177: {  	[sflag:s9] =	ssyncadd.s32 $0xFFFFC000  }
0x178: {  	_ =	swait.ge [sflag:s12], $0x4000  }
0x179: {  	[sflag:s12] =	ssyncset.done $0x0  }
0x17a: {  	[sflag:s12] =	ssyncadd.s32 $0xFFFFC000  }
0x17b: {  	_ =	swait.ge [sflag:s12], $0x4000  }
0x17c: {  	[sflag:s12] =	ssyncset.done $0x0  }
0x17d: {  	[sflag:s12] =	ssyncadd.s32 $0xFFFFC000  }
0x17e: {  	_ =	swait.ge [sflag:s12], $0x4000  }
0x17f: {  	[sflag:s12] =	ssyncset.done $0x0  }
0x180: {  	[sflag:s12] =	ssyncadd.s32 $0xFFFFC000  }
0x181: {  	v3 =	vld [tilespmem:$0x0];
	_ =	sdelay $0x4  }
0x182: {  	v48 =	vshll.u32 v3, $0x1  }
0x183: {  	v3 =	vand.u32 $0x7, v3;
	v4 =	vand.u32 $0xFFFFFFF0, v48  }
0x184: {  	v3 =	vor.u32 v3, v4  }
0x185: {  	v4 =	vperm.xlane v3, v0;
	_ =	sdelay $0x1  }
0x186: {  	v3 =	vperm.xlane v3, v2;
	v4 =	vadd.s32 v1, v4;
	_ =	sdelay $0x1  }
0x187: {  	v3 =	vadd.s32 v1, v3;
	_ =	sdelay $0x2  }
0x188: {  	[tilespmem:s28], [sflag:$0x1] =	stream.indirect_vreg.gather [hbm4b:s1+s3], $0x80, v4, vm0, $0xb8;
	[tilespmem:$0x18400] =	vst v63  }
0x189: {  	s7 =	simm.s32 $0xC00  }
0x18a: {  	[tilespmem:s7], [sflag:$0x1] =	stream.indirect_vreg.gather [hbm4b:s1+s3], $0x80, v3, vm0, $0xb8;
	[tilespmem:$0x18400] =	vst v63  }
0x18b: {  	v3 =	vld [tilespmem:$0x10];
	_ =	sdelay $0x4  }
0x18c: {  	v49 =	vshll.u32 v3, $0x1  }
0x18d: {  	v3 =	vand.u32 $0x7, v3;
	v4 =	vand.u32 $0xFFFFFFF0, v49  }
0x18e: {  	v3 =	vor.u32 v3, v4  }
0x18f: {  	v4 =	vperm.xlane v3, v0;
	_ =	sdelay $0x1  }
0x190: {  	v3 =	vperm.xlane v3, v2;
	v4 =	vadd.s32 v1, v4;
	_ =	sdelay $0x1  }
0x191: {  	v3 =	vadd.s32 v1, v3;
	_ =	sdelay $0x1  }
0x192: {  	s2 =	simm.s32 $0x1400  }
0x193: {  	[tilespmem:s2], [sflag:$0x1] =	stream.indirect_vreg.gather [hbm4b:s1+s3], $0x80, v4, vm0, $0xb8;
	[tilespmem:$0x18400] =	vst v63  }
0x194: {  	s8 =	simm.s32 $0x1C00  }
0x195: {  	[tilespmem:s8], [sflag:$0x1] =	stream.indirect_vreg.gather [hbm4b:s1+s3], $0x80, v3, vm0, $0xb8;
	[tilespmem:$0x18400] =	vst v63  }
0x196: {  	v3 =	vld [tilespmem:$0x20];
	_ =	sdelay $0x4  }
0x197: {  	v50 =	vshll.u32 v3, $0x1  }
0x198: {  	v3 =	vand.u32 $0x7, v3;
	v4 =	vand.u32 $0xFFFFFFF0, v50  }
0x199: {  	v3 =	vor.u32 v3, v4  }
0x19a: {  	v4 =	vperm.xlane v3, v0;
	_ =	sdelay $0x1  }
0x19b: {  	v3 =	vperm.xlane v3, v2;
	v4 =	vadd.s32 v1, v4;
	_ =	sdelay $0x1  }
0x19c: {  	v3 =	vadd.s32 v1, v3;
	_ =	sdelay $0x1  }
0x19d: {  	s8 =	simm.s32 $0x2400  }
0x19e: {  	[tilespmem:s8], [sflag:$0x1] =	stream.indirect_vreg.gather [hbm4b:s1+s3], $0x80, v4, vm0, $0xb8;
	[tilespmem:$0x18400] =	vst v63  }
0x19f: {  	s11 =	simm.s32 $0x2C00  }
0x1a0: {  	[tilespmem:s11], [sflag:$0x1] =	stream.indirect_vreg.gather [hbm4b:s1+s3], $0x80, v3, vm0, $0xb8;
	[tilespmem:$0x18400] =	vst v63  }
0x1a1: {  	v3 =	vld [tilespmem:$0x30];
	_ =	sdelay $0x4  }
0x1a2: {  	v51 =	vshll.u32 v3, $0x1  }
0x1a3: {  	v3 =	vand.u32 $0x7, v3;
	v4 =	vand.u32 $0xFFFFFFF0, v51  }
0x1a4: {  	v3 =	vor.u32 v3, v4  }
0x1a5: {  	v4 =	vperm.xlane v3, v0;
	_ =	sdelay $0x1  }
0x1a6: {  	v3 =	vperm.xlane v3, v2;
	v4 =	vadd.s32 v1, v4;
	_ =	sdelay $0x1  }
0x1a7: {  	v3 =	vadd.s32 v1, v3;
	_ =	sdelay $0x1  }
0x1a8: {  	s31 =	simm.s32 $0x3400  }
0x1a9: {  	[tilespmem:s31], [sflag:$0x1] =	stream.indirect_vreg.gather [hbm4b:s1+s3], $0x80, v4, vm0, $0xb8;
	[tilespmem:$0x18400] =	vst v63  }
0x1aa: {  	s15 =	simm.s32 $0x3C00  }
0x1ab: {  	[tilespmem:s15], [sflag:$0x1] =	stream.indirect_vreg.gather [hbm4b:s1+s3], $0x80, v3, vm0, $0xb8;
	[tilespmem:$0x18400] =	vst v63  }
0x1ac: {  	v3 =	vld [tilespmem:$0x80];
	_ =	sdelay $0x4  }
0x1ad: {  	v52 =	vshll.u32 v3, $0x1  }
0x1ae: {  	v3 =	vand.u32 $0x7, v3;
	v4 =	vand.u32 $0xFFFFFFF0, v52  }
0x1af: {  	v3 =	vor.u32 v3, v4  }
0x1b0: {  	v4 =	vperm.xlane v3, v0;
	_ =	sdelay $0x1  }
0x1b1: {  	v3 =	vperm.xlane v3, v2;
	v4 =	vadd.s32 v1, v4;
	_ =	sdelay $0x1  }
0x1b2: {  	v3 =	vadd.s32 v1, v3;
	_ =	sdelay $0x2  }
0x1b3: {  	[tilespmem:s16], [sflag:$0x1] =	stream.indirect_vreg.gather [hbm4b:s1+s3], $0x80, v4, vm0, $0xb8;
	[tilespmem:$0x18400] =	vst v63  }
0x1b4: {  	s17 =	simm.s32 $0x4C00  }
0x1b5: {  	[tilespmem:s17], [sflag:$0x1] =	stream.indirect_vreg.gather [hbm4b:s1+s3], $0x80, v3, vm0, $0xb8;
	[tilespmem:$0x18400] =	vst v63  }
0x1b6: {  	v3 =	vld [tilespmem:$0x90];
	_ =	sdelay $0x4  }
0x1b7: {  	v53 =	vshll.u32 v3, $0x1  }
0x1b8: {  	v3 =	vand.u32 $0x7, v3;
	v4 =	vand.u32 $0xFFFFFFF0, v53  }
0x1b9: {  	v3 =	vor.u32 v3, v4  }
0x1ba: {  	v4 =	vperm.xlane v3, v0;
	_ =	sdelay $0x1  }
0x1bb: {  	v3 =	vperm.xlane v3, v2;
	v4 =	vadd.s32 v1, v4;
	_ =	sdelay $0x1  }
0x1bc: {  	v3 =	vadd.s32 v1, v3;
	_ =	sdelay $0x1  }
0x1bd: {  	s7 =	simm.s32 $0x5400  }
0x1be: {  	[tilespmem:s7], [sflag:$0x1] =	stream.indirect_vreg.gather [hbm4b:s1+s3], $0x80, v4, vm0, $0xb8;
	[tilespmem:$0x18400] =	vst v63  }
0x1bf: {  	s18 =	simm.s32 $0x5C00  }
0x1c0: {  	[tilespmem:s18], [sflag:$0x1] =	stream.indirect_vreg.gather [hbm4b:s1+s3], $0x80, v3, vm0, $0xb8;
	[tilespmem:$0x18400] =	vst v63  }
0x1c1: {  	v3 =	vld [tilespmem:$0xA0];
	_ =	sdelay $0x4  }
0x1c2: {  	v54 =	vshll.u32 v3, $0x1  }
0x1c3: {  	v3 =	vand.u32 $0x7, v3;
	v4 =	vand.u32 $0xFFFFFFF0, v54  }
0x1c4: {  	v3 =	vor.u32 v3, v4  }
0x1c5: {  	v4 =	vperm.xlane v3, v0;
	_ =	sdelay $0x1  }
0x1c6: {  	v3 =	vperm.xlane v3, v2;
	v4 =	vadd.s32 v1, v4;
	_ =	sdelay $0x1  }
0x1c7: {  	v3 =	vadd.s32 v1, v3;
	_ =	sdelay $0x1  }
0x1c8: {  	s11 =	simm.s32 $0x6400  }
0x1c9: {  	[tilespmem:s11], [sflag:$0x1] =	stream.indirect_vreg.gather [hbm4b:s1+s3], $0x80, v4, vm0, $0xb8;
	[tilespmem:$0x18400] =	vst v63  }
0x1ca: {  	s20 =	simm.s32 $0x6C00  }
0x1cb: {  	[tilespmem:s20], [sflag:$0x1] =	stream.indirect_vreg.gather [hbm4b:s1+s3], $0x80, v3, vm0, $0xb8;
	[tilespmem:$0x18400] =	vst v63  }
0x1cc: {  	v3 =	vld [tilespmem:$0xB0];
	_ =	sdelay $0x4  }
0x1cd: {  	v55 =	vshll.u32 v3, $0x1  }
0x1ce: {  	v3 =	vand.u32 $0x7, v3;
	v4 =	vand.u32 $0xFFFFFFF0, v55  }
0x1cf: {  	v3 =	vor.u32 v3, v4  }
0x1d0: {  	v4 =	vperm.xlane v3, v0;
	_ =	sdelay $0x1  }
0x1d1: {  	v3 =	vperm.xlane v3, v2;
	v4 =	vadd.s32 v1, v4;
	_ =	sdelay $0x1  }
0x1d2: {  	v3 =	vadd.s32 v1, v3;
	_ =	sdelay $0x1  }
0x1d3: {  	s15 =	simm.s32 $0x7400  }
0x1d4: {  	[tilespmem:s15], [sflag:$0x1] =	stream.indirect_vreg.gather [hbm4b:s1+s3], $0x80, v4, vm0, $0xb8;
	[tilespmem:$0x18400] =	vst v63  }
0x1d5: {  	s21 =	simm.s32 $0x7C00  }
0x1d6: {  	[tilespmem:s21], [sflag:$0x1] =	stream.indirect_vreg.gather [hbm4b:s1+s3], $0x80, v3, vm0, $0xb8;
	[tilespmem:$0x18400] =	vst v63  }
0x1d7: {  	v3 =	vld [tilespmem:$0x100];
	_ =	sdelay $0x4  }
0x1d8: {  	v56 =	vshll.u32 v3, $0x1  }
0x1d9: {  	v3 =	vand.u32 $0x7, v3;
	v4 =	vand.u32 $0xFFFFFFF0, v56  }
0x1da: {  	v3 =	vor.u32 v3, v4  }
0x1db: {  	v4 =	vperm.xlane v3, v0;
	_ =	sdelay $0x1  }
0x1dc: {  	v3 =	vperm.xlane v3, v2;
	v4 =	vadd.s32 v1, v4;
	_ =	sdelay $0x1  }
0x1dd: {  	v3 =	vadd.s32 v1, v3;
	_ =	sdelay $0x2  }
0x1de: {  	[tilespmem:s24], [sflag:$0x1] =	stream.indirect_vreg.gather [hbm4b:s1+s3], $0x80, v4, vm0, $0xb8;
	[tilespmem:$0x18400] =	vst v63  }
0x1df: {  	s22 =	simm.s32 $0x8C00  }
0x1e0: {  	[tilespmem:s22], [sflag:$0x1] =	stream.indirect_vreg.gather [hbm4b:s1+s3], $0x80, v3, vm0, $0xb8;
	[tilespmem:$0x18400] =	vst v63  }
0x1e1: {  	v3 =	vld [tilespmem:$0x110];
	_ =	sdelay $0x4  }
0x1e2: {  	v57 =	vshll.u32 v3, $0x1  }
0x1e3: {  	v3 =	vand.u32 $0x7, v3;
	v4 =	vand.u32 $0xFFFFFFF0, v57  }
0x1e4: {  	v3 =	vor.u32 v3, v4  }
0x1e5: {  	v4 =	vperm.xlane v3, v0;
	_ =	sdelay $0x1  }
0x1e6: {  	v3 =	vperm.xlane v3, v2;
	v4 =	vadd.s32 v1, v4;
	_ =	sdelay $0x1  }
0x1e7: {  	v3 =	vadd.s32 v1, v3;
	_ =	sdelay $0x1  }
0x1e8: {  	s17 =	simm.s32 $0x9400  }
0x1e9: {  	[tilespmem:s17], [sflag:$0x1] =	stream.indirect_vreg.gather [hbm4b:s1+s3], $0x80, v4, vm0, $0xb8;
	[tilespmem:$0x18400] =	vst v63  }
0x1ea: {  	s23 =	simm.s32 $0x9C00  }
0x1eb: {  	[tilespmem:s23], [sflag:$0x1] =	stream.indirect_vreg.gather [hbm4b:s1+s3], $0x80, v3, vm0, $0xb8;
	[tilespmem:$0x18400] =	vst v63  }
0x1ec: {  	v3 =	vld [tilespmem:$0x120];
	_ =	sdelay $0x4  }
0x1ed: {  	v58 =	vshll.u32 v3, $0x1  }
0x1ee: {  	v3 =	vand.u32 $0x7, v3;
	v4 =	vand.u32 $0xFFFFFFF0, v58  }
0x1ef: {  	v3 =	vor.u32 v3, v4  }
0x1f0: {  	v4 =	vperm.xlane v3, v0;
	_ =	sdelay $0x1  }
0x1f1: {  	v3 =	vperm.xlane v3, v2;
	v4 =	vadd.s32 v1, v4;
	_ =	sdelay $0x1  }
0x1f2: {  	v3 =	vadd.s32 v1, v3;
	_ =	sdelay $0x1  }
0x1f3: {  	s18 =	simm.s32 $0xA400  }
0x1f4: {  	[tilespmem:s18], [sflag:$0x1] =	stream.indirect_vreg.gather [hbm4b:s1+s3], $0x80, v4, vm0, $0xb8;
	[tilespmem:$0x18400] =	vst v63  }
0x1f5: {  	s25 =	simm.s32 $0xAC00  }
0x1f6: {  	[tilespmem:s25], [sflag:$0x1] =	stream.indirect_vreg.gather [hbm4b:s1+s3], $0x80, v3, vm0, $0xb8;
	[tilespmem:$0x18400] =	vst v63  }
0x1f7: {  	v3 =	vld [tilespmem:$0x130];
	_ =	sdelay $0x4  }
0x1f8: {  	v59 =	vshll.u32 v3, $0x1  }
0x1f9: {  	v3 =	vand.u32 $0x7, v3;
	v4 =	vand.u32 $0xFFFFFFF0, v59  }
0x1fa: {  	v3 =	vor.u32 v3, v4  }
0x1fb: {  	v4 =	vperm.xlane v3, v0;
	_ =	sdelay $0x1  }
0x1fc: {  	v3 =	vperm.xlane v3, v2;
	v4 =	vadd.s32 v1, v4;
	_ =	sdelay $0x1  }
0x1fd: {  	v3 =	vadd.s32 v1, v3;
	_ =	sdelay $0x1  }
0x1fe: {  	s26 =	simm.s32 $0xB400  }
0x1ff: {  	[tilespmem:s26], [sflag:$0x1] =	stream.indirect_vreg.gather [hbm4b:s1+s3], $0x80, v4, vm0, $0xb8;
	[tilespmem:$0x18400] =	vst v63  }
0x200: {  	s20 =	simm.s32 $0xBC00  }
0x201: {  	[tilespmem:s20], [sflag:$0x1] =	stream.indirect_vreg.gather [hbm4b:s1+s3], $0x80, v3, vm0, $0xb8;
	[tilespmem:$0x18400] =	vst v63  }
0x202: {  	s0 =	rddreg [dreg:$0x11]  }
0x203: {  	[hbm4b:s0+s3] =	stream.linear.scatter [tilespmem:s10], [sflag:$0x2], $0x4000, $0x38;
	[tilespmem:$0x18400] =	vst v63  }
0x204: {  	s2 =	rddreg [dreg:$0x12]  }
0x205: {  	[hbm4b:s2+s3] =	stream.linear.scatter [tilespmem:s19], [sflag:$0x2], $0x4000, $0x38;
	[tilespmem:$0x18400] =	vst v63  }
0x206: {  	s0 =	rddreg [dreg:$0x13]  }
0x207: {  	[hbm4b:s0+s3] =	stream.linear.scatter [tilespmem:s29], [sflag:$0x2], $0x4000, $0x38;
	[tilespmem:$0x18400] =	vst v63  }
0x208: {  	s2 =	rddreg [dreg:$0x14];
	s0 =	simm.s32 $0x200  }
0x209: {  	[tilespmem:s0], [sflag:$0x3] =	stream.linear.gather [hbm4b:s2+s3], $0x40, $0x38;
	[tilespmem:$0x18400] =	vst v63  }
0x20a: {  	_ =	swait.ge [sflag:s5], $0x40  }
0x20b: {  	[sflag:s5] =	ssyncset.done $0x0  }
0x20c: {  	s2 =	simm.s32 $0x280;
	s14 =	rddreg [dreg:$0x15];
	[sflag:s5] =	ssyncadd.s32 $0xFFFFFFC0  }
0x20d: {  	[tilespmem:s2], [sflag:$0x3] =	stream.linear.gather [hbm4b:s14+s3], $0x40, $0x38;
	[tilespmem:$0x18400] =	vst v63  }
0x20e: {  	_ =	swait.ge [sflag:s5], $0x40  }
0x20f: {  	[sflag:s5] =	ssyncset.done $0x0  }
0x210: {  	s6 =	simm.s32 $0x300;
	s14 =	rddreg [dreg:$0x16];
	[sflag:s5] =	ssyncadd.s32 $0xFFFFFFC0  }
0x211: {  	[tilespmem:s6], [sflag:$0x3] =	stream.linear.gather [hbm4b:s14+s3], $0x40, $0x38;
	[tilespmem:$0x18400] =	vst v63  }
0x212: {  	_ =	swait.ge [sflag:s5], $0x40  }
0x213: {  	[sflag:s5] =	ssyncset.done $0x0  }
0x214: {  	[sflag:s5] =	ssyncadd.s32 $0xFFFFFFC0  }
0x215: {  	_ =	swait.ge [sflag:s9], $0x4000  }
0x216: {  	[sflag:s9] =	ssyncset.done $0x0  }
0x217: {  	[sflag:s9] =	ssyncadd.s32 $0xFFFFC000  }
0x218: {  	_ =	swait.ge [sflag:s9], $0x4000  }
0x219: {  	[sflag:s9] =	ssyncset.done $0x0  }
0x21a: {  	[sflag:s9] =	ssyncadd.s32 $0xFFFFC000  }
0x21b: {  	_ =	swait.ge [sflag:s9], $0x4000  }
0x21c: {  	[sflag:s9] =	ssyncset.done $0x0  }
0x21d: {  	[sflag:s9] =	ssyncadd.s32 $0xFFFFC000  }
0x21e: {  	_ =	swait.ge [sflag:s12], $0x4000  }
0x21f: {  	[sflag:s12] =	ssyncset.done $0x0  }
0x220: {  	[sflag:s12] =	ssyncadd.s32 $0xFFFFC000  }
0x221: {  	_ =	swait.ge [sflag:s12], $0x4000  }
0x222: {  	[sflag:s12] =	ssyncset.done $0x0  }
0x223: {  	[sflag:s12] =	ssyncadd.s32 $0xFFFFC000  }
0x224: {  	_ =	swait.ge [sflag:s12], $0x4000  }
0x225: {  	[sflag:s12] =	ssyncset.done $0x0  }
0x226: {  	[sflag:s12] =	ssyncadd.s32 $0xFFFFC000  }
0x227: {  	v3 =	vld [tilespmem:$0x200];
	_ =	sdelay $0x4  }
0x228: {  	v60 =	vshll.u32 v3, $0x1  }
0x229: {  	v3 =	vand.u32 $0x7, v3;
	v4 =	vand.u32 $0xFFFFFFF0, v60  }
0x22a: {  	v3 =	vor.u32 v3, v4  }
0x22b: {  	v4 =	vperm.xlane v3, v0;
	_ =	sdelay $0x1  }
0x22c: {  	v3 =	vperm.xlane v3, v2;
	v4 =	vadd.s32 v1, v4;
	_ =	sdelay $0x1  }
0x22d: {  	v3 =	vadd.s32 v1, v3;
	_ =	sdelay $0x2  }
0x22e: {  	[tilespmem:s10], [sflag:$0x1] =	stream.indirect_vreg.gather [hbm4b:s1+s3], $0x80, v4, vm0, $0xb8;
	[tilespmem:$0x18400] =	vst v63  }
0x22f: {  	s14 =	simm.s32 $0xCC00  }
0x230: {  	[tilespmem:s14], [sflag:$0x1] =	stream.indirect_vreg.gather [hbm4b:s1+s3], $0x80, v3, vm0, $0xb8;
	[tilespmem:$0x18400] =	vst v63  }
0x231: {  	v3 =	vld [tilespmem:$0x210];
	_ =	sdelay $0x4  }
0x232: {  	v61 =	vshll.u32 v3, $0x1  }
0x233: {  	v3 =	vand.u32 $0x7, v3;
	v4 =	vand.u32 $0xFFFFFFF0, v61  }
0x234: {  	v3 =	vor.u32 v3, v4  }
0x235: {  	v4 =	vperm.xlane v3, v0;
	_ =	sdelay $0x1  }
0x236: {  	v3 =	vperm.xlane v3, v2;
	v4 =	vadd.s32 v1, v4;
	_ =	sdelay $0x1  }
0x237: {  	v3 =	vadd.s32 v1, v3;
	_ =	sdelay $0x1  }
0x238: {  	s13 =	simm.s32 $0xD400  }
0x239: {  	[tilespmem:s13], [sflag:$0x1] =	stream.indirect_vreg.gather [hbm4b:s1+s3], $0x80, v4, vm0, $0xb8;
	[tilespmem:$0x18400] =	vst v63  }
0x23a: {  	s14 =	simm.s32 $0xDC00  }
0x23b: {  	[tilespmem:s14], [sflag:$0x1] =	stream.indirect_vreg.gather [hbm4b:s1+s3], $0x80, v3, vm0, $0xb8;
	[tilespmem:$0x18400] =	vst v63  }
0x23c: {  	v3 =	vld [tilespmem:$0x220];
	_ =	sdelay $0x4  }
0x23d: {  	v62 =	vshll.u32 v3, $0x1  }
0x23e: {  	v3 =	vand.u32 $0x7, v3;
	v4 =	vand.u32 $0xFFFFFFF0, v62  }
0x23f: {  	v3 =	vor.u32 v3, v4  }
0x240: {  	v4 =	vperm.xlane v3, v0;
	_ =	sdelay $0x1  }
0x241: {  	v3 =	vperm.xlane v3, v2;
	v4 =	vadd.s32 v1, v4;
	_ =	sdelay $0x1  }
0x242: {  	v3 =	vadd.s32 v1, v3;
	_ =	sdelay $0x1  }
0x243: {  	s14 =	simm.s32 $0xE400  }
0x244: {  	[tilespmem:s14], [sflag:$0x1] =	stream.indirect_vreg.gather [hbm4b:s1+s3], $0x80, v4, vm0, $0xb8;
	[tilespmem:$0x18400] =	vst v63  }
0x245: {  	s30 =	simm.s32 $0xEC00  }
0x246: {  	[tilespmem:s30], [sflag:$0x1] =	stream.indirect_vreg.gather [hbm4b:s1+s3], $0x80, v3, vm0, $0xb8;
	[tilespmem:$0x18400] =	vst v63  }
0x247: {  	v3 =	vld [tilespmem:$0x230];
	_ =	sdelay $0x4  }
0x248: {  	v63 =	vshll.u32 v3, $0x1  }
0x249: {  	v3 =	vand.u32 $0x7, v3;
	v4 =	vand.u32 $0xFFFFFFF0, v63  }
0x24a: {  	v3 =	vor.u32 v3, v4  }
0x24b: {  	v4 =	vperm.xlane v3, v0;
	_ =	sdelay $0x1  }
0x24c: {  	v3 =	vperm.xlane v3, v2;
	v4 =	vadd.s32 v1, v4;
	_ =	sdelay $0x1  }
0x24d: {  	v3 =	vadd.s32 v1, v3;
	_ =	sdelay $0x1  }
0x24e: {  	s14 =	simm.s32 $0xF400  }
0x24f: {  	[tilespmem:s14], [sflag:$0x1] =	stream.indirect_vreg.gather [hbm4b:s1+s3], $0x80, v4, vm0, $0xb8;
	[tilespmem:$0x18400] =	vst v63  }
0x250: {  	s30 =	simm.s32 $0xFC00  }
0x251: {  	[tilespmem:s30], [sflag:$0x1] =	stream.indirect_vreg.gather [hbm4b:s1+s3], $0x80, v3, vm0, $0xb8;
	[tilespmem:$0x18400] =	vst v63  }
0x252: {  	v3 =	vld [tilespmem:$0x280];
	_ =	sdelay $0x4  }
0x253: {  	v8 =	vshll.u32 v3, $0x1  }
0x254: {  	v3 =	vand.u32 $0x7, v3;
	v4 =	vand.u32 $0xFFFFFFF0, v8  }
0x255: {  	v3 =	vor.u32 v3, v4  }
0x256: {  	v4 =	vperm.xlane v3, v0;
	_ =	sdelay $0x1  }
0x257: {  	v3 =	vperm.xlane v3, v2;
	v4 =	vadd.s32 v1, v4;
	_ =	sdelay $0x1  }
0x258: {  	v3 =	vadd.s32 v1, v3;
	_ =	sdelay $0x2  }
0x259: {  	[tilespmem:s19], [sflag:$0x1] =	stream.indirect_vreg.gather [hbm4b:s1+s3], $0x80, v4, vm0, $0xb8;
	[tilespmem:$0x18400] =	vst v63  }
0x25a: {  	s14 =	simm.s32 $0x10C00  }
0x25b: {  	[tilespmem:s14], [sflag:$0x1] =	stream.indirect_vreg.gather [hbm4b:s1+s3], $0x80, v3, vm0, $0xb8;
	[tilespmem:$0x18400] =	vst v63  }
0x25c: {  	v3 =	vld [tilespmem:$0x290];
	_ =	sdelay $0x4  }
0x25d: {  	v9 =	vshll.u32 v3, $0x1  }
0x25e: {  	v3 =	vand.u32 $0x7, v3;
	v4 =	vand.u32 $0xFFFFFFF0, v9  }
0x25f: {  	v3 =	vor.u32 v3, v4  }
0x260: {  	v4 =	vperm.xlane v3, v0;
	_ =	sdelay $0x1  }
0x261: {  	v3 =	vperm.xlane v3, v2;
	v4 =	vadd.s32 v1, v4;
	_ =	sdelay $0x1  }
0x262: {  	v3 =	vadd.s32 v1, v3;
	_ =	sdelay $0x1  }
0x263: {  	s30 =	simm.s32 $0x11400  }
0x264: {  	[tilespmem:s30], [sflag:$0x1] =	stream.indirect_vreg.gather [hbm4b:s1+s3], $0x80, v4, vm0, $0xb8;
	[tilespmem:$0x18400] =	vst v63  }
0x265: {  	s14 =	simm.s32 $0x11C00  }
0x266: {  	[tilespmem:s14], [sflag:$0x1] =	stream.indirect_vreg.gather [hbm4b:s1+s3], $0x80, v3, vm0, $0xb8;
	[tilespmem:$0x18400] =	vst v63  }
0x267: {  	v3 =	vld [tilespmem:$0x2A0];
	_ =	sdelay $0x4  }
0x268: {  	v10 =	vshll.u32 v3, $0x1  }
0x269: {  	v3 =	vand.u32 $0x7, v3;
	v4 =	vand.u32 $0xFFFFFFF0, v10  }
0x26a: {  	v3 =	vor.u32 v3, v4  }
0x26b: {  	v4 =	vperm.xlane v3, v0;
	_ =	sdelay $0x1  }
0x26c: {  	v3 =	vperm.xlane v3, v2;
	v4 =	vadd.s32 v1, v4;
	_ =	sdelay $0x1  }
0x26d: {  	v3 =	vadd.s32 v1, v3;
	_ =	sdelay $0x1  }
0x26e: {  	s30 =	simm.s32 $0x12400  }
0x26f: {  	[tilespmem:s30], [sflag:$0x1] =	stream.indirect_vreg.gather [hbm4b:s1+s3], $0x80, v4, vm0, $0xb8;
	[tilespmem:$0x18400] =	vst v63  }
0x270: {  	s14 =	simm.s32 $0x12C00  }
0x271: {  	[tilespmem:s14], [sflag:$0x1] =	stream.indirect_vreg.gather [hbm4b:s1+s3], $0x80, v3, vm0, $0xb8;
	[tilespmem:$0x18400] =	vst v63  }
0x272: {  	v3 =	vld [tilespmem:$0x2B0];
	_ =	sdelay $0x4  }
0x273: {  	v11 =	vshll.u32 v3, $0x1  }
0x274: {  	v3 =	vand.u32 $0x7, v3;
	v4 =	vand.u32 $0xFFFFFFF0, v11  }
0x275: {  	v3 =	vor.u32 v3, v4  }
0x276: {  	v4 =	vperm.xlane v3, v0;
	_ =	sdelay $0x1  }
0x277: {  	v3 =	vperm.xlane v3, v2;
	v4 =	vadd.s32 v1, v4;
	_ =	sdelay $0x1  }
0x278: {  	v3 =	vadd.s32 v1, v3;
	_ =	sdelay $0x1  }
0x279: {  	s30 =	simm.s32 $0x13400  }
0x27a: {  	[tilespmem:s30], [sflag:$0x1] =	stream.indirect_vreg.gather [hbm4b:s1+s3], $0x80, v4, vm0, $0xb8;
	[tilespmem:$0x18400] =	vst v63  }
0x27b: {  	s14 =	simm.s32 $0x13C00  }
0x27c: {  	[tilespmem:s14], [sflag:$0x1] =	stream.indirect_vreg.gather [hbm4b:s1+s3], $0x80, v3, vm0, $0xb8;
	[tilespmem:$0x18400] =	vst v63  }
0x27d: {  	v3 =	vld [tilespmem:$0x300];
	_ =	sdelay $0x4  }
0x27e: {  	v12 =	vshll.u32 v3, $0x1  }
0x27f: {  	v3 =	vand.u32 $0x7, v3;
	v4 =	vand.u32 $0xFFFFFFF0, v12  }
0x280: {  	v3 =	vor.u32 v3, v4  }
0x281: {  	v4 =	vperm.xlane v3, v0;
	_ =	sdelay $0x1  }
0x282: {  	v3 =	vperm.xlane v3, v2;
	v4 =	vadd.s32 v1, v4;
	_ =	sdelay $0x1  }
0x283: {  	v3 =	vadd.s32 v1, v3;
	_ =	sdelay $0x2  }
0x284: {  	[tilespmem:s29], [sflag:$0x1] =	stream.indirect_vreg.gather [hbm4b:s1+s3], $0x80, v4, vm0, $0xb8;
	[tilespmem:$0x18400] =	vst v63  }
0x285: {  	s30 =	simm.s32 $0x14C00  }
0x286: {  	[tilespmem:s30], [sflag:$0x1] =	stream.indirect_vreg.gather [hbm4b:s1+s3], $0x80, v3, vm0, $0xb8;
	[tilespmem:$0x18400] =	vst v63  }
0x287: {  	v3 =	vld [tilespmem:$0x310];
	_ =	sdelay $0x4  }
0x288: {  	v13 =	vshll.u32 v3, $0x1  }
0x289: {  	v3 =	vand.u32 $0x7, v3;
	v4 =	vand.u32 $0xFFFFFFF0, v13  }
0x28a: {  	v3 =	vor.u32 v3, v4  }
0x28b: {  	v4 =	vperm.xlane v3, v0;
	_ =	sdelay $0x1  }
0x28c: {  	v3 =	vperm.xlane v3, v2;
	v4 =	vadd.s32 v1, v4;
	_ =	sdelay $0x1  }
0x28d: {  	v3 =	vadd.s32 v1, v3;
	_ =	sdelay $0x1  }
0x28e: {  	s14 =	simm.s32 $0x15400  }
0x28f: {  	[tilespmem:s14], [sflag:$0x1] =	stream.indirect_vreg.gather [hbm4b:s1+s3], $0x80, v4, vm0, $0xb8;
	[tilespmem:$0x18400] =	vst v63  }
0x290: {  	s30 =	simm.s32 $0x15C00  }
0x291: {  	[tilespmem:s30], [sflag:$0x1] =	stream.indirect_vreg.gather [hbm4b:s1+s3], $0x80, v3, vm0, $0xb8;
	[tilespmem:$0x18400] =	vst v63  }
0x292: {  	v3 =	vld [tilespmem:$0x320];
	_ =	sdelay $0x4  }
0x293: {  	v14 =	vshll.u32 v3, $0x1  }
0x294: {  	v3 =	vand.u32 $0x7, v3;
	v4 =	vand.u32 $0xFFFFFFF0, v14  }
0x295: {  	v3 =	vor.u32 v3, v4  }
0x296: {  	v4 =	vperm.xlane v3, v0;
	_ =	sdelay $0x1  }
0x297: {  	v3 =	vperm.xlane v3, v2;
	v4 =	vadd.s32 v1, v4;
	_ =	sdelay $0x1  }
0x298: {  	v3 =	vadd.s32 v1, v3;
	_ =	sdelay $0x1  }
0x299: {  	s14 =	simm.s32 $0x16400  }
0x29a: {  	[tilespmem:s14], [sflag:$0x1] =	stream.indirect_vreg.gather [hbm4b:s1+s3], $0x80, v4, vm0, $0xb8;
	[tilespmem:$0x18400] =	vst v63  }
0x29b: {  	s30 =	simm.s32 $0x16C00  }
0x29c: {  	[tilespmem:s30], [sflag:$0x1] =	stream.indirect_vreg.gather [hbm4b:s1+s3], $0x80, v3, vm0, $0xb8;
	[tilespmem:$0x18400] =	vst v63  }
0x29d: {  	v3 =	vld [tilespmem:$0x330];
	_ =	sdelay $0x4  }
0x29e: {  	v15 =	vshll.u32 v3, $0x1  }
0x29f: {  	v3 =	vand.u32 $0x7, v3;
	v4 =	vand.u32 $0xFFFFFFF0, v15  }
0x2a0: {  	v3 =	vor.u32 v3, v4  }
0x2a1: {  	v4 =	vperm.xlane v3, v0;
	_ =	sdelay $0x1  }
0x2a2: {  	v3 =	vperm.xlane v3, v2;
	v4 =	vadd.s32 v1, v4;
	_ =	sdelay $0x1  }
0x2a3: {  	v3 =	vadd.s32 v1, v3;
	_ =	sdelay $0x1  }
0x2a4: {  	s14 =	simm.s32 $0x17400  }
0x2a5: {  	[tilespmem:s14], [sflag:$0x1] =	stream.indirect_vreg.gather [hbm4b:s1+s3], $0x80, v4, vm0, $0xb8;
	[tilespmem:$0x18400] =	vst v63  }
0x2a6: {  	s30 =	simm.s32 $0x17C00  }
0x2a7: {  	[tilespmem:s30], [sflag:$0x1] =	stream.indirect_vreg.gather [hbm4b:s1+s3], $0x80, v3, vm0, $0xb8;
	[tilespmem:$0x18400] =	vst v63  }
0x2a8: {  	s13 =	rddreg [dreg:$0x17]  }
0x2a9: {  	[hbm4b:s13+s3] =	stream.linear.scatter [tilespmem:s28], [sflag:$0x2], $0x4000, $0x38;
	[tilespmem:$0x18400] =	vst v63  }
0x2aa: {  	s30 =	rddreg [dreg:$0x18]  }
0x2ab: {  	[hbm4b:s30+s3] =	stream.linear.scatter [tilespmem:s16], [sflag:$0x2], $0x4000, $0x38;
	[tilespmem:$0x18400] =	vst v63  }
0x2ac: {  	s13 =	rddreg [dreg:$0x19]  }
0x2ad: {  	[hbm4b:s13+s3] =	stream.linear.scatter [tilespmem:s24], [sflag:$0x2], $0x4000, $0x38;
	[tilespmem:$0x18400] =	vst v63  }
0x2ae: {  	s30 =	rddreg [dreg:$0x1a]  }
0x2af: {  	[tilespmem:s3], [sflag:$0x3] =	stream.linear.gather [hbm4b:s30+s3], $0x40, $0x38;
	[tilespmem:$0x18400] =	vst v63  }
0x2b0: {  	_ =	swait.ge [sflag:s5], $0x40  }
0x2b1: {  	[sflag:s5] =	ssyncset.done $0x0  }
0x2b2: {  	s30 =	simm.s32 $0x80;
	s14 =	rddreg [dreg:$0x1b];
	[sflag:s5] =	ssyncadd.s32 $0xFFFFFFC0  }
0x2b3: {  	[tilespmem:s30], [sflag:$0x3] =	stream.linear.gather [hbm4b:s14+s3], $0x40, $0x38;
	[tilespmem:$0x18400] =	vst v63  }
0x2b4: {  	_ =	swait.ge [sflag:s5], $0x40  }
0x2b5: {  	[sflag:s5] =	ssyncset.done $0x0  }
0x2b6: {  	s30 =	simm.s32 $0x100;
	s14 =	rddreg [dreg:$0x1c];
	[sflag:s5] =	ssyncadd.s32 $0xFFFFFFC0  }
0x2b7: {  	[tilespmem:s30], [sflag:$0x3] =	stream.linear.gather [hbm4b:s14+s3], $0x40, $0x38;
	[tilespmem:$0x18400] =	vst v63  }
0x2b8: {  	_ =	swait.ge [sflag:s5], $0x40  }
0x2b9: {  	[sflag:s5] =	ssyncset.done $0x0  }
0x2ba: {  	[sflag:s5] =	ssyncadd.s32 $0xFFFFFFC0  }
0x2bb: {  	_ =	swait.ge [sflag:s9], $0x4000  }
0x2bc: {  	[sflag:s9] =	ssyncset.done $0x0  }
0x2bd: {  	[sflag:s9] =	ssyncadd.s32 $0xFFFFC000  }
0x2be: {  	_ =	swait.ge [sflag:s9], $0x4000  }
0x2bf: {  	[sflag:s9] =	ssyncset.done $0x0  }
0x2c0: {  	[sflag:s9] =	ssyncadd.s32 $0xFFFFC000  }
0x2c1: {  	_ =	swait.ge [sflag:s9], $0x4000  }
0x2c2: {  	[sflag:s9] =	ssyncset.done $0x0  }
0x2c3: {  	[sflag:s9] =	ssyncadd.s32 $0xFFFFC000  }
0x2c4: {  	_ =	swait.ge [sflag:s12], $0x4000  }
0x2c5: {  	[sflag:s12] =	ssyncset.done $0x0  }
0x2c6: {  	[sflag:s12] =	ssyncadd.s32 $0xFFFFC000  }
0x2c7: {  	_ =	swait.ge [sflag:s12], $0x4000  }
0x2c8: {  	[sflag:s12] =	ssyncset.done $0x0  }
0x2c9: {  	[sflag:s12] =	ssyncadd.s32 $0xFFFFC000  }
0x2ca: {  	_ =	swait.ge [sflag:s12], $0x4000  }
0x2cb: {  	[sflag:s12] =	ssyncset.done $0x0  }
0x2cc: {  	[sflag:s12] =	ssyncadd.s32 $0xFFFFC000  }
0x2cd: {  	v3 =	vld [tilespmem:$0x0];
	_ =	sdelay $0x4  }
0x2ce: {  	v16 =	vshll.u32 v3, $0x1  }
0x2cf: {  	v3 =	vand.u32 $0x7, v3;
	v4 =	vand.u32 $0xFFFFFFF0, v16  }
0x2d0: {  	v3 =	vor.u32 v3, v4  }
0x2d1: {  	v4 =	vperm.xlane v3, v0;
	_ =	sdelay $0x1  }
0x2d2: {  	v3 =	vperm.xlane v3, v2;
	v4 =	vadd.s32 v1, v4;
	_ =	sdelay $0x1  }
0x2d3: {  	v3 =	vadd.s32 v1, v3;
	_ =	sdelay $0x2  }
0x2d4: {  	[tilespmem:s28], [sflag:$0x1] =	stream.indirect_vreg.gather [hbm4b:s1+s3], $0x80, v4, vm0, $0xb8;
	[tilespmem:$0x18400] =	vst v63  }
0x2d5: {  	s14 =	simm.s32 $0xC00  }
0x2d6: {  	[tilespmem:s14], [sflag:$0x1] =	stream.indirect_vreg.gather [hbm4b:s1+s3], $0x80, v3, vm0, $0xb8;
	[tilespmem:$0x18400] =	vst v63  }
0x2d7: {  	v3 =	vld [tilespmem:$0x10];
	_ =	sdelay $0x4  }
0x2d8: {  	v17 =	vshll.u32 v3, $0x1  }
0x2d9: {  	v3 =	vand.u32 $0x7, v3;
	v4 =	vand.u32 $0xFFFFFFF0, v17  }
0x2da: {  	v3 =	vor.u32 v3, v4  }
0x2db: {  	v4 =	vperm.xlane v3, v0;
	_ =	sdelay $0x1  }
0x2dc: {  	v3 =	vperm.xlane v3, v2;
	v4 =	vadd.s32 v1, v4;
	_ =	sdelay $0x1  }
0x2dd: {  	v3 =	vadd.s32 v1, v3;
	_ =	sdelay $0x1  }
0x2de: {  	s30 =	simm.s32 $0x1400  }
0x2df: {  	[tilespmem:s30], [sflag:$0x1] =	stream.indirect_vreg.gather [hbm4b:s1+s3], $0x80, v4, vm0, $0xb8;
	[tilespmem:$0x18400] =	vst v63  }
0x2e0: {  	s14 =	simm.s32 $0x1C00  }
0x2e1: {  	[tilespmem:s14], [sflag:$0x1] =	stream.indirect_vreg.gather [hbm4b:s1+s3], $0x80, v3, vm0, $0xb8;
	[tilespmem:$0x18400] =	vst v63  }
0x2e2: {  	v3 =	vld [tilespmem:$0x20];
	_ =	sdelay $0x4  }
0x2e3: {  	v18 =	vshll.u32 v3, $0x1  }
0x2e4: {  	v3 =	vand.u32 $0x7, v3;
	v4 =	vand.u32 $0xFFFFFFF0, v18  }
0x2e5: {  	v3 =	vor.u32 v3, v4  }
0x2e6: {  	v4 =	vperm.xlane v3, v0;
	_ =	sdelay $0x1  }
0x2e7: {  	v3 =	vperm.xlane v3, v2;
	v4 =	vadd.s32 v1, v4;
	_ =	sdelay $0x1  }
0x2e8: {  	v3 =	vadd.s32 v1, v3;
	_ =	sdelay $0x2  }
0x2e9: {  	[tilespmem:s8], [sflag:$0x1] =	stream.indirect_vreg.gather [hbm4b:s1+s3], $0x80, v4, vm0, $0xb8;
	[tilespmem:$0x18400] =	vst v63  }
0x2ea: {  	s30 =	simm.s32 $0x2C00  }
0x2eb: {  	[tilespmem:s30], [sflag:$0x1] =	stream.indirect_vreg.gather [hbm4b:s1+s3], $0x80, v3, vm0, $0xb8;
	[tilespmem:$0x18400] =	vst v63  }
0x2ec: {  	v3 =	vld [tilespmem:$0x30];
	_ =	sdelay $0x4  }
0x2ed: {  	v19 =	vshll.u32 v3, $0x1  }
0x2ee: {  	v3 =	vand.u32 $0x7, v3;
	v4 =	vand.u32 $0xFFFFFFF0, v19  }
0x2ef: {  	v3 =	vor.u32 v3, v4  }
0x2f0: {  	v4 =	vperm.xlane v3, v0;
	_ =	sdelay $0x1  }
0x2f1: {  	v3 =	vperm.xlane v3, v2;
	v4 =	vadd.s32 v1, v4;
	_ =	sdelay $0x1  }
0x2f2: {  	v3 =	vadd.s32 v1, v3;
	_ =	sdelay $0x2  }
0x2f3: {  	[tilespmem:s31], [sflag:$0x1] =	stream.indirect_vreg.gather [hbm4b:s1+s3], $0x80, v4, vm0, $0xb8;
	[tilespmem:$0x18400] =	vst v63  }
0x2f4: {  	s14 =	simm.s32 $0x3C00  }
0x2f5: {  	[tilespmem:s14], [sflag:$0x1] =	stream.indirect_vreg.gather [hbm4b:s1+s3], $0x80, v3, vm0, $0xb8;
	[tilespmem:$0x18400] =	vst v63  }
0x2f6: {  	v3 =	vld [tilespmem:$0x80];
	_ =	sdelay $0x4  }
0x2f7: {  	v20 =	vshll.u32 v3, $0x1  }
0x2f8: {  	v3 =	vand.u32 $0x7, v3;
	v4 =	vand.u32 $0xFFFFFFF0, v20  }
0x2f9: {  	v3 =	vor.u32 v3, v4  }
0x2fa: {  	v4 =	vperm.xlane v3, v0;
	_ =	sdelay $0x1  }
0x2fb: {  	v3 =	vperm.xlane v3, v2;
	v4 =	vadd.s32 v1, v4;
	_ =	sdelay $0x1  }
0x2fc: {  	v3 =	vadd.s32 v1, v3;
	_ =	sdelay $0x2  }
0x2fd: {  	[tilespmem:s16], [sflag:$0x1] =	stream.indirect_vreg.gather [hbm4b:s1+s3], $0x80, v4, vm0, $0xb8;
	[tilespmem:$0x18400] =	vst v63  }
0x2fe: {  	s30 =	simm.s32 $0x4C00  }
0x2ff: {  	[tilespmem:s30], [sflag:$0x1] =	stream.indirect_vreg.gather [hbm4b:s1+s3], $0x80, v3, vm0, $0xb8;
	[tilespmem:$0x18400] =	vst v63  }
0x300: {  	v3 =	vld [tilespmem:$0x90];
	_ =	sdelay $0x4  }
0x301: {  	v21 =	vshll.u32 v3, $0x1  }
0x302: {  	v3 =	vand.u32 $0x7, v3;
	v4 =	vand.u32 $0xFFFFFFF0, v21  }
0x303: {  	v3 =	vor.u32 v3, v4  }
0x304: {  	v4 =	vperm.xlane v3, v0;
	_ =	sdelay $0x1  }
0x305: {  	v3 =	vperm.xlane v3, v2;
	v4 =	vadd.s32 v1, v4;
	_ =	sdelay $0x1  }
0x306: {  	v3 =	vadd.s32 v1, v3;
	_ =	sdelay $0x2  }
0x307: {  	[tilespmem:s7], [sflag:$0x1] =	stream.indirect_vreg.gather [hbm4b:s1+s3], $0x80, v4, vm0, $0xb8;
	[tilespmem:$0x18400] =	vst v63  }
0x308: {  	s14 =	simm.s32 $0x5C00  }
0x309: {  	[tilespmem:s14], [sflag:$0x1] =	stream.indirect_vreg.gather [hbm4b:s1+s3], $0x80, v3, vm0, $0xb8;
	[tilespmem:$0x18400] =	vst v63  }
0x30a: {  	v3 =	vld [tilespmem:$0xA0];
	_ =	sdelay $0x4  }
0x30b: {  	v22 =	vshll.u32 v3, $0x1  }
0x30c: {  	v3 =	vand.u32 $0x7, v3;
	v4 =	vand.u32 $0xFFFFFFF0, v22  }
0x30d: {  	v3 =	vor.u32 v3, v4  }
0x30e: {  	v4 =	vperm.xlane v3, v0;
	_ =	sdelay $0x1  }
0x30f: {  	v3 =	vperm.xlane v3, v2;
	v4 =	vadd.s32 v1, v4;
	_ =	sdelay $0x1  }
0x310: {  	v3 =	vadd.s32 v1, v3;
	_ =	sdelay $0x2  }
0x311: {  	[tilespmem:s11], [sflag:$0x1] =	stream.indirect_vreg.gather [hbm4b:s1+s3], $0x80, v4, vm0, $0xb8;
	[tilespmem:$0x18400] =	vst v63  }
0x312: {  	s30 =	simm.s32 $0x6C00  }
0x313: {  	[tilespmem:s30], [sflag:$0x1] =	stream.indirect_vreg.gather [hbm4b:s1+s3], $0x80, v3, vm0, $0xb8;
	[tilespmem:$0x18400] =	vst v63  }
0x314: {  	v3 =	vld [tilespmem:$0xB0];
	_ =	sdelay $0x4  }
0x315: {  	v23 =	vshll.u32 v3, $0x1  }
0x316: {  	v3 =	vand.u32 $0x7, v3;
	v4 =	vand.u32 $0xFFFFFFF0, v23  }
0x317: {  	v3 =	vor.u32 v3, v4  }
0x318: {  	v4 =	vperm.xlane v3, v0;
	_ =	sdelay $0x1  }
0x319: {  	v3 =	vperm.xlane v3, v2;
	v4 =	vadd.s32 v1, v4;
	_ =	sdelay $0x1  }
0x31a: {  	v3 =	vadd.s32 v1, v3;
	_ =	sdelay $0x2  }
0x31b: {  	[tilespmem:s15], [sflag:$0x1] =	stream.indirect_vreg.gather [hbm4b:s1+s3], $0x80, v4, vm0, $0xb8;
	[tilespmem:$0x18400] =	vst v63  }
0x31c: {  	_ = 	snop  }
0x31d: {  	[tilespmem:s21], [sflag:$0x1] =	stream.indirect_vreg.gather [hbm4b:s1+s3], $0x80, v3, vm0, $0xb8;
	[tilespmem:$0x18400] =	vst v63  }
0x31e: {  	v3 =	vld [tilespmem:$0x100];
	_ =	sdelay $0x4  }
0x31f: {  	v24 =	vshll.u32 v3, $0x1  }
0x320: {  	v3 =	vand.u32 $0x7, v3;
	v4 =	vand.u32 $0xFFFFFFF0, v24  }
0x321: {  	v3 =	vor.u32 v3, v4  }
0x322: {  	v4 =	vperm.xlane v3, v0;
	_ =	sdelay $0x1  }
0x323: {  	v3 =	vperm.xlane v3, v2;
	v4 =	vadd.s32 v1, v4;
	_ =	sdelay $0x1  }
0x324: {  	v3 =	vadd.s32 v1, v3;
	_ =	sdelay $0x2  }
0x325: {  	[tilespmem:s24], [sflag:$0x1] =	stream.indirect_vreg.gather [hbm4b:s1+s3], $0x80, v4, vm0, $0xb8;
	[tilespmem:$0x18400] =	vst v63  }
0x326: {  	_ = 	snop  }
0x327: {  	[tilespmem:s22], [sflag:$0x1] =	stream.indirect_vreg.gather [hbm4b:s1+s3], $0x80, v3, vm0, $0xb8;
	[tilespmem:$0x18400] =	vst v63  }
0x328: {  	v3 =	vld [tilespmem:$0x110];
	_ =	sdelay $0x4  }
0x329: {  	v25 =	vshll.u32 v3, $0x1  }
0x32a: {  	v3 =	vand.u32 $0x7, v3;
	v4 =	vand.u32 $0xFFFFFFF0, v25  }
0x32b: {  	v3 =	vor.u32 v3, v4  }
0x32c: {  	v4 =	vperm.xlane v3, v0;
	_ =	sdelay $0x1  }
0x32d: {  	v3 =	vperm.xlane v3, v2;
	v4 =	vadd.s32 v1, v4;
	_ =	sdelay $0x1  }
0x32e: {  	v3 =	vadd.s32 v1, v3;
	_ =	sdelay $0x2  }
0x32f: {  	[tilespmem:s17], [sflag:$0x1] =	stream.indirect_vreg.gather [hbm4b:s1+s3], $0x80, v4, vm0, $0xb8;
	[tilespmem:$0x18400] =	vst v63  }
0x330: {  	_ = 	snop  }
0x331: {  	[tilespmem:s23], [sflag:$0x1] =	stream.indirect_vreg.gather [hbm4b:s1+s3], $0x80, v3, vm0, $0xb8;
	[tilespmem:$0x18400] =	vst v63  }
0x332: {  	v3 =	vld [tilespmem:$0x120];
	_ =	sdelay $0x4  }
0x333: {  	v26 =	vshll.u32 v3, $0x1  }
0x334: {  	v3 =	vand.u32 $0x7, v3;
	v4 =	vand.u32 $0xFFFFFFF0, v26  }
0x335: {  	v3 =	vor.u32 v3, v4  }
0x336: {  	v4 =	vperm.xlane v3, v0;
	_ =	sdelay $0x1  }
0x337: {  	v3 =	vperm.xlane v3, v2;
	v4 =	vadd.s32 v1, v4;
	_ =	sdelay $0x1  }
0x338: {  	v3 =	vadd.s32 v1, v3;
	_ =	sdelay $0x2  }
0x339: {  	[tilespmem:s18], [sflag:$0x1] =	stream.indirect_vreg.gather [hbm4b:s1+s3], $0x80, v4, vm0, $0xb8;
	[tilespmem:$0x18400] =	vst v63  }
0x33a: {  	_ = 	snop  }
0x33b: {  	[tilespmem:s25], [sflag:$0x1] =	stream.indirect_vreg.gather [hbm4b:s1+s3], $0x80, v3, vm0, $0xb8;
	[tilespmem:$0x18400] =	vst v63  }
0x33c: {  	v3 =	vld [tilespmem:$0x130];
	_ =	sdelay $0x4  }
0x33d: {  	v27 =	vshll.u32 v3, $0x1  }
0x33e: {  	v3 =	vand.u32 $0x7, v3;
	v4 =	vand.u32 $0xFFFFFFF0, v27  }
0x33f: {  	v3 =	vor.u32 v3, v4  }
0x340: {  	v4 =	vperm.xlane v3, v0;
	_ =	sdelay $0x1  }
0x341: {  	v3 =	vperm.xlane v3, v2;
	v4 =	vadd.s32 v1, v4;
	_ =	sdelay $0x1  }
0x342: {  	v3 =	vadd.s32 v1, v3;
	_ =	sdelay $0x2  }
0x343: {  	[tilespmem:s26], [sflag:$0x1] =	stream.indirect_vreg.gather [hbm4b:s1+s3], $0x80, v4, vm0, $0xb8;
	[tilespmem:$0x18400] =	vst v63  }
0x344: {  	s13 =	rddreg [dreg:$0x1f]  }
0x345: {  	[tilespmem:s20], [sflag:$0x1] =	stream.indirect_vreg.gather [hbm4b:s1+s3], $0x80, v3, vm0, $0xb8;
	[tilespmem:$0x18400] =	vst v63  }
0x346: {  	s14 =	rddreg [dreg:$0x1d]  }
0x347: {  	[hbm4b:s14+s3] =	stream.linear.scatter [tilespmem:s10], [sflag:$0x2], $0x4000, $0x38;
	[tilespmem:$0x18400] =	vst v63  }
0x348: {  	s30 =	rddreg [dreg:$0x1e]  }
0x349: {  	[hbm4b:s30+s3] =	stream.linear.scatter [tilespmem:s19], [sflag:$0x2], $0x4000, $0x38;
	[tilespmem:$0x18400] =	vst v63  }
0x34a: {  	s30 =	sld [smem:$0x7E9]  }
0x34b: {  	[hbm4b:s13+s3] =	stream.linear.scatter [tilespmem:s29], [sflag:$0x2], $0x4000, $0x38;
	[tilespmem:$0x18400] =	vst v63  }
0x34c: {  	_ = 	snop  }
0x34d: {  	[tilespmem:s0], [sflag:$0x3] =	stream.linear.gather [hbm4b:s30+s3], $0x40, $0x38;
	[tilespmem:$0x18400] =	vst v63  }
0x34e: {  	_ =	swait.ge [sflag:s5], $0x40  }
0x34f: {  	s30 =	sld [smem:$0x7EA]  }
0x350: {  	[sflag:s5] =	ssyncset.done $0x0  }
0x351: {  	[sflag:s5] =	ssyncadd.s32 $0xFFFFFFC0  }
0x352: {  	[tilespmem:s2], [sflag:$0x3] =	stream.linear.gather [hbm4b:s30+s3], $0x40, $0x38;
	[tilespmem:$0x18400] =	vst v63  }
0x353: {  	_ =	swait.ge [sflag:s5], $0x40  }
0x354: {  	s14 =	sld [smem:$0x7EB]  }
0x355: {  	[sflag:s5] =	ssyncset.done $0x0  }
0x356: {  	s30 =	simm.s32 $0x300;
	[sflag:s5] =	ssyncadd.s32 $0xFFFFFFC0  }
0x357: {  	[tilespmem:s30], [sflag:$0x3] =	stream.linear.gather [hbm4b:s14+s3], $0x40, $0x38;
	[tilespmem:$0x18400] =	vst v63  }
0x358: {  	_ =	swait.ge [sflag:s5], $0x40  }
0x359: {  	[sflag:s5] =	ssyncset.done $0x0  }
0x35a: {  	[sflag:s5] =	ssyncadd.s32 $0xFFFFFFC0  }
0x35b: {  	_ =	swait.ge [sflag:s9], $0x4000  }
0x35c: {  	[sflag:s9] =	ssyncset.done $0x0  }
0x35d: {  	[sflag:s9] =	ssyncadd.s32 $0xFFFFC000  }
0x35e: {  	_ =	swait.ge [sflag:s9], $0x4000  }
0x35f: {  	[sflag:s9] =	ssyncset.done $0x0  }
0x360: {  	[sflag:s9] =	ssyncadd.s32 $0xFFFFC000  }
0x361: {  	_ =	swait.ge [sflag:s9], $0x4000  }
0x362: {  	[sflag:s9] =	ssyncset.done $0x0  }
0x363: {  	[sflag:s9] =	ssyncadd.s32 $0xFFFFC000  }
0x364: {  	_ =	swait.ge [sflag:s12], $0x4000  }
0x365: {  	[sflag:s12] =	ssyncset.done $0x0  }
0x366: {  	[sflag:s12] =	ssyncadd.s32 $0xFFFFC000  }
0x367: {  	_ =	swait.ge [sflag:s12], $0x4000  }
0x368: {  	[sflag:s12] =	ssyncset.done $0x0  }
0x369: {  	[sflag:s12] =	ssyncadd.s32 $0xFFFFC000  }
0x36a: {  	_ =	swait.ge [sflag:s12], $0x4000  }
0x36b: {  	[sflag:s12] =	ssyncset.done $0x0  }
0x36c: {  	[sflag:s12] =	ssyncadd.s32 $0xFFFFC000  }
0x36d: {  	v3 =	vld [tilespmem:$0x200];
	_ =	sdelay $0x4  }
0x36e: {  	v28 =	vshll.u32 v3, $0x1  }
0x36f: {  	v3 =	vand.u32 $0x7, v3;
	v4 =	vand.u32 $0xFFFFFFF0, v28  }
0x370: {  	v3 =	vor.u32 v3, v4  }
0x371: {  	v4 =	vperm.xlane v3, v0;
	_ =	sdelay $0x1  }
0x372: {  	v3 =	vperm.xlane v3, v2;
	v4 =	vadd.s32 v1, v4;
	_ =	sdelay $0x1  }
0x373: {  	v3 =	vadd.s32 v1, v3;
	_ =	sdelay $0x2  }
0x374: {  	[tilespmem:s10], [sflag:$0x1] =	stream.indirect_vreg.gather [hbm4b:s1+s3], $0x80, v4, vm0, $0xb8;
	[tilespmem:$0x18400] =	vst v63  }
0x375: {  	s30 =	simm.s32 $0xCC00  }
0x376: {  	[tilespmem:s30], [sflag:$0x1] =	stream.indirect_vreg.gather [hbm4b:s1+s3], $0x80, v3, vm0, $0xb8;
	[tilespmem:$0x18400] =	vst v63  }
0x377: {  	v3 =	vld [tilespmem:$0x210];
	_ =	sdelay $0x4  }
0x378: {  	v29 =	vshll.u32 v3, $0x1  }
0x379: {  	v3 =	vand.u32 $0x7, v3;
	v4 =	vand.u32 $0xFFFFFFF0, v29  }
0x37a: {  	v3 =	vor.u32 v3, v4  }
0x37b: {  	v4 =	vperm.xlane v3, v0;
	_ =	sdelay $0x1  }
0x37c: {  	v3 =	vperm.xlane v3, v2;
	v4 =	vadd.s32 v1, v4;
	_ =	sdelay $0x1  }
0x37d: {  	v3 =	vadd.s32 v1, v3;
	_ =	sdelay $0x1  }
0x37e: {  	s6 =	simm.s32 $0xD400  }
0x37f: {  	[tilespmem:s6], [sflag:$0x1] =	stream.indirect_vreg.gather [hbm4b:s1+s3], $0x80, v4, vm0, $0xb8;
	[tilespmem:$0x18400] =	vst v63  }
0x380: {  	s14 =	simm.s32 $0xDC00  }
0x381: {  	[tilespmem:s14], [sflag:$0x1] =	stream.indirect_vreg.gather [hbm4b:s1+s3], $0x80, v3, vm0, $0xb8;
	[tilespmem:$0x18400] =	vst v63  }
0x382: {  	v3 =	vld [tilespmem:$0x220];
	_ =	sdelay $0x4  }
0x383: {  	v30 =	vshll.u32 v3, $0x1  }
0x384: {  	v3 =	vand.u32 $0x7, v3;
	v4 =	vand.u32 $0xFFFFFFF0, v30  }
0x385: {  	v3 =	vor.u32 v3, v4  }
0x386: {  	v4 =	vperm.xlane v3, v0;
	_ =	sdelay $0x1  }
0x387: {  	v3 =	vperm.xlane v3, v2;
	v4 =	vadd.s32 v1, v4;
	_ =	sdelay $0x1  }
0x388: {  	v3 =	vadd.s32 v1, v3;
	_ =	sdelay $0x1  }
0x389: {  	s30 =	simm.s32 $0xE400  }
0x38a: {  	[tilespmem:s30], [sflag:$0x1] =	stream.indirect_vreg.gather [hbm4b:s1+s3], $0x80, v4, vm0, $0xb8;
	[tilespmem:$0x18400] =	vst v63  }
0x38b: {  	s14 =	simm.s32 $0xEC00  }
0x38c: {  	[tilespmem:s14], [sflag:$0x1] =	stream.indirect_vreg.gather [hbm4b:s1+s3], $0x80, v3, vm0, $0xb8;
	[tilespmem:$0x18400] =	vst v63  }
0x38d: {  	v3 =	vld [tilespmem:$0x230];
	_ =	sdelay $0x4  }
0x38e: {  	v31 =	vshll.u32 v3, $0x1  }
0x38f: {  	v3 =	vand.u32 $0x7, v3;
	v4 =	vand.u32 $0xFFFFFFF0, v31  }
0x390: {  	v3 =	vor.u32 v3, v4  }
0x391: {  	v4 =	vperm.xlane v3, v0;
	_ =	sdelay $0x1  }
0x392: {  	v3 =	vperm.xlane v3, v2;
	v4 =	vadd.s32 v1, v4;
	_ =	sdelay $0x1  }
0x393: {  	v3 =	vadd.s32 v1, v3;
	_ =	sdelay $0x1  }
0x394: {  	s14 =	simm.s32 $0xF400  }
0x395: {  	[tilespmem:s14], [sflag:$0x1] =	stream.indirect_vreg.gather [hbm4b:s1+s3], $0x80, v4, vm0, $0xb8;
	[tilespmem:$0x18400] =	vst v63  }
0x396: {  	s14 =	simm.s32 $0xFC00  }
0x397: {  	[tilespmem:s14], [sflag:$0x1] =	stream.indirect_vreg.gather [hbm4b:s1+s3], $0x80, v3, vm0, $0xb8;
	[tilespmem:$0x18400] =	vst v63  }
0x398: {  	v3 =	vld [tilespmem:$0x280];
	_ =	sdelay $0x4  }
0x399: {  	v32 =	vshll.u32 v3, $0x1  }
0x39a: {  	v3 =	vand.u32 $0x7, v3;
	v4 =	vand.u32 $0xFFFFFFF0, v32  }
0x39b: {  	v3 =	vor.u32 v3, v4  }
0x39c: {  	v4 =	vperm.xlane v3, v0;
	_ =	sdelay $0x1  }
0x39d: {  	v3 =	vperm.xlane v3, v2;
	v4 =	vadd.s32 v1, v4;
	_ =	sdelay $0x1  }
0x39e: {  	v3 =	vadd.s32 v1, v3;
	_ =	sdelay $0x2  }
0x39f: {  	[tilespmem:s19], [sflag:$0x1] =	stream.indirect_vreg.gather [hbm4b:s1+s3], $0x80, v4, vm0, $0xb8;
	[tilespmem:$0x18400] =	vst v63  }
0x3a0: {  	s14 =	simm.s32 $0x10C00  }
0x3a1: {  	[tilespmem:s14], [sflag:$0x1] =	stream.indirect_vreg.gather [hbm4b:s1+s3], $0x80, v3, vm0, $0xb8;
	[tilespmem:$0x18400] =	vst v63  }
0x3a2: {  	v3 =	vld [tilespmem:$0x290];
	_ =	sdelay $0x4  }
0x3a3: {  	v33 =	vshll.u32 v3, $0x1  }
0x3a4: {  	v3 =	vand.u32 $0x7, v3;
	v4 =	vand.u32 $0xFFFFFFF0, v33  }
0x3a5: {  	v3 =	vor.u32 v3, v4  }
0x3a6: {  	v4 =	vperm.xlane v3, v0;
	_ =	sdelay $0x1  }
0x3a7: {  	v3 =	vperm.xlane v3, v2;
	v4 =	vadd.s32 v1, v4;
	_ =	sdelay $0x1  }
0x3a8: {  	v3 =	vadd.s32 v1, v3;
	_ =	sdelay $0x1  }
0x3a9: {  	s14 =	simm.s32 $0x11400  }
0x3aa: {  	[tilespmem:s14], [sflag:$0x1] =	stream.indirect_vreg.gather [hbm4b:s1+s3], $0x80, v4, vm0, $0xb8;
	[tilespmem:$0x18400] =	vst v63  }
0x3ab: {  	s14 =	simm.s32 $0x11C00  }
0x3ac: {  	[tilespmem:s14], [sflag:$0x1] =	stream.indirect_vreg.gather [hbm4b:s1+s3], $0x80, v3, vm0, $0xb8;
	[tilespmem:$0x18400] =	vst v63  }
0x3ad: {  	v3 =	vld [tilespmem:$0x2A0];
	_ =	sdelay $0x4  }
0x3ae: {  	v34 =	vshll.u32 v3, $0x1  }
0x3af: {  	v3 =	vand.u32 $0x7, v3;
	v4 =	vand.u32 $0xFFFFFFF0, v34  }
0x3b0: {  	v3 =	vor.u32 v3, v4  }
0x3b1: {  	v4 =	vperm.xlane v3, v0;
	_ =	sdelay $0x1  }
0x3b2: {  	v3 =	vperm.xlane v3, v2;
	v4 =	vadd.s32 v1, v4;
	_ =	sdelay $0x1  }
0x3b3: {  	v3 =	vadd.s32 v1, v3;
	_ =	sdelay $0x1  }
0x3b4: {  	s14 =	simm.s32 $0x12400  }
0x3b5: {  	[tilespmem:s14], [sflag:$0x1] =	stream.indirect_vreg.gather [hbm4b:s1+s3], $0x80, v4, vm0, $0xb8;
	[tilespmem:$0x18400] =	vst v63  }
0x3b6: {  	s14 =	simm.s32 $0x12C00  }
0x3b7: {  	[tilespmem:s14], [sflag:$0x1] =	stream.indirect_vreg.gather [hbm4b:s1+s3], $0x80, v3, vm0, $0xb8;
	[tilespmem:$0x18400] =	vst v63  }
0x3b8: {  	v3 =	vld [tilespmem:$0x2B0];
	_ =	sdelay $0x4  }
0x3b9: {  	v35 =	vshll.u32 v3, $0x1  }
0x3ba: {  	v3 =	vand.u32 $0x7, v3;
	v4 =	vand.u32 $0xFFFFFFF0, v35  }
0x3bb: {  	v3 =	vor.u32 v3, v4  }
0x3bc: {  	v4 =	vperm.xlane v3, v0;
	_ =	sdelay $0x1  }
0x3bd: {  	v3 =	vperm.xlane v3, v2;
	v4 =	vadd.s32 v1, v4;
	_ =	sdelay $0x1  }
0x3be: {  	v3 =	vadd.s32 v1, v3;
	_ =	sdelay $0x1  }
0x3bf: {  	s14 =	simm.s32 $0x13400  }
0x3c0: {  	[tilespmem:s14], [sflag:$0x1] =	stream.indirect_vreg.gather [hbm4b:s1+s3], $0x80, v4, vm0, $0xb8;
	[tilespmem:$0x18400] =	vst v63  }
0x3c1: {  	s14 =	simm.s32 $0x13C00  }
0x3c2: {  	[tilespmem:s14], [sflag:$0x1] =	stream.indirect_vreg.gather [hbm4b:s1+s3], $0x80, v3, vm0, $0xb8;
	[tilespmem:$0x18400] =	vst v63  }
0x3c3: {  	v3 =	vld [tilespmem:$0x300];
	_ =	sdelay $0x4  }
0x3c4: {  	v36 =	vshll.u32 v3, $0x1  }
0x3c5: {  	v3 =	vand.u32 $0x7, v3;
	v4 =	vand.u32 $0xFFFFFFF0, v36  }
0x3c6: {  	v3 =	vor.u32 v3, v4  }
0x3c7: {  	v4 =	vperm.xlane v3, v0;
	_ =	sdelay $0x1  }
0x3c8: {  	v3 =	vperm.xlane v3, v2;
	v4 =	vadd.s32 v1, v4;
	_ =	sdelay $0x1  }
0x3c9: {  	v3 =	vadd.s32 v1, v3;
	_ =	sdelay $0x2  }
0x3ca: {  	[tilespmem:s29], [sflag:$0x1] =	stream.indirect_vreg.gather [hbm4b:s1+s3], $0x80, v4, vm0, $0xb8;
	[tilespmem:$0x18400] =	vst v63  }
0x3cb: {  	s14 =	simm.s32 $0x14C00  }
0x3cc: {  	[tilespmem:s14], [sflag:$0x1] =	stream.indirect_vreg.gather [hbm4b:s1+s3], $0x80, v3, vm0, $0xb8;
	[tilespmem:$0x18400] =	vst v63  }
0x3cd: {  	v3 =	vld [tilespmem:$0x310];
	_ =	sdelay $0x4  }
0x3ce: {  	v37 =	vshll.u32 v3, $0x1  }
0x3cf: {  	v3 =	vand.u32 $0x7, v3;
	v4 =	vand.u32 $0xFFFFFFF0, v37  }
0x3d0: {  	v3 =	vor.u32 v3, v4  }
0x3d1: {  	v4 =	vperm.xlane v3, v0;
	_ =	sdelay $0x1  }
0x3d2: {  	v3 =	vperm.xlane v3, v2;
	v4 =	vadd.s32 v1, v4;
	_ =	sdelay $0x1  }
0x3d3: {  	v3 =	vadd.s32 v1, v3;
	_ =	sdelay $0x1  }
0x3d4: {  	s14 =	simm.s32 $0x15400  }
0x3d5: {  	[tilespmem:s14], [sflag:$0x1] =	stream.indirect_vreg.gather [hbm4b:s1+s3], $0x80, v4, vm0, $0xb8;
	[tilespmem:$0x18400] =	vst v63  }
0x3d6: {  	s14 =	simm.s32 $0x15C00  }
0x3d7: {  	[tilespmem:s14], [sflag:$0x1] =	stream.indirect_vreg.gather [hbm4b:s1+s3], $0x80, v3, vm0, $0xb8;
	[tilespmem:$0x18400] =	vst v63  }
0x3d8: {  	v3 =	vld [tilespmem:$0x320];
	_ =	sdelay $0x4  }
0x3d9: {  	v38 =	vshll.u32 v3, $0x1  }
0x3da: {  	v3 =	vand.u32 $0x7, v3;
	v4 =	vand.u32 $0xFFFFFFF0, v38  }
0x3db: {  	v3 =	vor.u32 v3, v4  }
0x3dc: {  	v4 =	vperm.xlane v3, v0;
	_ =	sdelay $0x1  }
0x3dd: {  	v3 =	vperm.xlane v3, v2;
	v4 =	vadd.s32 v1, v4;
	_ =	sdelay $0x1  }
0x3de: {  	v3 =	vadd.s32 v1, v3;
	_ =	sdelay $0x1  }
0x3df: {  	s14 =	simm.s32 $0x16400  }
0x3e0: {  	[tilespmem:s14], [sflag:$0x1] =	stream.indirect_vreg.gather [hbm4b:s1+s3], $0x80, v4, vm0, $0xb8;
	[tilespmem:$0x18400] =	vst v63  }
0x3e1: {  	s14 =	simm.s32 $0x16C00  }
0x3e2: {  	[tilespmem:s14], [sflag:$0x1] =	stream.indirect_vreg.gather [hbm4b:s1+s3], $0x80, v3, vm0, $0xb8;
	[tilespmem:$0x18400] =	vst v63  }
0x3e3: {  	v3 =	vld [tilespmem:$0x330];
	_ =	sdelay $0x4  }
0x3e4: {  	v39 =	vshll.u32 v3, $0x1  }
0x3e5: {  	v3 =	vand.u32 $0x7, v3;
	v4 =	vand.u32 $0xFFFFFFF0, v39  }
0x3e6: {  	v3 =	vor.u32 v3, v4  }
0x3e7: {  	v4 =	vperm.xlane v3, v0;
	_ =	sdelay $0x1  }
0x3e8: {  	v3 =	vperm.xlane v3, v2;
	v4 =	vadd.s32 v1, v4;
	_ =	sdelay $0x1  }
0x3e9: {  	v3 =	vadd.s32 v1, v3;
	_ =	sdelay $0x1  }
0x3ea: {  	s14 =	simm.s32 $0x17400  }
0x3eb: {  	[tilespmem:s14], [sflag:$0x1] =	stream.indirect_vreg.gather [hbm4b:s1+s3], $0x80, v4, vm0, $0xb8;
	[tilespmem:$0x18400] =	vst v63  }
0x3ec: {  	s13 =	sld [smem:$0x7EC];
	s14 =	simm.s32 $0x17C00  }
0x3ed: {  	[tilespmem:s14], [sflag:$0x1] =	stream.indirect_vreg.gather [hbm4b:s1+s3], $0x80, v3, vm0, $0xb8;
	[tilespmem:$0x18400] =	vst v63  }
0x3ee: {  	s14 =	sld [smem:$0x7ED]  }
0x3ef: {  	[hbm4b:s13+s3] =	stream.linear.scatter [tilespmem:s28], [sflag:$0x2], $0x4000, $0x38;
	[tilespmem:$0x18400] =	vst v63  }
0x3f0: {  	s13 =	sld [smem:$0x7EE]  }
0x3f1: {  	[hbm4b:s14+s3] =	stream.linear.scatter [tilespmem:s16], [sflag:$0x2], $0x4000, $0x38;
	[tilespmem:$0x18400] =	vst v63  }
0x3f2: {  	s14 =	sld [smem:$0x7EF]  }
0x3f3: {  	[hbm4b:s13+s3] =	stream.linear.scatter [tilespmem:s24], [sflag:$0x2], $0x4000, $0x38;
	[tilespmem:$0x18400] =	vst v63  }
0x3f4: {  	_ = 	snop  }
0x3f5: {  	[tilespmem:s3], [sflag:$0x3] =	stream.linear.gather [hbm4b:s14+s3], $0x40, $0x38;
	[tilespmem:$0x18400] =	vst v63  }
0x3f6: {  	_ =	swait.ge [sflag:s5], $0x40  }
0x3f7: {  	s13 =	sld [smem:$0x7F0]  }
0x3f8: {  	[sflag:s5] =	ssyncset.done $0x0  }
0x3f9: {  	s14 =	simm.s32 $0x80;
	[sflag:s5] =	ssyncadd.s32 $0xFFFFFFC0  }
0x3fa: {  	[tilespmem:s14], [sflag:$0x3] =	stream.linear.gather [hbm4b:s13+s3], $0x40, $0x38;
	[tilespmem:$0x18400] =	vst v63  }
0x3fb: {  	_ =	swait.ge [sflag:s5], $0x40  }
0x3fc: {  	s13 =	sld [smem:$0x7F1]  }
0x3fd: {  	[sflag:s5] =	ssyncset.done $0x0  }
0x3fe: {  	s14 =	simm.s32 $0x100;
	[sflag:s5] =	ssyncadd.s32 $0xFFFFFFC0  }
0x3ff: {  	[tilespmem:s14], [sflag:$0x3] =	stream.linear.gather [hbm4b:s13+s3], $0x40, $0x38;
	[tilespmem:$0x18400] =	vst v63  }
0x400: {  	_ =	swait.ge [sflag:s5], $0x40  }
0x401: {  	[sflag:s5] =	ssyncset.done $0x0  }
0x402: {  	[sflag:s5] =	ssyncadd.s32 $0xFFFFFFC0  }
0x403: {  	_ =	swait.ge [sflag:s9], $0x4000  }
0x404: {  	[sflag:s9] =	ssyncset.done $0x0  }
0x405: {  	[sflag:s9] =	ssyncadd.s32 $0xFFFFC000  }
0x406: {  	_ =	swait.ge [sflag:s9], $0x4000  }
0x407: {  	[sflag:s9] =	ssyncset.done $0x0  }
0x408: {  	[sflag:s9] =	ssyncadd.s32 $0xFFFFC000  }
0x409: {  	_ =	swait.ge [sflag:s9], $0x4000  }
0x40a: {  	[sflag:s9] =	ssyncset.done $0x0  }
0x40b: {  	[sflag:s9] =	ssyncadd.s32 $0xFFFFC000  }
0x40c: {  	_ =	swait.ge [sflag:s12], $0x4000  }
0x40d: {  	[sflag:s12] =	ssyncset.done $0x0  }
0x40e: {  	[sflag:s12] =	ssyncadd.s32 $0xFFFFC000  }
0x40f: {  	_ =	swait.ge [sflag:s12], $0x4000  }
0x410: {  	[sflag:s12] =	ssyncset.done $0x0  }
0x411: {  	[sflag:s12] =	ssyncadd.s32 $0xFFFFC000  }
0x412: {  	_ =	swait.ge [sflag:s12], $0x4000  }
0x413: {  	[sflag:s12] =	ssyncset.done $0x0  }
0x414: {  	[sflag:s12] =	ssyncadd.s32 $0xFFFFC000  }
0x415: {  	v3 =	vld [tilespmem:$0x0];
	_ =	sdelay $0x4  }
0x416: {  	v40 =	vshll.u32 v3, $0x1  }
0x417: {  	v3 =	vand.u32 $0x7, v3;
	v4 =	vand.u32 $0xFFFFFFF0, v40  }
0x418: {  	v3 =	vor.u32 v3, v4  }
0x419: {  	v4 =	vperm.xlane v3, v0;
	_ =	sdelay $0x1  }
0x41a: {  	v3 =	vperm.xlane v3, v2;
	v4 =	vadd.s32 v1, v4;
	_ =	sdelay $0x1  }
0x41b: {  	v3 =	vadd.s32 v1, v3;
	_ =	sdelay $0x2  }
0x41c: {  	[tilespmem:s28], [sflag:$0x1] =	stream.indirect_vreg.gather [hbm4b:s1+s3], $0x80, v4, vm0, $0xb8;
	[tilespmem:$0x18400] =	vst v63  }
0x41d: {  	s14 =	simm.s32 $0xC00  }
0x41e: {  	[tilespmem:s14], [sflag:$0x1] =	stream.indirect_vreg.gather [hbm4b:s1+s3], $0x80, v3, vm0, $0xb8;
	[tilespmem:$0x18400] =	vst v63  }
0x41f: {  	v3 =	vld [tilespmem:$0x10];
	_ =	sdelay $0x4  }
0x420: {  	v41 =	vshll.u32 v3, $0x1  }
0x421: {  	v3 =	vand.u32 $0x7, v3;
	v4 =	vand.u32 $0xFFFFFFF0, v41  }
0x422: {  	v3 =	vor.u32 v3, v4  }
0x423: {  	v4 =	vperm.xlane v3, v0;
	_ =	sdelay $0x1  }
0x424: {  	v3 =	vperm.xlane v3, v2;
	v4 =	vadd.s32 v1, v4;
	_ =	sdelay $0x1  }
0x425: {  	v3 =	vadd.s32 v1, v3;
	_ =	sdelay $0x1  }
0x426: {  	s14 =	simm.s32 $0x1400  }
0x427: {  	[tilespmem:s14], [sflag:$0x1] =	stream.indirect_vreg.gather [hbm4b:s1+s3], $0x80, v4, vm0, $0xb8;
	[tilespmem:$0x18400] =	vst v63  }
0x428: {  	s14 =	simm.s32 $0x1C00  }
0x429: {  	[tilespmem:s14], [sflag:$0x1] =	stream.indirect_vreg.gather [hbm4b:s1+s3], $0x80, v3, vm0, $0xb8;
	[tilespmem:$0x18400] =	vst v63  }
0x42a: {  	v3 =	vld [tilespmem:$0x20];
	_ =	sdelay $0x4  }
0x42b: {  	v42 =	vshll.u32 v3, $0x1  }
0x42c: {  	v3 =	vand.u32 $0x7, v3;
	v4 =	vand.u32 $0xFFFFFFF0, v42  }
0x42d: {  	v3 =	vor.u32 v3, v4  }
0x42e: {  	v4 =	vperm.xlane v3, v0;
	_ =	sdelay $0x1  }
0x42f: {  	v3 =	vperm.xlane v3, v2;
	v4 =	vadd.s32 v1, v4;
	_ =	sdelay $0x1  }
0x430: {  	v3 =	vadd.s32 v1, v3;
	_ =	sdelay $0x1  }
0x431: {  	s8 =	simm.s32 $0x2400  }
0x432: {  	[tilespmem:s8], [sflag:$0x1] =	stream.indirect_vreg.gather [hbm4b:s1+s3], $0x80, v4, vm0, $0xb8;
	[tilespmem:$0x18400] =	vst v63  }
0x433: {  	s14 =	simm.s32 $0x2C00  }
0x434: {  	[tilespmem:s14], [sflag:$0x1] =	stream.indirect_vreg.gather [hbm4b:s1+s3], $0x80, v3, vm0, $0xb8;
	[tilespmem:$0x18400] =	vst v63  }
0x435: {  	v3 =	vld [tilespmem:$0x30];
	_ =	sdelay $0x4  }
0x436: {  	v43 =	vshll.u32 v3, $0x1  }
0x437: {  	v3 =	vand.u32 $0x7, v3;
	v4 =	vand.u32 $0xFFFFFFF0, v43  }
0x438: {  	v3 =	vor.u32 v3, v4  }
0x439: {  	v4 =	vperm.xlane v3, v0;
	_ =	sdelay $0x1  }
0x43a: {  	v3 =	vperm.xlane v3, v2;
	v4 =	vadd.s32 v1, v4;
	_ =	sdelay $0x1  }
0x43b: {  	v3 =	vadd.s32 v1, v3;
	_ =	sdelay $0x1  }
0x43c: {  	s31 =	simm.s32 $0x3400  }
0x43d: {  	[tilespmem:s31], [sflag:$0x1] =	stream.indirect_vreg.gather [hbm4b:s1+s3], $0x80, v4, vm0, $0xb8;
	[tilespmem:$0x18400] =	vst v63  }
0x43e: {  	s31 =	simm.s32 $0x3C00  }
0x43f: {  	[tilespmem:s31], [sflag:$0x1] =	stream.indirect_vreg.gather [hbm4b:s1+s3], $0x80, v3, vm0, $0xb8;
	[tilespmem:$0x18400] =	vst v63  }
0x440: {  	v3 =	vld [tilespmem:$0x80];
	_ =	sdelay $0x4  }
0x441: {  	v44 =	vshll.u32 v3, $0x1  }
0x442: {  	v3 =	vand.u32 $0x7, v3;
	v4 =	vand.u32 $0xFFFFFFF0, v44  }
0x443: {  	v3 =	vor.u32 v3, v4  }
0x444: {  	v4 =	vperm.xlane v3, v0;
	_ =	sdelay $0x1  }
0x445: {  	v3 =	vperm.xlane v3, v2;
	v4 =	vadd.s32 v1, v4;
	_ =	sdelay $0x1  }
0x446: {  	v3 =	vadd.s32 v1, v3;
	_ =	sdelay $0x2  }
0x447: {  	[tilespmem:s16], [sflag:$0x1] =	stream.indirect_vreg.gather [hbm4b:s1+s3], $0x80, v4, vm0, $0xb8;
	[tilespmem:$0x18400] =	vst v63  }
0x448: {  	s13 =	simm.s32 $0x4C00  }
0x449: {  	[tilespmem:s13], [sflag:$0x1] =	stream.indirect_vreg.gather [hbm4b:s1+s3], $0x80, v3, vm0, $0xb8;
	[tilespmem:$0x18400] =	vst v63  }
0x44a: {  	v3 =	vld [tilespmem:$0x90];
	_ =	sdelay $0x4  }
0x44b: {  	v45 =	vshll.u32 v3, $0x1  }
0x44c: {  	v3 =	vand.u32 $0x7, v3;
	v4 =	vand.u32 $0xFFFFFFF0, v45  }
0x44d: {  	v3 =	vor.u32 v3, v4  }
0x44e: {  	v4 =	vperm.xlane v3, v0;
	_ =	sdelay $0x1  }
0x44f: {  	v3 =	vperm.xlane v3, v2;
	v4 =	vadd.s32 v1, v4;
	_ =	sdelay $0x1  }
0x450: {  	v3 =	vadd.s32 v1, v3;
	_ =	sdelay $0x1  }
0x451: {  	s7 =	simm.s32 $0x5400  }
0x452: {  	[tilespmem:s7], [sflag:$0x1] =	stream.indirect_vreg.gather [hbm4b:s1+s3], $0x80, v4, vm0, $0xb8;
	[tilespmem:$0x18400] =	vst v63  }
0x453: {  	s14 =	simm.s32 $0x5C00  }
0x454: {  	[tilespmem:s14], [sflag:$0x1] =	stream.indirect_vreg.gather [hbm4b:s1+s3], $0x80, v3, vm0, $0xb8;
	[tilespmem:$0x18400] =	vst v63  }
0x455: {  	v3 =	vld [tilespmem:$0xA0];
	_ =	sdelay $0x4  }
0x456: {  	v46 =	vshll.u32 v3, $0x1  }
0x457: {  	v3 =	vand.u32 $0x7, v3;
	v4 =	vand.u32 $0xFFFFFFF0, v46  }
0x458: {  	v3 =	vor.u32 v3, v4  }
0x459: {  	v4 =	vperm.xlane v3, v0;
	_ =	sdelay $0x1  }
0x45a: {  	v3 =	vperm.xlane v3, v2;
	v4 =	vadd.s32 v1, v4;
	_ =	sdelay $0x1  }
0x45b: {  	v3 =	vadd.s32 v1, v3;
	_ =	sdelay $0x1  }
0x45c: {  	s11 =	simm.s32 $0x6400  }
0x45d: {  	[tilespmem:s11], [sflag:$0x1] =	stream.indirect_vreg.gather [hbm4b:s1+s3], $0x80, v4, vm0, $0xb8;
	[tilespmem:$0x18400] =	vst v63  }
0x45e: {  	s31 =	simm.s32 $0x6C00  }
0x45f: {  	[tilespmem:s31], [sflag:$0x1] =	stream.indirect_vreg.gather [hbm4b:s1+s3], $0x80, v3, vm0, $0xb8;
	[tilespmem:$0x18400] =	vst v63  }
0x460: {  	v3 =	vld [tilespmem:$0xB0];
	_ =	sdelay $0x4  }
0x461: {  	v47 =	vshll.u32 v3, $0x1  }
0x462: {  	v3 =	vand.u32 $0x7, v3;
	v4 =	vand.u32 $0xFFFFFFF0, v47  }
0x463: {  	v3 =	vor.u32 v3, v4  }
0x464: {  	v4 =	vperm.xlane v3, v0;
	_ =	sdelay $0x1  }
0x465: {  	v3 =	vperm.xlane v3, v2;
	v4 =	vadd.s32 v1, v4;
	_ =	sdelay $0x1  }
0x466: {  	v3 =	vadd.s32 v1, v3;
	_ =	sdelay $0x1  }
0x467: {  	s15 =	simm.s32 $0x7400  }
0x468: {  	[tilespmem:s15], [sflag:$0x1] =	stream.indirect_vreg.gather [hbm4b:s1+s3], $0x80, v4, vm0, $0xb8;
	[tilespmem:$0x18400] =	vst v63  }
0x469: {  	s21 =	simm.s32 $0x7C00  }
0x46a: {  	[tilespmem:s21], [sflag:$0x1] =	stream.indirect_vreg.gather [hbm4b:s1+s3], $0x80, v3, vm0, $0xb8;
	[tilespmem:$0x18400] =	vst v63  }
0x46b: {  	v3 =	vld [tilespmem:$0x100];
	_ =	sdelay $0x4  }
0x46c: {  	v48 =	vshll.u32 v3, $0x1  }
0x46d: {  	v3 =	vand.u32 $0x7, v3;
	v4 =	vand.u32 $0xFFFFFFF0, v48  }
0x46e: {  	v3 =	vor.u32 v3, v4  }
0x46f: {  	v4 =	vperm.xlane v3, v0;
	_ =	sdelay $0x1  }
0x470: {  	v3 =	vperm.xlane v3, v2;
	v4 =	vadd.s32 v1, v4;
	_ =	sdelay $0x1  }
0x471: {  	v3 =	vadd.s32 v1, v3;
	_ =	sdelay $0x2  }
0x472: {  	[tilespmem:s24], [sflag:$0x1] =	stream.indirect_vreg.gather [hbm4b:s1+s3], $0x80, v4, vm0, $0xb8;
	[tilespmem:$0x18400] =	vst v63  }
0x473: {  	s22 =	simm.s32 $0x8C00  }
0x474: {  	[tilespmem:s22], [sflag:$0x1] =	stream.indirect_vreg.gather [hbm4b:s1+s3], $0x80, v3, vm0, $0xb8;
	[tilespmem:$0x18400] =	vst v63  }
0x475: {  	v3 =	vld [tilespmem:$0x110];
	_ =	sdelay $0x4  }
0x476: {  	v49 =	vshll.u32 v3, $0x1  }
0x477: {  	v3 =	vand.u32 $0x7, v3;
	v4 =	vand.u32 $0xFFFFFFF0, v49  }
0x478: {  	v3 =	vor.u32 v3, v4  }
0x479: {  	v4 =	vperm.xlane v3, v0;
	_ =	sdelay $0x1  }
0x47a: {  	v3 =	vperm.xlane v3, v2;
	v4 =	vadd.s32 v1, v4;
	_ =	sdelay $0x1  }
0x47b: {  	v3 =	vadd.s32 v1, v3;
	_ =	sdelay $0x1  }
0x47c: {  	s17 =	simm.s32 $0x9400  }
0x47d: {  	[tilespmem:s17], [sflag:$0x1] =	stream.indirect_vreg.gather [hbm4b:s1+s3], $0x80, v4, vm0, $0xb8;
	[tilespmem:$0x18400] =	vst v63  }
0x47e: {  	s23 =	simm.s32 $0x9C00  }
0x47f: {  	[tilespmem:s23], [sflag:$0x1] =	stream.indirect_vreg.gather [hbm4b:s1+s3], $0x80, v3, vm0, $0xb8;
	[tilespmem:$0x18400] =	vst v63  }
0x480: {  	v3 =	vld [tilespmem:$0x120];
	_ =	sdelay $0x4  }
0x481: {  	v50 =	vshll.u32 v3, $0x1  }
0x482: {  	v3 =	vand.u32 $0x7, v3;
	v4 =	vand.u32 $0xFFFFFFF0, v50  }
0x483: {  	v3 =	vor.u32 v3, v4  }
0x484: {  	v4 =	vperm.xlane v3, v0;
	_ =	sdelay $0x1  }
0x485: {  	v3 =	vperm.xlane v3, v2;
	v4 =	vadd.s32 v1, v4;
	_ =	sdelay $0x1  }
0x486: {  	v3 =	vadd.s32 v1, v3;
	_ =	sdelay $0x1  }
0x487: {  	s18 =	simm.s32 $0xA400  }
0x488: {  	[tilespmem:s18], [sflag:$0x1] =	stream.indirect_vreg.gather [hbm4b:s1+s3], $0x80, v4, vm0, $0xb8;
	[tilespmem:$0x18400] =	vst v63  }
0x489: {  	s25 =	simm.s32 $0xAC00  }
0x48a: {  	[tilespmem:s25], [sflag:$0x1] =	stream.indirect_vreg.gather [hbm4b:s1+s3], $0x80, v3, vm0, $0xb8;
	[tilespmem:$0x18400] =	vst v63  }
0x48b: {  	v3 =	vld [tilespmem:$0x130];
	_ =	sdelay $0x4  }
0x48c: {  	v51 =	vshll.u32 v3, $0x1  }
0x48d: {  	v3 =	vand.u32 $0x7, v3;
	v4 =	vand.u32 $0xFFFFFFF0, v51  }
0x48e: {  	v3 =	vor.u32 v3, v4  }
0x48f: {  	v4 =	vperm.xlane v3, v0;
	_ =	sdelay $0x1  }
0x490: {  	v3 =	vperm.xlane v3, v2;
	v4 =	vadd.s32 v1, v4;
	_ =	sdelay $0x1  }
0x491: {  	v3 =	vadd.s32 v1, v3;
	_ =	sdelay $0x1  }
0x492: {  	s26 =	simm.s32 $0xB400  }
0x493: {  	[tilespmem:s26], [sflag:$0x1] =	stream.indirect_vreg.gather [hbm4b:s1+s3], $0x80, v4, vm0, $0xb8;
	[tilespmem:$0x18400] =	vst v63  }
0x494: {  	s20 =	simm.s32 $0xBC00;
	s7 =	sld [smem:$0x7F2]  }
0x495: {  	[tilespmem:s20], [sflag:$0x1] =	stream.indirect_vreg.gather [hbm4b:s1+s3], $0x80, v3, vm0, $0xb8;
	[tilespmem:$0x18400] =	vst v63  }
0x496: {  	s8 =	sld [smem:$0x7F3]  }
0x497: {  	[hbm4b:s7+s3] =	stream.linear.scatter [tilespmem:s10], [sflag:$0x2], $0x4000, $0x38;
	[tilespmem:$0x18400] =	vst v63  }
0x498: {  	s11 =	sld [smem:$0x7F4]  }
0x499: {  	[hbm4b:s8+s3] =	stream.linear.scatter [tilespmem:s19], [sflag:$0x2], $0x4000, $0x38;
	[tilespmem:$0x18400] =	vst v63  }
0x49a: {  	s15 =	sld [smem:$0x7F5]  }
0x49b: {  	[hbm4b:s11+s3] =	stream.linear.scatter [tilespmem:s29], [sflag:$0x2], $0x4000, $0x38;
	[tilespmem:$0x18400] =	vst v63  }
0x49c: {  	s0 =	simm.s32 $0x200  }
0x49d: {  	[tilespmem:s0], [sflag:$0x3] =	stream.linear.gather [hbm4b:s15+s3], $0x40, $0x38;
	[tilespmem:$0x18400] =	vst v63  }
0x49e: {  	_ =	swait.ge [sflag:s5], $0x40  }
0x49f: {  	s17 =	sld [smem:$0x7F6]  }
0x4a0: {  	[sflag:s5] =	ssyncset.done $0x0  }
0x4a1: {  	s2 =	simm.s32 $0x280;
	[sflag:s5] =	ssyncadd.s32 $0xFFFFFFC0  }
0x4a2: {  	[tilespmem:s2], [sflag:$0x3] =	stream.linear.gather [hbm4b:s17+s3], $0x40, $0x38;
	[tilespmem:$0x18400] =	vst v63  }
0x4a3: {  	_ =	swait.ge [sflag:s5], $0x40  }
0x4a4: {  	s18 =	sld [smem:$0x7F7]  }
0x4a5: {  	[sflag:s5] =	ssyncset.done $0x0  }
0x4a6: {  	s20 =	simm.s32 $0x300;
	[sflag:s5] =	ssyncadd.s32 $0xFFFFFFC0  }
0x4a7: {  	[tilespmem:s20], [sflag:$0x3] =	stream.linear.gather [hbm4b:s18+s3], $0x40, $0x38;
	[tilespmem:$0x18400] =	vst v63  }
0x4a8: {  	_ =	swait.ge [sflag:s5], $0x40  }
0x4a9: {  	[sflag:s5] =	ssyncset.done $0x0  }
0x4aa: {  	[sflag:s5] =	ssyncadd.s32 $0xFFFFFFC0  }
0x4ab: {  	_ =	swait.ge [sflag:s9], $0x4000  }
0x4ac: {  	[sflag:s9] =	ssyncset.done $0x0  }
0x4ad: {  	[sflag:s9] =	ssyncadd.s32 $0xFFFFC000  }
0x4ae: {  	_ =	swait.ge [sflag:s9], $0x4000  }
0x4af: {  	[sflag:s9] =	ssyncset.done $0x0  }
0x4b0: {  	[sflag:s9] =	ssyncadd.s32 $0xFFFFC000  }
0x4b1: {  	_ =	swait.ge [sflag:s9], $0x4000  }
0x4b2: {  	[sflag:s9] =	ssyncset.done $0x0  }
0x4b3: {  	[sflag:s9] =	ssyncadd.s32 $0xFFFFC000  }
0x4b4: {  	_ =	swait.ge [sflag:s12], $0x4000  }
0x4b5: {  	[sflag:s12] =	ssyncset.done $0x0  }
0x4b6: {  	[sflag:s12] =	ssyncadd.s32 $0xFFFFC000  }
0x4b7: {  	_ =	swait.ge [sflag:s12], $0x4000  }
0x4b8: {  	[sflag:s12] =	ssyncset.done $0x0  }
0x4b9: {  	[sflag:s12] =	ssyncadd.s32 $0xFFFFC000  }
0x4ba: {  	_ =	swait.ge [sflag:s12], $0x4000  }
0x4bb: {  	[sflag:s12] =	ssyncset.done $0x0  }
0x4bc: {  	[sflag:s12] =	ssyncadd.s32 $0xFFFFC000  }
0x4bd: {  	v3 =	vld [tilespmem:$0x200];
	_ =	sdelay $0x4  }
0x4be: {  	v52 =	vshll.u32 v3, $0x1  }
0x4bf: {  	v3 =	vand.u32 $0x7, v3;
	v4 =	vand.u32 $0xFFFFFFF0, v52  }
0x4c0: {  	v3 =	vor.u32 v3, v4  }
0x4c1: {  	v4 =	vperm.xlane v3, v0;
	_ =	sdelay $0x1  }
0x4c2: {  	v3 =	vperm.xlane v3, v2;
	v4 =	vadd.s32 v1, v4;
	_ =	sdelay $0x1  }
0x4c3: {  	v3 =	vadd.s32 v1, v3;
	_ =	sdelay $0x2  }
0x4c4: {  	[tilespmem:s10], [sflag:$0x1] =	stream.indirect_vreg.gather [hbm4b:s1+s3], $0x80, v4, vm0, $0xb8;
	[tilespmem:$0x18400] =	vst v63  }
0x4c5: {  	s21 =	simm.s32 $0xCC00  }
0x4c6: {  	[tilespmem:s21], [sflag:$0x1] =	stream.indirect_vreg.gather [hbm4b:s1+s3], $0x80, v3, vm0, $0xb8;
	[tilespmem:$0x18400] =	vst v63  }
0x4c7: {  	v3 =	vld [tilespmem:$0x210];
	_ =	sdelay $0x4  }
0x4c8: {  	v53 =	vshll.u32 v3, $0x1  }
0x4c9: {  	v3 =	vand.u32 $0x7, v3;
	v4 =	vand.u32 $0xFFFFFFF0, v53  }
0x4ca: {  	v3 =	vor.u32 v3, v4  }
0x4cb: {  	v4 =	vperm.xlane v3, v0;
	_ =	sdelay $0x1  }
0x4cc: {  	v3 =	vperm.xlane v3, v2;
	v4 =	vadd.s32 v1, v4;
	_ =	sdelay $0x1  }
0x4cd: {  	v3 =	vadd.s32 v1, v3;
	_ =	sdelay $0x1  }
0x4ce: {  	s6 =	simm.s32 $0xD400  }
0x4cf: {  	[tilespmem:s6], [sflag:$0x1] =	stream.indirect_vreg.gather [hbm4b:s1+s3], $0x80, v4, vm0, $0xb8;
	[tilespmem:$0x18400] =	vst v63  }
0x4d0: {  	s22 =	simm.s32 $0xDC00  }
0x4d1: {  	[tilespmem:s22], [sflag:$0x1] =	stream.indirect_vreg.gather [hbm4b:s1+s3], $0x80, v3, vm0, $0xb8;
	[tilespmem:$0x18400] =	vst v63  }
0x4d2: {  	v3 =	vld [tilespmem:$0x220];
	_ =	sdelay $0x4  }
0x4d3: {  	v54 =	vshll.u32 v3, $0x1  }
0x4d4: {  	v3 =	vand.u32 $0x7, v3;
	v4 =	vand.u32 $0xFFFFFFF0, v54  }
0x4d5: {  	v3 =	vor.u32 v3, v4  }
0x4d6: {  	v4 =	vperm.xlane v3, v0;
	_ =	sdelay $0x1  }
0x4d7: {  	v3 =	vperm.xlane v3, v2;
	v4 =	vadd.s32 v1, v4;
	_ =	sdelay $0x1  }
0x4d8: {  	v3 =	vadd.s32 v1, v3;
	_ =	sdelay $0x1  }
0x4d9: {  	s30 =	simm.s32 $0xE400  }
0x4da: {  	[tilespmem:s30], [sflag:$0x1] =	stream.indirect_vreg.gather [hbm4b:s1+s3], $0x80, v4, vm0, $0xb8;
	[tilespmem:$0x18400] =	vst v63  }
0x4db: {  	s23 =	simm.s32 $0xEC00  }
0x4dc: {  	[tilespmem:s23], [sflag:$0x1] =	stream.indirect_vreg.gather [hbm4b:s1+s3], $0x80, v3, vm0, $0xb8;
	[tilespmem:$0x18400] =	vst v63  }
0x4dd: {  	v3 =	vld [tilespmem:$0x230];
	_ =	sdelay $0x4  }
0x4de: {  	v55 =	vshll.u32 v3, $0x1  }
0x4df: {  	v3 =	vand.u32 $0x7, v3;
	v4 =	vand.u32 $0xFFFFFFF0, v55  }
0x4e0: {  	v3 =	vor.u32 v3, v4  }
0x4e1: {  	v4 =	vperm.xlane v3, v0;
	_ =	sdelay $0x1  }
0x4e2: {  	v3 =	vperm.xlane v3, v2;
	v4 =	vadd.s32 v1, v4;
	_ =	sdelay $0x1  }
0x4e3: {  	v3 =	vadd.s32 v1, v3;
	_ =	sdelay $0x1  }
0x4e4: {  	s25 =	simm.s32 $0xF400  }
0x4e5: {  	[tilespmem:s25], [sflag:$0x1] =	stream.indirect_vreg.gather [hbm4b:s1+s3], $0x80, v4, vm0, $0xb8;
	[tilespmem:$0x18400] =	vst v63  }
0x4e6: {  	s26 =	simm.s32 $0xFC00  }
0x4e7: {  	[tilespmem:s26], [sflag:$0x1] =	stream.indirect_vreg.gather [hbm4b:s1+s3], $0x80, v3, vm0, $0xb8;
	[tilespmem:$0x18400] =	vst v63  }
0x4e8: {  	v3 =	vld [tilespmem:$0x280];
	_ =	sdelay $0x4  }
0x4e9: {  	v56 =	vshll.u32 v3, $0x1  }
0x4ea: {  	v3 =	vand.u32 $0x7, v3;
	v4 =	vand.u32 $0xFFFFFFF0, v56  }
0x4eb: {  	v3 =	vor.u32 v3, v4  }
0x4ec: {  	v4 =	vperm.xlane v3, v0;
	_ =	sdelay $0x1  }
0x4ed: {  	v3 =	vperm.xlane v3, v2;
	v4 =	vadd.s32 v1, v4;
	_ =	sdelay $0x1  }
0x4ee: {  	v3 =	vadd.s32 v1, v3;
	_ =	sdelay $0x2  }
0x4ef: {  	[tilespmem:s19], [sflag:$0x1] =	stream.indirect_vreg.gather [hbm4b:s1+s3], $0x80, v4, vm0, $0xb8;
	[tilespmem:$0x18400] =	vst v63  }
0x4f0: {  	s30 =	simm.s32 $0x10C00  }
0x4f1: {  	[tilespmem:s30], [sflag:$0x1] =	stream.indirect_vreg.gather [hbm4b:s1+s3], $0x80, v3, vm0, $0xb8;
	[tilespmem:$0x18400] =	vst v63  }
0x4f2: {  	v3 =	vld [tilespmem:$0x290];
	_ =	sdelay $0x4  }
0x4f3: {  	v57 =	vshll.u32 v3, $0x1  }
0x4f4: {  	v3 =	vand.u32 $0x7, v3;
	v4 =	vand.u32 $0xFFFFFFF0, v57  }
0x4f5: {  	v3 =	vor.u32 v3, v4  }
0x4f6: {  	v4 =	vperm.xlane v3, v0;
	_ =	sdelay $0x1  }
0x4f7: {  	v3 =	vperm.xlane v3, v2;
	v4 =	vadd.s32 v1, v4;
	_ =	sdelay $0x1  }
0x4f8: {  	v3 =	vadd.s32 v1, v3;
	_ =	sdelay $0x1  }
0x4f9: {  	s31 =	simm.s32 $0x11400  }
0x4fa: {  	[tilespmem:s31], [sflag:$0x1] =	stream.indirect_vreg.gather [hbm4b:s1+s3], $0x80, v4, vm0, $0xb8;
	[tilespmem:$0x18400] =	vst v63  }
0x4fb: {  	s2 =	simm.s32 $0x11C00  }
0x4fc: {  	[tilespmem:s2], [sflag:$0x1] =	stream.indirect_vreg.gather [hbm4b:s1+s3], $0x80, v3, vm0, $0xb8;
	[tilespmem:$0x18400] =	vst v63  }
0x4fd: {  	v3 =	vld [tilespmem:$0x2A0];
	_ =	sdelay $0x4  }
0x4fe: {  	v58 =	vshll.u32 v3, $0x1  }
0x4ff: {  	v3 =	vand.u32 $0x7, v3;
	v4 =	vand.u32 $0xFFFFFFF0, v58  }
0x500: {  	v3 =	vor.u32 v3, v4  }
0x501: {  	v4 =	vperm.xlane v3, v0;
	_ =	sdelay $0x1  }
0x502: {  	v3 =	vperm.xlane v3, v2;
	v4 =	vadd.s32 v1, v4;
	_ =	sdelay $0x1  }
0x503: {  	v3 =	vadd.s32 v1, v3;
	_ =	sdelay $0x1  }
0x504: {  	s6 =	simm.s32 $0x12400  }
0x505: {  	[tilespmem:s6], [sflag:$0x1] =	stream.indirect_vreg.gather [hbm4b:s1+s3], $0x80, v4, vm0, $0xb8;
	[tilespmem:$0x18400] =	vst v63  }
0x506: {  	s7 =	simm.s32 $0x12C00  }
0x507: {  	[tilespmem:s7], [sflag:$0x1] =	stream.indirect_vreg.gather [hbm4b:s1+s3], $0x80, v3, vm0, $0xb8;
	[tilespmem:$0x18400] =	vst v63  }
0x508: {  	v3 =	vld [tilespmem:$0x2B0];
	_ =	sdelay $0x4  }
0x509: {  	v59 =	vshll.u32 v3, $0x1  }
0x50a: {  	v3 =	vand.u32 $0x7, v3;
	v4 =	vand.u32 $0xFFFFFFF0, v59  }
0x50b: {  	v3 =	vor.u32 v3, v4  }
0x50c: {  	v4 =	vperm.xlane v3, v0;
	_ =	sdelay $0x1  }
0x50d: {  	v3 =	vperm.xlane v3, v2;
	v4 =	vadd.s32 v1, v4;
	_ =	sdelay $0x1  }
0x50e: {  	v3 =	vadd.s32 v1, v3;
	_ =	sdelay $0x1  }
0x50f: {  	s8 =	simm.s32 $0x13400  }
0x510: {  	[tilespmem:s8], [sflag:$0x1] =	stream.indirect_vreg.gather [hbm4b:s1+s3], $0x80, v4, vm0, $0xb8;
	[tilespmem:$0x18400] =	vst v63  }
0x511: {  	s11 =	simm.s32 $0x13C00  }
0x512: {  	[tilespmem:s11], [sflag:$0x1] =	stream.indirect_vreg.gather [hbm4b:s1+s3], $0x80, v3, vm0, $0xb8;
	[tilespmem:$0x18400] =	vst v63  }
0x513: {  	v3 =	vld [tilespmem:$0x300];
	_ =	sdelay $0x4  }
0x514: {  	v60 =	vshll.u32 v3, $0x1  }
0x515: {  	v3 =	vand.u32 $0x7, v3;
	v4 =	vand.u32 $0xFFFFFFF0, v60  }
0x516: {  	v3 =	vor.u32 v3, v4  }
0x517: {  	v4 =	vperm.xlane v3, v0;
	_ =	sdelay $0x1  }
0x518: {  	v3 =	vperm.xlane v3, v2;
	v4 =	vadd.s32 v1, v4;
	_ =	sdelay $0x1  }
0x519: {  	v3 =	vadd.s32 v1, v3;
	_ =	sdelay $0x2  }
0x51a: {  	[tilespmem:s29], [sflag:$0x1] =	stream.indirect_vreg.gather [hbm4b:s1+s3], $0x80, v4, vm0, $0xb8;
	[tilespmem:$0x18400] =	vst v63  }
0x51b: {  	s13 =	simm.s32 $0x14C00  }
0x51c: {  	[tilespmem:s13], [sflag:$0x1] =	stream.indirect_vreg.gather [hbm4b:s1+s3], $0x80, v3, vm0, $0xb8;
	[tilespmem:$0x18400] =	vst v63  }
0x51d: {  	v3 =	vld [tilespmem:$0x310];
	_ =	sdelay $0x4  }
0x51e: {  	v61 =	vshll.u32 v3, $0x1  }
0x51f: {  	v3 =	vand.u32 $0x7, v3;
	v4 =	vand.u32 $0xFFFFFFF0, v61  }
0x520: {  	v3 =	vor.u32 v3, v4  }
0x521: {  	v4 =	vperm.xlane v3, v0;
	_ =	sdelay $0x1  }
0x522: {  	v3 =	vperm.xlane v3, v2;
	v4 =	vadd.s32 v1, v4;
	_ =	sdelay $0x1  }
0x523: {  	v3 =	vadd.s32 v1, v3;
	_ =	sdelay $0x1  }
0x524: {  	s14 =	simm.s32 $0x15400  }
0x525: {  	[tilespmem:s14], [sflag:$0x1] =	stream.indirect_vreg.gather [hbm4b:s1+s3], $0x80, v4, vm0, $0xb8;
	[tilespmem:$0x18400] =	vst v63  }
0x526: {  	s15 =	simm.s32 $0x15C00  }
0x527: {  	[tilespmem:s15], [sflag:$0x1] =	stream.indirect_vreg.gather [hbm4b:s1+s3], $0x80, v3, vm0, $0xb8;
	[tilespmem:$0x18400] =	vst v63  }
0x528: {  	v3 =	vld [tilespmem:$0x320];
	_ =	sdelay $0x4  }
0x529: {  	v62 =	vshll.u32 v3, $0x1  }
0x52a: {  	v3 =	vand.u32 $0x7, v3;
	v4 =	vand.u32 $0xFFFFFFF0, v62  }
0x52b: {  	v3 =	vor.u32 v3, v4  }
0x52c: {  	v4 =	vperm.xlane v3, v0;
	_ =	sdelay $0x1  }
0x52d: {  	v3 =	vperm.xlane v3, v2;
	v4 =	vadd.s32 v1, v4;
	_ =	sdelay $0x1  }
0x52e: {  	v3 =	vadd.s32 v1, v3;
	_ =	sdelay $0x1  }
0x52f: {  	s17 =	simm.s32 $0x16400  }
0x530: {  	[tilespmem:s17], [sflag:$0x1] =	stream.indirect_vreg.gather [hbm4b:s1+s3], $0x80, v4, vm0, $0xb8;
	[tilespmem:$0x18400] =	vst v63  }
0x531: {  	s18 =	simm.s32 $0x16C00  }
0x532: {  	[tilespmem:s18], [sflag:$0x1] =	stream.indirect_vreg.gather [hbm4b:s1+s3], $0x80, v3, vm0, $0xb8;
	[tilespmem:$0x18400] =	vst v63  }
0x533: {  	v3 =	vld [tilespmem:$0x330];
	_ =	sdelay $0x4  }
0x534: {  	v63 =	vshll.u32 v3, $0x1  }
0x535: {  	v3 =	vand.u32 $0x7, v3;
	v4 =	vand.u32 $0xFFFFFFF0, v63  }
0x536: {  	v3 =	vor.u32 v3, v4  }
0x537: {  	v4 =	vperm.xlane v3, v0;
	_ =	sdelay $0x1  }
0x538: {  	v3 =	vperm.xlane v3, v2;
	v4 =	vadd.s32 v1, v4;
	_ =	sdelay $0x1  }
0x539: {  	v3 =	vadd.s32 v1, v3;
	_ =	sdelay $0x1  }
0x53a: {  	s20 =	simm.s32 $0x17400  }
0x53b: {  	[tilespmem:s20], [sflag:$0x1] =	stream.indirect_vreg.gather [hbm4b:s1+s3], $0x80, v4, vm0, $0xb8;
	[tilespmem:$0x18400] =	vst v63  }
0x53c: {  	s21 =	sld [smem:$0x7F8];
	s22 =	simm.s32 $0x17C00  }
0x53d: {  	[tilespmem:s22], [sflag:$0x1] =	stream.indirect_vreg.gather [hbm4b:s1+s3], $0x80, v3, vm0, $0xb8;
	[tilespmem:$0x18400] =	vst v63  }
0x53e: {  	s23 =	sld [smem:$0x7F9]  }
0x53f: {  	[hbm4b:s21+s3] =	stream.linear.scatter [tilespmem:s28], [sflag:$0x2], $0x4000, $0x38;
	[tilespmem:$0x18400] =	vst v63  }
0x540: {  	s25 =	sld [smem:$0x7FA]  }
0x541: {  	[hbm4b:s23+s3] =	stream.linear.scatter [tilespmem:s16], [sflag:$0x2], $0x4000, $0x38;
	[tilespmem:$0x18400] =	vst v63  }
0x542: {  	_ = 	snop  }
0x543: {  	[hbm4b:s25+s3] =	stream.linear.scatter [tilespmem:s24], [sflag:$0x2], $0x4000, $0x38;
	[tilespmem:$0x18400] =	vst v63  }
0x544: {  	_ =	swait.ge [sflag:s9], $0x4000  }
0x545: {  	[sflag:s9] =	ssyncset.done $0x0  }
0x546: {  	[sflag:s9] =	ssyncadd.s32 $0xFFFFC000  }
0x547: {  	_ =	swait.ge [sflag:s9], $0x4000  }
0x548: {  	[sflag:s9] =	ssyncset.done $0x0  }
0x549: {  	[sflag:s9] =	ssyncadd.s32 $0xFFFFC000  }
0x54a: {  	_ =	swait.ge [sflag:s9], $0x4000  }
0x54b: {  	s26 =	sld [smem:$0x7FB]  }
0x54c: {  	[sflag:s9] =	ssyncset.done $0x0  }
0x54d: {  	s30 =	sld [smem:$0x7FC];
	[sflag:s9] =	ssyncadd.s32 $0xFFFFC000  }
0x54e: {  	[hbm4b:s26+s3] =	stream.linear.scatter [tilespmem:s10], [sflag:$0x2], $0x4000, $0x38;
	[tilespmem:$0x18400] =	vst v63  }
0x54f: {  	s31 =	sld [smem:$0x7FD]  }
0x550: {  	[hbm4b:s30+s3] =	stream.linear.scatter [tilespmem:s19], [sflag:$0x2], $0x4000, $0x38;
	[tilespmem:$0x18400] =	vst v63  }
0x551: {  	_ = 	snop  }
0x552: {  	[hbm4b:s31+s3] =	stream.linear.scatter [tilespmem:s29], [sflag:$0x2], $0x4000, $0x38;
	[tilespmem:$0x18400] =	vst v63  }
0x553: {  	_ =	swait.ge [sflag:s12], $0x4000  }
0x554: {  	[sflag:s12] =	ssyncset.done $0x0  }
0x555: {  	[sflag:s12] =	ssyncadd.s32 $0xFFFFC000  }
0x556: {  	_ =	swait.ge [sflag:s12], $0x4000  }
0x557: {  	[sflag:s12] =	ssyncset.done $0x0  }
0x558: {  	[sflag:s12] =	ssyncadd.s32 $0xFFFFC000  }
0x559: {  	_ =	swait.ge [sflag:s12], $0x4000  }
0x55a: {  	[sflag:s12] =	ssyncset.done $0x0  }
0x55b: {  	[sflag:s12] =	ssyncadd.s32 $0xFFFFC000  }
0x55c: {  	_ =	swait.ge [sflag:s12], $0x4000  }
0x55d: {  	[sflag:s12] =	ssyncset.done $0x0  }
0x55e: {  	[sflag:s12] =	ssyncadd.s32 $0xFFFFC000  }
0x55f: {  	p0 =	sne.s32 s4, $0x1;
	_ =	swait.ge [sflag:s12], $0x4000  }
.Ltmp0:
0x560: {  	[sflag:s12] =	ssyncset.done $0x0;
	(pc) =	sbr.rel @p0 .LBB2_1-.Ltmp0, $4  }
0x561: {  	[sflag:s12] =	ssyncadd.s32 $0xFFFFC000  }
0x562: {  	_ =	swait.ge [sflag:s12], $0x4000  }
0x563: {  	[sflag:s12] =	ssyncset.done $0x0  }
0x564: {  	s4 =	sadd.s32 $0xFFFFFFFF, s4;
	[sflag:s12] =	ssyncadd.s32 $0xFFFFC000  }
0x565: {  	_ =	sfence.sel $0x180000  }
0x566: {  	[bflag:$0x0] =	sbarrier.arrive $0xFFFF  }
0x567: {  	_ =	strace $0x90000047  }
0x568: {  	s0 =	stileid.u32;
	[bflag:$0x2] =	sbarrier.arrive $0xFFFF  }
0x569: {  	p0 =	sne.s32 s0, $0x0;
	s0 =	rddreg [dreg:$0x4]  }
0x56a: {  	s0 =	sadd.s32 @!p0 $0x100000, s0  }
0x56b: {  	[sflag:s0] =	ssyncadd.tile.s32 @!p0 $0x1;
	_ =	shalt  }
.Lfunc_end2:
_tile_overlayer_lowered:
.L_overlay_start_2:
0x56c: {  	(tag) =	ssettag $0x2  }
0x56d: {  	s0 =	rddreg [dreg:$0x0];
	s2 =	stileid.u32  }
0x56e: {  	s1 =	rddreg [dreg:$0x1];
	p0 =	sne.s32 s2, $0x0  }
0x56f: {  	s3 =	rddreg [dreg:$0x2];
	[bflag:$0x3] =	sbarrier.arrive $0xFFFF;
	s2 =	simm.s32 @!p0 $0x1C03  }
0x570: {  	[timem:s3], [sflag:s2] =	dma.local @!p0 [hbm:s0], s1  }
0x571: {  	s0 =	simm.s32 @!p0 $0x3  }
0x572: {  	_ =	swait.ge @!p0 [sflag:s0], s1  }
0x573: {  	s1 =	ssub.s32 @!p0 $0x0, s1;
	[sflag:s0] =	ssyncset.done @!p0 $0x0  }
0x574: {  	[sflag:s0] =	ssyncadd.s32 @!p0 s1  }
0x575: {  	[bflag:$0x3] =	sbarrier.arrive $0xFFFF  }
0x576: {  	_ =	shalt  }

</sc_bundles>
